<compile_context>
chip_gen: v7x
topology: tpu7x:2x2x1
jax: 0.10.2.dev20260603
libtpu: 0.0.44.dev20260713+nightly
codegen_flags: <defaults>
</compile_context>

<pallas_src>
import functools

import jax
import jax.numpy as jnp
from jax import lax
from jax.experimental import pallas as pl
from jax.experimental.pallas import tpu as pltpu
from jax.experimental.pallas import tpu_sc as plsc

N_NODES = 10000
N_EDGES = 320000
D = 128

NC = 2
NS = 16
NW = NC * NS
E_PER_W = N_EDGES // NW
CHUNK = 104
N_FULL = E_PER_W // CHUNK
TAIL = E_PER_W - N_FULL * CHUNK
ZCH = 128
N_PAD = 10240
ROWS_PER_TILE = N_PAD // NS
HIST_W = 16

_mesh = plsc.VectorSubcoreMesh(core_axis_name="c", subcore_axis_name="s")


def _zero_vmem_2d(buf, nrows, width):
    def row(i, _):
        for k in range(width // 16):
            buf[i, pl.ds(k * 16, 16)] = jnp.zeros((16,), jnp.float32)
        return 0

    lax.fori_loop(0, nrows, row, 0, unroll=False)


def _fill_ones_2d(buf, nrows, width):
    def row(i, _):
        for k in range(width // 16):
            buf[i, pl.ds(k * 16, 16)] = jnp.ones((16,), jnp.float32)
        return 0

    lax.fori_loop(0, nrows, row, 0, unroll=False)


_DEG_KERNEL_CFG = dict(
    out_type=jax.ShapeDtypeStruct((NC, N_PAD, HIST_W), jnp.float32),
    mesh=_mesh,
    scratch_types=[
        pltpu.VMEM((ZCH, HIST_W), jnp.float32),
        pltpu.VMEM((2, CHUNK), jnp.int32),
        pltpu.VMEM((TAIL,), jnp.int32),
        pltpu.VMEM_SHARED((N_PAD, HIST_W), jnp.float32),
        pltpu.SemaphoreType.DMA,
        pltpu.SemaphoreType.DMA,
    ],
)


def _deg_body(dst_hbm, hist_hbm, ones_v, idx_d, idx_dt, hist_sp, ssem, isem):
    c = lax.axis_index("c")
    s = lax.axis_index("s")
    wid = s * NC + c
    base = wid * E_PER_W

    _zero_vmem_2d(ones_v, ZCH, HIST_W)
    r0 = s * ROWS_PER_TILE
    for k in range(5):
        pltpu.sync_copy(
            ones_v,
            hist_sp.at[pl.ds(r0 + k * ZCH, ZCH)],
        )
    _fill_ones_2d(ones_v, ZCH, HIST_W)
    plsc.subcore_barrier()

    pltpu.sync_copy(dst_hbm.at[pl.ds(base, CHUNK)], idx_d.at[0])

    def pair(k, _):
        for b in (0, 1):
            j = 2 * k + b
            nb = 1 - b

            @pl.when(j >= 1)
            def _():
                pltpu.make_async_copy(
                    ones_v.at[pl.ds(0, CHUNK)],
                    hist_sp.at[idx_d.at[nb]], ssem).wait()

            @pl.when(j < N_FULL - 1)
            def _():
                off2 = base + (j + 1) * CHUNK
                pltpu.async_copy(
                    dst_hbm.at[pl.ds(off2, CHUNK)], idx_d.at[nb], isem)

            pltpu.async_copy(ones_v.at[pl.ds(0, CHUNK)],
                             hist_sp.at[idx_d.at[b]], ssem, add=True)

            @pl.when(j < N_FULL - 1)
            def _():
                off2 = base + (j + 1) * CHUNK
                pltpu.make_async_copy(
                    dst_hbm.at[pl.ds(off2, CHUNK)], idx_d.at[nb], isem).wait()
        return 0

    lax.fori_loop(0, N_FULL // 2, pair, 0, unroll=False)
    pltpu.make_async_copy(ones_v.at[pl.ds(0, CHUNK)],
                          hist_sp.at[idx_d.at[1]], ssem).wait()

    pltpu.sync_copy(dst_hbm.at[pl.ds(base + N_FULL * CHUNK, TAIL)], idx_dt)
    pltpu.sync_copy(ones_v.at[pl.ds(0, TAIL)], hist_sp.at[idx_dt], add=True)

    plsc.subcore_barrier()
    pltpu.sync_copy(
        hist_sp.at[pl.ds(r0, ROWS_PER_TILE)],
        hist_hbm.at[c, pl.ds(r0, ROWS_PER_TILE)],
    )


_MSG_KERNEL_CFG = dict(
    out_type=jax.ShapeDtypeStruct((NC, N_PAD, D), jnp.float32),
    mesh=_mesh,
    scratch_types=[
        pltpu.VMEM((2, 2, CHUNK), jnp.int32),
        pltpu.VMEM((TAIL,), jnp.int32),
        pltpu.VMEM((TAIL,), jnp.int32),
        pltpu.VMEM((2, CHUNK, D), jnp.float32),
        pltpu.VMEM((TAIL, D), jnp.float32),
        pltpu.VMEM_SHARED((N_PAD, D), jnp.float32),
        pltpu.SemaphoreType.DMA,
        pltpu.SemaphoreType.DMA,
        pltpu.SemaphoreType.DMA,
    ],
)


def _msg_body(g_hbm, src_hbm, dst_hbm, part_hbm,
              idx2, idx_st, idx_dt, rows, rows_t, acc, gsem, ssem, isem):
    c = lax.axis_index("c")
    s = lax.axis_index("s")
    wid = s * NC + c
    base = wid * E_PER_W

    for b in range(2):
        _zero_vmem_2d(rows.at[b], CHUNK, D)
    _zero_vmem_2d(rows_t, TAIL, D)
    for o in (0, 16, 32, 48, 64, 80, CHUNK - 16):
        idx2[1, 1, pl.ds(o, 16)] = jnp.zeros((16,), jnp.int32)
    r0 = s * ROWS_PER_TILE
    for k in range(6):
        pltpu.sync_copy(rows.at[0], acc.at[pl.ds(r0 + k * CHUNK, CHUNK)])
    pltpu.sync_copy(rows_t, acc.at[pl.ds(r0 + 6 * CHUNK, TAIL)])
    plsc.subcore_barrier()

    pltpu.async_copy(rows.at[1], acc.at[idx2.at[1, 1]], ssem, add=True)
    pltpu.sync_copy(src_hbm.at[pl.ds(base, CHUNK)], idx2.at[0, 0])
    pltpu.sync_copy(dst_hbm.at[pl.ds(base, CHUNK)], idx2.at[0, 1])
    pltpu.async_copy(g_hbm.at[idx2.at[0, 0]], rows.at[0], gsem)

    def pair(k, _):
        for b in (0, 1):
            j = 2 * k + b
            nb = 1 - b
            pltpu.make_async_copy(
                rows.at[nb], acc.at[idx2.at[nb, 1]], ssem).wait()

            @pl.when(j < N_FULL - 1)
            def _():
                off2 = base + (j + 1) * CHUNK
                pltpu.async_copy(
                    src_hbm.at[pl.ds(off2, CHUNK)], idx2.at[nb, 0], isem)
                pltpu.async_copy(
                    dst_hbm.at[pl.ds(off2, CHUNK)], idx2.at[nb, 1], isem)

            pltpu.make_async_copy(
                g_hbm.at[idx2.at[b, 0]], rows.at[b], gsem).wait()
            pltpu.async_copy(rows.at[b], acc.at[idx2.at[b, 1]], ssem,
                             add=True)

            @pl.when(j < N_FULL - 1)
            def _():
                off2 = base + (j + 1) * CHUNK
                pltpu.make_async_copy(
                    src_hbm.at[pl.ds(off2, CHUNK)], idx2.at[nb, 0],
                    isem).wait()
                pltpu.make_async_copy(
                    dst_hbm.at[pl.ds(off2, CHUNK)], idx2.at[nb, 1],
                    isem).wait()
                pltpu.async_copy(g_hbm.at[idx2.at[nb, 0]], rows.at[nb], gsem)
        return 0

    lax.fori_loop(0, N_FULL // 2, pair, 0, unroll=False)

    pltpu.make_async_copy(rows.at[1], acc.at[idx2.at[1, 1]], ssem).wait()

    off = base + N_FULL * CHUNK
    pltpu.sync_copy(src_hbm.at[pl.ds(off, TAIL)], idx_st)
    pltpu.sync_copy(dst_hbm.at[pl.ds(off, TAIL)], idx_dt)
    pltpu.async_copy(g_hbm.at[idx_st], rows_t, gsem).wait()
    pltpu.sync_copy(rows_t, acc.at[idx_dt], add=True)

    plsc.subcore_barrier()
    pltpu.sync_copy(
        acc.at[pl.ds(r0, ROWS_PER_TILE)],
        part_hbm.at[c, pl.ds(r0, ROWS_PER_TILE)],
    )


_deg_kernel = pl.kernel(_deg_body, **_DEG_KERNEL_CFG)
_msg_kernel = pl.kernel(_msg_body, **_MSG_KERNEL_CFG)


ROW_BLK = 1000
GRID = N_NODES // ROW_BLK


def _dinv_from_hist(h0, h1):
    deg = 1.0 + h0[0, :, 0:1] + h1[0, :, 0:1]
    return lax.rsqrt(deg)


def _scale_matmul_body(x_ref, w_ref, h0_ref, h1_ref, o_ref):
    dinv = _dinv_from_hist(h0_ref[...], h1_ref[...])
    o_ref[...] = dinv * jnp.dot(
        x_ref[...], w_ref[...], preferred_element_type=jnp.float32
    )


def _scaled_matmul(x, w, hist):
    return pl.pallas_call(
        _scale_matmul_body,
        grid=(GRID,),
        in_specs=[
            pl.BlockSpec((ROW_BLK, D), lambda i: (i, 0)),
            pl.BlockSpec((D, D), lambda i: (0, 0)),
            pl.BlockSpec((1, ROW_BLK, HIST_W), lambda i: (0, i, 0)),
            pl.BlockSpec((1, ROW_BLK, HIST_W), lambda i: (1, i, 0)),
        ],
        out_specs=pl.BlockSpec((ROW_BLK, D), lambda i: (i, 0)),
        out_shape=jax.ShapeDtypeStruct((N_NODES, D), jnp.float32),
    )(x, w, hist, hist)


def _combine_relu_matmul_body(p_ref, g_ref, w_ref, b_ref, h0_ref, h1_ref,
                              o_ref):
    dinv = _dinv_from_hist(h0_ref[...], h1_ref[...])
    tot = p_ref[0] + p_ref[1] + g_ref[...]
    h = jnp.maximum(dinv * tot + b_ref[...], 0.0)
    o_ref[...] = dinv * jnp.dot(
        h, w_ref[...], preferred_element_type=jnp.float32
    )


def _combine_relu_matmul(part, g, w, b, hist):
    return pl.pallas_call(
        _combine_relu_matmul_body,
        grid=(GRID,),
        in_specs=[
            pl.BlockSpec((NC, ROW_BLK, D), lambda i: (0, i, 0)),
            pl.BlockSpec((ROW_BLK, D), lambda i: (i, 0)),
            pl.BlockSpec((D, D), lambda i: (0, 0)),
            pl.BlockSpec((1, D), lambda i: (0, 0)),
            pl.BlockSpec((1, ROW_BLK, HIST_W), lambda i: (0, i, 0)),
            pl.BlockSpec((1, ROW_BLK, HIST_W), lambda i: (1, i, 0)),
        ],
        out_specs=pl.BlockSpec((ROW_BLK, D), lambda i: (i, 0)),
        out_shape=jax.ShapeDtypeStruct((N_NODES, D), jnp.float32),
    )(part, g, w, b.reshape(1, D), hist, hist)


def _final_combine_body(p_ref, g_ref, b_ref, h0_ref, h1_ref, o_ref):
    dinv = _dinv_from_hist(h0_ref[...], h1_ref[...])
    tot = p_ref[0] + p_ref[1] + g_ref[...]
    o_ref[...] = dinv * tot + b_ref[...]


def _final_combine(part, g, b, hist):
    return pl.pallas_call(
        _final_combine_body,
        grid=(GRID,),
        in_specs=[
            pl.BlockSpec((NC, ROW_BLK, D), lambda i: (0, i, 0)),
            pl.BlockSpec((ROW_BLK, D), lambda i: (i, 0)),
            pl.BlockSpec((1, D), lambda i: (0, 0)),
            pl.BlockSpec((1, ROW_BLK, HIST_W), lambda i: (0, i, 0)),
            pl.BlockSpec((1, ROW_BLK, HIST_W), lambda i: (1, i, 0)),
        ],
        out_specs=pl.BlockSpec((ROW_BLK, D), lambda i: (i, 0)),
        out_shape=jax.ShapeDtypeStruct((N_NODES, D), jnp.float32),
    )(part, g, b.reshape(1, D), hist, hist)


def _fake_hist(dst):
    cnt = jax.ops.segment_sum(jnp.ones_like(dst, jnp.float32), dst,
                              num_segments=N_PAD)
    h0 = jnp.broadcast_to(cnt[:, None], (N_PAD, HIST_W))
    return jnp.stack([h0, jnp.zeros_like(h0)])


def _fake_msg(g, src, dst):
    p = jax.ops.segment_sum(g[src], dst, num_segments=N_PAD)
    return jnp.stack([p, jnp.zeros_like(p)])


def kernel(x, edge_index, W1, b1, W2, b2):
    ei = edge_index.astype(jnp.int32)
    src = ei[0]
    dst = ei[1]

    hist = _deg_kernel(dst)
    g1 = _scaled_matmul(x, W1, hist)
    p1 = _msg_kernel(g1, src, dst)
    g2 = _combine_relu_matmul(p1, g1, W2, b1, hist)
    p2 = _msg_kernel(g2, src, dst)
    return _final_combine(p2, g2, b2, hist)

# --- scband reference (transcript-rebuilt; emitter-appended) ---
"""Pipeline reference for scband-gcnencoder-44358422233325 (READ-ONLY COPY).

The authoritative reference and input builder live on the scoring server;
editing this copy changes nothing except your own understanding.
"""

import jax, jax.numpy as jnp
import numpy as np

N_NODES = 10000
N_EDGES = 320000
D = 128

def gcn_layer(x, src, dst, W, b):
    # x' = D^{-1/2} (A + I) D^{-1/2} (x W) + b  (PyG GCNConv default)
    h = x @ W
    loop = jnp.arange(N_NODES, dtype=src.dtype)
    s = jnp.concatenate([src, loop])
    d = jnp.concatenate([dst, loop])
    ew = jnp.ones(s.shape[0], dtype=h.dtype)
    deg = jax.ops.segment_sum(ew, d, num_segments=N_NODES)
    dinv = jnp.where(deg > 0, deg ** -0.5, 0.0)
    norm = dinv[s] * dinv[d]
    msgs = h[s] * norm[:, None]
    out = jax.ops.segment_sum(msgs, d, num_segments=N_NODES)
    return out + b


def setup_inputs(seed: int = 0) -> dict:
    key = jax.random.key(seed)
    k1, k2, k3, k4, k5, k6 = jax.random.split(key, 6)
    x = jax.random.normal(k1, (N_NODES, D), dtype=jnp.float32)
    edge_index = jax.random.randint(k2, (2, N_EDGES), 0, N_NODES, dtype=jnp.int64)
    # glorot-style init for GCN weights
    s = (6.0 / (D + D)) ** 0.5
    W1 = jax.random.uniform(k3, (D, D), dtype=jnp.float32, minval=-s, maxval=s)
    W2 = jax.random.uniform(k4, (D, D), dtype=jnp.float32, minval=-s, maxval=s)
    b1 = jnp.zeros((D,), dtype=jnp.float32)
    b2 = jnp.zeros((D,), dtype=jnp.float32)
    return {"x": x, "edge_index": edge_index, "W1": W1, "b1": b1, "W2": W2, "b2": b2}


def reference(x, edge_index, W1, b1, W2, b2):
    src = edge_index[0]
    dst = edge_index[1]
    # layer 1 (non-final): GCNConv -> relu -> dropout(eval mode: identity)
    h = gcn_layer(x, src, dst, W1, b1)
    h = jax.nn.relu(h)
    # dropout p=0.5 with training=False is a no-op
    # layer 2 (final): GCNConv only
    out = gcn_layer(h, src, dst, W2, b2)
    return out

if __name__ == "__main__":
    import jax
    _d = setup_inputs()
    print(jax.jit(kernel)(*tuple(_d.values())))

</pallas_src>

<mosaic_0001>
#map = affine_map<(d0, d1) -> (0)>
#map1 = affine_map<(d0, d1) -> (0, 0, 0)>
module attributes {stable_mosaic.version = 14 : i64} {
  func.func @_deg_body(%arg0: i32, %arg1: i32, %arg2: memref<320000xi32, #tpu.memory_space<hbm>>, %arg3: memref<2x10240x16xf32, #tpu.memory_space<hbm>>, %arg4: memref<128x16xf32, #tpu.memory_space<vmem>>, %arg5: memref<2x104xi32, #tpu.memory_space<vmem>>, %arg6: memref<16xi32, #tpu.memory_space<vmem>>, %arg7: memref<10240x16xf32, #tpu.memory_space<vmem_shared>>, %arg8: memref<!tpu.dma_semaphore, #tpu.memory_space<semaphore_mem>>, %arg9: memref<!tpu.dma_semaphore, #tpu.memory_space<semaphore_mem>>) attributes {dimension_semantics = [#tpu.dimension_semantics<core_parallel>, #tpu.dimension_semantics<subcore_parallel>], iteration_bounds = array<i64: 2, 16>, scalar_prefetch = 0 : i64, scratch_operands = 6 : i64, tpu.core_type = #tpu.core_type<sc_vector_subcore>, window_params = [{transform_indices = #map}, {transform_indices = #map1}]} {
    %mul3A = arith.constant 2 : i32
    %mul3A_0 = arith.muli %arg1, %mul3A : i32
    %add3A = arith.addi %mul3A_0, %arg0 : i32
    %mul3A_1 = arith.constant 10000 : i32
    %mul3A_2 = arith.muli %add3A, %mul3A_1 : i32
    %scan3A = arith.constant 0 : i32
    %scan3A_3 = arith.constant 0 : i32
    %scan3A_4 = arith.constant 128 : i32
    %scan3A_5 = arith.addi %scan3A_3, %scan3A_4 : i32
    %scan3A_6 = arith.constant 1 : i32
    %scan3A_7 = scf.for %scan3A_47 = %scan3A_3 to %scan3A_5 step %scan3A_6 iter_args(%scan3A_48 = %scan3A) -> (i32)  : i32 {
      %broadcast_in_dim3A = arith.constant 0.000000e+00 : f32
      %broadcast_in_dim3A_49 = vector.broadcast %broadcast_in_dim3A : f32 to vector<16xf32>
      %swap3A = arith.index_cast %scan3A_47 : i32 to index
      %swap3A_50 = arith.constant 0 : index
      %swap3A_51 = tpu.vector_load %arg4[%swap3A, %swap3A_50] {strides = array<i32>} : memref<128x16xf32, #tpu.memory_space<vmem>>, vector<1x16xf32>,
      %swap3A_52 = vector.shape_cast %swap3A_51 : vector<1x16xf32> to vector<16xf32>
      %swap3A_53 = vector.shape_cast %broadcast_in_dim3A_49 : vector<16xf32> to vector<1x16xf32>
      tpu.vector_store %arg4[%swap3A, %swap3A_50], %swap3A_53 {strides = array<i32>} : memref<128x16xf32, #tpu.memory_space<vmem>>, vector<1x16xf32>,
      %scan3A_54 = arith.constant 0 : i32
      scf.yield %scan3A_54 : i32
    }
    %scan3A_8 = arith.constant 128 : i32
    %mul3A_9 = arith.constant 640 : i32
    %mul3A_10 = arith.muli %arg1, %mul3A_9 : i32
    %add3A_11 = arith.constant 0 : i32
    %add3A_12 = arith.addi %mul3A_10, %add3A_11 : i32
    "tpu.region"() ({
      %run_scoped3A_47 = tpu.sem_alloc : memref<!tpu.dma_semaphore, #tpu.memory_space<semaphore_mem>>
      %dma_start3A = arith.constant 0 : i32
      %dma_start3A_48 = tpu.memref_slice %arg7[%add3A_12, %dma_start3A] : memref<10240x16xf32, #tpu.memory_space<vmem_shared>> -> memref<128x16xf32, #tpu.memory_space<vmem_shared>>
      %dma_start3A_49 = arith.constant 0 : i32
      %dma_start3A_50 = tpu.memref_slice %arg7[%add3A_12, %dma_start3A_49] : memref<10240x16xf32, #tpu.memory_space<vmem_shared>> -> memref<128x16xf32, #tpu.memory_space<vmem_shared>>
      tpu.enqueue_dma source(%arg4 : memref<128x16xf32, #tpu.memory_space<vmem>>) target(%dma_start3A_50 : memref<128x16xf32, #tpu.memory_space<vmem_shared>>) target_semaphore(%run_scoped3A_47 : memref<!tpu.dma_semaphore, #tpu.memory_space<semaphore_mem>>)
      %dma_wait3A_51 = arith.constant 0 : i32
      %dma_wait3A_52 = tpu.memref_slice %arg7[%add3A_12, %dma_wait3A_51] : memref<10240x16xf32, #tpu.memory_space<vmem_shared>> -> memref<128x16xf32, #tpu.memory_space<vmem_shared>>
      %dma_wait3A_53 = arith.constant 0 : i32
      %dma_wait3A_54 = tpu.memref_slice %arg7[%add3A_12, %dma_wait3A_53] : memref<10240x16xf32, #tpu.memory_space<vmem_shared>> -> memref<128x16xf32, #tpu.memory_space<vmem_shared>>
      tpu.wait_dma2 semaphore(%run_scoped3A_47 : memref<!tpu.dma_semaphore, #tpu.memory_space<semaphore_mem>>) src(%arg4 : memref<128x16xf32, #tpu.memory_space<vmem>>) dst(%dma_wait3A_54 : memref<128x16xf32, #tpu.memory_space<vmem_shared>>)
      tpu.yield
    }) : () -> ()
    %add3A_13 = arith.constant 128 : i32
    %add3A_14 = arith.addi %mul3A_10, %add3A_13 : i32
    "tpu.region"() ({
      %run_scoped3A_47 = tpu.sem_alloc : memref<!tpu.dma_semaphore, #tpu.memory_space<semaphore_mem>>
      %dma_start3A = arith.constant 0 : i32
      %dma_start3A_48 = tpu.memref_slice %arg7[%add3A_14, %dma_start3A] : memref<10240x16xf32, #tpu.memory_space<vmem_shared>> -> memref<128x16xf32, #tpu.memory_space<vmem_shared>>
      %dma_start3A_49 = arith.constant 0 : i32
      %dma_start3A_50 = tpu.memref_slice %arg7[%add3A_14, %dma_start3A_49] : memref<10240x16xf32, #tpu.memory_space<vmem_shared>> -> memref<128x16xf32, #tpu.memory_space<vmem_shared>>
      tpu.enqueue_dma source(%arg4 : memref<128x16xf32, #tpu.memory_space<vmem>>) target(%dma_start3A_50 : memref<128x16xf32, #tpu.memory_space<vmem_shared>>) target_semaphore(%run_scoped3A_47 : memref<!tpu.dma_semaphore, #tpu.memory_space<semaphore_mem>>)
      %dma_wait3A_51 = arith.constant 0 : i32
      %dma_wait3A_52 = tpu.memref_slice %arg7[%add3A_14, %dma_wait3A_51] : memref<10240x16xf32, #tpu.memory_space<vmem_shared>> -> memref<128x16xf32, #tpu.memory_space<vmem_shared>>
      %dma_wait3A_53 = arith.constant 0 : i32
      %dma_wait3A_54 = tpu.memref_slice %arg7[%add3A_14, %dma_wait3A_53] : memref<10240x16xf32, #tpu.memory_space<vmem_shared>> -> memref<128x16xf32, #tpu.memory_space<vmem_shared>>
      tpu.wait_dma2 semaphore(%run_scoped3A_47 : memref<!tpu.dma_semaphore, #tpu.memory_space<semaphore_mem>>) src(%arg4 : memref<128x16xf32, #tpu.memory_space<vmem>>) dst(%dma_wait3A_54 : memref<128x16xf32, #tpu.memory_space<vmem_shared>>)
      tpu.yield
    }) : () -> ()
    %add3A_15 = arith.constant 256 : i32
    %add3A_16 = arith.addi %mul3A_10, %add3A_15 : i32
    "tpu.region"() ({
      %run_scoped3A_47 = tpu.sem_alloc : memref<!tpu.dma_semaphore, #tpu.memory_space<semaphore_mem>>
      %dma_start3A = arith.constant 0 : i32
      %dma_start3A_48 = tpu.memref_slice %arg7[%add3A_16, %dma_start3A] : memref<10240x16xf32, #tpu.memory_space<vmem_shared>> -> memref<128x16xf32, #tpu.memory_space<vmem_shared>>
      %dma_start3A_49 = arith.constant 0 : i32
      %dma_start3A_50 = tpu.memref_slice %arg7[%add3A_16, %dma_start3A_49] : memref<10240x16xf32, #tpu.memory_space<vmem_shared>> -> memref<128x16xf32, #tpu.memory_space<vmem_shared>>
      tpu.enqueue_dma source(%arg4 : memref<128x16xf32, #tpu.memory_space<vmem>>) target(%dma_start3A_50 : memref<128x16xf32, #tpu.memory_space<vmem_shared>>) target_semaphore(%run_scoped3A_47 : memref<!tpu.dma_semaphore, #tpu.memory_space<semaphore_mem>>)
      %dma_wait3A_51 = arith.constant 0 : i32
      %dma_wait3A_52 = tpu.memref_slice %arg7[%add3A_16, %dma_wait3A_51] : memref<10240x16xf32, #tpu.memory_space<vmem_shared>> -> memref<128x16xf32, #tpu.memory_space<vmem_shared>>
      %dma_wait3A_53 = arith.constant 0 : i32
      %dma_wait3A_54 = tpu.memref_slice %arg7[%add3A_16, %dma_wait3A_53] : memref<10240x16xf32, #tpu.memory_space<vmem_shared>> -> memref<128x16xf32, #tpu.memory_space<vmem_shared>>
      tpu.wait_dma2 semaphore(%run_scoped3A_47 : memref<!tpu.dma_semaphore, #tpu.memory_space<semaphore_mem>>) src(%arg4 : memref<128x16xf32, #tpu.memory_space<vmem>>) dst(%dma_wait3A_54 : memref<128x16xf32, #tpu.memory_space<vmem_shared>>)
      tpu.yield
    }) : () -> ()
    %add3A_17 = arith.constant 384 : i32
    %add3A_18 = arith.addi %mul3A_10, %add3A_17 : i32
    "tpu.region"() ({
      %run_scoped3A_47 = tpu.sem_alloc : memref<!tpu.dma_semaphore, #tpu.memory_space<semaphore_mem>>
      %dma_start3A = arith.constant 0 : i32
      %dma_start3A_48 = tpu.memref_slice %arg7[%add3A_18, %dma_start3A] : memref<10240x16xf32, #tpu.memory_space<vmem_shared>> -> memref<128x16xf32, #tpu.memory_space<vmem_shared>>
      %dma_start3A_49 = arith.constant 0 : i32
      %dma_start3A_50 = tpu.memref_slice %arg7[%add3A_18, %dma_start3A_49] : memref<10240x16xf32, #tpu.memory_space<vmem_shared>> -> memref<128x16xf32, #tpu.memory_space<vmem_shared>>
      tpu.enqueue_dma source(%arg4 : memref<128x16xf32, #tpu.memory_space<vmem>>) target(%dma_start3A_50 : memref<128x16xf32, #tpu.memory_space<vmem_shared>>) target_semaphore(%run_scoped3A_47 : memref<!tpu.dma_semaphore, #tpu.memory_space<semaphore_mem>>)
      %dma_wait3A_51 = arith.constant 0 : i32
      %dma_wait3A_52 = tpu.memref_slice %arg7[%add3A_18, %dma_wait3A_51] : memref<10240x16xf32, #tpu.memory_space<vmem_shared>> -> memref<128x16xf32, #tpu.memory_space<vmem_shared>>
      %dma_wait3A_53 = arith.constant 0 : i32
      %dma_wait3A_54 = tpu.memref_slice %arg7[%add3A_18, %dma_wait3A_53] : memref<10240x16xf32, #tpu.memory_space<vmem_shared>> -> memref<128x16xf32, #tpu.memory_space<vmem_shared>>
      tpu.wait_dma2 semaphore(%run_scoped3A_47 : memref<!tpu.dma_semaphore, #tpu.memory_space<semaphore_mem>>) src(%arg4 : memref<128x16xf32, #tpu.memory_space<vmem>>) dst(%dma_wait3A_54 : memref<128x16xf32, #tpu.memory_space<vmem_shared>>)
      tpu.yield
    }) : () -> ()
    %add3A_19 = arith.constant 512 : i32
    %add3A_20 = arith.addi %mul3A_10, %add3A_19 : i32
    "tpu.region"() ({
      %run_scoped3A_47 = tpu.sem_alloc : memref<!tpu.dma_semaphore, #tpu.memory_space<semaphore_mem>>
      %dma_start3A = arith.constant 0 : i32
      %dma_start3A_48 = tpu.memref_slice %arg7[%add3A_20, %dma_start3A] : memref<10240x16xf32, #tpu.memory_space<vmem_shared>> -> memref<128x16xf32, #tpu.memory_space<vmem_shared>>
      %dma_start3A_49 = arith.constant 0 : i32
      %dma_start3A_50 = tpu.memref_slice %arg7[%add3A_20, %dma_start3A_49] : memref<10240x16xf32, #tpu.memory_space<vmem_shared>> -> memref<128x16xf32, #tpu.memory_space<vmem_shared>>
      tpu.enqueue_dma source(%arg4 : memref<128x16xf32, #tpu.memory_space<vmem>>) target(%dma_start3A_50 : memref<128x16xf32, #tpu.memory_space<vmem_shared>>) target_semaphore(%run_scoped3A_47 : memref<!tpu.dma_semaphore, #tpu.memory_space<semaphore_mem>>)
      %dma_wait3A_51 = arith.constant 0 : i32
      %dma_wait3A_52 = tpu.memref_slice %arg7[%add3A_20, %dma_wait3A_51] : memref<10240x16xf32, #tpu.memory_space<vmem_shared>> -> memref<128x16xf32, #tpu.memory_space<vmem_shared>>
      %dma_wait3A_53 = arith.constant 0 : i32
      %dma_wait3A_54 = tpu.memref_slice %arg7[%add3A_20, %dma_wait3A_53] : memref<10240x16xf32, #tpu.memory_space<vmem_shared>> -> memref<128x16xf32, #tpu.memory_space<vmem_shared>>
      tpu.wait_dma2 semaphore(%run_scoped3A_47 : memref<!tpu.dma_semaphore, #tpu.memory_space<semaphore_mem>>) src(%arg4 : memref<128x16xf32, #tpu.memory_space<vmem>>) dst(%dma_wait3A_54 : memref<128x16xf32, #tpu.memory_space<vmem_shared>>)
      tpu.yield
    }) : () -> ()
    %scan3A_21 = arith.constant 0 : i32
    %scan3A_22 = arith.constant 0 : i32
    %scan3A_23 = arith.constant 128 : i32
    %scan3A_24 = arith.addi %scan3A_22, %scan3A_23 : i32
    %scan3A_25 = arith.constant 1 : i32
    %scan3A_26 = scf.for %scan3A_47 = %scan3A_22 to %scan3A_24 step %scan3A_25 iter_args(%scan3A_48 = %scan3A_21) -> (i32)  : i32 {
      %broadcast_in_dim3A = arith.constant 1.000000e+00 : f32
      %broadcast_in_dim3A_49 = vector.broadcast %broadcast_in_dim3A : f32 to vector<16xf32>
      %swap3A = arith.index_cast %scan3A_47 : i32 to index
      %swap3A_50 = arith.constant 0 : index
      %swap3A_51 = tpu.vector_load %arg4[%swap3A, %swap3A_50] {strides = array<i32>} : memref<128x16xf32, #tpu.memory_space<vmem>>, vector<1x16xf32>,
      %swap3A_52 = vector.shape_cast %swap3A_51 : vector<1x16xf32> to vector<16xf32>
      %swap3A_53 = vector.shape_cast %broadcast_in_dim3A_49 : vector<16xf32> to vector<1x16xf32>
      tpu.vector_store %arg4[%swap3A, %swap3A_50], %swap3A_53 {strides = array<i32>} : memref<128x16xf32, #tpu.memory_space<vmem>>, vector<1x16xf32>,
      %scan3A_54 = arith.constant 0 : i32
      scf.yield %scan3A_54 : i32
    }
    %scan3A_27 = arith.constant 128 : i32
    %barrier3A = arith.constant 0 : index
    tpu.barrier barrier_id(%barrier3A)
    %run_scoped3A = arith.constant 0 : i32
    "tpu.region"() ({
      %run_scoped3A_47 = tpu.sem_alloc : memref<!tpu.dma_semaphore, #tpu.memory_space<semaphore_mem>>
      %dma_start3A = arith.constant 0 : i32
      %dma_start3A_48 = tpu.memref_slice %arg5[%run_scoped3A, %dma_start3A] : memref<2x104xi32, #tpu.memory_space<vmem>> -> memref<1x104xi32, #tpu.memory_space<vmem>>
      %dma_start3A_49 = tpu.memref_squeeze %dma_start3A_48 : memref<1x104xi32, #tpu.memory_space<vmem>> -> memref<104xi32, #tpu.memory_space<vmem>>
      %dma_start3A_50 = tpu.memref_slice %arg2[%mul3A_2] : memref<320000xi32, #tpu.memory_space<hbm>> -> memref<104xi32, #tpu.memory_space<hbm>>
      %dma_start3A_51 = arith.constant 0 : i32
      %dma_start3A_52 = tpu.memref_slice %arg5[%run_scoped3A, %dma_start3A_51] : memref<2x104xi32, #tpu.memory_space<vmem>> -> memref<1x104xi32, #tpu.memory_space<vmem>>
      %dma_start3A_53 = tpu.memref_squeeze %dma_start3A_52 : memref<1x104xi32, #tpu.memory_space<vmem>> -> memref<104xi32, #tpu.memory_space<vmem>>
      %dma_start3A_54 = tpu.memref_slice %arg2[%mul3A_2] : memref<320000xi32, #tpu.memory_space<hbm>> -> memref<104xi32, #tpu.memory_space<hbm>>
      tpu.enqueue_dma source(%dma_start3A_54 : memref<104xi32, #tpu.memory_space<hbm>>) target(%dma_start3A_53 : memref<104xi32, #tpu.memory_space<vmem>>) target_semaphore(%run_scoped3A_47 : memref<!tpu.dma_semaphore, #tpu.memory_space<semaphore_mem>>)
      %dma_wait3A_55 = arith.constant 0 : i32
      %dma_wait3A_56 = tpu.memref_slice %arg5[%run_scoped3A, %dma_wait3A_55] : memref<2x104xi32, #tpu.memory_space<vmem>> -> memref<1x104xi32, #tpu.memory_space<vmem>>
      %dma_wait3A_57 = tpu.memref_squeeze %dma_wait3A_56 : memref<1x104xi32, #tpu.memory_space<vmem>> -> memref<104xi32, #tpu.memory_space<vmem>>
      %dma_wait3A_58 = tpu.memref_slice %arg2[%mul3A_2] : memref<320000xi32, #tpu.memory_space<hbm>> -> memref<104xi32, #tpu.memory_space<hbm>>
      %dma_wait3A_59 = arith.constant 0 : i32
      %dma_wait3A_60 = tpu.memref_slice %arg5[%run_scoped3A, %dma_wait3A_59] : memref<2x104xi32, #tpu.memory_space<vmem>> -> memref<1x104xi32, #tpu.memory_space<vmem>>
      %dma_wait3A_61 = tpu.memref_squeeze %dma_wait3A_60 : memref<1x104xi32, #tpu.memory_space<vmem>> -> memref<104xi32, #tpu.memory_space<vmem>>
      %dma_wait3A_62 = tpu.memref_slice %arg2[%mul3A_2] : memref<320000xi32, #tpu.memory_space<hbm>> -> memref<104xi32, #tpu.memory_space<hbm>>
      tpu.wait_dma2 semaphore(%run_scoped3A_47 : memref<!tpu.dma_semaphore, #tpu.memory_space<semaphore_mem>>) src(%dma_wait3A_62 : memref<104xi32, #tpu.memory_space<hbm>>) dst(%dma_wait3A_61 : memref<104xi32, #tpu.memory_space<vmem>>)
      tpu.yield
    }) : () -> ()
    %scan3A_28 = arith.constant 0 : i32
    %scan3A_29 = arith.constant 0 : i32
    %scan3A_30 = arith.constant 48 : i32
    %scan3A_31 = arith.addi %scan3A_29, %scan3A_30 : i32
    %scan3A_32 = arith.constant 1 : i32
    %scan3A_33 = scf.for %scan3A_47 = %scan3A_29 to %scan3A_31 step %scan3A_32 iter_args(%scan3A_48 = %scan3A_28) -> (i32)  : i32 {
      %mul3A_49 = arith.constant 2 : i32
      %mul3A_50 = arith.muli %mul3A_49, %scan3A_47 : i32
      %add3A_51 = arith.constant 0 : i32
      %add3A_52 = arith.addi %mul3A_50, %add3A_51 : i32
      %ge3A = arith.constant 1 : i32
      %ge3A_53 = arith.cmpi sge, %add3A_52, %ge3A : i32
      %convert_element_type3A = arith.extui %ge3A_53 : i1 to i32
      %cond3A = arith.constant 0 : i32
      %cond3A_54 = arith.cmpi ne, %convert_element_type3A, %cond3A : i32
      scf.if %cond3A_54 {
        %dma_wait3A_103 = arith.constant 1 : i32
        %dma_wait3A_104 = arith.constant 0 : i32
        %dma_wait3A_105 = arith.constant 0 : i32
        %dma_wait3A_106 = tpu.memref_slice %arg4[%dma_wait3A_104, %dma_wait3A_105] : memref<128x16xf32, #tpu.memory_space<vmem>> -> memref<104x16xf32, #tpu.memory_space<vmem>>
        %dma_wait3A_107 = arith.constant 0 : i32
        %dma_wait3A_108 = tpu.memref_slice %arg5[%dma_wait3A_103, %dma_wait3A_107] : memref<2x104xi32, #tpu.memory_space<vmem>> -> memref<1x104xi32, #tpu.memory_space<vmem>>
        %dma_wait3A_109 = tpu.memref_squeeze %dma_wait3A_108 : memref<1x104xi32, #tpu.memory_space<vmem>> -> memref<104xi32, #tpu.memory_space<vmem>>
        %dma_wait3A_110 = arith.constant 0 : i32
        %dma_wait3A_111 = arith.constant 0 : i32
        %dma_wait3A_112 = tpu.memref_slice %arg7[%dma_wait3A_110, %dma_wait3A_111] : memref<10240x16xf32, #tpu.memory_space<vmem_shared>> -> memref<10240x16xf32, #tpu.memory_space<vmem_shared>>
        tpu.wait_indirect_dma semaphore(%arg8 : memref<!tpu.dma_semaphore, #tpu.memory_space<semaphore_mem>>) src(%dma_wait3A_106 : memref<104x16xf32, #tpu.memory_space<vmem>>) dst(%dma_wait3A_112 : memref<10240x16xf32, #tpu.memory_space<vmem_shared>>)
      } else {
      }
      %lt3A = arith.constant 95 : i32
      %lt3A_55 = arith.cmpi slt, %add3A_52, %lt3A : i32
      %convert_element_type3A_56 = arith.extui %lt3A_55 : i1 to i32
      %cond3A_57 = arith.constant 0 : i32
      %cond3A_58 = arith.cmpi ne, %convert_element_type3A_56, %cond3A_57 : i32
      scf.if %cond3A_58 {
        %add3A_103 = arith.constant 1 : i32
        %add3A_104 = arith.addi %add3A_52, %add3A_103 : i32
        %mul3A_105 = arith.constant 104 : i32
        %mul3A_106 = arith.muli %add3A_104, %mul3A_105 : i32
        %add3A_107 = arith.addi %mul3A_2, %mul3A_106 : i32
        %dma_start3A_108 = arith.constant 1 : i32
        %dma_start3A_109 = arith.constant 0 : i32
        %dma_start3A_110 = tpu.memref_slice %arg5[%dma_start3A_108, %dma_start3A_109] : memref<2x104xi32, #tpu.memory_space<vmem>> -> memref<1x104xi32, #tpu.memory_space<vmem>>
        %dma_start3A_111 = tpu.memref_squeeze %dma_start3A_110 : memref<1x104xi32, #tpu.memory_space<vmem>> -> memref<104xi32, #tpu.memory_space<vmem>>
        %dma_start3A_112 = tpu.memref_slice %arg2[%add3A_107] : memref<320000xi32, #tpu.memory_space<hbm>> -> memref<104xi32, #tpu.memory_space<hbm>>
        %dma_start3A_113 = arith.constant 0 : i32
        %dma_start3A_114 = tpu.memref_slice %arg5[%dma_start3A_108, %dma_start3A_113] : memref<2x104xi32, #tpu.memory_space<vmem>> -> memref<1x104xi32, #tpu.memory_space<vmem>>
        %dma_start3A_115 = tpu.memref_squeeze %dma_start3A_114 : memref<1x104xi32, #tpu.memory_space<vmem>> -> memref<104xi32, #tpu.memory_space<vmem>>
        %dma_start3A_116 = tpu.memref_slice %arg2[%add3A_107] : memref<320000xi32, #tpu.memory_space<hbm>> -> memref<104xi32, #tpu.memory_space<hbm>>
        tpu.enqueue_dma source(%dma_start3A_116 : memref<104xi32, #tpu.memory_space<hbm>>) target(%dma_start3A_115 : memref<104xi32, #tpu.memory_space<vmem>>) target_semaphore(%arg9 : memref<!tpu.dma_semaphore, #tpu.memory_space<semaphore_mem>>)
      } else {
      }
      %dma_start3A = arith.constant 0 : i32
      %dma_start3A_59 = arith.constant 0 : i32
      %dma_start3A_60 = arith.constant 0 : i32
      %dma_start3A_61 = tpu.memref_slice %arg4[%dma_start3A_59, %dma_start3A_60] : memref<128x16xf32, #tpu.memory_space<vmem>> -> memref<104x16xf32, #tpu.memory_space<vmem>>
      %dma_start3A_62 = arith.constant 0 : i32
      %dma_start3A_63 = tpu.memref_slice %arg5[%dma_start3A, %dma_start3A_62] : memref<2x104xi32, #tpu.memory_space<vmem>> -> memref<1x104xi32, #tpu.memory_space<vmem>>
      %dma_start3A_64 = tpu.memref_squeeze %dma_start3A_63 : memref<1x104xi32, #tpu.memory_space<vmem>> -> memref<104xi32, #tpu.memory_space<vmem>>
      %dma_start3A_65 = arith.constant 0 : i32
      %dma_start3A_66 = arith.constant 0 : i32
      %dma_start3A_67 = tpu.memref_slice %arg7[%dma_start3A_65, %dma_start3A_66] : memref<10240x16xf32, #tpu.memory_space<vmem_shared>> -> memref<10240x16xf32, #tpu.memory_space<vmem_shared>>
      tpu.enqueue_indirect_dma source(%dma_start3A_61 : memref<104x16xf32, #tpu.memory_space<vmem>>) target(%dma_start3A_67 : memref<10240x16xf32, #tpu.memory_space<vmem_shared>>) offsets(%dma_start3A_64 : memref<104xi32, #tpu.memory_space<vmem>>) semaphore(%arg8 : memref<!tpu.dma_semaphore, #tpu.memory_space<semaphore_mem>>) {add = true}
      %lt3A_68 = arith.constant 95 : i32
      %lt3A_69 = arith.cmpi slt, %add3A_52, %lt3A_68 : i32
      %convert_element_type3A_70 = arith.extui %lt3A_69 : i1 to i32
      %cond3A_71 = arith.constant 0 : i32
      %cond3A_72 = arith.cmpi ne, %convert_element_type3A_70, %cond3A_71 : i32
      scf.if %cond3A_72 {
        %add3A_103 = arith.constant 1 : i32
        %add3A_104 = arith.addi %add3A_52, %add3A_103 : i32
        %mul3A_105 = arith.constant 104 : i32
        %mul3A_106 = arith.muli %add3A_104, %mul3A_105 : i32
        %add3A_107 = arith.addi %mul3A_2, %mul3A_106 : i32
        %dma_wait3A_108 = arith.constant 1 : i32
        %dma_wait3A_109 = arith.constant 0 : i32
        %dma_wait3A_110 = tpu.memref_slice %arg5[%dma_wait3A_108, %dma_wait3A_109] : memref<2x104xi32, #tpu.memory_space<vmem>> -> memref<1x104xi32, #tpu.memory_space<vmem>>
        %dma_wait3A_111 = tpu.memref_squeeze %dma_wait3A_110 : memref<1x104xi32, #tpu.memory_space<vmem>> -> memref<104xi32, #tpu.memory_space<vmem>>
        %dma_wait3A_112 = tpu.memref_slice %arg2[%add3A_107] : memref<320000xi32, #tpu.memory_space<hbm>> -> memref<104xi32, #tpu.memory_space<hbm>>
        %dma_wait3A_113 = arith.constant 0 : i32
        %dma_wait3A_114 = tpu.memref_slice %arg5[%dma_wait3A_108, %dma_wait3A_113] : memref<2x104xi32, #tpu.memory_space<vmem>> -> memref<1x104xi32, #tpu.memory_space<vmem>>
        %dma_wait3A_115 = tpu.memref_squeeze %dma_wait3A_114 : memref<1x104xi32, #tpu.memory_space<vmem>> -> memref<104xi32, #tpu.memory_space<vmem>>
        %dma_wait3A_116 = tpu.memref_slice %arg2[%add3A_107] : memref<320000xi32, #tpu.memory_space<hbm>> -> memref<104xi32, #tpu.memory_space<hbm>>
        tpu.wait_dma2 semaphore(%arg9 : memref<!tpu.dma_semaphore, #tpu.memory_space<semaphore_mem>>) src(%dma_wait3A_116 : memref<104xi32, #tpu.memory_space<hbm>>) dst(%dma_wait3A_115 : memref<104xi32, #tpu.memory_space<vmem>>)
      } else {
      }
      %mul3A_73 = arith.constant 2 : i32
      %mul3A_74 = arith.muli %mul3A_73, %scan3A_47 : i32
      %add3A_75 = arith.constant 1 : i32
      %add3A_76 = arith.addi %mul3A_74, %add3A_75 : i32
      %ge3A_77 = arith.constant 1 : i32
      %ge3A_78 = arith.cmpi sge, %add3A_76, %ge3A_77 : i32
      %convert_element_type3A_79 = arith.extui %ge3A_78 : i1 to i32
      %cond3A_80 = arith.constant 0 : i32
      %cond3A_81 = arith.cmpi ne, %convert_element_type3A_79, %cond3A_80 : i32
      scf.if %cond3A_81 {
        %dma_wait3A_103 = arith.constant 0 : i32
        %dma_wait3A_104 = arith.constant 0 : i32
        %dma_wait3A_105 = arith.constant 0 : i32
        %dma_wait3A_106 = tpu.memref_slice %arg4[%dma_wait3A_104, %dma_wait3A_105] : memref<128x16xf32, #tpu.memory_space<vmem>> -> memref<104x16xf32, #tpu.memory_space<vmem>>
        %dma_wait3A_107 = arith.constant 0 : i32
        %dma_wait3A_108 = tpu.memref_slice %arg5[%dma_wait3A_103, %dma_wait3A_107] : memref<2x104xi32, #tpu.memory_space<vmem>> -> memref<1x104xi32, #tpu.memory_space<vmem>>
        %dma_wait3A_109 = tpu.memref_squeeze %dma_wait3A_108 : memref<1x104xi32, #tpu.memory_space<vmem>> -> memref<104xi32, #tpu.memory_space<vmem>>
        %dma_wait3A_110 = arith.constant 0 : i32
        %dma_wait3A_111 = arith.constant 0 : i32
        %dma_wait3A_112 = tpu.memref_slice %arg7[%dma_wait3A_110, %dma_wait3A_111] : memref<10240x16xf32, #tpu.memory_space<vmem_shared>> -> memref<10240x16xf32, #tpu.memory_space<vmem_shared>>
        tpu.wait_indirect_dma semaphore(%arg8 : memref<!tpu.dma_semaphore, #tpu.memory_space<semaphore_mem>>) src(%dma_wait3A_106 : memref<104x16xf32, #tpu.memory_space<vmem>>) dst(%dma_wait3A_112 : memref<10240x16xf32, #tpu.memory_space<vmem_shared>>)
      } else {
      }
      %lt3A_82 = arith.constant 95 : i32
      %lt3A_83 = arith.cmpi slt, %add3A_76, %lt3A_82 : i32
      %convert_element_type3A_84 = arith.extui %lt3A_83 : i1 to i32
      %cond3A_85 = arith.constant 0 : i32
      %cond3A_86 = arith.cmpi ne, %convert_element_type3A_84, %cond3A_85 : i32
      scf.if %cond3A_86 {
        %add3A_103 = arith.constant 1 : i32
        %add3A_104 = arith.addi %add3A_76, %add3A_103 : i32
        %mul3A_105 = arith.constant 104 : i32
        %mul3A_106 = arith.muli %add3A_104, %mul3A_105 : i32
        %add3A_107 = arith.addi %mul3A_2, %mul3A_106 : i32
        %dma_start3A_108 = arith.constant 0 : i32
        %dma_start3A_109 = arith.constant 0 : i32
        %dma_start3A_110 = tpu.memref_slice %arg5[%dma_start3A_108, %dma_start3A_109] : memref<2x104xi32, #tpu.memory_space<vmem>> -> memref<1x104xi32, #tpu.memory_space<vmem>>
        %dma_start3A_111 = tpu.memref_squeeze %dma_start3A_110 : memref<1x104xi32, #tpu.memory_space<vmem>> -> memref<104xi32, #tpu.memory_space<vmem>>
        %dma_start3A_112 = tpu.memref_slice %arg2[%add3A_107] : memref<320000xi32, #tpu.memory_space<hbm>> -> memref<104xi32, #tpu.memory_space<hbm>>
        %dma_start3A_113 = arith.constant 0 : i32
        %dma_start3A_114 = tpu.memref_slice %arg5[%dma_start3A_108, %dma_start3A_113] : memref<2x104xi32, #tpu.memory_space<vmem>> -> memref<1x104xi32, #tpu.memory_space<vmem>>
        %dma_start3A_115 = tpu.memref_squeeze %dma_start3A_114 : memref<1x104xi32, #tpu.memory_space<vmem>> -> memref<104xi32, #tpu.memory_space<vmem>>
        %dma_start3A_116 = tpu.memref_slice %arg2[%add3A_107] : memref<320000xi32, #tpu.memory_space<hbm>> -> memref<104xi32, #tpu.memory_space<hbm>>
        tpu.enqueue_dma source(%dma_start3A_116 : memref<104xi32, #tpu.memory_space<hbm>>) target(%dma_start3A_115 : memref<104xi32, #tpu.memory_space<vmem>>) target_semaphore(%arg9 : memref<!tpu.dma_semaphore, #tpu.memory_space<semaphore_mem>>)
      } else {
      }
      %dma_start3A_87 = arith.constant 1 : i32
      %dma_start3A_88 = arith.constant 0 : i32
      %dma_start3A_89 = arith.constant 0 : i32
      %dma_start3A_90 = tpu.memref_slice %arg4[%dma_start3A_88, %dma_start3A_89] : memref<128x16xf32, #tpu.memory_space<vmem>> -> memref<104x16xf32, #tpu.memory_space<vmem>>
      %dma_start3A_91 = arith.constant 0 : i32
      %dma_start3A_92 = tpu.memref_slice %arg5[%dma_start3A_87, %dma_start3A_91] : memref<2x104xi32, #tpu.memory_space<vmem>> -> memref<1x104xi32, #tpu.memory_space<vmem>>
      %dma_start3A_93 = tpu.memref_squeeze %dma_start3A_92 : memref<1x104xi32, #tpu.memory_space<vmem>> -> memref<104xi32, #tpu.memory_space<vmem>>
      %dma_start3A_94 = arith.constant 0 : i32
      %dma_start3A_95 = arith.constant 0 : i32
      %dma_start3A_96 = tpu.memref_slice %arg7[%dma_start3A_94, %dma_start3A_95] : memref<10240x16xf32, #tpu.memory_space<vmem_shared>> -> memref<10240x16xf32, #tpu.memory_space<vmem_shared>>
      tpu.enqueue_indirect_dma source(%dma_start3A_90 : memref<104x16xf32, #tpu.memory_space<vmem>>) target(%dma_start3A_96 : memref<10240x16xf32, #tpu.memory_space<vmem_shared>>) offsets(%dma_start3A_93 : memref<104xi32, #tpu.memory_space<vmem>>) semaphore(%arg8 : memref<!tpu.dma_semaphore, #tpu.memory_space<semaphore_mem>>) {add = true}
      %lt3A_97 = arith.constant 95 : i32
      %lt3A_98 = arith.cmpi slt, %add3A_76, %lt3A_97 : i32
      %convert_element_type3A_99 = arith.extui %lt3A_98 : i1 to i32
      %cond3A_100 = arith.constant 0 : i32
      %cond3A_101 = arith.cmpi ne, %convert_element_type3A_99, %cond3A_100 : i32
      scf.if %cond3A_101 {
        %add3A_103 = arith.constant 1 : i32
        %add3A_104 = arith.addi %add3A_76, %add3A_103 : i32
        %mul3A_105 = arith.constant 104 : i32
        %mul3A_106 = arith.muli %add3A_104, %mul3A_105 : i32
        %add3A_107 = arith.addi %mul3A_2, %mul3A_106 : i32
        %dma_wait3A_108 = arith.constant 0 : i32
        %dma_wait3A_109 = arith.constant 0 : i32
        %dma_wait3A_110 = tpu.memref_slice %arg5[%dma_wait3A_108, %dma_wait3A_109] : memref<2x104xi32, #tpu.memory_space<vmem>> -> memref<1x104xi32, #tpu.memory_space<vmem>>
        %dma_wait3A_111 = tpu.memref_squeeze %dma_wait3A_110 : memref<1x104xi32, #tpu.memory_space<vmem>> -> memref<104xi32, #tpu.memory_space<vmem>>
        %dma_wait3A_112 = tpu.memref_slice %arg2[%add3A_107] : memref<320000xi32, #tpu.memory_space<hbm>> -> memref<104xi32, #tpu.memory_space<hbm>>
        %dma_wait3A_113 = arith.constant 0 : i32
        %dma_wait3A_114 = tpu.memref_slice %arg5[%dma_wait3A_108, %dma_wait3A_113] : memref<2x104xi32, #tpu.memory_space<vmem>> -> memref<1x104xi32, #tpu.memory_space<vmem>>
        %dma_wait3A_115 = tpu.memref_squeeze %dma_wait3A_114 : memref<1x104xi32, #tpu.memory_space<vmem>> -> memref<104xi32, #tpu.memory_space<vmem>>
        %dma_wait3A_116 = tpu.memref_slice %arg2[%add3A_107] : memref<320000xi32, #tpu.memory_space<hbm>> -> memref<104xi32, #tpu.memory_space<hbm>>
        tpu.wait_dma2 semaphore(%arg9 : memref<!tpu.dma_semaphore, #tpu.memory_space<semaphore_mem>>) src(%dma_wait3A_116 : memref<104xi32, #tpu.memory_space<hbm>>) dst(%dma_wait3A_115 : memref<104xi32, #tpu.memory_space<vmem>>)
      } else {
      }
      %scan3A_102 = arith.constant 0 : i32
      scf.yield %scan3A_102 : i32
    }
    %scan3A_34 = arith.constant 48 : i32
    %dma_wait3A = arith.constant 1 : i32
    %dma_wait3A_35 = arith.constant 0 : i32
    %dma_wait3A_36 = arith.constant 0 : i32
    %dma_wait3A_37 = tpu.memref_slice %arg4[%dma_wait3A_35, %dma_wait3A_36] : memref<128x16xf32, #tpu.memory_space<vmem>> -> memref<104x16xf32, #tpu.memory_space<vmem>>
    %dma_wait3A_38 = arith.constant 0 : i32
    %dma_wait3A_39 = tpu.memref_slice %arg5[%dma_wait3A, %dma_wait3A_38] : memref<2x104xi32, #tpu.memory_space<vmem>> -> memref<1x104xi32, #tpu.memory_space<vmem>>
    %dma_wait3A_40 = tpu.memref_squeeze %dma_wait3A_39 : memref<1x104xi32, #tpu.memory_space<vmem>> -> memref<104xi32, #tpu.memory_space<vmem>>
    %dma_wait3A_41 = arith.constant 0 : i32
    %dma_wait3A_42 = arith.constant 0 : i32
    %dma_wait3A_43 = tpu.memref_slice %arg7[%dma_wait3A_41, %dma_wait3A_42] : memref<10240x16xf32, #tpu.memory_space<vmem_shared>> -> memref<10240x16xf32, #tpu.memory_space<vmem_shared>>
    tpu.wait_indirect_dma semaphore(%arg8 : memref<!tpu.dma_semaphore, #tpu.memory_space<semaphore_mem>>) src(%dma_wait3A_37 : memref<104x16xf32, #tpu.memory_space<vmem>>) dst(%dma_wait3A_43 : memref<10240x16xf32, #tpu.memory_space<vmem_shared>>)
    %add3A_44 = arith.constant 9984 : i32
    %add3A_45 = arith.addi %mul3A_2, %add3A_44 : i32
    "tpu.region"() ({
      %run_scoped3A_47 = tpu.sem_alloc : memref<!tpu.dma_semaphore, #tpu.memory_space<semaphore_mem>>
      %dma_start3A = tpu.memref_slice %arg2[%add3A_45] : memref<320000xi32, #tpu.memory_space<hbm>> -> memref<16xi32, #tpu.memory_space<hbm>>
      %dma_start3A_48 = tpu.memref_slice %arg2[%add3A_45] : memref<320000xi32, #tpu.memory_space<hbm>> -> memref<16xi32, #tpu.memory_space<hbm>>
      tpu.enqueue_dma source(%dma_start3A_48 : memref<16xi32, #tpu.memory_space<hbm>>) target(%arg6 : memref<16xi32, #tpu.memory_space<vmem>>) target_semaphore(%run_scoped3A_47 : memref<!tpu.dma_semaphore, #tpu.memory_space<semaphore_mem>>)
      %dma_wait3A_49 = tpu.memref_slice %arg2[%add3A_45] : memref<320000xi32, #tpu.memory_space<hbm>> -> memref<16xi32, #tpu.memory_space<hbm>>
      %dma_wait3A_50 = tpu.memref_slice %arg2[%add3A_45] : memref<320000xi32, #tpu.memory_space<hbm>> -> memref<16xi32, #tpu.memory_space<hbm>>
      tpu.wait_dma2 semaphore(%run_scoped3A_47 : memref<!tpu.dma_semaphore, #tpu.memory_space<semaphore_mem>>) src(%dma_wait3A_50 : memref<16xi32, #tpu.memory_space<hbm>>) dst(%arg6 : memref<16xi32, #tpu.memory_space<vmem>>)
      tpu.yield
    }) : () -> ()
    "tpu.region"() ({
      %run_scoped3A_47 = tpu.sem_alloc : memref<!tpu.dma_semaphore, #tpu.memory_space<semaphore_mem>>
      %dma_start3A = arith.constant 0 : i32
      %dma_start3A_48 = arith.constant 0 : i32
      %dma_start3A_49 = tpu.memref_slice %arg4[%dma_start3A, %dma_start3A_48] : memref<128x16xf32, #tpu.memory_space<vmem>> -> memref<16x16xf32, #tpu.memory_space<vmem>>
      %dma_start3A_50 = arith.constant 0 : i32
      %dma_start3A_51 = arith.constant 0 : i32
      %dma_start3A_52 = tpu.memref_slice %arg7[%dma_start3A_50, %dma_start3A_51] : memref<10240x16xf32, #tpu.memory_space<vmem_shared>> -> memref<10240x16xf32, #tpu.memory_space<vmem_shared>>
      tpu.enqueue_indirect_dma source(%dma_start3A_49 : memref<16x16xf32, #tpu.memory_space<vmem>>) target(%dma_start3A_52 : memref<10240x16xf32, #tpu.memory_space<vmem_shared>>) offsets(%arg6 : memref<16xi32, #tpu.memory_space<vmem>>) semaphore(%run_scoped3A_47 : memref<!tpu.dma_semaphore, #tpu.memory_space<semaphore_mem>>) {add = true}
      %dma_wait3A_53 = arith.constant 0 : i32
      %dma_wait3A_54 = arith.constant 0 : i32
      %dma_wait3A_55 = tpu.memref_slice %arg4[%dma_wait3A_53, %dma_wait3A_54] : memref<128x16xf32, #tpu.memory_space<vmem>> -> memref<16x16xf32, #tpu.memory_space<vmem>>
      %dma_wait3A_56 = arith.constant 0 : i32
      %dma_wait3A_57 = arith.constant 0 : i32
      %dma_wait3A_58 = tpu.memref_slice %arg7[%dma_wait3A_56, %dma_wait3A_57] : memref<10240x16xf32, #tpu.memory_space<vmem_shared>> -> memref<10240x16xf32, #tpu.memory_space<vmem_shared>>
      tpu.wait_indirect_dma semaphore(%run_scoped3A_47 : memref<!tpu.dma_semaphore, #tpu.memory_space<semaphore_mem>>) src(%dma_wait3A_55 : memref<16x16xf32, #tpu.memory_space<vmem>>) dst(%dma_wait3A_58 : memref<10240x16xf32, #tpu.memory_space<vmem_shared>>)
      tpu.yield
    }) : () -> ()
    %barrier3A_46 = arith.constant 0 : index
    tpu.barrier barrier_id(%barrier3A_46)
    "tpu.region"() ({
      %run_scoped3A_47 = tpu.sem_alloc : memref<!tpu.dma_semaphore, #tpu.memory_space<semaphore_mem>>
      %dma_start3A = arith.constant 0 : i32
      %dma_start3A_48 = tpu.memref_slice %arg3[%arg0, %mul3A_10, %dma_start3A] : memref<2x10240x16xf32, #tpu.memory_space<hbm>> -> memref<1x640x16xf32, #tpu.memory_space<hbm>>
      %dma_start3A_49 = tpu.memref_squeeze %dma_start3A_48 : memref<1x640x16xf32, #tpu.memory_space<hbm>> -> memref<640x16xf32, #tpu.memory_space<hbm>>
      %dma_start3A_50 = arith.constant 0 : i32
      %dma_start3A_51 = tpu.memref_slice %arg7[%mul3A_10, %dma_start3A_50] : memref<10240x16xf32, #tpu.memory_space<vmem_shared>> -> memref<640x16xf32, #tpu.memory_space<vmem_shared>>
      tpu.enqueue_dma source(%dma_start3A_51 : memref<640x16xf32, #tpu.memory_space<vmem_shared>>) target(%dma_start3A_49 : memref<640x16xf32, #tpu.memory_space<hbm>>) target_semaphore(%run_scoped3A_47 : memref<!tpu.dma_semaphore, #tpu.memory_space<semaphore_mem>>)
      %dma_wait3A_52 = arith.constant 0 : i32
      %dma_wait3A_53 = tpu.memref_slice %arg3[%arg0, %mul3A_10, %dma_wait3A_52] : memref<2x10240x16xf32, #tpu.memory_space<hbm>> -> memref<1x640x16xf32, #tpu.memory_space<hbm>>
      %dma_wait3A_54 = tpu.memref_squeeze %dma_wait3A_53 : memref<1x640x16xf32, #tpu.memory_space<hbm>> -> memref<640x16xf32, #tpu.memory_space<hbm>>
      %dma_wait3A_55 = arith.constant 0 : i32
      %dma_wait3A_56 = tpu.memref_slice %arg7[%mul3A_10, %dma_wait3A_55] : memref<10240x16xf32, #tpu.memory_space<vmem_shared>> -> memref<640x16xf32, #tpu.memory_space<vmem_shared>>
      tpu.wait_dma2 semaphore(%run_scoped3A_47 : memref<!tpu.dma_semaphore, #tpu.memory_space<semaphore_mem>>) src(%dma_wait3A_56 : memref<640x16xf32, #tpu.memory_space<vmem_shared>>) dst(%dma_wait3A_54 : memref<640x16xf32, #tpu.memory_space<hbm>>)
      tpu.yield
    }) : () -> ()
    return
  }
}

#map = affine_map<(d0, d1) -> (0, 0)>
#map1 = affine_map<(d0, d1) -> (0)>
#map2 = affine_map<(d0, d1) -> (0, 0, 0)>
module attributes {stable_mosaic.version = 14 : i64} {
  func.func @_msg_body(%arg0: i32, %arg1: i32, %arg2: memref<10000x128xf32, #tpu.memory_space<hbm>>, %arg3: memref<320000xi32, #tpu.memory_space<hbm>>, %arg4: memref<320000xi32, #tpu.memory_space<hbm>>, %arg5: memref<2x10240x128xf32, #tpu.memory_space<hbm>>, %arg6: memref<2x2x104xi32, #tpu.memory_space<vmem>>, %arg7: memref<16xi32, #tpu.memory_space<vmem>>, %arg8: memref<16xi32, #tpu.memory_space<vmem>>, %arg9: memref<2x104x128xf32, #tpu.memory_space<vmem>>, %arg10: memref<16x128xf32, #tpu.memory_space<vmem>>, %arg11: memref<10240x128xf32, #tpu.memory_space<vmem_shared>>, %arg12: memref<!tpu.dma_semaphore, #tpu.memory_space<semaphore_mem>>, %arg13: memref<!tpu.dma_semaphore, #tpu.memory_space<semaphore_mem>>, %arg14: memref<!tpu.dma_semaphore, #tpu.memory_space<semaphore_mem>>) attributes {dimension_semantics = [#tpu.dimension_semantics<core_parallel>, #tpu.dimension_semantics<subcore_parallel>], iteration_bounds = array<i64: 2, 16>, scalar_prefetch = 0 : i64, scratch_operands = 9 : i64, tpu.core_type = #tpu.core_type<sc_vector_subcore>, window_params = [{transform_indices = #map}, {transform_indices = #map1}, {transform_indices = #map1}, {transform_indices = #map2}]} {
    %mul3A = arith.constant 2 : i32
    %mul3A_0 = arith.muli %arg1, %mul3A : i32
    %add3A = arith.addi %mul3A_0, %arg0 : i32
    %mul3A_1 = arith.constant 10000 : i32
    %mul3A_2 = arith.muli %add3A, %mul3A_1 : i32
    %scan3A = arith.constant 0 : i32
    %scan3A_3 = arith.constant 0 : i32
    %scan3A_4 = arith.constant 0 : i32
    %scan3A_5 = arith.constant 104 : i32
    %scan3A_6 = arith.addi %scan3A_4, %scan3A_5 : i32
    %scan3A_7 = arith.constant 1 : i32
    %scan3A_8 = scf.for %scan3A_171 = %scan3A_4 to %scan3A_6 step %scan3A_7 iter_args(%scan3A_172 = %scan3A_3) -> (i32)  : i32 {
      %broadcast_in_dim3A_173 = arith.constant 0.000000e+00 : f32
      %broadcast_in_dim3A_174 = vector.broadcast %broadcast_in_dim3A_173 : f32 to vector<16xf32>
      %swap3A_175 = arith.constant 0 : i32
      %swap3A_176 = arith.constant 0 : i32
      %swap3A_177 = tpu.memref_slice %arg9[%scan3A, %swap3A_175, %swap3A_176] : memref<2x104x128xf32, #tpu.memory_space<vmem>> -> memref<1x104x128xf32, #tpu.memory_space<vmem>>
      %swap3A_178 = tpu.memref_squeeze %swap3A_177 : memref<1x104x128xf32, #tpu.memory_space<vmem>> -> memref<104x128xf32, #tpu.memory_space<vmem>>
      %swap3A_179 = arith.index_cast %scan3A_171 : i32 to index
      %swap3A_180 = arith.constant 0 : index
      %swap3A_181 = tpu.vector_load %swap3A_178[%swap3A_179, %swap3A_180] {strides = array<i32>} : memref<104x128xf32, #tpu.memory_space<vmem>>, vector<1x16xf32>,
      %swap3A_182 = vector.shape_cast %swap3A_181 : vector<1x16xf32> to vector<16xf32>
      %swap3A_183 = vector.shape_cast %broadcast_in_dim3A_174 : vector<16xf32> to vector<1x16xf32>
      tpu.vector_store %swap3A_178[%swap3A_179, %swap3A_180], %swap3A_183 {strides = array<i32>} : memref<104x128xf32, #tpu.memory_space<vmem>>, vector<1x16xf32>,
      %broadcast_in_dim3A_184 = arith.constant 0.000000e+00 : f32
      %broadcast_in_dim3A_185 = vector.broadcast %broadcast_in_dim3A_184 : f32 to vector<16xf32>
      %swap3A_186 = arith.constant 0 : i32
      %swap3A_187 = arith.constant 0 : i32
      %swap3A_188 = tpu.memref_slice %arg9[%scan3A, %swap3A_186, %swap3A_187] : memref<2x104x128xf32, #tpu.memory_space<vmem>> -> memref<1x104x128xf32, #tpu.memory_space<vmem>>
      %swap3A_189 = tpu.memref_squeeze %swap3A_188 : memref<1x104x128xf32, #tpu.memory_space<vmem>> -> memref<104x128xf32, #tpu.memory_space<vmem>>
      %swap3A_190 = arith.index_cast %scan3A_171 : i32 to index
      %swap3A_191 = arith.constant 16 : index
      %swap3A_192 = tpu.vector_load %swap3A_189[%swap3A_190, %swap3A_191] {strides = array<i32>} : memref<104x128xf32, #tpu.memory_space<vmem>>, vector<1x16xf32>,
      %swap3A_193 = vector.shape_cast %swap3A_192 : vector<1x16xf32> to vector<16xf32>
      %swap3A_194 = vector.shape_cast %broadcast_in_dim3A_185 : vector<16xf32> to vector<1x16xf32>
      tpu.vector_store %swap3A_189[%swap3A_190, %swap3A_191], %swap3A_194 {strides = array<i32>} : memref<104x128xf32, #tpu.memory_space<vmem>>, vector<1x16xf32>,
      %broadcast_in_dim3A_195 = arith.constant 0.000000e+00 : f32
      %broadcast_in_dim3A_196 = vector.broadcast %broadcast_in_dim3A_195 : f32 to vector<16xf32>
      %swap3A_197 = arith.constant 0 : i32
      %swap3A_198 = arith.constant 0 : i32
      %swap3A_199 = tpu.memref_slice %arg9[%scan3A, %swap3A_197, %swap3A_198] : memref<2x104x128xf32, #tpu.memory_space<vmem>> -> memref<1x104x128xf32, #tpu.memory_space<vmem>>
      %swap3A_200 = tpu.memref_squeeze %swap3A_199 : memref<1x104x128xf32, #tpu.memory_space<vmem>> -> memref<104x128xf32, #tpu.memory_space<vmem>>
      %swap3A_201 = arith.index_cast %scan3A_171 : i32 to index
      %swap3A_202 = arith.constant 32 : index
      %swap3A_203 = tpu.vector_load %swap3A_200[%swap3A_201, %swap3A_202] {strides = array<i32>} : memref<104x128xf32, #tpu.memory_space<vmem>>, vector<1x16xf32>,
      %swap3A_204 = vector.shape_cast %swap3A_203 : vector<1x16xf32> to vector<16xf32>
      %swap3A_205 = vector.shape_cast %broadcast_in_dim3A_196 : vector<16xf32> to vector<1x16xf32>
      tpu.vector_store %swap3A_200[%swap3A_201, %swap3A_202], %swap3A_205 {strides = array<i32>} : memref<104x128xf32, #tpu.memory_space<vmem>>, vector<1x16xf32>,
      %broadcast_in_dim3A_206 = arith.constant 0.000000e+00 : f32
      %broadcast_in_dim3A_207 = vector.broadcast %broadcast_in_dim3A_206 : f32 to vector<16xf32>
      %swap3A_208 = arith.constant 0 : i32
      %swap3A_209 = arith.constant 0 : i32
      %swap3A_210 = tpu.memref_slice %arg9[%scan3A, %swap3A_208, %swap3A_209] : memref<2x104x128xf32, #tpu.memory_space<vmem>> -> memref<1x104x128xf32, #tpu.memory_space<vmem>>
      %swap3A_211 = tpu.memref_squeeze %swap3A_210 : memref<1x104x128xf32, #tpu.memory_space<vmem>> -> memref<104x128xf32, #tpu.memory_space<vmem>>
      %swap3A_212 = arith.index_cast %scan3A_171 : i32 to index
      %swap3A_213 = arith.constant 48 : index
      %swap3A_214 = tpu.vector_load %swap3A_211[%swap3A_212, %swap3A_213] {strides = array<i32>} : memref<104x128xf32, #tpu.memory_space<vmem>>, vector<1x16xf32>,
      %swap3A_215 = vector.shape_cast %swap3A_214 : vector<1x16xf32> to vector<16xf32>
      %swap3A_216 = vector.shape_cast %broadcast_in_dim3A_207 : vector<16xf32> to vector<1x16xf32>
      tpu.vector_store %swap3A_211[%swap3A_212, %swap3A_213], %swap3A_216 {strides = array<i32>} : memref<104x128xf32, #tpu.memory_space<vmem>>, vector<1x16xf32>,
      %broadcast_in_dim3A_217 = arith.constant 0.000000e+00 : f32
      %broadcast_in_dim3A_218 = vector.broadcast %broadcast_in_dim3A_217 : f32 to vector<16xf32>
      %swap3A_219 = arith.constant 0 : i32
      %swap3A_220 = arith.constant 0 : i32
      %swap3A_221 = tpu.memref_slice %arg9[%scan3A, %swap3A_219, %swap3A_220] : memref<2x104x128xf32, #tpu.memory_space<vmem>> -> memref<1x104x128xf32, #tpu.memory_space<vmem>>
      %swap3A_222 = tpu.memref_squeeze %swap3A_221 : memref<1x104x128xf32, #tpu.memory_space<vmem>> -> memref<104x128xf32, #tpu.memory_space<vmem>>
      %swap3A_223 = arith.index_cast %scan3A_171 : i32 to index
      %swap3A_224 = arith.constant 64 : index
      %swap3A_225 = tpu.vector_load %swap3A_222[%swap3A_223, %swap3A_224] {strides = array<i32>} : memref<104x128xf32, #tpu.memory_space<vmem>>, vector<1x16xf32>,
      %swap3A_226 = vector.shape_cast %swap3A_225 : vector<1x16xf32> to vector<16xf32>
      %swap3A_227 = vector.shape_cast %broadcast_in_dim3A_218 : vector<16xf32> to vector<1x16xf32>
      tpu.vector_store %swap3A_222[%swap3A_223, %swap3A_224], %swap3A_227 {strides = array<i32>} : memref<104x128xf32, #tpu.memory_space<vmem>>, vector<1x16xf32>,
      %broadcast_in_dim3A_228 = arith.constant 0.000000e+00 : f32
      %broadcast_in_dim3A_229 = vector.broadcast %broadcast_in_dim3A_228 : f32 to vector<16xf32>
      %swap3A_230 = arith.constant 0 : i32
      %swap3A_231 = arith.constant 0 : i32
      %swap3A_232 = tpu.memref_slice %arg9[%scan3A, %swap3A_230, %swap3A_231] : memref<2x104x128xf32, #tpu.memory_space<vmem>> -> memref<1x104x128xf32, #tpu.memory_space<vmem>>
      %swap3A_233 = tpu.memref_squeeze %swap3A_232 : memref<1x104x128xf32, #tpu.memory_space<vmem>> -> memref<104x128xf32, #tpu.memory_space<vmem>>
      %swap3A_234 = arith.index_cast %scan3A_171 : i32 to index
      %swap3A_235 = arith.constant 80 : index
      %swap3A_236 = tpu.vector_load %swap3A_233[%swap3A_234, %swap3A_235] {strides = array<i32>} : memref<104x128xf32, #tpu.memory_space<vmem>>, vector<1x16xf32>,
      %swap3A_237 = vector.shape_cast %swap3A_236 : vector<1x16xf32> to vector<16xf32>
      %swap3A_238 = vector.shape_cast %broadcast_in_dim3A_229 : vector<16xf32> to vector<1x16xf32>
      tpu.vector_store %swap3A_233[%swap3A_234, %swap3A_235], %swap3A_238 {strides = array<i32>} : memref<104x128xf32, #tpu.memory_space<vmem>>, vector<1x16xf32>,
      %broadcast_in_dim3A_239 = arith.constant 0.000000e+00 : f32
      %broadcast_in_dim3A_240 = vector.broadcast %broadcast_in_dim3A_239 : f32 to vector<16xf32>
      %swap3A_241 = arith.constant 0 : i32
      %swap3A_242 = arith.constant 0 : i32
      %swap3A_243 = tpu.memref_slice %arg9[%scan3A, %swap3A_241, %swap3A_242] : memref<2x104x128xf32, #tpu.memory_space<vmem>> -> memref<1x104x128xf32, #tpu.memory_space<vmem>>
      %swap3A_244 = tpu.memref_squeeze %swap3A_243 : memref<1x104x128xf32, #tpu.memory_space<vmem>> -> memref<104x128xf32, #tpu.memory_space<vmem>>
      %swap3A_245 = arith.index_cast %scan3A_171 : i32 to index
      %swap3A_246 = arith.constant 96 : index
      %swap3A_247 = tpu.vector_load %swap3A_244[%swap3A_245, %swap3A_246] {strides = array<i32>} : memref<104x128xf32, #tpu.memory_space<vmem>>, vector<1x16xf32>,
      %swap3A_248 = vector.shape_cast %swap3A_247 : vector<1x16xf32> to vector<16xf32>
      %swap3A_249 = vector.shape_cast %broadcast_in_dim3A_240 : vector<16xf32> to vector<1x16xf32>
      tpu.vector_store %swap3A_244[%swap3A_245, %swap3A_246], %swap3A_249 {strides = array<i32>} : memref<104x128xf32, #tpu.memory_space<vmem>>, vector<1x16xf32>,
      %broadcast_in_dim3A_250 = arith.constant 0.000000e+00 : f32
      %broadcast_in_dim3A_251 = vector.broadcast %broadcast_in_dim3A_250 : f32 to vector<16xf32>
      %swap3A_252 = arith.constant 0 : i32
      %swap3A_253 = arith.constant 0 : i32
      %swap3A_254 = tpu.memref_slice %arg9[%scan3A, %swap3A_252, %swap3A_253] : memref<2x104x128xf32, #tpu.memory_space<vmem>> -> memref<1x104x128xf32, #tpu.memory_space<vmem>>
      %swap3A_255 = tpu.memref_squeeze %swap3A_254 : memref<1x104x128xf32, #tpu.memory_space<vmem>> -> memref<104x128xf32, #tpu.memory_space<vmem>>
      %swap3A_256 = arith.index_cast %scan3A_171 : i32 to index
      %swap3A_257 = arith.constant 112 : index
      %swap3A_258 = tpu.vector_load %swap3A_255[%swap3A_256, %swap3A_257] {strides = array<i32>} : memref<104x128xf32, #tpu.memory_space<vmem>>, vector<1x16xf32>,
      %swap3A_259 = vector.shape_cast %swap3A_258 : vector<1x16xf32> to vector<16xf32>
      %swap3A_260 = vector.shape_cast %broadcast_in_dim3A_251 : vector<16xf32> to vector<1x16xf32>
      tpu.vector_store %swap3A_255[%swap3A_256, %swap3A_257], %swap3A_260 {strides = array<i32>} : memref<104x128xf32, #tpu.memory_space<vmem>>, vector<1x16xf32>,
      %scan3A_261 = arith.constant 0 : i32
      scf.yield %scan3A_261 : i32
    }
    %scan3A_9 = arith.constant 104 : i32
    %scan3A_10 = arith.constant 1 : i32
    %scan3A_11 = arith.constant 0 : i32
    %scan3A_12 = arith.constant 0 : i32
    %scan3A_13 = arith.constant 104 : i32
    %scan3A_14 = arith.addi %scan3A_12, %scan3A_13 : i32
    %scan3A_15 = arith.constant 1 : i32
    %scan3A_16 = scf.for %scan3A_171 = %scan3A_12 to %scan3A_14 step %scan3A_15 iter_args(%scan3A_172 = %scan3A_11) -> (i32)  : i32 {
      %broadcast_in_dim3A_173 = arith.constant 0.000000e+00 : f32
      %broadcast_in_dim3A_174 = vector.broadcast %broadcast_in_dim3A_173 : f32 to vector<16xf32>
      %swap3A_175 = arith.constant 0 : i32
      %swap3A_176 = arith.constant 0 : i32
      %swap3A_177 = tpu.memref_slice %arg9[%scan3A_10, %swap3A_175, %swap3A_176] : memref<2x104x128xf32, #tpu.memory_space<vmem>> -> memref<1x104x128xf32, #tpu.memory_space<vmem>>
      %swap3A_178 = tpu.memref_squeeze %swap3A_177 : memref<1x104x128xf32, #tpu.memory_space<vmem>> -> memref<104x128xf32, #tpu.memory_space<vmem>>
      %swap3A_179 = arith.index_cast %scan3A_171 : i32 to index
      %swap3A_180 = arith.constant 0 : index
      %swap3A_181 = tpu.vector_load %swap3A_178[%swap3A_179, %swap3A_180] {strides = array<i32>} : memref<104x128xf32, #tpu.memory_space<vmem>>, vector<1x16xf32>,
      %swap3A_182 = vector.shape_cast %swap3A_181 : vector<1x16xf32> to vector<16xf32>
      %swap3A_183 = vector.shape_cast %broadcast_in_dim3A_174 : vector<16xf32> to vector<1x16xf32>
      tpu.vector_store %swap3A_178[%swap3A_179, %swap3A_180], %swap3A_183 {strides = array<i32>} : memref<104x128xf32, #tpu.memory_space<vmem>>, vector<1x16xf32>,
      %broadcast_in_dim3A_184 = arith.constant 0.000000e+00 : f32
      %broadcast_in_dim3A_185 = vector.broadcast %broadcast_in_dim3A_184 : f32 to vector<16xf32>
      %swap3A_186 = arith.constant 0 : i32
      %swap3A_187 = arith.constant 0 : i32
      %swap3A_188 = tpu.memref_slice %arg9[%scan3A_10, %swap3A_186, %swap3A_187] : memref<2x104x128xf32, #tpu.memory_space<vmem>> -> memref<1x104x128xf32, #tpu.memory_space<vmem>>
      %swap3A_189 = tpu.memref_squeeze %swap3A_188 : memref<1x104x128xf32, #tpu.memory_space<vmem>> -> memref<104x128xf32, #tpu.memory_space<vmem>>
      %swap3A_190 = arith.index_cast %scan3A_171 : i32 to index
      %swap3A_191 = arith.constant 16 : index
      %swap3A_192 = tpu.vector_load %swap3A_189[%swap3A_190, %swap3A_191] {strides = array<i32>} : memref<104x128xf32, #tpu.memory_space<vmem>>, vector<1x16xf32>,
      %swap3A_193 = vector.shape_cast %swap3A_192 : vector<1x16xf32> to vector<16xf32>
      %swap3A_194 = vector.shape_cast %broadcast_in_dim3A_185 : vector<16xf32> to vector<1x16xf32>
      tpu.vector_store %swap3A_189[%swap3A_190, %swap3A_191], %swap3A_194 {strides = array<i32>} : memref<104x128xf32, #tpu.memory_space<vmem>>, vector<1x16xf32>,
      %broadcast_in_dim3A_195 = arith.constant 0.000000e+00 : f32
      %broadcast_in_dim3A_196 = vector.broadcast %broadcast_in_dim3A_195 : f32 to vector<16xf32>
      %swap3A_197 = arith.constant 0 : i32
      %swap3A_198 = arith.constant 0 : i32
      %swap3A_199 = tpu.memref_slice %arg9[%scan3A_10, %swap3A_197, %swap3A_198] : memref<2x104x128xf32, #tpu.memory_space<vmem>> -> memref<1x104x128xf32, #tpu.memory_space<vmem>>
      %swap3A_200 = tpu.memref_squeeze %swap3A_199 : memref<1x104x128xf32, #tpu.memory_space<vmem>> -> memref<104x128xf32, #tpu.memory_space<vmem>>
      %swap3A_201 = arith.index_cast %scan3A_171 : i32 to index
      %swap3A_202 = arith.constant 32 : index
      %swap3A_203 = tpu.vector_load %swap3A_200[%swap3A_201, %swap3A_202] {strides = array<i32>} : memref<104x128xf32, #tpu.memory_space<vmem>>, vector<1x16xf32>,
      %swap3A_204 = vector.shape_cast %swap3A_203 : vector<1x16xf32> to vector<16xf32>
      %swap3A_205 = vector.shape_cast %broadcast_in_dim3A_196 : vector<16xf32> to vector<1x16xf32>
      tpu.vector_store %swap3A_200[%swap3A_201, %swap3A_202], %swap3A_205 {strides = array<i32>} : memref<104x128xf32, #tpu.memory_space<vmem>>, vector<1x16xf32>,
      %broadcast_in_dim3A_206 = arith.constant 0.000000e+00 : f32
      %broadcast_in_dim3A_207 = vector.broadcast %broadcast_in_dim3A_206 : f32 to vector<16xf32>
      %swap3A_208 = arith.constant 0 : i32
      %swap3A_209 = arith.constant 0 : i32
      %swap3A_210 = tpu.memref_slice %arg9[%scan3A_10, %swap3A_208, %swap3A_209] : memref<2x104x128xf32, #tpu.memory_space<vmem>> -> memref<1x104x128xf32, #tpu.memory_space<vmem>>
      %swap3A_211 = tpu.memref_squeeze %swap3A_210 : memref<1x104x128xf32, #tpu.memory_space<vmem>> -> memref<104x128xf32, #tpu.memory_space<vmem>>
      %swap3A_212 = arith.index_cast %scan3A_171 : i32 to index
      %swap3A_213 = arith.constant 48 : index
      %swap3A_214 = tpu.vector_load %swap3A_211[%swap3A_212, %swap3A_213] {strides = array<i32>} : memref<104x128xf32, #tpu.memory_space<vmem>>, vector<1x16xf32>,
      %swap3A_215 = vector.shape_cast %swap3A_214 : vector<1x16xf32> to vector<16xf32>
      %swap3A_216 = vector.shape_cast %broadcast_in_dim3A_207 : vector<16xf32> to vector<1x16xf32>
      tpu.vector_store %swap3A_211[%swap3A_212, %swap3A_213], %swap3A_216 {strides = array<i32>} : memref<104x128xf32, #tpu.memory_space<vmem>>, vector<1x16xf32>,
      %broadcast_in_dim3A_217 = arith.constant 0.000000e+00 : f32
      %broadcast_in_dim3A_218 = vector.broadcast %broadcast_in_dim3A_217 : f32 to vector<16xf32>
      %swap3A_219 = arith.constant 0 : i32
      %swap3A_220 = arith.constant 0 : i32
      %swap3A_221 = tpu.memref_slice %arg9[%scan3A_10, %swap3A_219, %swap3A_220] : memref<2x104x128xf32, #tpu.memory_space<vmem>> -> memref<1x104x128xf32, #tpu.memory_space<vmem>>
      %swap3A_222 = tpu.memref_squeeze %swap3A_221 : memref<1x104x128xf32, #tpu.memory_space<vmem>> -> memref<104x128xf32, #tpu.memory_space<vmem>>
      %swap3A_223 = arith.index_cast %scan3A_171 : i32 to index
      %swap3A_224 = arith.constant 64 : index
      %swap3A_225 = tpu.vector_load %swap3A_222[%swap3A_223, %swap3A_224] {strides = array<i32>} : memref<104x128xf32, #tpu.memory_space<vmem>>, vector<1x16xf32>,
      %swap3A_226 = vector.shape_cast %swap3A_225 : vector<1x16xf32> to vector<16xf32>
      %swap3A_227 = vector.shape_cast %broadcast_in_dim3A_218 : vector<16xf32> to vector<1x16xf32>
      tpu.vector_store %swap3A_222[%swap3A_223, %swap3A_224], %swap3A_227 {strides = array<i32>} : memref<104x128xf32, #tpu.memory_space<vmem>>, vector<1x16xf32>,
      %broadcast_in_dim3A_228 = arith.constant 0.000000e+00 : f32
      %broadcast_in_dim3A_229 = vector.broadcast %broadcast_in_dim3A_228 : f32 to vector<16xf32>
      %swap3A_230 = arith.constant 0 : i32
      %swap3A_231 = arith.constant 0 : i32
      %swap3A_232 = tpu.memref_slice %arg9[%scan3A_10, %swap3A_230, %swap3A_231] : memref<2x104x128xf32, #tpu.memory_space<vmem>> -> memref<1x104x128xf32, #tpu.memory_space<vmem>>
      %swap3A_233 = tpu.memref_squeeze %swap3A_232 : memref<1x104x128xf32, #tpu.memory_space<vmem>> -> memref<104x128xf32, #tpu.memory_space<vmem>>
      %swap3A_234 = arith.index_cast %scan3A_171 : i32 to index
      %swap3A_235 = arith.constant 80 : index
      %swap3A_236 = tpu.vector_load %swap3A_233[%swap3A_234, %swap3A_235] {strides = array<i32>} : memref<104x128xf32, #tpu.memory_space<vmem>>, vector<1x16xf32>,
      %swap3A_237 = vector.shape_cast %swap3A_236 : vector<1x16xf32> to vector<16xf32>
      %swap3A_238 = vector.shape_cast %broadcast_in_dim3A_229 : vector<16xf32> to vector<1x16xf32>
      tpu.vector_store %swap3A_233[%swap3A_234, %swap3A_235], %swap3A_238 {strides = array<i32>} : memref<104x128xf32, #tpu.memory_space<vmem>>, vector<1x16xf32>,
      %broadcast_in_dim3A_239 = arith.constant 0.000000e+00 : f32
      %broadcast_in_dim3A_240 = vector.broadcast %broadcast_in_dim3A_239 : f32 to vector<16xf32>
      %swap3A_241 = arith.constant 0 : i32
      %swap3A_242 = arith.constant 0 : i32
      %swap3A_243 = tpu.memref_slice %arg9[%scan3A_10, %swap3A_241, %swap3A_242] : memref<2x104x128xf32, #tpu.memory_space<vmem>> -> memref<1x104x128xf32, #tpu.memory_space<vmem>>
      %swap3A_244 = tpu.memref_squeeze %swap3A_243 : memref<1x104x128xf32, #tpu.memory_space<vmem>> -> memref<104x128xf32, #tpu.memory_space<vmem>>
      %swap3A_245 = arith.index_cast %scan3A_171 : i32 to index
      %swap3A_246 = arith.constant 96 : index
      %swap3A_247 = tpu.vector_load %swap3A_244[%swap3A_245, %swap3A_246] {strides = array<i32>} : memref<104x128xf32, #tpu.memory_space<vmem>>, vector<1x16xf32>,
      %swap3A_248 = vector.shape_cast %swap3A_247 : vector<1x16xf32> to vector<16xf32>
      %swap3A_249 = vector.shape_cast %broadcast_in_dim3A_240 : vector<16xf32> to vector<1x16xf32>
      tpu.vector_store %swap3A_244[%swap3A_245, %swap3A_246], %swap3A_249 {strides = array<i32>} : memref<104x128xf32, #tpu.memory_space<vmem>>, vector<1x16xf32>,
      %broadcast_in_dim3A_250 = arith.constant 0.000000e+00 : f32
      %broadcast_in_dim3A_251 = vector.broadcast %broadcast_in_dim3A_250 : f32 to vector<16xf32>
      %swap3A_252 = arith.constant 0 : i32
      %swap3A_253 = arith.constant 0 : i32
      %swap3A_254 = tpu.memref_slice %arg9[%scan3A_10, %swap3A_252, %swap3A_253] : memref<2x104x128xf32, #tpu.memory_space<vmem>> -> memref<1x104x128xf32, #tpu.memory_space<vmem>>
      %swap3A_255 = tpu.memref_squeeze %swap3A_254 : memref<1x104x128xf32, #tpu.memory_space<vmem>> -> memref<104x128xf32, #tpu.memory_space<vmem>>
      %swap3A_256 = arith.index_cast %scan3A_171 : i32 to index
      %swap3A_257 = arith.constant 112 : index
      %swap3A_258 = tpu.vector_load %swap3A_255[%swap3A_256, %swap3A_257] {strides = array<i32>} : memref<104x128xf32, #tpu.memory_space<vmem>>, vector<1x16xf32>,
      %swap3A_259 = vector.shape_cast %swap3A_258 : vector<1x16xf32> to vector<16xf32>
      %swap3A_260 = vector.shape_cast %broadcast_in_dim3A_251 : vector<16xf32> to vector<1x16xf32>
      tpu.vector_store %swap3A_255[%swap3A_256, %swap3A_257], %swap3A_260 {strides = array<i32>} : memref<104x128xf32, #tpu.memory_space<vmem>>, vector<1x16xf32>,
      %scan3A_261 = arith.constant 0 : i32
      scf.yield %scan3A_261 : i32
    }
    %scan3A_17 = arith.constant 104 : i32
    %scan3A_18 = arith.constant 0 : i32
    %scan3A_19 = arith.constant 0 : i32
    %scan3A_20 = arith.constant 16 : i32
    %scan3A_21 = arith.addi %scan3A_19, %scan3A_20 : i32
    %scan3A_22 = arith.constant 1 : i32
    %scan3A_23 = scf.for %scan3A_171 = %scan3A_19 to %scan3A_21 step %scan3A_22 iter_args(%scan3A_172 = %scan3A_18) -> (i32)  : i32 {
      %broadcast_in_dim3A_173 = arith.constant 0.000000e+00 : f32
      %broadcast_in_dim3A_174 = vector.broadcast %broadcast_in_dim3A_173 : f32 to vector<16xf32>
      %swap3A_175 = arith.index_cast %scan3A_171 : i32 to index
      %swap3A_176 = arith.constant 0 : index
      %swap3A_177 = tpu.vector_load %arg10[%swap3A_175, %swap3A_176] {strides = array<i32>} : memref<16x128xf32, #tpu.memory_space<vmem>>, vector<1x16xf32>,
      %swap3A_178 = vector.shape_cast %swap3A_177 : vector<1x16xf32> to vector<16xf32>
      %swap3A_179 = vector.shape_cast %broadcast_in_dim3A_174 : vector<16xf32> to vector<1x16xf32>
      tpu.vector_store %arg10[%swap3A_175, %swap3A_176], %swap3A_179 {strides = array<i32>} : memref<16x128xf32, #tpu.memory_space<vmem>>, vector<1x16xf32>,
      %broadcast_in_dim3A_180 = arith.constant 0.000000e+00 : f32
      %broadcast_in_dim3A_181 = vector.broadcast %broadcast_in_dim3A_180 : f32 to vector<16xf32>
      %swap3A_182 = arith.index_cast %scan3A_171 : i32 to index
      %swap3A_183 = arith.constant 16 : index
      %swap3A_184 = tpu.vector_load %arg10[%swap3A_182, %swap3A_183] {strides = array<i32>} : memref<16x128xf32, #tpu.memory_space<vmem>>, vector<1x16xf32>,
      %swap3A_185 = vector.shape_cast %swap3A_184 : vector<1x16xf32> to vector<16xf32>
      %swap3A_186 = vector.shape_cast %broadcast_in_dim3A_181 : vector<16xf32> to vector<1x16xf32>
      tpu.vector_store %arg10[%swap3A_182, %swap3A_183], %swap3A_186 {strides = array<i32>} : memref<16x128xf32, #tpu.memory_space<vmem>>, vector<1x16xf32>,
      %broadcast_in_dim3A_187 = arith.constant 0.000000e+00 : f32
      %broadcast_in_dim3A_188 = vector.broadcast %broadcast_in_dim3A_187 : f32 to vector<16xf32>
      %swap3A_189 = arith.index_cast %scan3A_171 : i32 to index
      %swap3A_190 = arith.constant 32 : index
      %swap3A_191 = tpu.vector_load %arg10[%swap3A_189, %swap3A_190] {strides = array<i32>} : memref<16x128xf32, #tpu.memory_space<vmem>>, vector<1x16xf32>,
      %swap3A_192 = vector.shape_cast %swap3A_191 : vector<1x16xf32> to vector<16xf32>
      %swap3A_193 = vector.shape_cast %broadcast_in_dim3A_188 : vector<16xf32> to vector<1x16xf32>
      tpu.vector_store %arg10[%swap3A_189, %swap3A_190], %swap3A_193 {strides = array<i32>} : memref<16x128xf32, #tpu.memory_space<vmem>>, vector<1x16xf32>,
      %broadcast_in_dim3A_194 = arith.constant 0.000000e+00 : f32
      %broadcast_in_dim3A_195 = vector.broadcast %broadcast_in_dim3A_194 : f32 to vector<16xf32>
      %swap3A_196 = arith.index_cast %scan3A_171 : i32 to index
      %swap3A_197 = arith.constant 48 : index
      %swap3A_198 = tpu.vector_load %arg10[%swap3A_196, %swap3A_197] {strides = array<i32>} : memref<16x128xf32, #tpu.memory_space<vmem>>, vector<1x16xf32>,
      %swap3A_199 = vector.shape_cast %swap3A_198 : vector<1x16xf32> to vector<16xf32>
      %swap3A_200 = vector.shape_cast %broadcast_in_dim3A_195 : vector<16xf32> to vector<1x16xf32>
      tpu.vector_store %arg10[%swap3A_196, %swap3A_197], %swap3A_200 {strides = array<i32>} : memref<16x128xf32, #tpu.memory_space<vmem>>, vector<1x16xf32>,
      %broadcast_in_dim3A_201 = arith.constant 0.000000e+00 : f32
      %broadcast_in_dim3A_202 = vector.broadcast %broadcast_in_dim3A_201 : f32 to vector<16xf32>
      %swap3A_203 = arith.index_cast %scan3A_171 : i32 to index
      %swap3A_204 = arith.constant 64 : index
      %swap3A_205 = tpu.vector_load %arg10[%swap3A_203, %swap3A_204] {strides = array<i32>} : memref<16x128xf32, #tpu.memory_space<vmem>>, vector<1x16xf32>,
      %swap3A_206 = vector.shape_cast %swap3A_205 : vector<1x16xf32> to vector<16xf32>
      %swap3A_207 = vector.shape_cast %broadcast_in_dim3A_202 : vector<16xf32> to vector<1x16xf32>
      tpu.vector_store %arg10[%swap3A_203, %swap3A_204], %swap3A_207 {strides = array<i32>} : memref<16x128xf32, #tpu.memory_space<vmem>>, vector<1x16xf32>,
      %broadcast_in_dim3A_208 = arith.constant 0.000000e+00 : f32
      %broadcast_in_dim3A_209 = vector.broadcast %broadcast_in_dim3A_208 : f32 to vector<16xf32>
      %swap3A_210 = arith.index_cast %scan3A_171 : i32 to index
      %swap3A_211 = arith.constant 80 : index
      %swap3A_212 = tpu.vector_load %arg10[%swap3A_210, %swap3A_211] {strides = array<i32>} : memref<16x128xf32, #tpu.memory_space<vmem>>, vector<1x16xf32>,
      %swap3A_213 = vector.shape_cast %swap3A_212 : vector<1x16xf32> to vector<16xf32>
      %swap3A_214 = vector.shape_cast %broadcast_in_dim3A_209 : vector<16xf32> to vector<1x16xf32>
      tpu.vector_store %arg10[%swap3A_210, %swap3A_211], %swap3A_214 {strides = array<i32>} : memref<16x128xf32, #tpu.memory_space<vmem>>, vector<1x16xf32>,
      %broadcast_in_dim3A_215 = arith.constant 0.000000e+00 : f32
      %broadcast_in_dim3A_216 = vector.broadcast %broadcast_in_dim3A_215 : f32 to vector<16xf32>
      %swap3A_217 = arith.index_cast %scan3A_171 : i32 to index
      %swap3A_218 = arith.constant 96 : index
      %swap3A_219 = tpu.vector_load %arg10[%swap3A_217, %swap3A_218] {strides = array<i32>} : memref<16x128xf32, #tpu.memory_space<vmem>>, vector<1x16xf32>,
      %swap3A_220 = vector.shape_cast %swap3A_219 : vector<1x16xf32> to vector<16xf32>
      %swap3A_221 = vector.shape_cast %broadcast_in_dim3A_216 : vector<16xf32> to vector<1x16xf32>
      tpu.vector_store %arg10[%swap3A_217, %swap3A_218], %swap3A_221 {strides = array<i32>} : memref<16x128xf32, #tpu.memory_space<vmem>>, vector<1x16xf32>,
      %broadcast_in_dim3A_222 = arith.constant 0.000000e+00 : f32
      %broadcast_in_dim3A_223 = vector.broadcast %broadcast_in_dim3A_222 : f32 to vector<16xf32>
      %swap3A_224 = arith.index_cast %scan3A_171 : i32 to index
      %swap3A_225 = arith.constant 112 : index
      %swap3A_226 = tpu.vector_load %arg10[%swap3A_224, %swap3A_225] {strides = array<i32>} : memref<16x128xf32, #tpu.memory_space<vmem>>, vector<1x16xf32>,
      %swap3A_227 = vector.shape_cast %swap3A_226 : vector<1x16xf32> to vector<16xf32>
      %swap3A_228 = vector.shape_cast %broadcast_in_dim3A_223 : vector<16xf32> to vector<1x16xf32>
      tpu.vector_store %arg10[%swap3A_224, %swap3A_225], %swap3A_228 {strides = array<i32>} : memref<16x128xf32, #tpu.memory_space<vmem>>, vector<1x16xf32>,
      %scan3A_229 = arith.constant 0 : i32
      scf.yield %scan3A_229 : i32
    }
    %scan3A_24 = arith.constant 16 : i32
    %broadcast_in_dim3A = arith.constant 0 : i32
    %broadcast_in_dim3A_25 = vector.broadcast %broadcast_in_dim3A : i32 to vector<16xi32>
    %swap3A = arith.constant 1 : i32
    %swap3A_26 = arith.constant 1 : i32
    %swap3A_27 = arith.index_cast %swap3A : i32 to index
    %swap3A_28 = arith.index_cast %swap3A_26 : i32 to index
    %swap3A_29 = arith.constant 0 : index
    %swap3A_30 = tpu.vector_load %arg6[%swap3A_27, %swap3A_28, %swap3A_29] {strides = array<i32>} : memref<2x2x104xi32, #tpu.memory_space<vmem>>, vector<1x1x16xi32>,
    %swap3A_31 = vector.shape_cast %swap3A_30 : vector<1x1x16xi32> to vector<16xi32>
    %swap3A_32 = vector.shape_cast %broadcast_in_dim3A_25 : vector<16xi32> to vector<1x1x16xi32>
    tpu.vector_store %arg6[%swap3A_27, %swap3A_28, %swap3A_29], %swap3A_32 {strides = array<i32>} : memref<2x2x104xi32, #tpu.memory_space<vmem>>, vector<1x1x16xi32>,
    %broadcast_in_dim3A_33 = arith.constant 0 : i32
    %broadcast_in_dim3A_34 = vector.broadcast %broadcast_in_dim3A_33 : i32 to vector<16xi32>
    %swap3A_35 = arith.constant 1 : i32
    %swap3A_36 = arith.constant 1 : i32
    %swap3A_37 = arith.index_cast %swap3A_35 : i32 to index
    %swap3A_38 = arith.index_cast %swap3A_36 : i32 to index
    %swap3A_39 = arith.constant 16 : index
    %swap3A_40 = tpu.vector_load %arg6[%swap3A_37, %swap3A_38, %swap3A_39] {strides = array<i32>} : memref<2x2x104xi32, #tpu.memory_space<vmem>>, vector<1x1x16xi32>,
    %swap3A_41 = vector.shape_cast %swap3A_40 : vector<1x1x16xi32> to vector<16xi32>
    %swap3A_42 = vector.shape_cast %broadcast_in_dim3A_34 : vector<16xi32> to vector<1x1x16xi32>
    tpu.vector_store %arg6[%swap3A_37, %swap3A_38, %swap3A_39], %swap3A_42 {strides = array<i32>} : memref<2x2x104xi32, #tpu.memory_space<vmem>>, vector<1x1x16xi32>,
    %broadcast_in_dim3A_43 = arith.constant 0 : i32
    %broadcast_in_dim3A_44 = vector.broadcast %broadcast_in_dim3A_43 : i32 to vector<16xi32>
    %swap3A_45 = arith.constant 1 : i32
    %swap3A_46 = arith.constant 1 : i32
    %swap3A_47 = arith.index_cast %swap3A_45 : i32 to index
    %swap3A_48 = arith.index_cast %swap3A_46 : i32 to index
    %swap3A_49 = arith.constant 32 : index
    %swap3A_50 = tpu.vector_load %arg6[%swap3A_47, %swap3A_48, %swap3A_49] {strides = array<i32>} : memref<2x2x104xi32, #tpu.memory_space<vmem>>, vector<1x1x16xi32>,
    %swap3A_51 = vector.shape_cast %swap3A_50 : vector<1x1x16xi32> to vector<16xi32>
    %swap3A_52 = vector.shape_cast %broadcast_in_dim3A_44 : vector<16xi32> to vector<1x1x16xi32>
    tpu.vector_store %arg6[%swap3A_47, %swap3A_48, %swap3A_49], %swap3A_52 {strides = array<i32>} : memref<2x2x104xi32, #tpu.memory_space<vmem>>, vector<1x1x16xi32>,
    %broadcast_in_dim3A_53 = arith.constant 0 : i32
    %broadcast_in_dim3A_54 = vector.broadcast %broadcast_in_dim3A_53 : i32 to vector<16xi32>
    %swap3A_55 = arith.constant 1 : i32
    %swap3A_56 = arith.constant 1 : i32
    %swap3A_57 = arith.index_cast %swap3A_55 : i32 to index
    %swap3A_58 = arith.index_cast %swap3A_56 : i32 to index
    %swap3A_59 = arith.constant 48 : index
    %swap3A_60 = tpu.vector_load %arg6[%swap3A_57, %swap3A_58, %swap3A_59] {strides = array<i32>} : memref<2x2x104xi32, #tpu.memory_space<vmem>>, vector<1x1x16xi32>,
    %swap3A_61 = vector.shape_cast %swap3A_60 : vector<1x1x16xi32> to vector<16xi32>
    %swap3A_62 = vector.shape_cast %broadcast_in_dim3A_54 : vector<16xi32> to vector<1x1x16xi32>
    tpu.vector_store %arg6[%swap3A_57, %swap3A_58, %swap3A_59], %swap3A_62 {strides = array<i32>} : memref<2x2x104xi32, #tpu.memory_space<vmem>>, vector<1x1x16xi32>,
    %broadcast_in_dim3A_63 = arith.constant 0 : i32
    %broadcast_in_dim3A_64 = vector.broadcast %broadcast_in_dim3A_63 : i32 to vector<16xi32>
    %swap3A_65 = arith.constant 1 : i32
    %swap3A_66 = arith.constant 1 : i32
    %swap3A_67 = arith.index_cast %swap3A_65 : i32 to index
    %swap3A_68 = arith.index_cast %swap3A_66 : i32 to index
    %swap3A_69 = arith.constant 64 : index
    %swap3A_70 = tpu.vector_load %arg6[%swap3A_67, %swap3A_68, %swap3A_69] {strides = array<i32>} : memref<2x2x104xi32, #tpu.memory_space<vmem>>, vector<1x1x16xi32>,
    %swap3A_71 = vector.shape_cast %swap3A_70 : vector<1x1x16xi32> to vector<16xi32>
    %swap3A_72 = vector.shape_cast %broadcast_in_dim3A_64 : vector<16xi32> to vector<1x1x16xi32>
    tpu.vector_store %arg6[%swap3A_67, %swap3A_68, %swap3A_69], %swap3A_72 {strides = array<i32>} : memref<2x2x104xi32, #tpu.memory_space<vmem>>, vector<1x1x16xi32>,
    %broadcast_in_dim3A_73 = arith.constant 0 : i32
    %broadcast_in_dim3A_74 = vector.broadcast %broadcast_in_dim3A_73 : i32 to vector<16xi32>
    %swap3A_75 = arith.constant 1 : i32
    %swap3A_76 = arith.constant 1 : i32
    %swap3A_77 = arith.index_cast %swap3A_75 : i32 to index
    %swap3A_78 = arith.index_cast %swap3A_76 : i32 to index
    %swap3A_79 = arith.constant 80 : index
    %swap3A_80 = tpu.vector_load %arg6[%swap3A_77, %swap3A_78, %swap3A_79] {strides = array<i32>} : memref<2x2x104xi32, #tpu.memory_space<vmem>>, vector<1x1x16xi32>,
    %swap3A_81 = vector.shape_cast %swap3A_80 : vector<1x1x16xi32> to vector<16xi32>
    %swap3A_82 = vector.shape_cast %broadcast_in_dim3A_74 : vector<16xi32> to vector<1x1x16xi32>
    tpu.vector_store %arg6[%swap3A_77, %swap3A_78, %swap3A_79], %swap3A_82 {strides = array<i32>} : memref<2x2x104xi32, #tpu.memory_space<vmem>>, vector<1x1x16xi32>,
    %broadcast_in_dim3A_83 = arith.constant 0 : i32
    %broadcast_in_dim3A_84 = vector.broadcast %broadcast_in_dim3A_83 : i32 to vector<16xi32>
    %swap3A_85 = arith.constant 1 : i32
    %swap3A_86 = arith.constant 1 : i32
    %swap3A_87 = arith.index_cast %swap3A_85 : i32 to index
    %swap3A_88 = arith.index_cast %swap3A_86 : i32 to index
    %swap3A_89 = arith.constant 88 : index
    %swap3A_90 = tpu.vector_load %arg6[%swap3A_87, %swap3A_88, %swap3A_89] {strides = array<i32>} : memref<2x2x104xi32, #tpu.memory_space<vmem>>, vector<1x1x16xi32>,
    %swap3A_91 = vector.shape_cast %swap3A_90 : vector<1x1x16xi32> to vector<16xi32>
    %swap3A_92 = vector.shape_cast %broadcast_in_dim3A_84 : vector<16xi32> to vector<1x1x16xi32>
    tpu.vector_store %arg6[%swap3A_87, %swap3A_88, %swap3A_89], %swap3A_92 {strides = array<i32>} : memref<2x2x104xi32, #tpu.memory_space<vmem>>, vector<1x1x16xi32>,
    %mul3A_93 = arith.constant 640 : i32
    %mul3A_94 = arith.muli %arg1, %mul3A_93 : i32
    %add3A_95 = arith.constant 0 : i32
    %add3A_96 = arith.addi %mul3A_94, %add3A_95 : i32
    %run_scoped3A = arith.constant 0 : i32
    "tpu.region"() ({
      %run_scoped3A_171 = tpu.sem_alloc : memref<!tpu.dma_semaphore, #tpu.memory_space<semaphore_mem>>
      %dma_start3A_172 = arith.constant 0 : i32
      %dma_start3A_173 = arith.constant 0 : i32
      %dma_start3A_174 = tpu.memref_slice %arg9[%run_scoped3A, %dma_start3A_172, %dma_start3A_173] : memref<2x104x128xf32, #tpu.memory_space<vmem>> -> memref<1x104x128xf32, #tpu.memory_space<vmem>>
      %dma_start3A_175 = tpu.memref_squeeze %dma_start3A_174 : memref<1x104x128xf32, #tpu.memory_space<vmem>> -> memref<104x128xf32, #tpu.memory_space<vmem>>
      %dma_start3A_176 = arith.constant 0 : i32
      %dma_start3A_177 = tpu.memref_slice %arg11[%add3A_96, %dma_start3A_176] : memref<10240x128xf32, #tpu.memory_space<vmem_shared>> -> memref<104x128xf32, #tpu.memory_space<vmem_shared>>
      %dma_start3A_178 = arith.constant 0 : i32
      %dma_start3A_179 = tpu.memref_slice %arg11[%add3A_96, %dma_start3A_178] : memref<10240x128xf32, #tpu.memory_space<vmem_shared>> -> memref<104x128xf32, #tpu.memory_space<vmem_shared>>
      %dma_start3A_180 = arith.constant 0 : i32
      %dma_start3A_181 = arith.constant 0 : i32
      %dma_start3A_182 = tpu.memref_slice %arg9[%run_scoped3A, %dma_start3A_180, %dma_start3A_181] : memref<2x104x128xf32, #tpu.memory_space<vmem>> -> memref<1x104x128xf32, #tpu.memory_space<vmem>>
      %dma_start3A_183 = tpu.memref_squeeze %dma_start3A_182 : memref<1x104x128xf32, #tpu.memory_space<vmem>> -> memref<104x128xf32, #tpu.memory_space<vmem>>
      tpu.enqueue_dma source(%dma_start3A_183 : memref<104x128xf32, #tpu.memory_space<vmem>>) target(%dma_start3A_179 : memref<104x128xf32, #tpu.memory_space<vmem_shared>>) target_semaphore(%run_scoped3A_171 : memref<!tpu.dma_semaphore, #tpu.memory_space<semaphore_mem>>)
      %dma_wait3A_184 = arith.constant 0 : i32
      %dma_wait3A_185 = arith.constant 0 : i32
      %dma_wait3A_186 = tpu.memref_slice %arg9[%run_scoped3A, %dma_wait3A_184, %dma_wait3A_185] : memref<2x104x128xf32, #tpu.memory_space<vmem>> -> memref<1x104x128xf32, #tpu.memory_space<vmem>>
      %dma_wait3A_187 = tpu.memref_squeeze %dma_wait3A_186 : memref<1x104x128xf32, #tpu.memory_space<vmem>> -> memref<104x128xf32, #tpu.memory_space<vmem>>
      %dma_wait3A_188 = arith.constant 0 : i32
      %dma_wait3A_189 = tpu.memref_slice %arg11[%add3A_96, %dma_wait3A_188] : memref<10240x128xf32, #tpu.memory_space<vmem_shared>> -> memref<104x128xf32, #tpu.memory_space<vmem_shared>>
      %dma_wait3A_190 = arith.constant 0 : i32
      %dma_wait3A_191 = tpu.memref_slice %arg11[%add3A_96, %dma_wait3A_190] : memref<10240x128xf32, #tpu.memory_space<vmem_shared>> -> memref<104x128xf32, #tpu.memory_space<vmem_shared>>
      %dma_wait3A_192 = arith.constant 0 : i32
      %dma_wait3A_193 = arith.constant 0 : i32
      %dma_wait3A_194 = tpu.memref_slice %arg9[%run_scoped3A, %dma_wait3A_192, %dma_wait3A_193] : memref<2x104x128xf32, #tpu.memory_space<vmem>> -> memref<1x104x128xf32, #tpu.memory_space<vmem>>
      %dma_wait3A_195 = tpu.memref_squeeze %dma_wait3A_194 : memref<1x104x128xf32, #tpu.memory_space<vmem>> -> memref<104x128xf32, #tpu.memory_space<vmem>>
      tpu.wait_dma2 semaphore(%run_scoped3A_171 : memref<!tpu.dma_semaphore, #tpu.memory_space<semaphore_mem>>) src(%dma_wait3A_195 : memref<104x128xf32, #tpu.memory_space<vmem>>) dst(%dma_wait3A_191 : memref<104x128xf32, #tpu.memory_space<vmem_shared>>)
      tpu.yield
    }) : () -> ()
    %add3A_97 = arith.constant 104 : i32
    %add3A_98 = arith.addi %mul3A_94, %add3A_97 : i32
    %run_scoped3A_99 = arith.constant 0 : i32
    "tpu.region"() ({
      %run_scoped3A_171 = tpu.sem_alloc : memref<!tpu.dma_semaphore, #tpu.memory_space<semaphore_mem>>
      %dma_start3A_172 = arith.constant 0 : i32
      %dma_start3A_173 = arith.constant 0 : i32
      %dma_start3A_174 = tpu.memref_slice %arg9[%run_scoped3A_99, %dma_start3A_172, %dma_start3A_173] : memref<2x104x128xf32, #tpu.memory_space<vmem>> -> memref<1x104x128xf32, #tpu.memory_space<vmem>>
      %dma_start3A_175 = tpu.memref_squeeze %dma_start3A_174 : memref<1x104x128xf32, #tpu.memory_space<vmem>> -> memref<104x128xf32, #tpu.memory_space<vmem>>
      %dma_start3A_176 = arith.constant 0 : i32
      %dma_start3A_177 = tpu.memref_slice %arg11[%add3A_98, %dma_start3A_176] : memref<10240x128xf32, #tpu.memory_space<vmem_shared>> -> memref<104x128xf32, #tpu.memory_space<vmem_shared>>
      %dma_start3A_178 = arith.constant 0 : i32
      %dma_start3A_179 = tpu.memref_slice %arg11[%add3A_98, %dma_start3A_178] : memref<10240x128xf32, #tpu.memory_space<vmem_shared>> -> memref<104x128xf32, #tpu.memory_space<vmem_shared>>
      %dma_start3A_180 = arith.constant 0 : i32
      %dma_start3A_181 = arith.constant 0 : i32
      %dma_start3A_182 = tpu.memref_slice %arg9[%run_scoped3A_99, %dma_start3A_180, %dma_start3A_181] : memref<2x104x128xf32, #tpu.memory_space<vmem>> -> memref<1x104x128xf32, #tpu.memory_space<vmem>>
      %dma_start3A_183 = tpu.memref_squeeze %dma_start3A_182 : memref<1x104x128xf32, #tpu.memory_space<vmem>> -> memref<104x128xf32, #tpu.memory_space<vmem>>
      tpu.enqueue_dma source(%dma_start3A_183 : memref<104x128xf32, #tpu.memory_space<vmem>>) target(%dma_start3A_179 : memref<104x128xf32, #tpu.memory_space<vmem_shared>>) target_semaphore(%run_scoped3A_171 : memref<!tpu.dma_semaphore, #tpu.memory_space<semaphore_mem>>)
      %dma_wait3A_184 = arith.constant 0 : i32
      %dma_wait3A_185 = arith.constant 0 : i32
      %dma_wait3A_186 = tpu.memref_slice %arg9[%run_scoped3A_99, %dma_wait3A_184, %dma_wait3A_185] : memref<2x104x128xf32, #tpu.memory_space<vmem>> -> memref<1x104x128xf32, #tpu.memory_space<vmem>>
      %dma_wait3A_187 = tpu.memref_squeeze %dma_wait3A_186 : memref<1x104x128xf32, #tpu.memory_space<vmem>> -> memref<104x128xf32, #tpu.memory_space<vmem>>
      %dma_wait3A_188 = arith.constant 0 : i32
      %dma_wait3A_189 = tpu.memref_slice %arg11[%add3A_98, %dma_wait3A_188] : memref<10240x128xf32, #tpu.memory_space<vmem_shared>> -> memref<104x128xf32, #tpu.memory_space<vmem_shared>>
      %dma_wait3A_190 = arith.constant 0 : i32
      %dma_wait3A_191 = tpu.memref_slice %arg11[%add3A_98, %dma_wait3A_190] : memref<10240x128xf32, #tpu.memory_space<vmem_shared>> -> memref<104x128xf32, #tpu.memory_space<vmem_shared>>
      %dma_wait3A_192 = arith.constant 0 : i32
      %dma_wait3A_193 = arith.constant 0 : i32
      %dma_wait3A_194 = tpu.memref_slice %arg9[%run_scoped3A_99, %dma_wait3A_192, %dma_wait3A_193] : memref<2x104x128xf32, #tpu.memory_space<vmem>> -> memref<1x104x128xf32, #tpu.memory_space<vmem>>
      %dma_wait3A_195 = tpu.memref_squeeze %dma_wait3A_194 : memref<1x104x128xf32, #tpu.memory_space<vmem>> -> memref<104x128xf32, #tpu.memory_space<vmem>>
      tpu.wait_dma2 semaphore(%run_scoped3A_171 : memref<!tpu.dma_semaphore, #tpu.memory_space<semaphore_mem>>) src(%dma_wait3A_195 : memref<104x128xf32, #tpu.memory_space<vmem>>) dst(%dma_wait3A_191 : memref<104x128xf32, #tpu.memory_space<vmem_shared>>)
      tpu.yield
    }) : () -> ()
    %add3A_100 = arith.constant 208 : i32
    %add3A_101 = arith.addi %mul3A_94, %add3A_100 : i32
    %run_scoped3A_102 = arith.constant 0 : i32
    "tpu.region"() ({
      %run_scoped3A_171 = tpu.sem_alloc : memref<!tpu.dma_semaphore, #tpu.memory_space<semaphore_mem>>
      %dma_start3A_172 = arith.constant 0 : i32
      %dma_start3A_173 = arith.constant 0 : i32
      %dma_start3A_174 = tpu.memref_slice %arg9[%run_scoped3A_102, %dma_start3A_172, %dma_start3A_173] : memref<2x104x128xf32, #tpu.memory_space<vmem>> -> memref<1x104x128xf32, #tpu.memory_space<vmem>>
      %dma_start3A_175 = tpu.memref_squeeze %dma_start3A_174 : memref<1x104x128xf32, #tpu.memory_space<vmem>> -> memref<104x128xf32, #tpu.memory_space<vmem>>
      %dma_start3A_176 = arith.constant 0 : i32
      %dma_start3A_177 = tpu.memref_slice %arg11[%add3A_101, %dma_start3A_176] : memref<10240x128xf32, #tpu.memory_space<vmem_shared>> -> memref<104x128xf32, #tpu.memory_space<vmem_shared>>
      %dma_start3A_178 = arith.constant 0 : i32
      %dma_start3A_179 = tpu.memref_slice %arg11[%add3A_101, %dma_start3A_178] : memref<10240x128xf32, #tpu.memory_space<vmem_shared>> -> memref<104x128xf32, #tpu.memory_space<vmem_shared>>
      %dma_start3A_180 = arith.constant 0 : i32
      %dma_start3A_181 = arith.constant 0 : i32
      %dma_start3A_182 = tpu.memref_slice %arg9[%run_scoped3A_102, %dma_start3A_180, %dma_start3A_181] : memref<2x104x128xf32, #tpu.memory_space<vmem>> -> memref<1x104x128xf32, #tpu.memory_space<vmem>>
      %dma_start3A_183 = tpu.memref_squeeze %dma_start3A_182 : memref<1x104x128xf32, #tpu.memory_space<vmem>> -> memref<104x128xf32, #tpu.memory_space<vmem>>
      tpu.enqueue_dma source(%dma_start3A_183 : memref<104x128xf32, #tpu.memory_space<vmem>>) target(%dma_start3A_179 : memref<104x128xf32, #tpu.memory_space<vmem_shared>>) target_semaphore(%run_scoped3A_171 : memref<!tpu.dma_semaphore, #tpu.memory_space<semaphore_mem>>)
      %dma_wait3A_184 = arith.constant 0 : i32
      %dma_wait3A_185 = arith.constant 0 : i32
      %dma_wait3A_186 = tpu.memref_slice %arg9[%run_scoped3A_102, %dma_wait3A_184, %dma_wait3A_185] : memref<2x104x128xf32, #tpu.memory_space<vmem>> -> memref<1x104x128xf32, #tpu.memory_space<vmem>>
      %dma_wait3A_187 = tpu.memref_squeeze %dma_wait3A_186 : memref<1x104x128xf32, #tpu.memory_space<vmem>> -> memref<104x128xf32, #tpu.memory_space<vmem>>
      %dma_wait3A_188 = arith.constant 0 : i32
      %dma_wait3A_189 = tpu.memref_slice %arg11[%add3A_101, %dma_wait3A_188] : memref<10240x128xf32, #tpu.memory_space<vmem_shared>> -> memref<104x128xf32, #tpu.memory_space<vmem_shared>>
      %dma_wait3A_190 = arith.constant 0 : i32
      %dma_wait3A_191 = tpu.memref_slice %arg11[%add3A_101, %dma_wait3A_190] : memref<10240x128xf32, #tpu.memory_space<vmem_shared>> -> memref<104x128xf32, #tpu.memory_space<vmem_shared>>
      %dma_wait3A_192 = arith.constant 0 : i32
      %dma_wait3A_193 = arith.constant 0 : i32
      %dma_wait3A_194 = tpu.memref_slice %arg9[%run_scoped3A_102, %dma_wait3A_192, %dma_wait3A_193] : memref<2x104x128xf32, #tpu.memory_space<vmem>> -> memref<1x104x128xf32, #tpu.memory_space<vmem>>
      %dma_wait3A_195 = tpu.memref_squeeze %dma_wait3A_194 : memref<1x104x128xf32, #tpu.memory_space<vmem>> -> memref<104x128xf32, #tpu.memory_space<vmem>>
      tpu.wait_dma2 semaphore(%run_scoped3A_171 : memref<!tpu.dma_semaphore, #tpu.memory_space<semaphore_mem>>) src(%dma_wait3A_195 : memref<104x128xf32, #tpu.memory_space<vmem>>) dst(%dma_wait3A_191 : memref<104x128xf32, #tpu.memory_space<vmem_shared>>)
      tpu.yield
    }) : () -> ()
    %add3A_103 = arith.constant 312 : i32
    %add3A_104 = arith.addi %mul3A_94, %add3A_103 : i32
    %run_scoped3A_105 = arith.constant 0 : i32
    "tpu.region"() ({
      %run_scoped3A_171 = tpu.sem_alloc : memref<!tpu.dma_semaphore, #tpu.memory_space<semaphore_mem>>
      %dma_start3A_172 = arith.constant 0 : i32
      %dma_start3A_173 = arith.constant 0 : i32
      %dma_start3A_174 = tpu.memref_slice %arg9[%run_scoped3A_105, %dma_start3A_172, %dma_start3A_173] : memref<2x104x128xf32, #tpu.memory_space<vmem>> -> memref<1x104x128xf32, #tpu.memory_space<vmem>>
      %dma_start3A_175 = tpu.memref_squeeze %dma_start3A_174 : memref<1x104x128xf32, #tpu.memory_space<vmem>> -> memref<104x128xf32, #tpu.memory_space<vmem>>
      %dma_start3A_176 = arith.constant 0 : i32
      %dma_start3A_177 = tpu.memref_slice %arg11[%add3A_104, %dma_start3A_176] : memref<10240x128xf32, #tpu.memory_space<vmem_shared>> -> memref<104x128xf32, #tpu.memory_space<vmem_shared>>
      %dma_start3A_178 = arith.constant 0 : i32
      %dma_start3A_179 = tpu.memref_slice %arg11[%add3A_104, %dma_start3A_178] : memref<10240x128xf32, #tpu.memory_space<vmem_shared>> -> memref<104x128xf32, #tpu.memory_space<vmem_shared>>
      %dma_start3A_180 = arith.constant 0 : i32
      %dma_start3A_181 = arith.constant 0 : i32
      %dma_start3A_182 = tpu.memref_slice %arg9[%run_scoped3A_105, %dma_start3A_180, %dma_start3A_181] : memref<2x104x128xf32, #tpu.memory_space<vmem>> -> memref<1x104x128xf32, #tpu.memory_space<vmem>>
      %dma_start3A_183 = tpu.memref_squeeze %dma_start3A_182 : memref<1x104x128xf32, #tpu.memory_space<vmem>> -> memref<104x128xf32, #tpu.memory_space<vmem>>
      tpu.enqueue_dma source(%dma_start3A_183 : memref<104x128xf32, #tpu.memory_space<vmem>>) target(%dma_start3A_179 : memref<104x128xf32, #tpu.memory_space<vmem_shared>>) target_semaphore(%run_scoped3A_171 : memref<!tpu.dma_semaphore, #tpu.memory_space<semaphore_mem>>)
      %dma_wait3A_184 = arith.constant 0 : i32
      %dma_wait3A_185 = arith.constant 0 : i32
      %dma_wait3A_186 = tpu.memref_slice %arg9[%run_scoped3A_105, %dma_wait3A_184, %dma_wait3A_185] : memref<2x104x128xf32, #tpu.memory_space<vmem>> -> memref<1x104x128xf32, #tpu.memory_space<vmem>>
      %dma_wait3A_187 = tpu.memref_squeeze %dma_wait3A_186 : memref<1x104x128xf32, #tpu.memory_space<vmem>> -> memref<104x128xf32, #tpu.memory_space<vmem>>
      %dma_wait3A_188 = arith.constant 0 : i32
      %dma_wait3A_189 = tpu.memref_slice %arg11[%add3A_104, %dma_wait3A_188] : memref<10240x128xf32, #tpu.memory_space<vmem_shared>> -> memref<104x128xf32, #tpu.memory_space<vmem_shared>>
      %dma_wait3A_190 = arith.constant 0 : i32
      %dma_wait3A_191 = tpu.memref_slice %arg11[%add3A_104, %dma_wait3A_190] : memref<10240x128xf32, #tpu.memory_space<vmem_shared>> -> memref<104x128xf32, #tpu.memory_space<vmem_shared>>
      %dma_wait3A_192 = arith.constant 0 : i32
      %dma_wait3A_193 = arith.constant 0 : i32
      %dma_wait3A_194 = tpu.memref_slice %arg9[%run_scoped3A_105, %dma_wait3A_192, %dma_wait3A_193] : memref<2x104x128xf32, #tpu.memory_space<vmem>> -> memref<1x104x128xf32, #tpu.memory_space<vmem>>
      %dma_wait3A_195 = tpu.memref_squeeze %dma_wait3A_194 : memref<1x104x128xf32, #tpu.memory_space<vmem>> -> memref<104x128xf32, #tpu.memory_space<vmem>>
      tpu.wait_dma2 semaphore(%run_scoped3A_171 : memref<!tpu.dma_semaphore, #tpu.memory_space<semaphore_mem>>) src(%dma_wait3A_195 : memref<104x128xf32, #tpu.memory_space<vmem>>) dst(%dma_wait3A_191 : memref<104x128xf32, #tpu.memory_space<vmem_shared>>)
      tpu.yield
    }) : () -> ()
    %add3A_106 = arith.constant 416 : i32
    %add3A_107 = arith.addi %mul3A_94, %add3A_106 : i32
    %run_scoped3A_108 = arith.constant 0 : i32
    "tpu.region"() ({
      %run_scoped3A_171 = tpu.sem_alloc : memref<!tpu.dma_semaphore, #tpu.memory_space<semaphore_mem>>
      %dma_start3A_172 = arith.constant 0 : i32
      %dma_start3A_173 = arith.constant 0 : i32
      %dma_start3A_174 = tpu.memref_slice %arg9[%run_scoped3A_108, %dma_start3A_172, %dma_start3A_173] : memref<2x104x128xf32, #tpu.memory_space<vmem>> -> memref<1x104x128xf32, #tpu.memory_space<vmem>>
      %dma_start3A_175 = tpu.memref_squeeze %dma_start3A_174 : memref<1x104x128xf32, #tpu.memory_space<vmem>> -> memref<104x128xf32, #tpu.memory_space<vmem>>
      %dma_start3A_176 = arith.constant 0 : i32
      %dma_start3A_177 = tpu.memref_slice %arg11[%add3A_107, %dma_start3A_176] : memref<10240x128xf32, #tpu.memory_space<vmem_shared>> -> memref<104x128xf32, #tpu.memory_space<vmem_shared>>
      %dma_start3A_178 = arith.constant 0 : i32
      %dma_start3A_179 = tpu.memref_slice %arg11[%add3A_107, %dma_start3A_178] : memref<10240x128xf32, #tpu.memory_space<vmem_shared>> -> memref<104x128xf32, #tpu.memory_space<vmem_shared>>
      %dma_start3A_180 = arith.constant 0 : i32
      %dma_start3A_181 = arith.constant 0 : i32
      %dma_start3A_182 = tpu.memref_slice %arg9[%run_scoped3A_108, %dma_start3A_180, %dma_start3A_181] : memref<2x104x128xf32, #tpu.memory_space<vmem>> -> memref<1x104x128xf32, #tpu.memory_space<vmem>>
      %dma_start3A_183 = tpu.memref_squeeze %dma_start3A_182 : memref<1x104x128xf32, #tpu.memory_space<vmem>> -> memref<104x128xf32, #tpu.memory_space<vmem>>
      tpu.enqueue_dma source(%dma_start3A_183 : memref<104x128xf32, #tpu.memory_space<vmem>>) target(%dma_start3A_179 : memref<104x128xf32, #tpu.memory_space<vmem_shared>>) target_semaphore(%run_scoped3A_171 : memref<!tpu.dma_semaphore, #tpu.memory_space<semaphore_mem>>)
      %dma_wait3A_184 = arith.constant 0 : i32
      %dma_wait3A_185 = arith.constant 0 : i32
      %dma_wait3A_186 = tpu.memref_slice %arg9[%run_scoped3A_108, %dma_wait3A_184, %dma_wait3A_185] : memref<2x104x128xf32, #tpu.memory_space<vmem>> -> memref<1x104x128xf32, #tpu.memory_space<vmem>>
      %dma_wait3A_187 = tpu.memref_squeeze %dma_wait3A_186 : memref<1x104x128xf32, #tpu.memory_space<vmem>> -> memref<104x128xf32, #tpu.memory_space<vmem>>
      %dma_wait3A_188 = arith.constant 0 : i32
      %dma_wait3A_189 = tpu.memref_slice %arg11[%add3A_107, %dma_wait3A_188] : memref<10240x128xf32, #tpu.memory_space<vmem_shared>> -> memref<104x128xf32, #tpu.memory_space<vmem_shared>>
      %dma_wait3A_190 = arith.constant 0 : i32
      %dma_wait3A_191 = tpu.memref_slice %arg11[%add3A_107, %dma_wait3A_190] : memref<10240x128xf32, #tpu.memory_space<vmem_shared>> -> memref<104x128xf32, #tpu.memory_space<vmem_shared>>
      %dma_wait3A_192 = arith.constant 0 : i32
      %dma_wait3A_193 = arith.constant 0 : i32
      %dma_wait3A_194 = tpu.memref_slice %arg9[%run_scoped3A_108, %dma_wait3A_192, %dma_wait3A_193] : memref<2x104x128xf32, #tpu.memory_space<vmem>> -> memref<1x104x128xf32, #tpu.memory_space<vmem>>
      %dma_wait3A_195 = tpu.memref_squeeze %dma_wait3A_194 : memref<1x104x128xf32, #tpu.memory_space<vmem>> -> memref<104x128xf32, #tpu.memory_space<vmem>>
      tpu.wait_dma2 semaphore(%run_scoped3A_171 : memref<!tpu.dma_semaphore, #tpu.memory_space<semaphore_mem>>) src(%dma_wait3A_195 : memref<104x128xf32, #tpu.memory_space<vmem>>) dst(%dma_wait3A_191 : memref<104x128xf32, #tpu.memory_space<vmem_shared>>)
      tpu.yield
    }) : () -> ()
    %add3A_109 = arith.constant 520 : i32
    %add3A_110 = arith.addi %mul3A_94, %add3A_109 : i32
    %run_scoped3A_111 = arith.constant 0 : i32
    "tpu.region"() ({
      %run_scoped3A_171 = tpu.sem_alloc : memref<!tpu.dma_semaphore, #tpu.memory_space<semaphore_mem>>
      %dma_start3A_172 = arith.constant 0 : i32
      %dma_start3A_173 = arith.constant 0 : i32
      %dma_start3A_174 = tpu.memref_slice %arg9[%run_scoped3A_111, %dma_start3A_172, %dma_start3A_173] : memref<2x104x128xf32, #tpu.memory_space<vmem>> -> memref<1x104x128xf32, #tpu.memory_space<vmem>>
      %dma_start3A_175 = tpu.memref_squeeze %dma_start3A_174 : memref<1x104x128xf32, #tpu.memory_space<vmem>> -> memref<104x128xf32, #tpu.memory_space<vmem>>
      %dma_start3A_176 = arith.constant 0 : i32
      %dma_start3A_177 = tpu.memref_slice %arg11[%add3A_110, %dma_start3A_176] : memref<10240x128xf32, #tpu.memory_space<vmem_shared>> -> memref<104x128xf32, #tpu.memory_space<vmem_shared>>
      %dma_start3A_178 = arith.constant 0 : i32
      %dma_start3A_179 = tpu.memref_slice %arg11[%add3A_110, %dma_start3A_178] : memref<10240x128xf32, #tpu.memory_space<vmem_shared>> -> memref<104x128xf32, #tpu.memory_space<vmem_shared>>
      %dma_start3A_180 = arith.constant 0 : i32
      %dma_start3A_181 = arith.constant 0 : i32
      %dma_start3A_182 = tpu.memref_slice %arg9[%run_scoped3A_111, %dma_start3A_180, %dma_start3A_181] : memref<2x104x128xf32, #tpu.memory_space<vmem>> -> memref<1x104x128xf32, #tpu.memory_space<vmem>>
      %dma_start3A_183 = tpu.memref_squeeze %dma_start3A_182 : memref<1x104x128xf32, #tpu.memory_space<vmem>> -> memref<104x128xf32, #tpu.memory_space<vmem>>
      tpu.enqueue_dma source(%dma_start3A_183 : memref<104x128xf32, #tpu.memory_space<vmem>>) target(%dma_start3A_179 : memref<104x128xf32, #tpu.memory_space<vmem_shared>>) target_semaphore(%run_scoped3A_171 : memref<!tpu.dma_semaphore, #tpu.memory_space<semaphore_mem>>)
      %dma_wait3A_184 = arith.constant 0 : i32
      %dma_wait3A_185 = arith.constant 0 : i32
      %dma_wait3A_186 = tpu.memref_slice %arg9[%run_scoped3A_111, %dma_wait3A_184, %dma_wait3A_185] : memref<2x104x128xf32, #tpu.memory_space<vmem>> -> memref<1x104x128xf32, #tpu.memory_space<vmem>>
      %dma_wait3A_187 = tpu.memref_squeeze %dma_wait3A_186 : memref<1x104x128xf32, #tpu.memory_space<vmem>> -> memref<104x128xf32, #tpu.memory_space<vmem>>
      %dma_wait3A_188 = arith.constant 0 : i32
      %dma_wait3A_189 = tpu.memref_slice %arg11[%add3A_110, %dma_wait3A_188] : memref<10240x128xf32, #tpu.memory_space<vmem_shared>> -> memref<104x128xf32, #tpu.memory_space<vmem_shared>>
      %dma_wait3A_190 = arith.constant 0 : i32
      %dma_wait3A_191 = tpu.memref_slice %arg11[%add3A_110, %dma_wait3A_190] : memref<10240x128xf32, #tpu.memory_space<vmem_shared>> -> memref<104x128xf32, #tpu.memory_space<vmem_shared>>
      %dma_wait3A_192 = arith.constant 0 : i32
      %dma_wait3A_193 = arith.constant 0 : i32
      %dma_wait3A_194 = tpu.memref_slice %arg9[%run_scoped3A_111, %dma_wait3A_192, %dma_wait3A_193] : memref<2x104x128xf32, #tpu.memory_space<vmem>> -> memref<1x104x128xf32, #tpu.memory_space<vmem>>
      %dma_wait3A_195 = tpu.memref_squeeze %dma_wait3A_194 : memref<1x104x128xf32, #tpu.memory_space<vmem>> -> memref<104x128xf32, #tpu.memory_space<vmem>>
      tpu.wait_dma2 semaphore(%run_scoped3A_171 : memref<!tpu.dma_semaphore, #tpu.memory_space<semaphore_mem>>) src(%dma_wait3A_195 : memref<104x128xf32, #tpu.memory_space<vmem>>) dst(%dma_wait3A_191 : memref<104x128xf32, #tpu.memory_space<vmem_shared>>)
      tpu.yield
    }) : () -> ()
    %add3A_112 = arith.constant 624 : i32
    %add3A_113 = arith.addi %mul3A_94, %add3A_112 : i32
    "tpu.region"() ({
      %run_scoped3A_171 = tpu.sem_alloc : memref<!tpu.dma_semaphore, #tpu.memory_space<semaphore_mem>>
      %dma_start3A_172 = arith.constant 0 : i32
      %dma_start3A_173 = tpu.memref_slice %arg11[%add3A_113, %dma_start3A_172] : memref<10240x128xf32, #tpu.memory_space<vmem_shared>> -> memref<16x128xf32, #tpu.memory_space<vmem_shared>>
      %dma_start3A_174 = arith.constant 0 : i32
      %dma_start3A_175 = tpu.memref_slice %arg11[%add3A_113, %dma_start3A_174] : memref<10240x128xf32, #tpu.memory_space<vmem_shared>> -> memref<16x128xf32, #tpu.memory_space<vmem_shared>>
      tpu.enqueue_dma source(%arg10 : memref<16x128xf32, #tpu.memory_space<vmem>>) target(%dma_start3A_175 : memref<16x128xf32, #tpu.memory_space<vmem_shared>>) target_semaphore(%run_scoped3A_171 : memref<!tpu.dma_semaphore, #tpu.memory_space<semaphore_mem>>)
      %dma_wait3A_176 = arith.constant 0 : i32
      %dma_wait3A_177 = tpu.memref_slice %arg11[%add3A_113, %dma_wait3A_176] : memref<10240x128xf32, #tpu.memory_space<vmem_shared>> -> memref<16x128xf32, #tpu.memory_space<vmem_shared>>
      %dma_wait3A_178 = arith.constant 0 : i32
      %dma_wait3A_179 = tpu.memref_slice %arg11[%add3A_113, %dma_wait3A_178] : memref<10240x128xf32, #tpu.memory_space<vmem_shared>> -> memref<16x128xf32, #tpu.memory_space<vmem_shared>>
      tpu.wait_dma2 semaphore(%run_scoped3A_171 : memref<!tpu.dma_semaphore, #tpu.memory_space<semaphore_mem>>) src(%arg10 : memref<16x128xf32, #tpu.memory_space<vmem>>) dst(%dma_wait3A_179 : memref<16x128xf32, #tpu.memory_space<vmem_shared>>)
      tpu.yield
    }) : () -> ()
    %barrier3A = arith.constant 0 : index
    tpu.barrier barrier_id(%barrier3A)
    %dma_start3A = arith.constant 1 : i32
    %dma_start3A_114 = arith.constant 1 : i32
    %dma_start3A_115 = arith.constant 1 : i32
    %dma_start3A_116 = arith.constant 0 : i32
    %dma_start3A_117 = arith.constant 0 : i32
    %dma_start3A_118 = tpu.memref_slice %arg9[%dma_start3A, %dma_start3A_116, %dma_start3A_117] : memref<2x104x128xf32, #tpu.memory_space<vmem>> -> memref<1x104x128xf32, #tpu.memory_space<vmem>>
    %dma_start3A_119 = tpu.memref_squeeze %dma_start3A_118 : memref<1x104x128xf32, #tpu.memory_space<vmem>> -> memref<104x128xf32, #tpu.memory_space<vmem>>
    %dma_start3A_120 = arith.constant 0 : i32
    %dma_start3A_121 = tpu.memref_slice %arg6[%dma_start3A_114, %dma_start3A_115, %dma_start3A_120] : memref<2x2x104xi32, #tpu.memory_space<vmem>> -> memref<1x1x104xi32, #tpu.memory_space<vmem>>
    %dma_start3A_122 = tpu.memref_squeeze %dma_start3A_121 : memref<1x1x104xi32, #tpu.memory_space<vmem>> -> memref<104xi32, #tpu.memory_space<vmem>>
    %dma_start3A_123 = arith.constant 0 : i32
    %dma_start3A_124 = arith.constant 0 : i32
    %dma_start3A_125 = tpu.memref_slice %arg11[%dma_start3A_123, %dma_start3A_124] : memref<10240x128xf32, #tpu.memory_space<vmem_shared>> -> memref<10240x128xf32, #tpu.memory_space<vmem_shared>>
    tpu.enqueue_indirect_dma source(%dma_start3A_119 : memref<104x128xf32, #tpu.memory_space<vmem>>) target(%dma_start3A_125 : memref<10240x128xf32, #tpu.memory_space<vmem_shared>>) offsets(%dma_start3A_122 : memref<104xi32, #tpu.memory_space<vmem>>) semaphore(%arg13 : memref<!tpu.dma_semaphore, #tpu.memory_space<semaphore_mem>>) {add = true}
    %run_scoped3A_126 = arith.constant 0 : i32
    %run_scoped3A_127 = arith.constant 0 : i32
    "tpu.region"() ({
      %run_scoped3A_171 = tpu.sem_alloc : memref<!tpu.dma_semaphore, #tpu.memory_space<semaphore_mem>>
      %dma_start3A_172 = arith.constant 0 : i32
      %dma_start3A_173 = tpu.memref_slice %arg6[%run_scoped3A_126, %run_scoped3A_127, %dma_start3A_172] : memref<2x2x104xi32, #tpu.memory_space<vmem>> -> memref<1x1x104xi32, #tpu.memory_space<vmem>>
      %dma_start3A_174 = tpu.memref_squeeze %dma_start3A_173 : memref<1x1x104xi32, #tpu.memory_space<vmem>> -> memref<104xi32, #tpu.memory_space<vmem>>
      %dma_start3A_175 = tpu.memref_slice %arg3[%mul3A_2] : memref<320000xi32, #tpu.memory_space<hbm>> -> memref<104xi32, #tpu.memory_space<hbm>>
      %dma_start3A_176 = arith.constant 0 : i32
      %dma_start3A_177 = tpu.memref_slice %arg6[%run_scoped3A_126, %run_scoped3A_127, %dma_start3A_176] : memref<2x2x104xi32, #tpu.memory_space<vmem>> -> memref<1x1x104xi32, #tpu.memory_space<vmem>>
      %dma_start3A_178 = tpu.memref_squeeze %dma_start3A_177 : memref<1x1x104xi32, #tpu.memory_space<vmem>> -> memref<104xi32, #tpu.memory_space<vmem>>
      %dma_start3A_179 = tpu.memref_slice %arg3[%mul3A_2] : memref<320000xi32, #tpu.memory_space<hbm>> -> memref<104xi32, #tpu.memory_space<hbm>>
      tpu.enqueue_dma source(%dma_start3A_179 : memref<104xi32, #tpu.memory_space<hbm>>) target(%dma_start3A_178 : memref<104xi32, #tpu.memory_space<vmem>>) target_semaphore(%run_scoped3A_171 : memref<!tpu.dma_semaphore, #tpu.memory_space<semaphore_mem>>)
      %dma_wait3A_180 = arith.constant 0 : i32
      %dma_wait3A_181 = tpu.memref_slice %arg6[%run_scoped3A_126, %run_scoped3A_127, %dma_wait3A_180] : memref<2x2x104xi32, #tpu.memory_space<vmem>> -> memref<1x1x104xi32, #tpu.memory_space<vmem>>
      %dma_wait3A_182 = tpu.memref_squeeze %dma_wait3A_181 : memref<1x1x104xi32, #tpu.memory_space<vmem>> -> memref<104xi32, #tpu.memory_space<vmem>>
      %dma_wait3A_183 = tpu.memref_slice %arg3[%mul3A_2] : memref<320000xi32, #tpu.memory_space<hbm>> -> memref<104xi32, #tpu.memory_space<hbm>>
      %dma_wait3A_184 = arith.constant 0 : i32
      %dma_wait3A_185 = tpu.memref_slice %arg6[%run_scoped3A_126, %run_scoped3A_127, %dma_wait3A_184] : memref<2x2x104xi32, #tpu.memory_space<vmem>> -> memref<1x1x104xi32, #tpu.memory_space<vmem>>
      %dma_wait3A_186 = tpu.memref_squeeze %dma_wait3A_185 : memref<1x1x104xi32, #tpu.memory_space<vmem>> -> memref<104xi32, #tpu.memory_space<vmem>>
      %dma_wait3A_187 = tpu.memref_slice %arg3[%mul3A_2] : memref<320000xi32, #tpu.memory_space<hbm>> -> memref<104xi32, #tpu.memory_space<hbm>>
      tpu.wait_dma2 semaphore(%run_scoped3A_171 : memref<!tpu.dma_semaphore, #tpu.memory_space<semaphore_mem>>) src(%dma_wait3A_187 : memref<104xi32, #tpu.memory_space<hbm>>) dst(%dma_wait3A_186 : memref<104xi32, #tpu.memory_space<vmem>>)
      tpu.yield
    }) : () -> ()
    %run_scoped3A_128 = arith.constant 0 : i32
    %run_scoped3A_129 = arith.constant 1 : i32
    "tpu.region"() ({
      %run_scoped3A_171 = tpu.sem_alloc : memref<!tpu.dma_semaphore, #tpu.memory_space<semaphore_mem>>
      %dma_start3A_172 = arith.constant 0 : i32
      %dma_start3A_173 = tpu.memref_slice %arg6[%run_scoped3A_128, %run_scoped3A_129, %dma_start3A_172] : memref<2x2x104xi32, #tpu.memory_space<vmem>> -> memref<1x1x104xi32, #tpu.memory_space<vmem>>
      %dma_start3A_174 = tpu.memref_squeeze %dma_start3A_173 : memref<1x1x104xi32, #tpu.memory_space<vmem>> -> memref<104xi32, #tpu.memory_space<vmem>>
      %dma_start3A_175 = tpu.memref_slice %arg4[%mul3A_2] : memref<320000xi32, #tpu.memory_space<hbm>> -> memref<104xi32, #tpu.memory_space<hbm>>
      %dma_start3A_176 = arith.constant 0 : i32
      %dma_start3A_177 = tpu.memref_slice %arg6[%run_scoped3A_128, %run_scoped3A_129, %dma_start3A_176] : memref<2x2x104xi32, #tpu.memory_space<vmem>> -> memref<1x1x104xi32, #tpu.memory_space<vmem>>
      %dma_start3A_178 = tpu.memref_squeeze %dma_start3A_177 : memref<1x1x104xi32, #tpu.memory_space<vmem>> -> memref<104xi32, #tpu.memory_space<vmem>>
      %dma_start3A_179 = tpu.memref_slice %arg4[%mul3A_2] : memref<320000xi32, #tpu.memory_space<hbm>> -> memref<104xi32, #tpu.memory_space<hbm>>
      tpu.enqueue_dma source(%dma_start3A_179 : memref<104xi32, #tpu.memory_space<hbm>>) target(%dma_start3A_178 : memref<104xi32, #tpu.memory_space<vmem>>) target_semaphore(%run_scoped3A_171 : memref<!tpu.dma_semaphore, #tpu.memory_space<semaphore_mem>>)
      %dma_wait3A_180 = arith.constant 0 : i32
      %dma_wait3A_181 = tpu.memref_slice %arg6[%run_scoped3A_128, %run_scoped3A_129, %dma_wait3A_180] : memref<2x2x104xi32, #tpu.memory_space<vmem>> -> memref<1x1x104xi32, #tpu.memory_space<vmem>>
      %dma_wait3A_182 = tpu.memref_squeeze %dma_wait3A_181 : memref<1x1x104xi32, #tpu.memory_space<vmem>> -> memref<104xi32, #tpu.memory_space<vmem>>
      %dma_wait3A_183 = tpu.memref_slice %arg4[%mul3A_2] : memref<320000xi32, #tpu.memory_space<hbm>> -> memref<104xi32, #tpu.memory_space<hbm>>
      %dma_wait3A_184 = arith.constant 0 : i32
      %dma_wait3A_185 = tpu.memref_slice %arg6[%run_scoped3A_128, %run_scoped3A_129, %dma_wait3A_184] : memref<2x2x104xi32, #tpu.memory_space<vmem>> -> memref<1x1x104xi32, #tpu.memory_space<vmem>>
      %dma_wait3A_186 = tpu.memref_squeeze %dma_wait3A_185 : memref<1x1x104xi32, #tpu.memory_space<vmem>> -> memref<104xi32, #tpu.memory_space<vmem>>
      %dma_wait3A_187 = tpu.memref_slice %arg4[%mul3A_2] : memref<320000xi32, #tpu.memory_space<hbm>> -> memref<104xi32, #tpu.memory_space<hbm>>
      tpu.wait_dma2 semaphore(%run_scoped3A_171 : memref<!tpu.dma_semaphore, #tpu.memory_space<semaphore_mem>>) src(%dma_wait3A_187 : memref<104xi32, #tpu.memory_space<hbm>>) dst(%dma_wait3A_186 : memref<104xi32, #tpu.memory_space<vmem>>)
      tpu.yield
    }) : () -> ()
    %dma_start3A_130 = arith.constant 0 : i32
    %dma_start3A_131 = arith.constant 0 : i32
    %dma_start3A_132 = arith.constant 0 : i32
    %dma_start3A_133 = arith.constant 0 : i32
    %dma_start3A_134 = arith.constant 0 : i32
    %dma_start3A_135 = tpu.memref_slice %arg9[%dma_start3A_132, %dma_start3A_133, %dma_start3A_134] : memref<2x104x128xf32, #tpu.memory_space<vmem>> -> memref<1x104x128xf32, #tpu.memory_space<vmem>>
    %dma_start3A_136 = tpu.memref_squeeze %dma_start3A_135 : memref<1x104x128xf32, #tpu.memory_space<vmem>> -> memref<104x128xf32, #tpu.memory_space<vmem>>
    %dma_start3A_137 = arith.constant 0 : i32
    %dma_start3A_138 = tpu.memref_slice %arg6[%dma_start3A_130, %dma_start3A_131, %dma_start3A_137] : memref<2x2x104xi32, #tpu.memory_space<vmem>> -> memref<1x1x104xi32, #tpu.memory_space<vmem>>
    %dma_start3A_139 = tpu.memref_squeeze %dma_start3A_138 : memref<1x1x104xi32, #tpu.memory_space<vmem>> -> memref<104xi32, #tpu.memory_space<vmem>>
    %dma_start3A_140 = arith.constant 0 : i32
    %dma_start3A_141 = arith.constant 0 : i32
    %dma_start3A_142 = tpu.memref_slice %arg2[%dma_start3A_140, %dma_start3A_141] : memref<10000x128xf32, #tpu.memory_space<hbm>> -> memref<10000x128xf32, #tpu.memory_space<hbm>>
    tpu.enqueue_indirect_dma source(%dma_start3A_142 : memref<10000x128xf32, #tpu.memory_space<hbm>>) target(%dma_start3A_136 : memref<104x128xf32, #tpu.memory_space<vmem>>) offsets(%dma_start3A_139 : memref<104xi32, #tpu.memory_space<vmem>>) semaphore(%arg12 : memref<!tpu.dma_semaphore, #tpu.memory_space<semaphore_mem>>)
    %scan3A_143 = arith.constant 0 : i32
    %scan3A_144 = arith.constant 0 : i32
    %scan3A_145 = arith.constant 48 : i32
    %scan3A_146 = arith.addi %scan3A_144, %scan3A_145 : i32
    %scan3A_147 = arith.constant 1 : i32
    %scan3A_148 = scf.for %scan3A_171 = %scan3A_144 to %scan3A_146 step %scan3A_147 iter_args(%scan3A_172 = %scan3A_143) -> (i32)  : i32 {
      %mul3A_173 = arith.constant 2 : i32
      %mul3A_174 = arith.muli %mul3A_173, %scan3A_171 : i32
      %add3A_175 = arith.constant 0 : i32
      %add3A_176 = arith.addi %mul3A_174, %add3A_175 : i32
      %dma_wait3A_177 = arith.constant 1 : i32
      %dma_wait3A_178 = arith.constant 1 : i32
      %dma_wait3A_179 = arith.constant 1 : i32
      %dma_wait3A_180 = arith.constant 0 : i32
      %dma_wait3A_181 = arith.constant 0 : i32
      %dma_wait3A_182 = tpu.memref_slice %arg9[%dma_wait3A_177, %dma_wait3A_180, %dma_wait3A_181] : memref<2x104x128xf32, #tpu.memory_space<vmem>> -> memref<1x104x128xf32, #tpu.memory_space<vmem>>
      %dma_wait3A_183 = tpu.memref_squeeze %dma_wait3A_182 : memref<1x104x128xf32, #tpu.memory_space<vmem>> -> memref<104x128xf32, #tpu.memory_space<vmem>>
      %dma_wait3A_184 = arith.constant 0 : i32
      %dma_wait3A_185 = tpu.memref_slice %arg6[%dma_wait3A_178, %dma_wait3A_179, %dma_wait3A_184] : memref<2x2x104xi32, #tpu.memory_space<vmem>> -> memref<1x1x104xi32, #tpu.memory_space<vmem>>
      %dma_wait3A_186 = tpu.memref_squeeze %dma_wait3A_185 : memref<1x1x104xi32, #tpu.memory_space<vmem>> -> memref<104xi32, #tpu.memory_space<vmem>>
      %dma_wait3A_187 = arith.constant 0 : i32
      %dma_wait3A_188 = arith.constant 0 : i32
      %dma_wait3A_189 = tpu.memref_slice %arg11[%dma_wait3A_187, %dma_wait3A_188] : memref<10240x128xf32, #tpu.memory_space<vmem_shared>> -> memref<10240x128xf32, #tpu.memory_space<vmem_shared>>
      tpu.wait_indirect_dma semaphore(%arg13 : memref<!tpu.dma_semaphore, #tpu.memory_space<semaphore_mem>>) src(%dma_wait3A_183 : memref<104x128xf32, #tpu.memory_space<vmem>>) dst(%dma_wait3A_189 : memref<10240x128xf32, #tpu.memory_space<vmem_shared>>)
      %lt3A = arith.constant 95 : i32
      %lt3A_190 = arith.cmpi slt, %add3A_176, %lt3A : i32
      %convert_element_type3A = arith.extui %lt3A_190 : i1 to i32
      %cond3A = arith.constant 0 : i32
      %cond3A_191 = arith.cmpi ne, %convert_element_type3A, %cond3A : i32
      scf.if %cond3A_191 {
        %add3A_277 = arith.constant 1 : i32
        %add3A_278 = arith.addi %add3A_176, %add3A_277 : i32
        %mul3A_279 = arith.constant 104 : i32
        %mul3A_280 = arith.muli %add3A_278, %mul3A_279 : i32
        %add3A_281 = arith.addi %mul3A_2, %mul3A_280 : i32
        %dma_start3A_282 = arith.constant 1 : i32
        %dma_start3A_283 = arith.constant 0 : i32
        %dma_start3A_284 = arith.constant 0 : i32
        %dma_start3A_285 = tpu.memref_slice %arg6[%dma_start3A_282, %dma_start3A_283, %dma_start3A_284] : memref<2x2x104xi32, #tpu.memory_space<vmem>> -> memref<1x1x104xi32, #tpu.memory_space<vmem>>
        %dma_start3A_286 = tpu.memref_squeeze %dma_start3A_285 : memref<1x1x104xi32, #tpu.memory_space<vmem>> -> memref<104xi32, #tpu.memory_space<vmem>>
        %dma_start3A_287 = tpu.memref_slice %arg3[%add3A_281] : memref<320000xi32, #tpu.memory_space<hbm>> -> memref<104xi32, #tpu.memory_space<hbm>>
        %dma_start3A_288 = arith.constant 0 : i32
        %dma_start3A_289 = tpu.memref_slice %arg6[%dma_start3A_282, %dma_start3A_283, %dma_start3A_288] : memref<2x2x104xi32, #tpu.memory_space<vmem>> -> memref<1x1x104xi32, #tpu.memory_space<vmem>>
        %dma_start3A_290 = tpu.memref_squeeze %dma_start3A_289 : memref<1x1x104xi32, #tpu.memory_space<vmem>> -> memref<104xi32, #tpu.memory_space<vmem>>
        %dma_start3A_291 = tpu.memref_slice %arg3[%add3A_281] : memref<320000xi32, #tpu.memory_space<hbm>> -> memref<104xi32, #tpu.memory_space<hbm>>
        tpu.enqueue_dma source(%dma_start3A_291 : memref<104xi32, #tpu.memory_space<hbm>>) target(%dma_start3A_290 : memref<104xi32, #tpu.memory_space<vmem>>) target_semaphore(%arg14 : memref<!tpu.dma_semaphore, #tpu.memory_space<semaphore_mem>>)
        %dma_start3A_292 = arith.constant 1 : i32
        %dma_start3A_293 = arith.constant 1 : i32
        %dma_start3A_294 = arith.constant 0 : i32
        %dma_start3A_295 = tpu.memref_slice %arg6[%dma_start3A_292, %dma_start3A_293, %dma_start3A_294] : memref<2x2x104xi32, #tpu.memory_space<vmem>> -> memref<1x1x104xi32, #tpu.memory_space<vmem>>
        %dma_start3A_296 = tpu.memref_squeeze %dma_start3A_295 : memref<1x1x104xi32, #tpu.memory_space<vmem>> -> memref<104xi32, #tpu.memory_space<vmem>>
        %dma_start3A_297 = tpu.memref_slice %arg4[%add3A_281] : memref<320000xi32, #tpu.memory_space<hbm>> -> memref<104xi32, #tpu.memory_space<hbm>>
        %dma_start3A_298 = arith.constant 0 : i32
        %dma_start3A_299 = tpu.memref_slice %arg6[%dma_start3A_292, %dma_start3A_293, %dma_start3A_298] : memref<2x2x104xi32, #tpu.memory_space<vmem>> -> memref<1x1x104xi32, #tpu.memory_space<vmem>>
        %dma_start3A_300 = tpu.memref_squeeze %dma_start3A_299 : memref<1x1x104xi32, #tpu.memory_space<vmem>> -> memref<104xi32, #tpu.memory_space<vmem>>
        %dma_start3A_301 = tpu.memref_slice %arg4[%add3A_281] : memref<320000xi32, #tpu.memory_space<hbm>> -> memref<104xi32, #tpu.memory_space<hbm>>
        tpu.enqueue_dma source(%dma_start3A_301 : memref<104xi32, #tpu.memory_space<hbm>>) target(%dma_start3A_300 : memref<104xi32, #tpu.memory_space<vmem>>) target_semaphore(%arg14 : memref<!tpu.dma_semaphore, #tpu.memory_space<semaphore_mem>>)
      } else {
      }
      %dma_wait3A_192 = arith.constant 0 : i32
      %dma_wait3A_193 = arith.constant 0 : i32
      %dma_wait3A_194 = arith.constant 0 : i32
      %dma_wait3A_195 = arith.constant 0 : i32
      %dma_wait3A_196 = arith.constant 0 : i32
      %dma_wait3A_197 = tpu.memref_slice %arg9[%dma_wait3A_194, %dma_wait3A_195, %dma_wait3A_196] : memref<2x104x128xf32, #tpu.memory_space<vmem>> -> memref<1x104x128xf32, #tpu.memory_space<vmem>>
      %dma_wait3A_198 = tpu.memref_squeeze %dma_wait3A_197 : memref<1x104x128xf32, #tpu.memory_space<vmem>> -> memref<104x128xf32, #tpu.memory_space<vmem>>
      %dma_wait3A_199 = arith.constant 0 : i32
      %dma_wait3A_200 = tpu.memref_slice %arg6[%dma_wait3A_192, %dma_wait3A_193, %dma_wait3A_199] : memref<2x2x104xi32, #tpu.memory_space<vmem>> -> memref<1x1x104xi32, #tpu.memory_space<vmem>>
      %dma_wait3A_201 = tpu.memref_squeeze %dma_wait3A_200 : memref<1x1x104xi32, #tpu.memory_space<vmem>> -> memref<104xi32, #tpu.memory_space<vmem>>
      %dma_wait3A_202 = arith.constant 0 : i32
      %dma_wait3A_203 = arith.constant 0 : i32
      %dma_wait3A_204 = tpu.memref_slice %arg2[%dma_wait3A_202, %dma_wait3A_203] : memref<10000x128xf32, #tpu.memory_space<hbm>> -> memref<10000x128xf32, #tpu.memory_space<hbm>>
      tpu.wait_indirect_dma semaphore(%arg12 : memref<!tpu.dma_semaphore, #tpu.memory_space<semaphore_mem>>) src(%dma_wait3A_204 : memref<10000x128xf32, #tpu.memory_space<hbm>>) dst(%dma_wait3A_198 : memref<104x128xf32, #tpu.memory_space<vmem>>)
      %dma_start3A_205 = arith.constant 0 : i32
      %dma_start3A_206 = arith.constant 0 : i32
      %dma_start3A_207 = arith.constant 1 : i32
      %dma_start3A_208 = arith.constant 0 : i32
      %dma_start3A_209 = arith.constant 0 : i32
      %dma_start3A_210 = tpu.memref_slice %arg9[%dma_start3A_205, %dma_start3A_208, %dma_start3A_209] : memref<2x104x128xf32, #tpu.memory_space<vmem>> -> memref<1x104x128xf32, #tpu.memory_space<vmem>>
      %dma_start3A_211 = tpu.memref_squeeze %dma_start3A_210 : memref<1x104x128xf32, #tpu.memory_space<vmem>> -> memref<104x128xf32, #tpu.memory_space<vmem>>
      %dma_start3A_212 = arith.constant 0 : i32
      %dma_start3A_213 = tpu.memref_slice %arg6[%dma_start3A_206, %dma_start3A_207, %dma_start3A_212] : memref<2x2x104xi32, #tpu.memory_space<vmem>> -> memref<1x1x104xi32, #tpu.memory_space<vmem>>
      %dma_start3A_214 = tpu.memref_squeeze %dma_start3A_213 : memref<1x1x104xi32, #tpu.memory_space<vmem>> -> memref<104xi32, #tpu.memory_space<vmem>>
      %dma_start3A_215 = arith.constant 0 : i32
      %dma_start3A_216 = arith.constant 0 : i32
      %dma_start3A_217 = tpu.memref_slice %arg11[%dma_start3A_215, %dma_start3A_216] : memref<10240x128xf32, #tpu.memory_space<vmem_shared>> -> memref<10240x128xf32, #tpu.memory_space<vmem_shared>>
      tpu.enqueue_indirect_dma source(%dma_start3A_211 : memref<104x128xf32, #tpu.memory_space<vmem>>) target(%dma_start3A_217 : memref<10240x128xf32, #tpu.memory_space<vmem_shared>>) offsets(%dma_start3A_214 : memref<104xi32, #tpu.memory_space<vmem>>) semaphore(%arg13 : memref<!tpu.dma_semaphore, #tpu.memory_space<semaphore_mem>>) {add = true}
      %lt3A_218 = arith.constant 95 : i32
      %lt3A_219 = arith.cmpi slt, %add3A_176, %lt3A_218 : i32
      %convert_element_type3A_220 = arith.extui %lt3A_219 : i1 to i32
      %cond3A_221 = arith.constant 0 : i32
      %cond3A_222 = arith.cmpi ne, %convert_element_type3A_220, %cond3A_221 : i32
      scf.if %cond3A_222 {
        %add3A_277 = arith.constant 1 : i32
        %add3A_278 = arith.addi %add3A_176, %add3A_277 : i32
        %mul3A_279 = arith.constant 104 : i32
        %mul3A_280 = arith.muli %add3A_278, %mul3A_279 : i32
        %add3A_281 = arith.addi %mul3A_2, %mul3A_280 : i32
        %dma_wait3A_282 = arith.constant 1 : i32
        %dma_wait3A_283 = arith.constant 0 : i32
        %dma_wait3A_284 = arith.constant 0 : i32
        %dma_wait3A_285 = tpu.memref_slice %arg6[%dma_wait3A_282, %dma_wait3A_283, %dma_wait3A_284] : memref<2x2x104xi32, #tpu.memory_space<vmem>> -> memref<1x1x104xi32, #tpu.memory_space<vmem>>
        %dma_wait3A_286 = tpu.memref_squeeze %dma_wait3A_285 : memref<1x1x104xi32, #tpu.memory_space<vmem>> -> memref<104xi32, #tpu.memory_space<vmem>>
        %dma_wait3A_287 = tpu.memref_slice %arg3[%add3A_281] : memref<320000xi32, #tpu.memory_space<hbm>> -> memref<104xi32, #tpu.memory_space<hbm>>
        %dma_wait3A_288 = arith.constant 0 : i32
        %dma_wait3A_289 = tpu.memref_slice %arg6[%dma_wait3A_282, %dma_wait3A_283, %dma_wait3A_288] : memref<2x2x104xi32, #tpu.memory_space<vmem>> -> memref<1x1x104xi32, #tpu.memory_space<vmem>>
        %dma_wait3A_290 = tpu.memref_squeeze %dma_wait3A_289 : memref<1x1x104xi32, #tpu.memory_space<vmem>> -> memref<104xi32, #tpu.memory_space<vmem>>
        %dma_wait3A_291 = tpu.memref_slice %arg3[%add3A_281] : memref<320000xi32, #tpu.memory_space<hbm>> -> memref<104xi32, #tpu.memory_space<hbm>>
        tpu.wait_dma2 semaphore(%arg14 : memref<!tpu.dma_semaphore, #tpu.memory_space<semaphore_mem>>) src(%dma_wait3A_291 : memref<104xi32, #tpu.memory_space<hbm>>) dst(%dma_wait3A_290 : memref<104xi32, #tpu.memory_space<vmem>>)
        %dma_wait3A_292 = arith.constant 1 : i32
        %dma_wait3A_293 = arith.constant 1 : i32
        %dma_wait3A_294 = arith.constant 0 : i32
        %dma_wait3A_295 = tpu.memref_slice %arg6[%dma_wait3A_292, %dma_wait3A_293, %dma_wait3A_294] : memref<2x2x104xi32, #tpu.memory_space<vmem>> -> memref<1x1x104xi32, #tpu.memory_space<vmem>>
        %dma_wait3A_296 = tpu.memref_squeeze %dma_wait3A_295 : memref<1x1x104xi32, #tpu.memory_space<vmem>> -> memref<104xi32, #tpu.memory_space<vmem>>
        %dma_wait3A_297 = tpu.memref_slice %arg4[%add3A_281] : memref<320000xi32, #tpu.memory_space<hbm>> -> memref<104xi32, #tpu.memory_space<hbm>>
        %dma_wait3A_298 = arith.constant 0 : i32
        %dma_wait3A_299 = tpu.memref_slice %arg6[%dma_wait3A_292, %dma_wait3A_293, %dma_wait3A_298] : memref<2x2x104xi32, #tpu.memory_space<vmem>> -> memref<1x1x104xi32, #tpu.memory_space<vmem>>
        %dma_wait3A_300 = tpu.memref_squeeze %dma_wait3A_299 : memref<1x1x104xi32, #tpu.memory_space<vmem>> -> memref<104xi32, #tpu.memory_space<vmem>>
        %dma_wait3A_301 = tpu.memref_slice %arg4[%add3A_281] : memref<320000xi32, #tpu.memory_space<hbm>> -> memref<104xi32, #tpu.memory_space<hbm>>
        tpu.wait_dma2 semaphore(%arg14 : memref<!tpu.dma_semaphore, #tpu.memory_space<semaphore_mem>>) src(%dma_wait3A_301 : memref<104xi32, #tpu.memory_space<hbm>>) dst(%dma_wait3A_300 : memref<104xi32, #tpu.memory_space<vmem>>)
        %dma_start3A_302 = arith.constant 1 : i32
        %dma_start3A_303 = arith.constant 0 : i32
        %dma_start3A_304 = arith.constant 1 : i32
        %dma_start3A_305 = arith.constant 0 : i32
        %dma_start3A_306 = arith.constant 0 : i32
        %dma_start3A_307 = tpu.memref_slice %arg9[%dma_start3A_304, %dma_start3A_305, %dma_start3A_306] : memref<2x104x128xf32, #tpu.memory_space<vmem>> -> memref<1x104x128xf32, #tpu.memory_space<vmem>>
        %dma_start3A_308 = tpu.memref_squeeze %dma_start3A_307 : memref<1x104x128xf32, #tpu.memory_space<vmem>> -> memref<104x128xf32, #tpu.memory_space<vmem>>
        %dma_start3A_309 = arith.constant 0 : i32
        %dma_start3A_310 = tpu.memref_slice %arg6[%dma_start3A_302, %dma_start3A_303, %dma_start3A_309] : memref<2x2x104xi32, #tpu.memory_space<vmem>> -> memref<1x1x104xi32, #tpu.memory_space<vmem>>
        %dma_start3A_311 = tpu.memref_squeeze %dma_start3A_310 : memref<1x1x104xi32, #tpu.memory_space<vmem>> -> memref<104xi32, #tpu.memory_space<vmem>>
        %dma_start3A_312 = arith.constant 0 : i32
        %dma_start3A_313 = arith.constant 0 : i32
        %dma_start3A_314 = tpu.memref_slice %arg2[%dma_start3A_312, %dma_start3A_313] : memref<10000x128xf32, #tpu.memory_space<hbm>> -> memref<10000x128xf32, #tpu.memory_space<hbm>>
        tpu.enqueue_indirect_dma source(%dma_start3A_314 : memref<10000x128xf32, #tpu.memory_space<hbm>>) target(%dma_start3A_308 : memref<104x128xf32, #tpu.memory_space<vmem>>) offsets(%dma_start3A_311 : memref<104xi32, #tpu.memory_space<vmem>>) semaphore(%arg12 : memref<!tpu.dma_semaphore, #tpu.memory_space<semaphore_mem>>)
      } else {
      }
      %mul3A_223 = arith.constant 2 : i32
      %mul3A_224 = arith.muli %mul3A_223, %scan3A_171 : i32
      %add3A_225 = arith.constant 1 : i32
      %add3A_226 = arith.addi %mul3A_224, %add3A_225 : i32
      %dma_wait3A_227 = arith.constant 0 : i32
      %dma_wait3A_228 = arith.constant 0 : i32
      %dma_wait3A_229 = arith.constant 1 : i32
      %dma_wait3A_230 = arith.constant 0 : i32
      %dma_wait3A_231 = arith.constant 0 : i32
      %dma_wait3A_232 = tpu.memref_slice %arg9[%dma_wait3A_227, %dma_wait3A_230, %dma_wait3A_231] : memref<2x104x128xf32, #tpu.memory_space<vmem>> -> memref<1x104x128xf32, #tpu.memory_space<vmem>>
      %dma_wait3A_233 = tpu.memref_squeeze %dma_wait3A_232 : memref<1x104x128xf32, #tpu.memory_space<vmem>> -> memref<104x128xf32, #tpu.memory_space<vmem>>
      %dma_wait3A_234 = arith.constant 0 : i32
      %dma_wait3A_235 = tpu.memref_slice %arg6[%dma_wait3A_228, %dma_wait3A_229, %dma_wait3A_234] : memref<2x2x104xi32, #tpu.memory_space<vmem>> -> memref<1x1x104xi32, #tpu.memory_space<vmem>>
      %dma_wait3A_236 = tpu.memref_squeeze %dma_wait3A_235 : memref<1x1x104xi32, #tpu.memory_space<vmem>> -> memref<104xi32, #tpu.memory_space<vmem>>
      %dma_wait3A_237 = arith.constant 0 : i32
      %dma_wait3A_238 = arith.constant 0 : i32
      %dma_wait3A_239 = tpu.memref_slice %arg11[%dma_wait3A_237, %dma_wait3A_238] : memref<10240x128xf32, #tpu.memory_space<vmem_shared>> -> memref<10240x128xf32, #tpu.memory_space<vmem_shared>>
      tpu.wait_indirect_dma semaphore(%arg13 : memref<!tpu.dma_semaphore, #tpu.memory_space<semaphore_mem>>) src(%dma_wait3A_233 : memref<104x128xf32, #tpu.memory_space<vmem>>) dst(%dma_wait3A_239 : memref<10240x128xf32, #tpu.memory_space<vmem_shared>>)
      %lt3A_240 = arith.constant 95 : i32
      %lt3A_241 = arith.cmpi slt, %add3A_226, %lt3A_240 : i32
      %convert_element_type3A_242 = arith.extui %lt3A_241 : i1 to i32
      %cond3A_243 = arith.constant 0 : i32
      %cond3A_244 = arith.cmpi ne, %convert_element_type3A_242, %cond3A_243 : i32
      scf.if %cond3A_244 {
        %add3A_277 = arith.constant 1 : i32
        %add3A_278 = arith.addi %add3A_226, %add3A_277 : i32
        %mul3A_279 = arith.constant 104 : i32
        %mul3A_280 = arith.muli %add3A_278, %mul3A_279 : i32
        %add3A_281 = arith.addi %mul3A_2, %mul3A_280 : i32
        %dma_start3A_282 = arith.constant 0 : i32
        %dma_start3A_283 = arith.constant 0 : i32
        %dma_start3A_284 = arith.constant 0 : i32
        %dma_start3A_285 = tpu.memref_slice %arg6[%dma_start3A_282, %dma_start3A_283, %dma_start3A_284] : memref<2x2x104xi32, #tpu.memory_space<vmem>> -> memref<1x1x104xi32, #tpu.memory_space<vmem>>
        %dma_start3A_286 = tpu.memref_squeeze %dma_start3A_285 : memref<1x1x104xi32, #tpu.memory_space<vmem>> -> memref<104xi32, #tpu.memory_space<vmem>>
        %dma_start3A_287 = tpu.memref_slice %arg3[%add3A_281] : memref<320000xi32, #tpu.memory_space<hbm>> -> memref<104xi32, #tpu.memory_space<hbm>>
        %dma_start3A_288 = arith.constant 0 : i32
        %dma_start3A_289 = tpu.memref_slice %arg6[%dma_start3A_282, %dma_start3A_283, %dma_start3A_288] : memref<2x2x104xi32, #tpu.memory_space<vmem>> -> memref<1x1x104xi32, #tpu.memory_space<vmem>>
        %dma_start3A_290 = tpu.memref_squeeze %dma_start3A_289 : memref<1x1x104xi32, #tpu.memory_space<vmem>> -> memref<104xi32, #tpu.memory_space<vmem>>
        %dma_start3A_291 = tpu.memref_slice %arg3[%add3A_281] : memref<320000xi32, #tpu.memory_space<hbm>> -> memref<104xi32, #tpu.memory_space<hbm>>
        tpu.enqueue_dma source(%dma_start3A_291 : memref<104xi32, #tpu.memory_space<hbm>>) target(%dma_start3A_290 : memref<104xi32, #tpu.memory_space<vmem>>) target_semaphore(%arg14 : memref<!tpu.dma_semaphore, #tpu.memory_space<semaphore_mem>>)
        %dma_start3A_292 = arith.constant 0 : i32
        %dma_start3A_293 = arith.constant 1 : i32
        %dma_start3A_294 = arith.constant 0 : i32
        %dma_start3A_295 = tpu.memref_slice %arg6[%dma_start3A_292, %dma_start3A_293, %dma_start3A_294] : memref<2x2x104xi32, #tpu.memory_space<vmem>> -> memref<1x1x104xi32, #tpu.memory_space<vmem>>
        %dma_start3A_296 = tpu.memref_squeeze %dma_start3A_295 : memref<1x1x104xi32, #tpu.memory_space<vmem>> -> memref<104xi32, #tpu.memory_space<vmem>>
        %dma_start3A_297 = tpu.memref_slice %arg4[%add3A_281] : memref<320000xi32, #tpu.memory_space<hbm>> -> memref<104xi32, #tpu.memory_space<hbm>>
        %dma_start3A_298 = arith.constant 0 : i32
        %dma_start3A_299 = tpu.memref_slice %arg6[%dma_start3A_292, %dma_start3A_293, %dma_start3A_298] : memref<2x2x104xi32, #tpu.memory_space<vmem>> -> memref<1x1x104xi32, #tpu.memory_space<vmem>>
        %dma_start3A_300 = tpu.memref_squeeze %dma_start3A_299 : memref<1x1x104xi32, #tpu.memory_space<vmem>> -> memref<104xi32, #tpu.memory_space<vmem>>
        %dma_start3A_301 = tpu.memref_slice %arg4[%add3A_281] : memref<320000xi32, #tpu.memory_space<hbm>> -> memref<104xi32, #tpu.memory_space<hbm>>
        tpu.enqueue_dma source(%dma_start3A_301 : memref<104xi32, #tpu.memory_space<hbm>>) target(%dma_start3A_300 : memref<104xi32, #tpu.memory_space<vmem>>) target_semaphore(%arg14 : memref<!tpu.dma_semaphore, #tpu.memory_space<semaphore_mem>>)
      } else {
      }
      %dma_wait3A_245 = arith.constant 1 : i32
      %dma_wait3A_246 = arith.constant 0 : i32
      %dma_wait3A_247 = arith.constant 1 : i32
      %dma_wait3A_248 = arith.constant 0 : i32
      %dma_wait3A_249 = arith.constant 0 : i32
      %dma_wait3A_250 = tpu.memref_slice %arg9[%dma_wait3A_247, %dma_wait3A_248, %dma_wait3A_249] : memref<2x104x128xf32, #tpu.memory_space<vmem>> -> memref<1x104x128xf32, #tpu.memory_space<vmem>>
      %dma_wait3A_251 = tpu.memref_squeeze %dma_wait3A_250 : memref<1x104x128xf32, #tpu.memory_space<vmem>> -> memref<104x128xf32, #tpu.memory_space<vmem>>
      %dma_wait3A_252 = arith.constant 0 : i32
      %dma_wait3A_253 = tpu.memref_slice %arg6[%dma_wait3A_245, %dma_wait3A_246, %dma_wait3A_252] : memref<2x2x104xi32, #tpu.memory_space<vmem>> -> memref<1x1x104xi32, #tpu.memory_space<vmem>>
      %dma_wait3A_254 = tpu.memref_squeeze %dma_wait3A_253 : memref<1x1x104xi32, #tpu.memory_space<vmem>> -> memref<104xi32, #tpu.memory_space<vmem>>
      %dma_wait3A_255 = arith.constant 0 : i32
      %dma_wait3A_256 = arith.constant 0 : i32
      %dma_wait3A_257 = tpu.memref_slice %arg2[%dma_wait3A_255, %dma_wait3A_256] : memref<10000x128xf32, #tpu.memory_space<hbm>> -> memref<10000x128xf32, #tpu.memory_space<hbm>>
      tpu.wait_indirect_dma semaphore(%arg12 : memref<!tpu.dma_semaphore, #tpu.memory_space<semaphore_mem>>) src(%dma_wait3A_257 : memref<10000x128xf32, #tpu.memory_space<hbm>>) dst(%dma_wait3A_251 : memref<104x128xf32, #tpu.memory_space<vmem>>)
      %dma_start3A_258 = arith.constant 1 : i32
      %dma_start3A_259 = arith.constant 1 : i32
      %dma_start3A_260 = arith.constant 1 : i32
      %dma_start3A_261 = arith.constant 0 : i32
      %dma_start3A_262 = arith.constant 0 : i32
      %dma_start3A_263 = tpu.memref_slice %arg9[%dma_start3A_258, %dma_start3A_261, %dma_start3A_262] : memref<2x104x128xf32, #tpu.memory_space<vmem>> -> memref<1x104x128xf32, #tpu.memory_space<vmem>>
      %dma_start3A_264 = tpu.memref_squeeze %dma_start3A_263 : memref<1x104x128xf32, #tpu.memory_space<vmem>> -> memref<104x128xf32, #tpu.memory_space<vmem>>
      %dma_start3A_265 = arith.constant 0 : i32
      %dma_start3A_266 = tpu.memref_slice %arg6[%dma_start3A_259, %dma_start3A_260, %dma_start3A_265] : memref<2x2x104xi32, #tpu.memory_space<vmem>> -> memref<1x1x104xi32, #tpu.memory_space<vmem>>
      %dma_start3A_267 = tpu.memref_squeeze %dma_start3A_266 : memref<1x1x104xi32, #tpu.memory_space<vmem>> -> memref<104xi32, #tpu.memory_space<vmem>>
      %dma_start3A_268 = arith.constant 0 : i32
      %dma_start3A_269 = arith.constant 0 : i32
      %dma_start3A_270 = tpu.memref_slice %arg11[%dma_start3A_268, %dma_start3A_269] : memref<10240x128xf32, #tpu.memory_space<vmem_shared>> -> memref<10240x128xf32, #tpu.memory_space<vmem_shared>>
      tpu.enqueue_indirect_dma source(%dma_start3A_264 : memref<104x128xf32, #tpu.memory_space<vmem>>) target(%dma_start3A_270 : memref<10240x128xf32, #tpu.memory_space<vmem_shared>>) offsets(%dma_start3A_267 : memref<104xi32, #tpu.memory_space<vmem>>) semaphore(%arg13 : memref<!tpu.dma_semaphore, #tpu.memory_space<semaphore_mem>>) {add = true}
      %lt3A_271 = arith.constant 95 : i32
      %lt3A_272 = arith.cmpi slt, %add3A_226, %lt3A_271 : i32
      %convert_element_type3A_273 = arith.extui %lt3A_272 : i1 to i32
      %cond3A_274 = arith.constant 0 : i32
      %cond3A_275 = arith.cmpi ne, %convert_element_type3A_273, %cond3A_274 : i32
      scf.if %cond3A_275 {
        %add3A_277 = arith.constant 1 : i32
        %add3A_278 = arith.addi %add3A_226, %add3A_277 : i32
        %mul3A_279 = arith.constant 104 : i32
        %mul3A_280 = arith.muli %add3A_278, %mul3A_279 : i32
        %add3A_281 = arith.addi %mul3A_2, %mul3A_280 : i32
        %dma_wait3A_282 = arith.constant 0 : i32
        %dma_wait3A_283 = arith.constant 0 : i32
        %dma_wait3A_284 = arith.constant 0 : i32
        %dma_wait3A_285 = tpu.memref_slice %arg6[%dma_wait3A_282, %dma_wait3A_283, %dma_wait3A_284] : memref<2x2x104xi32, #tpu.memory_space<vmem>> -> memref<1x1x104xi32, #tpu.memory_space<vmem>>
        %dma_wait3A_286 = tpu.memref_squeeze %dma_wait3A_285 : memref<1x1x104xi32, #tpu.memory_space<vmem>> -> memref<104xi32, #tpu.memory_space<vmem>>
        %dma_wait3A_287 = tpu.memref_slice %arg3[%add3A_281] : memref<320000xi32, #tpu.memory_space<hbm>> -> memref<104xi32, #tpu.memory_space<hbm>>
        %dma_wait3A_288 = arith.constant 0 : i32
        %dma_wait3A_289 = tpu.memref_slice %arg6[%dma_wait3A_282, %dma_wait3A_283, %dma_wait3A_288] : memref<2x2x104xi32, #tpu.memory_space<vmem>> -> memref<1x1x104xi32, #tpu.memory_space<vmem>>
        %dma_wait3A_290 = tpu.memref_squeeze %dma_wait3A_289 : memref<1x1x104xi32, #tpu.memory_space<vmem>> -> memref<104xi32, #tpu.memory_space<vmem>>
        %dma_wait3A_291 = tpu.memref_slice %arg3[%add3A_281] : memref<320000xi32, #tpu.memory_space<hbm>> -> memref<104xi32, #tpu.memory_space<hbm>>
        tpu.wait_dma2 semaphore(%arg14 : memref<!tpu.dma_semaphore, #tpu.memory_space<semaphore_mem>>) src(%dma_wait3A_291 : memref<104xi32, #tpu.memory_space<hbm>>) dst(%dma_wait3A_290 : memref<104xi32, #tpu.memory_space<vmem>>)
        %dma_wait3A_292 = arith.constant 0 : i32
        %dma_wait3A_293 = arith.constant 1 : i32
        %dma_wait3A_294 = arith.constant 0 : i32
        %dma_wait3A_295 = tpu.memref_slice %arg6[%dma_wait3A_292, %dma_wait3A_293, %dma_wait3A_294] : memref<2x2x104xi32, #tpu.memory_space<vmem>> -> memref<1x1x104xi32, #tpu.memory_space<vmem>>
        %dma_wait3A_296 = tpu.memref_squeeze %dma_wait3A_295 : memref<1x1x104xi32, #tpu.memory_space<vmem>> -> memref<104xi32, #tpu.memory_space<vmem>>
        %dma_wait3A_297 = tpu.memref_slice %arg4[%add3A_281] : memref<320000xi32, #tpu.memory_space<hbm>> -> memref<104xi32, #tpu.memory_space<hbm>>
        %dma_wait3A_298 = arith.constant 0 : i32
        %dma_wait3A_299 = tpu.memref_slice %arg6[%dma_wait3A_292, %dma_wait3A_293, %dma_wait3A_298] : memref<2x2x104xi32, #tpu.memory_space<vmem>> -> memref<1x1x104xi32, #tpu.memory_space<vmem>>
        %dma_wait3A_300 = tpu.memref_squeeze %dma_wait3A_299 : memref<1x1x104xi32, #tpu.memory_space<vmem>> -> memref<104xi32, #tpu.memory_space<vmem>>
        %dma_wait3A_301 = tpu.memref_slice %arg4[%add3A_281] : memref<320000xi32, #tpu.memory_space<hbm>> -> memref<104xi32, #tpu.memory_space<hbm>>
        tpu.wait_dma2 semaphore(%arg14 : memref<!tpu.dma_semaphore, #tpu.memory_space<semaphore_mem>>) src(%dma_wait3A_301 : memref<104xi32, #tpu.memory_space<hbm>>) dst(%dma_wait3A_300 : memref<104xi32, #tpu.memory_space<vmem>>)
        %dma_start3A_302 = arith.constant 0 : i32
        %dma_start3A_303 = arith.constant 0 : i32
        %dma_start3A_304 = arith.constant 0 : i32
        %dma_start3A_305 = arith.constant 0 : i32
        %dma_start3A_306 = arith.constant 0 : i32
        %dma_start3A_307 = tpu.memref_slice %arg9[%dma_start3A_304, %dma_start3A_305, %dma_start3A_306] : memref<2x104x128xf32, #tpu.memory_space<vmem>> -> memref<1x104x128xf32, #tpu.memory_space<vmem>>
        %dma_start3A_308 = tpu.memref_squeeze %dma_start3A_307 : memref<1x104x128xf32, #tpu.memory_space<vmem>> -> memref<104x128xf32, #tpu.memory_space<vmem>>
        %dma_start3A_309 = arith.constant 0 : i32
        %dma_start3A_310 = tpu.memref_slice %arg6[%dma_start3A_302, %dma_start3A_303, %dma_start3A_309] : memref<2x2x104xi32, #tpu.memory_space<vmem>> -> memref<1x1x104xi32, #tpu.memory_space<vmem>>
        %dma_start3A_311 = tpu.memref_squeeze %dma_start3A_310 : memref<1x1x104xi32, #tpu.memory_space<vmem>> -> memref<104xi32, #tpu.memory_space<vmem>>
        %dma_start3A_312 = arith.constant 0 : i32
        %dma_start3A_313 = arith.constant 0 : i32
        %dma_start3A_314 = tpu.memref_slice %arg2[%dma_start3A_312, %dma_start3A_313] : memref<10000x128xf32, #tpu.memory_space<hbm>> -> memref<10000x128xf32, #tpu.memory_space<hbm>>
        tpu.enqueue_indirect_dma source(%dma_start3A_314 : memref<10000x128xf32, #tpu.memory_space<hbm>>) target(%dma_start3A_308 : memref<104x128xf32, #tpu.memory_space<vmem>>) offsets(%dma_start3A_311 : memref<104xi32, #tpu.memory_space<vmem>>) semaphore(%arg12 : memref<!tpu.dma_semaphore, #tpu.memory_space<semaphore_mem>>)
      } else {
      }
      %scan3A_276 = arith.constant 0 : i32
      scf.yield %scan3A_276 : i32
    }
    %scan3A_149 = arith.constant 48 : i32
    %dma_wait3A = arith.constant 1 : i32
    %dma_wait3A_150 = arith.constant 1 : i32
    %dma_wait3A_151 = arith.constant 1 : i32
    %dma_wait3A_152 = arith.constant 0 : i32
    %dma_wait3A_153 = arith.constant 0 : i32
    %dma_wait3A_154 = tpu.memref_slice %arg9[%dma_wait3A, %dma_wait3A_152, %dma_wait3A_153] : memref<2x104x128xf32, #tpu.memory_space<vmem>> -> memref<1x104x128xf32, #tpu.memory_space<vmem>>
    %dma_wait3A_155 = tpu.memref_squeeze %dma_wait3A_154 : memref<1x104x128xf32, #tpu.memory_space<vmem>> -> memref<104x128xf32, #tpu.memory_space<vmem>>
    %dma_wait3A_156 = arith.constant 0 : i32
    %dma_wait3A_157 = tpu.memref_slice %arg6[%dma_wait3A_150, %dma_wait3A_151, %dma_wait3A_156] : memref<2x2x104xi32, #tpu.memory_space<vmem>> -> memref<1x1x104xi32, #tpu.memory_space<vmem>>
    %dma_wait3A_158 = tpu.memref_squeeze %dma_wait3A_157 : memref<1x1x104xi32, #tpu.memory_space<vmem>> -> memref<104xi32, #tpu.memory_space<vmem>>
    %dma_wait3A_159 = arith.constant 0 : i32
    %dma_wait3A_160 = arith.constant 0 : i32
    %dma_wait3A_161 = tpu.memref_slice %arg11[%dma_wait3A_159, %dma_wait3A_160] : memref<10240x128xf32, #tpu.memory_space<vmem_shared>> -> memref<10240x128xf32, #tpu.memory_space<vmem_shared>>
    tpu.wait_indirect_dma semaphore(%arg13 : memref<!tpu.dma_semaphore, #tpu.memory_space<semaphore_mem>>) src(%dma_wait3A_155 : memref<104x128xf32, #tpu.memory_space<vmem>>) dst(%dma_wait3A_161 : memref<10240x128xf32, #tpu.memory_space<vmem_shared>>)
    %add3A_162 = arith.constant 9984 : i32
    %add3A_163 = arith.addi %mul3A_2, %add3A_162 : i32
    "tpu.region"() ({
      %run_scoped3A_171 = tpu.sem_alloc : memref<!tpu.dma_semaphore, #tpu.memory_space<semaphore_mem>>
      %dma_start3A_172 = tpu.memref_slice %arg3[%add3A_163] : memref<320000xi32, #tpu.memory_space<hbm>> -> memref<16xi32, #tpu.memory_space<hbm>>
      %dma_start3A_173 = tpu.memref_slice %arg3[%add3A_163] : memref<320000xi32, #tpu.memory_space<hbm>> -> memref<16xi32, #tpu.memory_space<hbm>>
      tpu.enqueue_dma source(%dma_start3A_173 : memref<16xi32, #tpu.memory_space<hbm>>) target(%arg7 : memref<16xi32, #tpu.memory_space<vmem>>) target_semaphore(%run_scoped3A_171 : memref<!tpu.dma_semaphore, #tpu.memory_space<semaphore_mem>>)
      %dma_wait3A_174 = tpu.memref_slice %arg3[%add3A_163] : memref<320000xi32, #tpu.memory_space<hbm>> -> memref<16xi32, #tpu.memory_space<hbm>>
      %dma_wait3A_175 = tpu.memref_slice %arg3[%add3A_163] : memref<320000xi32, #tpu.memory_space<hbm>> -> memref<16xi32, #tpu.memory_space<hbm>>
      tpu.wait_dma2 semaphore(%run_scoped3A_171 : memref<!tpu.dma_semaphore, #tpu.memory_space<semaphore_mem>>) src(%dma_wait3A_175 : memref<16xi32, #tpu.memory_space<hbm>>) dst(%arg7 : memref<16xi32, #tpu.memory_space<vmem>>)
      tpu.yield
    }) : () -> ()
    "tpu.region"() ({
      %run_scoped3A_171 = tpu.sem_alloc : memref<!tpu.dma_semaphore, #tpu.memory_space<semaphore_mem>>
      %dma_start3A_172 = tpu.memref_slice %arg4[%add3A_163] : memref<320000xi32, #tpu.memory_space<hbm>> -> memref<16xi32, #tpu.memory_space<hbm>>
      %dma_start3A_173 = tpu.memref_slice %arg4[%add3A_163] : memref<320000xi32, #tpu.memory_space<hbm>> -> memref<16xi32, #tpu.memory_space<hbm>>
      tpu.enqueue_dma source(%dma_start3A_173 : memref<16xi32, #tpu.memory_space<hbm>>) target(%arg8 : memref<16xi32, #tpu.memory_space<vmem>>) target_semaphore(%run_scoped3A_171 : memref<!tpu.dma_semaphore, #tpu.memory_space<semaphore_mem>>)
      %dma_wait3A_174 = tpu.memref_slice %arg4[%add3A_163] : memref<320000xi32, #tpu.memory_space<hbm>> -> memref<16xi32, #tpu.memory_space<hbm>>
      %dma_wait3A_175 = tpu.memref_slice %arg4[%add3A_163] : memref<320000xi32, #tpu.memory_space<hbm>> -> memref<16xi32, #tpu.memory_space<hbm>>
      tpu.wait_dma2 semaphore(%run_scoped3A_171 : memref<!tpu.dma_semaphore, #tpu.memory_space<semaphore_mem>>) src(%dma_wait3A_175 : memref<16xi32, #tpu.memory_space<hbm>>) dst(%arg8 : memref<16xi32, #tpu.memory_space<vmem>>)
      tpu.yield
    }) : () -> ()
    %dma_start3A_164 = arith.constant 0 : i32
    %dma_start3A_165 = arith.constant 0 : i32
    %dma_start3A_166 = tpu.memref_slice %arg2[%dma_start3A_164, %dma_start3A_165] : memref<10000x128xf32, #tpu.memory_space<hbm>> -> memref<10000x128xf32, #tpu.memory_space<hbm>>
    tpu.enqueue_indirect_dma source(%dma_start3A_166 : memref<10000x128xf32, #tpu.memory_space<hbm>>) target(%arg10 : memref<16x128xf32, #tpu.memory_space<vmem>>) offsets(%arg7 : memref<16xi32, #tpu.memory_space<vmem>>) semaphore(%arg12 : memref<!tpu.dma_semaphore, #tpu.memory_space<semaphore_mem>>)
    %dma_wait3A_167 = arith.constant 0 : i32
    %dma_wait3A_168 = arith.constant 0 : i32
    %dma_wait3A_169 = tpu.memref_slice %arg2[%dma_wait3A_167, %dma_wait3A_168] : memref<10000x128xf32, #tpu.memory_space<hbm>> -> memref<10000x128xf32, #tpu.memory_space<hbm>>
    tpu.wait_indirect_dma semaphore(%arg12 : memref<!tpu.dma_semaphore, #tpu.memory_space<semaphore_mem>>) src(%dma_wait3A_169 : memref<10000x128xf32, #tpu.memory_space<hbm>>) dst(%arg10 : memref<16x128xf32, #tpu.memory_space<vmem>>)
    "tpu.region"() ({
      %run_scoped3A_171 = tpu.sem_alloc : memref<!tpu.dma_semaphore, #tpu.memory_space<semaphore_mem>>
      %dma_start3A_172 = arith.constant 0 : i32
      %dma_start3A_173 = arith.constant 0 : i32
      %dma_start3A_174 = tpu.memref_slice %arg11[%dma_start3A_172, %dma_start3A_173] : memref<10240x128xf32, #tpu.memory_space<vmem_shared>> -> memref<10240x128xf32, #tpu.memory_space<vmem_shared>>
      tpu.enqueue_indirect_dma source(%arg10 : memref<16x128xf32, #tpu.memory_space<vmem>>) target(%dma_start3A_174 : memref<10240x128xf32, #tpu.memory_space<vmem_shared>>) offsets(%arg8 : memref<16xi32, #tpu.memory_space<vmem>>) semaphore(%run_scoped3A_171 : memref<!tpu.dma_semaphore, #tpu.memory_space<semaphore_mem>>) {add = true}
      %dma_wait3A_175 = arith.constant 0 : i32
      %dma_wait3A_176 = arith.constant 0 : i32
      %dma_wait3A_177 = tpu.memref_slice %arg11[%dma_wait3A_175, %dma_wait3A_176] : memref<10240x128xf32, #tpu.memory_space<vmem_shared>> -> memref<10240x128xf32, #tpu.memory_space<vmem_shared>>
      tpu.wait_indirect_dma semaphore(%run_scoped3A_171 : memref<!tpu.dma_semaphore, #tpu.memory_space<semaphore_mem>>) src(%arg10 : memref<16x128xf32, #tpu.memory_space<vmem>>) dst(%dma_wait3A_177 : memref<10240x128xf32, #tpu.memory_space<vmem_shared>>)
      tpu.yield
    }) : () -> ()
    %barrier3A_170 = arith.constant 0 : index
    tpu.barrier barrier_id(%barrier3A_170)
    "tpu.region"() ({
      %run_scoped3A_171 = tpu.sem_alloc : memref<!tpu.dma_semaphore, #tpu.memory_space<semaphore_mem>>
      %dma_start3A_172 = arith.constant 0 : i32
      %dma_start3A_173 = tpu.memref_slice %arg5[%arg0, %mul3A_94, %dma_start3A_172] : memref<2x10240x128xf32, #tpu.memory_space<hbm>> -> memref<1x640x128xf32, #tpu.memory_space<hbm>>
      %dma_start3A_174 = tpu.memref_squeeze %dma_start3A_173 : memref<1x640x128xf32, #tpu.memory_space<hbm>> -> memref<640x128xf32, #tpu.memory_space<hbm>>
      %dma_start3A_175 = arith.constant 0 : i32
      %dma_start3A_176 = tpu.memref_slice %arg11[%mul3A_94, %dma_start3A_175] : memref<10240x128xf32, #tpu.memory_space<vmem_shared>> -> memref<640x128xf32, #tpu.memory_space<vmem_shared>>
      tpu.enqueue_dma source(%dma_start3A_176 : memref<640x128xf32, #tpu.memory_space<vmem_shared>>) target(%dma_start3A_174 : memref<640x128xf32, #tpu.memory_space<hbm>>) target_semaphore(%run_scoped3A_171 : memref<!tpu.dma_semaphore, #tpu.memory_space<semaphore_mem>>)
      %dma_wait3A_177 = arith.constant 0 : i32
      %dma_wait3A_178 = tpu.memref_slice %arg5[%arg0, %mul3A_94, %dma_wait3A_177] : memref<2x10240x128xf32, #tpu.memory_space<hbm>> -> memref<1x640x128xf32, #tpu.memory_space<hbm>>
      %dma_wait3A_179 = tpu.memref_squeeze %dma_wait3A_178 : memref<1x640x128xf32, #tpu.memory_space<hbm>> -> memref<640x128xf32, #tpu.memory_space<hbm>>
      %dma_wait3A_180 = arith.constant 0 : i32
      %dma_wait3A_181 = tpu.memref_slice %arg11[%mul3A_94, %dma_wait3A_180] : memref<10240x128xf32, #tpu.memory_space<vmem_shared>> -> memref<640x128xf32, #tpu.memory_space<vmem_shared>>
      tpu.wait_dma2 semaphore(%run_scoped3A_171 : memref<!tpu.dma_semaphore, #tpu.memory_space<semaphore_mem>>) src(%dma_wait3A_181 : memref<640x128xf32, #tpu.memory_space<vmem_shared>>) dst(%dma_wait3A_179 : memref<640x128xf32, #tpu.memory_space<hbm>>)
      tpu.yield
    }) : () -> ()
    return
  }
}

#map = affine_map<(d0, d1) -> (0, 0)>
#map1 = affine_map<(d0, d1) -> (0)>
#map2 = affine_map<(d0, d1) -> (0, 0, 0)>
module attributes {stable_mosaic.version = 14 : i64} {
  func.func @_msg_body(%arg0: i32, %arg1: i32, %arg2: memref<10000x128xf32, #tpu.memory_space<hbm>>, %arg3: memref<320000xi32, #tpu.memory_space<hbm>>, %arg4: memref<320000xi32, #tpu.memory_space<hbm>>, %arg5: memref<2x10240x128xf32, #tpu.memory_space<hbm>>, %arg6: memref<2x2x104xi32, #tpu.memory_space<vmem>>, %arg7: memref<16xi32, #tpu.memory_space<vmem>>, %arg8: memref<16xi32, #tpu.memory_space<vmem>>, %arg9: memref<2x104x128xf32, #tpu.memory_space<vmem>>, %arg10: memref<16x128xf32, #tpu.memory_space<vmem>>, %arg11: memref<10240x128xf32, #tpu.memory_space<vmem_shared>>, %arg12: memref<!tpu.dma_semaphore, #tpu.memory_space<semaphore_mem>>, %arg13: memref<!tpu.dma_semaphore, #tpu.memory_space<semaphore_mem>>, %arg14: memref<!tpu.dma_semaphore, #tpu.memory_space<semaphore_mem>>) attributes {dimension_semantics = [#tpu.dimension_semantics<core_parallel>, #tpu.dimension_semantics<subcore_parallel>], iteration_bounds = array<i64: 2, 16>, scalar_prefetch = 0 : i64, scratch_operands = 9 : i64, tpu.core_type = #tpu.core_type<sc_vector_subcore>, window_params = [{transform_indices = #map}, {transform_indices = #map1}, {transform_indices = #map1}, {transform_indices = #map2}]} {
    %mul3A = arith.constant 2 : i32
    %mul3A_0 = arith.muli %arg1, %mul3A : i32
    %add3A = arith.addi %mul3A_0, %arg0 : i32
    %mul3A_1 = arith.constant 10000 : i32
    %mul3A_2 = arith.muli %add3A, %mul3A_1 : i32
    %scan3A = arith.constant 0 : i32
    %scan3A_3 = arith.constant 0 : i32
    %scan3A_4 = arith.constant 0 : i32
    %scan3A_5 = arith.constant 104 : i32
    %scan3A_6 = arith.addi %scan3A_4, %scan3A_5 : i32
    %scan3A_7 = arith.constant 1 : i32
    %scan3A_8 = scf.for %scan3A_171 = %scan3A_4 to %scan3A_6 step %scan3A_7 iter_args(%scan3A_172 = %scan3A_3) -> (i32)  : i32 {
      %broadcast_in_dim3A_173 = arith.constant 0.000000e+00 : f32
      %broadcast_in_dim3A_174 = vector.broadcast %broadcast_in_dim3A_173 : f32 to vector<16xf32>
      %swap3A_175 = arith.constant 0 : i32
      %swap3A_176 = arith.constant 0 : i32
      %swap3A_177 = tpu.memref_slice %arg9[%scan3A, %swap3A_175, %swap3A_176] : memref<2x104x128xf32, #tpu.memory_space<vmem>> -> memref<1x104x128xf32, #tpu.memory_space<vmem>>
      %swap3A_178 = tpu.memref_squeeze %swap3A_177 : memref<1x104x128xf32, #tpu.memory_space<vmem>> -> memref<104x128xf32, #tpu.memory_space<vmem>>
      %swap3A_179 = arith.index_cast %scan3A_171 : i32 to index
      %swap3A_180 = arith.constant 0 : index
      %swap3A_181 = tpu.vector_load %swap3A_178[%swap3A_179, %swap3A_180] {strides = array<i32>} : memref<104x128xf32, #tpu.memory_space<vmem>>, vector<1x16xf32>,
      %swap3A_182 = vector.shape_cast %swap3A_181 : vector<1x16xf32> to vector<16xf32>
      %swap3A_183 = vector.shape_cast %broadcast_in_dim3A_174 : vector<16xf32> to vector<1x16xf32>
      tpu.vector_store %swap3A_178[%swap3A_179, %swap3A_180], %swap3A_183 {strides = array<i32>} : memref<104x128xf32, #tpu.memory_space<vmem>>, vector<1x16xf32>,
      %broadcast_in_dim3A_184 = arith.constant 0.000000e+00 : f32
      %broadcast_in_dim3A_185 = vector.broadcast %broadcast_in_dim3A_184 : f32 to vector<16xf32>
      %swap3A_186 = arith.constant 0 : i32
      %swap3A_187 = arith.constant 0 : i32
      %swap3A_188 = tpu.memref_slice %arg9[%scan3A, %swap3A_186, %swap3A_187] : memref<2x104x128xf32, #tpu.memory_space<vmem>> -> memref<1x104x128xf32, #tpu.memory_space<vmem>>
      %swap3A_189 = tpu.memref_squeeze %swap3A_188 : memref<1x104x128xf32, #tpu.memory_space<vmem>> -> memref<104x128xf32, #tpu.memory_space<vmem>>
      %swap3A_190 = arith.index_cast %scan3A_171 : i32 to index
      %swap3A_191 = arith.constant 16 : index
      %swap3A_192 = tpu.vector_load %swap3A_189[%swap3A_190, %swap3A_191] {strides = array<i32>} : memref<104x128xf32, #tpu.memory_space<vmem>>, vector<1x16xf32>,
      %swap3A_193 = vector.shape_cast %swap3A_192 : vector<1x16xf32> to vector<16xf32>
      %swap3A_194 = vector.shape_cast %broadcast_in_dim3A_185 : vector<16xf32> to vector<1x16xf32>
      tpu.vector_store %swap3A_189[%swap3A_190, %swap3A_191], %swap3A_194 {strides = array<i32>} : memref<104x128xf32, #tpu.memory_space<vmem>>, vector<1x16xf32>,
      %broadcast_in_dim3A_195 = arith.constant 0.000000e+00 : f32
      %broadcast_in_dim3A_196 = vector.broadcast %broadcast_in_dim3A_195 : f32 to vector<16xf32>
      %swap3A_197 = arith.constant 0 : i32
      %swap3A_198 = arith.constant 0 : i32
      %swap3A_199 = tpu.memref_slice %arg9[%scan3A, %swap3A_197, %swap3A_198] : memref<2x104x128xf32, #tpu.memory_space<vmem>> -> memref<1x104x128xf32, #tpu.memory_space<vmem>>
      %swap3A_200 = tpu.memref_squeeze %swap3A_199 : memref<1x104x128xf32, #tpu.memory_space<vmem>> -> memref<104x128xf32, #tpu.memory_space<vmem>>
      %swap3A_201 = arith.index_cast %scan3A_171 : i32 to index
      %swap3A_202 = arith.constant 32 : index
      %swap3A_203 = tpu.vector_load %swap3A_200[%swap3A_201, %swap3A_202] {strides = array<i32>} : memref<104x128xf32, #tpu.memory_space<vmem>>, vector<1x16xf32>,
      %swap3A_204 = vector.shape_cast %swap3A_203 : vector<1x16xf32> to vector<16xf32>
      %swap3A_205 = vector.shape_cast %broadcast_in_dim3A_196 : vector<16xf32> to vector<1x16xf32>
      tpu.vector_store %swap3A_200[%swap3A_201, %swap3A_202], %swap3A_205 {strides = array<i32>} : memref<104x128xf32, #tpu.memory_space<vmem>>, vector<1x16xf32>,
      %broadcast_in_dim3A_206 = arith.constant 0.000000e+00 : f32
      %broadcast_in_dim3A_207 = vector.broadcast %broadcast_in_dim3A_206 : f32 to vector<16xf32>
      %swap3A_208 = arith.constant 0 : i32
      %swap3A_209 = arith.constant 0 : i32
      %swap3A_210 = tpu.memref_slice %arg9[%scan3A, %swap3A_208, %swap3A_209] : memref<2x104x128xf32, #tpu.memory_space<vmem>> -> memref<1x104x128xf32, #tpu.memory_space<vmem>>
      %swap3A_211 = tpu.memref_squeeze %swap3A_210 : memref<1x104x128xf32, #tpu.memory_space<vmem>> -> memref<104x128xf32, #tpu.memory_space<vmem>>
      %swap3A_212 = arith.index_cast %scan3A_171 : i32 to index
      %swap3A_213 = arith.constant 48 : index
      %swap3A_214 = tpu.vector_load %swap3A_211[%swap3A_212, %swap3A_213] {strides = array<i32>} : memref<104x128xf32, #tpu.memory_space<vmem>>, vector<1x16xf32>,
      %swap3A_215 = vector.shape_cast %swap3A_214 : vector<1x16xf32> to vector<16xf32>
      %swap3A_216 = vector.shape_cast %broadcast_in_dim3A_207 : vector<16xf32> to vector<1x16xf32>
      tpu.vector_store %swap3A_211[%swap3A_212, %swap3A_213], %swap3A_216 {strides = array<i32>} : memref<104x128xf32, #tpu.memory_space<vmem>>, vector<1x16xf32>,
      %broadcast_in_dim3A_217 = arith.constant 0.000000e+00 : f32
      %broadcast_in_dim3A_218 = vector.broadcast %broadcast_in_dim3A_217 : f32 to vector<16xf32>
      %swap3A_219 = arith.constant 0 : i32
      %swap3A_220 = arith.constant 0 : i32
      %swap3A_221 = tpu.memref_slice %arg9[%scan3A, %swap3A_219, %swap3A_220] : memref<2x104x128xf32, #tpu.memory_space<vmem>> -> memref<1x104x128xf32, #tpu.memory_space<vmem>>
      %swap3A_222 = tpu.memref_squeeze %swap3A_221 : memref<1x104x128xf32, #tpu.memory_space<vmem>> -> memref<104x128xf32, #tpu.memory_space<vmem>>
      %swap3A_223 = arith.index_cast %scan3A_171 : i32 to index
      %swap3A_224 = arith.constant 64 : index
      %swap3A_225 = tpu.vector_load %swap3A_222[%swap3A_223, %swap3A_224] {strides = array<i32>} : memref<104x128xf32, #tpu.memory_space<vmem>>, vector<1x16xf32>,
      %swap3A_226 = vector.shape_cast %swap3A_225 : vector<1x16xf32> to vector<16xf32>
      %swap3A_227 = vector.shape_cast %broadcast_in_dim3A_218 : vector<16xf32> to vector<1x16xf32>
      tpu.vector_store %swap3A_222[%swap3A_223, %swap3A_224], %swap3A_227 {strides = array<i32>} : memref<104x128xf32, #tpu.memory_space<vmem>>, vector<1x16xf32>,
      %broadcast_in_dim3A_228 = arith.constant 0.000000e+00 : f32
      %broadcast_in_dim3A_229 = vector.broadcast %broadcast_in_dim3A_228 : f32 to vector<16xf32>
      %swap3A_230 = arith.constant 0 : i32
      %swap3A_231 = arith.constant 0 : i32
      %swap3A_232 = tpu.memref_slice %arg9[%scan3A, %swap3A_230, %swap3A_231] : memref<2x104x128xf32, #tpu.memory_space<vmem>> -> memref<1x104x128xf32, #tpu.memory_space<vmem>>
      %swap3A_233 = tpu.memref_squeeze %swap3A_232 : memref<1x104x128xf32, #tpu.memory_space<vmem>> -> memref<104x128xf32, #tpu.memory_space<vmem>>
      %swap3A_234 = arith.index_cast %scan3A_171 : i32 to index
      %swap3A_235 = arith.constant 80 : index
      %swap3A_236 = tpu.vector_load %swap3A_233[%swap3A_234, %swap3A_235] {strides = array<i32>} : memref<104x128xf32, #tpu.memory_space<vmem>>, vector<1x16xf32>,
      %swap3A_237 = vector.shape_cast %swap3A_236 : vector<1x16xf32> to vector<16xf32>
      %swap3A_238 = vector.shape_cast %broadcast_in_dim3A_229 : vector<16xf32> to vector<1x16xf32>
      tpu.vector_store %swap3A_233[%swap3A_234, %swap3A_235], %swap3A_238 {strides = array<i32>} : memref<104x128xf32, #tpu.memory_space<vmem>>, vector<1x16xf32>,
      %broadcast_in_dim3A_239 = arith.constant 0.000000e+00 : f32
      %broadcast_in_dim3A_240 = vector.broadcast %broadcast_in_dim3A_239 : f32 to vector<16xf32>
      %swap3A_241 = arith.constant 0 : i32
      %swap3A_242 = arith.constant 0 : i32
      %swap3A_243 = tpu.memref_slice %arg9[%scan3A, %swap3A_241, %swap3A_242] : memref<2x104x128xf32, #tpu.memory_space<vmem>> -> memref<1x104x128xf32, #tpu.memory_space<vmem>>
      %swap3A_244 = tpu.memref_squeeze %swap3A_243 : memref<1x104x128xf32, #tpu.memory_space<vmem>> -> memref<104x128xf32, #tpu.memory_space<vmem>>
      %swap3A_245 = arith.index_cast %scan3A_171 : i32 to index
      %swap3A_246 = arith.constant 96 : index
      %swap3A_247 = tpu.vector_load %swap3A_244[%swap3A_245, %swap3A_246] {strides = array<i32>} : memref<104x128xf32, #tpu.memory_space<vmem>>, vector<1x16xf32>,
      %swap3A_248 = vector.shape_cast %swap3A_247 : vector<1x16xf32> to vector<16xf32>
      %swap3A_249 = vector.shape_cast %broadcast_in_dim3A_240 : vector<16xf32> to vector<1x16xf32>
      tpu.vector_store %swap3A_244[%swap3A_245, %swap3A_246], %swap3A_249 {strides = array<i32>} : memref<104x128xf32, #tpu.memory_space<vmem>>, vector<1x16xf32>,
      %broadcast_in_dim3A_250 = arith.constant 0.000000e+00 : f32
      %broadcast_in_dim3A_251 = vector.broadcast %broadcast_in_dim3A_250 : f32 to vector<16xf32>
      %swap3A_252 = arith.constant 0 : i32
      %swap3A_253 = arith.constant 0 : i32
      %swap3A_254 = tpu.memref_slice %arg9[%scan3A, %swap3A_252, %swap3A_253] : memref<2x104x128xf32, #tpu.memory_space<vmem>> -> memref<1x104x128xf32, #tpu.memory_space<vmem>>
      %swap3A_255 = tpu.memref_squeeze %swap3A_254 : memref<1x104x128xf32, #tpu.memory_space<vmem>> -> memref<104x128xf32, #tpu.memory_space<vmem>>
      %swap3A_256 = arith.index_cast %scan3A_171 : i32 to index
      %swap3A_257 = arith.constant 112 : index
      %swap3A_258 = tpu.vector_load %swap3A_255[%swap3A_256, %swap3A_257] {strides = array<i32>} : memref<104x128xf32, #tpu.memory_space<vmem>>, vector<1x16xf32>,
      %swap3A_259 = vector.shape_cast %swap3A_258 : vector<1x16xf32> to vector<16xf32>
      %swap3A_260 = vector.shape_cast %broadcast_in_dim3A_251 : vector<16xf32> to vector<1x16xf32>
      tpu.vector_store %swap3A_255[%swap3A_256, %swap3A_257], %swap3A_260 {strides = array<i32>} : memref<104x128xf32, #tpu.memory_space<vmem>>, vector<1x16xf32>,
      %scan3A_261 = arith.constant 0 : i32
      scf.yield %scan3A_261 : i32
    }
    %scan3A_9 = arith.constant 104 : i32
    %scan3A_10 = arith.constant 1 : i32
    %scan3A_11 = arith.constant 0 : i32
    %scan3A_12 = arith.constant 0 : i32
    %scan3A_13 = arith.constant 104 : i32
    %scan3A_14 = arith.addi %scan3A_12, %scan3A_13 : i32
    %scan3A_15 = arith.constant 1 : i32
    %scan3A_16 = scf.for %scan3A_171 = %scan3A_12 to %scan3A_14 step %scan3A_15 iter_args(%scan3A_172 = %scan3A_11) -> (i32)  : i32 {
      %broadcast_in_dim3A_173 = arith.constant 0.000000e+00 : f32
      %broadcast_in_dim3A_174 = vector.broadcast %broadcast_in_dim3A_173 : f32 to vector<16xf32>
      %swap3A_175 = arith.constant 0 : i32
      %swap3A_176 = arith.constant 0 : i32
      %swap3A_177 = tpu.memref_slice %arg9[%scan3A_10, %swap3A_175, %swap3A_176] : memref<2x104x128xf32, #tpu.memory_space<vmem>> -> memref<1x104x128xf32, #tpu.memory_space<vmem>>
      %swap3A_178 = tpu.memref_squeeze %swap3A_177 : memref<1x104x128xf32, #tpu.memory_space<vmem>> -> memref<104x128xf32, #tpu.memory_space<vmem>>
      %swap3A_179 = arith.index_cast %scan3A_171 : i32 to index
      %swap3A_180 = arith.constant 0 : index
      %swap3A_181 = tpu.vector_load %swap3A_178[%swap3A_179, %swap3A_180] {strides = array<i32>} : memref<104x128xf32, #tpu.memory_space<vmem>>, vector<1x16xf32>,
      %swap3A_182 = vector.shape_cast %swap3A_181 : vector<1x16xf32> to vector<16xf32>
      %swap3A_183 = vector.shape_cast %broadcast_in_dim3A_174 : vector<16xf32> to vector<1x16xf32>
      tpu.vector_store %swap3A_178[%swap3A_179, %swap3A_180], %swap3A_183 {strides = array<i32>} : memref<104x128xf32, #tpu.memory_space<vmem>>, vector<1x16xf32>,
      %broadcast_in_dim3A_184 = arith.constant 0.000000e+00 : f32
      %broadcast_in_dim3A_185 = vector.broadcast %broadcast_in_dim3A_184 : f32 to vector<16xf32>
      %swap3A_186 = arith.constant 0 : i32
      %swap3A_187 = arith.constant 0 : i32
      %swap3A_188 = tpu.memref_slice %arg9[%scan3A_10, %swap3A_186, %swap3A_187] : memref<2x104x128xf32, #tpu.memory_space<vmem>> -> memref<1x104x128xf32, #tpu.memory_space<vmem>>
      %swap3A_189 = tpu.memref_squeeze %swap3A_188 : memref<1x104x128xf32, #tpu.memory_space<vmem>> -> memref<104x128xf32, #tpu.memory_space<vmem>>
      %swap3A_190 = arith.index_cast %scan3A_171 : i32 to index
      %swap3A_191 = arith.constant 16 : index
      %swap3A_192 = tpu.vector_load %swap3A_189[%swap3A_190, %swap3A_191] {strides = array<i32>} : memref<104x128xf32, #tpu.memory_space<vmem>>, vector<1x16xf32>,
      %swap3A_193 = vector.shape_cast %swap3A_192 : vector<1x16xf32> to vector<16xf32>
      %swap3A_194 = vector.shape_cast %broadcast_in_dim3A_185 : vector<16xf32> to vector<1x16xf32>
      tpu.vector_store %swap3A_189[%swap3A_190, %swap3A_191], %swap3A_194 {strides = array<i32>} : memref<104x128xf32, #tpu.memory_space<vmem>>, vector<1x16xf32>,
      %broadcast_in_dim3A_195 = arith.constant 0.000000e+00 : f32
      %broadcast_in_dim3A_196 = vector.broadcast %broadcast_in_dim3A_195 : f32 to vector<16xf32>
      %swap3A_197 = arith.constant 0 : i32
      %swap3A_198 = arith.constant 0 : i32
      %swap3A_199 = tpu.memref_slice %arg9[%scan3A_10, %swap3A_197, %swap3A_198] : memref<2x104x128xf32, #tpu.memory_space<vmem>> -> memref<1x104x128xf32, #tpu.memory_space<vmem>>
      %swap3A_200 = tpu.memref_squeeze %swap3A_199 : memref<1x104x128xf32, #tpu.memory_space<vmem>> -> memref<104x128xf32, #tpu.memory_space<vmem>>
      %swap3A_201 = arith.index_cast %scan3A_171 : i32 to index
      %swap3A_202 = arith.constant 32 : index
      %swap3A_203 = tpu.vector_load %swap3A_200[%swap3A_201, %swap3A_202] {strides = array<i32>} : memref<104x128xf32, #tpu.memory_space<vmem>>, vector<1x16xf32>,
      %swap3A_204 = vector.shape_cast %swap3A_203 : vector<1x16xf32> to vector<16xf32>
      %swap3A_205 = vector.shape_cast %broadcast_in_dim3A_196 : vector<16xf32> to vector<1x16xf32>
      tpu.vector_store %swap3A_200[%swap3A_201, %swap3A_202], %swap3A_205 {strides = array<i32>} : memref<104x128xf32, #tpu.memory_space<vmem>>, vector<1x16xf32>,
      %broadcast_in_dim3A_206 = arith.constant 0.000000e+00 : f32
      %broadcast_in_dim3A_207 = vector.broadcast %broadcast_in_dim3A_206 : f32 to vector<16xf32>
      %swap3A_208 = arith.constant 0 : i32
      %swap3A_209 = arith.constant 0 : i32
      %swap3A_210 = tpu.memref_slice %arg9[%scan3A_10, %swap3A_208, %swap3A_209] : memref<2x104x128xf32, #tpu.memory_space<vmem>> -> memref<1x104x128xf32, #tpu.memory_space<vmem>>
      %swap3A_211 = tpu.memref_squeeze %swap3A_210 : memref<1x104x128xf32, #tpu.memory_space<vmem>> -> memref<104x128xf32, #tpu.memory_space<vmem>>
      %swap3A_212 = arith.index_cast %scan3A_171 : i32 to index
      %swap3A_213 = arith.constant 48 : index
      %swap3A_214 = tpu.vector_load %swap3A_211[%swap3A_212, %swap3A_213] {strides = array<i32>} : memref<104x128xf32, #tpu.memory_space<vmem>>, vector<1x16xf32>,
      %swap3A_215 = vector.shape_cast %swap3A_214 : vector<1x16xf32> to vector<16xf32>
      %swap3A_216 = vector.shape_cast %broadcast_in_dim3A_207 : vector<16xf32> to vector<1x16xf32>
      tpu.vector_store %swap3A_211[%swap3A_212, %swap3A_213], %swap3A_216 {strides = array<i32>} : memref<104x128xf32, #tpu.memory_space<vmem>>, vector<1x16xf32>,
      %broadcast_in_dim3A_217 = arith.constant 0.000000e+00 : f32
      %broadcast_in_dim3A_218 = vector.broadcast %broadcast_in_dim3A_217 : f32 to vector<16xf32>
      %swap3A_219 = arith.constant 0 : i32
      %swap3A_220 = arith.constant 0 : i32
      %swap3A_221 = tpu.memref_slice %arg9[%scan3A_10, %swap3A_219, %swap3A_220] : memref<2x104x128xf32, #tpu.memory_space<vmem>> -> memref<1x104x128xf32, #tpu.memory_space<vmem>>
      %swap3A_222 = tpu.memref_squeeze %swap3A_221 : memref<1x104x128xf32, #tpu.memory_space<vmem>> -> memref<104x128xf32, #tpu.memory_space<vmem>>
      %swap3A_223 = arith.index_cast %scan3A_171 : i32 to index
      %swap3A_224 = arith.constant 64 : index
      %swap3A_225 = tpu.vector_load %swap3A_222[%swap3A_223, %swap3A_224] {strides = array<i32>} : memref<104x128xf32, #tpu.memory_space<vmem>>, vector<1x16xf32>,
      %swap3A_226 = vector.shape_cast %swap3A_225 : vector<1x16xf32> to vector<16xf32>
      %swap3A_227 = vector.shape_cast %broadcast_in_dim3A_218 : vector<16xf32> to vector<1x16xf32>
      tpu.vector_store %swap3A_222[%swap3A_223, %swap3A_224], %swap3A_227 {strides = array<i32>} : memref<104x128xf32, #tpu.memory_space<vmem>>, vector<1x16xf32>,
      %broadcast_in_dim3A_228 = arith.constant 0.000000e+00 : f32
      %broadcast_in_dim3A_229 = vector.broadcast %broadcast_in_dim3A_228 : f32 to vector<16xf32>
      %swap3A_230 = arith.constant 0 : i32
      %swap3A_231 = arith.constant 0 : i32
      %swap3A_232 = tpu.memref_slice %arg9[%scan3A_10, %swap3A_230, %swap3A_231] : memref<2x104x128xf32, #tpu.memory_space<vmem>> -> memref<1x104x128xf32, #tpu.memory_space<vmem>>
      %swap3A_233 = tpu.memref_squeeze %swap3A_232 : memref<1x104x128xf32, #tpu.memory_space<vmem>> -> memref<104x128xf32, #tpu.memory_space<vmem>>
      %swap3A_234 = arith.index_cast %scan3A_171 : i32 to index
      %swap3A_235 = arith.constant 80 : index
      %swap3A_236 = tpu.vector_load %swap3A_233[%swap3A_234, %swap3A_235] {strides = array<i32>} : memref<104x128xf32, #tpu.memory_space<vmem>>, vector<1x16xf32>,
      %swap3A_237 = vector.shape_cast %swap3A_236 : vector<1x16xf32> to vector<16xf32>
      %swap3A_238 = vector.shape_cast %broadcast_in_dim3A_229 : vector<16xf32> to vector<1x16xf32>
      tpu.vector_store %swap3A_233[%swap3A_234, %swap3A_235], %swap3A_238 {strides = array<i32>} : memref<104x128xf32, #tpu.memory_space<vmem>>, vector<1x16xf32>,
      %broadcast_in_dim3A_239 = arith.constant 0.000000e+00 : f32
      %broadcast_in_dim3A_240 = vector.broadcast %broadcast_in_dim3A_239 : f32 to vector<16xf32>
      %swap3A_241 = arith.constant 0 : i32
      %swap3A_242 = arith.constant 0 : i32
      %swap3A_243 = tpu.memref_slice %arg9[%scan3A_10, %swap3A_241, %swap3A_242] : memref<2x104x128xf32, #tpu.memory_space<vmem>> -> memref<1x104x128xf32, #tpu.memory_space<vmem>>
      %swap3A_244 = tpu.memref_squeeze %swap3A_243 : memref<1x104x128xf32, #tpu.memory_space<vmem>> -> memref<104x128xf32, #tpu.memory_space<vmem>>
      %swap3A_245 = arith.index_cast %scan3A_171 : i32 to index
      %swap3A_246 = arith.constant 96 : index
      %swap3A_247 = tpu.vector_load %swap3A_244[%swap3A_245, %swap3A_246] {strides = array<i32>} : memref<104x128xf32, #tpu.memory_space<vmem>>, vector<1x16xf32>,
      %swap3A_248 = vector.shape_cast %swap3A_247 : vector<1x16xf32> to vector<16xf32>
      %swap3A_249 = vector.shape_cast %broadcast_in_dim3A_240 : vector<16xf32> to vector<1x16xf32>
      tpu.vector_store %swap3A_244[%swap3A_245, %swap3A_246], %swap3A_249 {strides = array<i32>} : memref<104x128xf32, #tpu.memory_space<vmem>>, vector<1x16xf32>,
      %broadcast_in_dim3A_250 = arith.constant 0.000000e+00 : f32
      %broadcast_in_dim3A_251 = vector.broadcast %broadcast_in_dim3A_250 : f32 to vector<16xf32>
      %swap3A_252 = arith.constant 0 : i32
      %swap3A_253 = arith.constant 0 : i32
      %swap3A_254 = tpu.memref_slice %arg9[%scan3A_10, %swap3A_252, %swap3A_253] : memref<2x104x128xf32, #tpu.memory_space<vmem>> -> memref<1x104x128xf32, #tpu.memory_space<vmem>>
      %swap3A_255 = tpu.memref_squeeze %swap3A_254 : memref<1x104x128xf32, #tpu.memory_space<vmem>> -> memref<104x128xf32, #tpu.memory_space<vmem>>
      %swap3A_256 = arith.index_cast %scan3A_171 : i32 to index
      %swap3A_257 = arith.constant 112 : index
      %swap3A_258 = tpu.vector_load %swap3A_255[%swap3A_256, %swap3A_257] {strides = array<i32>} : memref<104x128xf32, #tpu.memory_space<vmem>>, vector<1x16xf32>,
      %swap3A_259 = vector.shape_cast %swap3A_258 : vector<1x16xf32> to vector<16xf32>
      %swap3A_260 = vector.shape_cast %broadcast_in_dim3A_251 : vector<16xf32> to vector<1x16xf32>
      tpu.vector_store %swap3A_255[%swap3A_256, %swap3A_257], %swap3A_260 {strides = array<i32>} : memref<104x128xf32, #tpu.memory_space<vmem>>, vector<1x16xf32>,
      %scan3A_261 = arith.constant 0 : i32
      scf.yield %scan3A_261 : i32
    }
    %scan3A_17 = arith.constant 104 : i32
    %scan3A_18 = arith.constant 0 : i32
    %scan3A_19 = arith.constant 0 : i32
    %scan3A_20 = arith.constant 16 : i32
    %scan3A_21 = arith.addi %scan3A_19, %scan3A_20 : i32
    %scan3A_22 = arith.constant 1 : i32
    %scan3A_23 = scf.for %scan3A_171 = %scan3A_19 to %scan3A_21 step %scan3A_22 iter_args(%scan3A_172 = %scan3A_18) -> (i32)  : i32 {
      %broadcast_in_dim3A_173 = arith.constant 0.000000e+00 : f32
      %broadcast_in_dim3A_174 = vector.broadcast %broadcast_in_dim3A_173 : f32 to vector<16xf32>
      %swap3A_175 = arith.index_cast %scan3A_171 : i32 to index
      %swap3A_176 = arith.constant 0 : index
      %swap3A_177 = tpu.vector_load %arg10[%swap3A_175, %swap3A_176] {strides = array<i32>} : memref<16x128xf32, #tpu.memory_space<vmem>>, vector<1x16xf32>,
      %swap3A_178 = vector.shape_cast %swap3A_177 : vector<1x16xf32> to vector<16xf32>
      %swap3A_179 = vector.shape_cast %broadcast_in_dim3A_174 : vector<16xf32> to vector<1x16xf32>
      tpu.vector_store %arg10[%swap3A_175, %swap3A_176], %swap3A_179 {strides = array<i32>} : memref<16x128xf32, #tpu.memory_space<vmem>>, vector<1x16xf32>,
      %broadcast_in_dim3A_180 = arith.constant 0.000000e+00 : f32
      %broadcast_in_dim3A_181 = vector.broadcast %broadcast_in_dim3A_180 : f32 to vector<16xf32>
      %swap3A_182 = arith.index_cast %scan3A_171 : i32 to index
      %swap3A_183 = arith.constant 16 : index
      %swap3A_184 = tpu.vector_load %arg10[%swap3A_182, %swap3A_183] {strides = array<i32>} : memref<16x128xf32, #tpu.memory_space<vmem>>, vector<1x16xf32>,
      %swap3A_185 = vector.shape_cast %swap3A_184 : vector<1x16xf32> to vector<16xf32>
      %swap3A_186 = vector.shape_cast %broadcast_in_dim3A_181 : vector<16xf32> to vector<1x16xf32>
      tpu.vector_store %arg10[%swap3A_182, %swap3A_183], %swap3A_186 {strides = array<i32>} : memref<16x128xf32, #tpu.memory_space<vmem>>, vector<1x16xf32>,
      %broadcast_in_dim3A_187 = arith.constant 0.000000e+00 : f32
      %broadcast_in_dim3A_188 = vector.broadcast %broadcast_in_dim3A_187 : f32 to vector<16xf32>
      %swap3A_189 = arith.index_cast %scan3A_171 : i32 to index
      %swap3A_190 = arith.constant 32 : index
      %swap3A_191 = tpu.vector_load %arg10[%swap3A_189, %swap3A_190] {strides = array<i32>} : memref<16x128xf32, #tpu.memory_space<vmem>>, vector<1x16xf32>,
      %swap3A_192 = vector.shape_cast %swap3A_191 : vector<1x16xf32> to vector<16xf32>
      %swap3A_193 = vector.shape_cast %broadcast_in_dim3A_188 : vector<16xf32> to vector<1x16xf32>
      tpu.vector_store %arg10[%swap3A_189, %swap3A_190], %swap3A_193 {strides = array<i32>} : memref<16x128xf32, #tpu.memory_space<vmem>>, vector<1x16xf32>,
      %broadcast_in_dim3A_194 = arith.constant 0.000000e+00 : f32
      %broadcast_in_dim3A_195 = vector.broadcast %broadcast_in_dim3A_194 : f32 to vector<16xf32>
      %swap3A_196 = arith.index_cast %scan3A_171 : i32 to index
      %swap3A_197 = arith.constant 48 : index
      %swap3A_198 = tpu.vector_load %arg10[%swap3A_196, %swap3A_197] {strides = array<i32>} : memref<16x128xf32, #tpu.memory_space<vmem>>, vector<1x16xf32>,
      %swap3A_199 = vector.shape_cast %swap3A_198 : vector<1x16xf32> to vector<16xf32>
      %swap3A_200 = vector.shape_cast %broadcast_in_dim3A_195 : vector<16xf32> to vector<1x16xf32>
      tpu.vector_store %arg10[%swap3A_196, %swap3A_197], %swap3A_200 {strides = array<i32>} : memref<16x128xf32, #tpu.memory_space<vmem>>, vector<1x16xf32>,
      %broadcast_in_dim3A_201 = arith.constant 0.000000e+00 : f32
      %broadcast_in_dim3A_202 = vector.broadcast %broadcast_in_dim3A_201 : f32 to vector<16xf32>
      %swap3A_203 = arith.index_cast %scan3A_171 : i32 to index
      %swap3A_204 = arith.constant 64 : index
      %swap3A_205 = tpu.vector_load %arg10[%swap3A_203, %swap3A_204] {strides = array<i32>} : memref<16x128xf32, #tpu.memory_space<vmem>>, vector<1x16xf32>,
      %swap3A_206 = vector.shape_cast %swap3A_205 : vector<1x16xf32> to vector<16xf32>
      %swap3A_207 = vector.shape_cast %broadcast_in_dim3A_202 : vector<16xf32> to vector<1x16xf32>
      tpu.vector_store %arg10[%swap3A_203, %swap3A_204], %swap3A_207 {strides = array<i32>} : memref<16x128xf32, #tpu.memory_space<vmem>>, vector<1x16xf32>,
      %broadcast_in_dim3A_208 = arith.constant 0.000000e+00 : f32
      %broadcast_in_dim3A_209 = vector.broadcast %broadcast_in_dim3A_208 : f32 to vector<16xf32>
      %swap3A_210 = arith.index_cast %scan3A_171 : i32 to index
      %swap3A_211 = arith.constant 80 : index
      %swap3A_212 = tpu.vector_load %arg10[%swap3A_210, %swap3A_211] {strides = array<i32>} : memref<16x128xf32, #tpu.memory_space<vmem>>, vector<1x16xf32>,
      %swap3A_213 = vector.shape_cast %swap3A_212 : vector<1x16xf32> to vector<16xf32>
      %swap3A_214 = vector.shape_cast %broadcast_in_dim3A_209 : vector<16xf32> to vector<1x16xf32>
      tpu.vector_store %arg10[%swap3A_210, %swap3A_211], %swap3A_214 {strides = array<i32>} : memref<16x128xf32, #tpu.memory_space<vmem>>, vector<1x16xf32>,
      %broadcast_in_dim3A_215 = arith.constant 0.000000e+00 : f32
      %broadcast_in_dim3A_216 = vector.broadcast %broadcast_in_dim3A_215 : f32 to vector<16xf32>
      %swap3A_217 = arith.index_cast %scan3A_171 : i32 to index
      %swap3A_218 = arith.constant 96 : index
      %swap3A_219 = tpu.vector_load %arg10[%swap3A_217, %swap3A_218] {strides = array<i32>} : memref<16x128xf32, #tpu.memory_space<vmem>>, vector<1x16xf32>,
      %swap3A_220 = vector.shape_cast %swap3A_219 : vector<1x16xf32> to vector<16xf32>
      %swap3A_221 = vector.shape_cast %broadcast_in_dim3A_216 : vector<16xf32> to vector<1x16xf32>
      tpu.vector_store %arg10[%swap3A_217, %swap3A_218], %swap3A_221 {strides = array<i32>} : memref<16x128xf32, #tpu.memory_space<vmem>>, vector<1x16xf32>,
      %broadcast_in_dim3A_222 = arith.constant 0.000000e+00 : f32
      %broadcast_in_dim3A_223 = vector.broadcast %broadcast_in_dim3A_222 : f32 to vector<16xf32>
      %swap3A_224 = arith.index_cast %scan3A_171 : i32 to index
      %swap3A_225 = arith.constant 112 : index
      %swap3A_226 = tpu.vector_load %arg10[%swap3A_224, %swap3A_225] {strides = array<i32>} : memref<16x128xf32, #tpu.memory_space<vmem>>, vector<1x16xf32>,
      %swap3A_227 = vector.shape_cast %swap3A_226 : vector<1x16xf32> to vector<16xf32>
      %swap3A_228 = vector.shape_cast %broadcast_in_dim3A_223 : vector<16xf32> to vector<1x16xf32>
      tpu.vector_store %arg10[%swap3A_224, %swap3A_225], %swap3A_228 {strides = array<i32>} : memref<16x128xf32, #tpu.memory_space<vmem>>, vector<1x16xf32>,
      %scan3A_229 = arith.constant 0 : i32
      scf.yield %scan3A_229 : i32
    }
    %scan3A_24 = arith.constant 16 : i32
    %broadcast_in_dim3A = arith.constant 0 : i32
    %broadcast_in_dim3A_25 = vector.broadcast %broadcast_in_dim3A : i32 to vector<16xi32>
    %swap3A = arith.constant 1 : i32
    %swap3A_26 = arith.constant 1 : i32
    %swap3A_27 = arith.index_cast %swap3A : i32 to index
    %swap3A_28 = arith.index_cast %swap3A_26 : i32 to index
    %swap3A_29 = arith.constant 0 : index
    %swap3A_30 = tpu.vector_load %arg6[%swap3A_27, %swap3A_28, %swap3A_29] {strides = array<i32>} : memref<2x2x104xi32, #tpu.memory_space<vmem>>, vector<1x1x16xi32>,
    %swap3A_31 = vector.shape_cast %swap3A_30 : vector<1x1x16xi32> to vector<16xi32>
    %swap3A_32 = vector.shape_cast %broadcast_in_dim3A_25 : vector<16xi32> to vector<1x1x16xi32>
    tpu.vector_store %arg6[%swap3A_27, %swap3A_28, %swap3A_29], %swap3A_32 {strides = array<i32>} : memref<2x2x104xi32, #tpu.memory_space<vmem>>, vector<1x1x16xi32>,
    %broadcast_in_dim3A_33 = arith.constant 0 : i32
    %broadcast_in_dim3A_34 = vector.broadcast %broadcast_in_dim3A_33 : i32 to vector<16xi32>
    %swap3A_35 = arith.constant 1 : i32
    %swap3A_36 = arith.constant 1 : i32
    %swap3A_37 = arith.index_cast %swap3A_35 : i32 to index
    %swap3A_38 = arith.index_cast %swap3A_36 : i32 to index
    %swap3A_39 = arith.constant 16 : index
    %swap3A_40 = tpu.vector_load %arg6[%swap3A_37, %swap3A_38, %swap3A_39] {strides = array<i32>} : memref<2x2x104xi32, #tpu.memory_space<vmem>>, vector<1x1x16xi32>,
    %swap3A_41 = vector.shape_cast %swap3A_40 : vector<1x1x16xi32> to vector<16xi32>
    %swap3A_42 = vector.shape_cast %broadcast_in_dim3A_34 : vector<16xi32> to vector<1x1x16xi32>
    tpu.vector_store %arg6[%swap3A_37, %swap3A_38, %swap3A_39], %swap3A_42 {strides = array<i32>} : memref<2x2x104xi32, #tpu.memory_space<vmem>>, vector<1x1x16xi32>,
    %broadcast_in_dim3A_43 = arith.constant 0 : i32
    %broadcast_in_dim3A_44 = vector.broadcast %broadcast_in_dim3A_43 : i32 to vector<16xi32>
    %swap3A_45 = arith.constant 1 : i32
    %swap3A_46 = arith.constant 1 : i32
    %swap3A_47 = arith.index_cast %swap3A_45 : i32 to index
    %swap3A_48 = arith.index_cast %swap3A_46 : i32 to index
    %swap3A_49 = arith.constant 32 : index
    %swap3A_50 = tpu.vector_load %arg6[%swap3A_47, %swap3A_48, %swap3A_49] {strides = array<i32>} : memref<2x2x104xi32, #tpu.memory_space<vmem>>, vector<1x1x16xi32>,
    %swap3A_51 = vector.shape_cast %swap3A_50 : vector<1x1x16xi32> to vector<16xi32>
    %swap3A_52 = vector.shape_cast %broadcast_in_dim3A_44 : vector<16xi32> to vector<1x1x16xi32>
    tpu.vector_store %arg6[%swap3A_47, %swap3A_48, %swap3A_49], %swap3A_52 {strides = array<i32>} : memref<2x2x104xi32, #tpu.memory_space<vmem>>, vector<1x1x16xi32>,
    %broadcast_in_dim3A_53 = arith.constant 0 : i32
    %broadcast_in_dim3A_54 = vector.broadcast %broadcast_in_dim3A_53 : i32 to vector<16xi32>
    %swap3A_55 = arith.constant 1 : i32
    %swap3A_56 = arith.constant 1 : i32
    %swap3A_57 = arith.index_cast %swap3A_55 : i32 to index
    %swap3A_58 = arith.index_cast %swap3A_56 : i32 to index
    %swap3A_59 = arith.constant 48 : index
    %swap3A_60 = tpu.vector_load %arg6[%swap3A_57, %swap3A_58, %swap3A_59] {strides = array<i32>} : memref<2x2x104xi32, #tpu.memory_space<vmem>>, vector<1x1x16xi32>,
    %swap3A_61 = vector.shape_cast %swap3A_60 : vector<1x1x16xi32> to vector<16xi32>
    %swap3A_62 = vector.shape_cast %broadcast_in_dim3A_54 : vector<16xi32> to vector<1x1x16xi32>
    tpu.vector_store %arg6[%swap3A_57, %swap3A_58, %swap3A_59], %swap3A_62 {strides = array<i32>} : memref<2x2x104xi32, #tpu.memory_space<vmem>>, vector<1x1x16xi32>,
    %broadcast_in_dim3A_63 = arith.constant 0 : i32
    %broadcast_in_dim3A_64 = vector.broadcast %broadcast_in_dim3A_63 : i32 to vector<16xi32>
    %swap3A_65 = arith.constant 1 : i32
    %swap3A_66 = arith.constant 1 : i32
    %swap3A_67 = arith.index_cast %swap3A_65 : i32 to index
    %swap3A_68 = arith.index_cast %swap3A_66 : i32 to index
    %swap3A_69 = arith.constant 64 : index
    %swap3A_70 = tpu.vector_load %arg6[%swap3A_67, %swap3A_68, %swap3A_69] {strides = array<i32>} : memref<2x2x104xi32, #tpu.memory_space<vmem>>, vector<1x1x16xi32>,
    %swap3A_71 = vector.shape_cast %swap3A_70 : vector<1x1x16xi32> to vector<16xi32>
    %swap3A_72 = vector.shape_cast %broadcast_in_dim3A_64 : vector<16xi32> to vector<1x1x16xi32>
    tpu.vector_store %arg6[%swap3A_67, %swap3A_68, %swap3A_69], %swap3A_72 {strides = array<i32>} : memref<2x2x104xi32, #tpu.memory_space<vmem>>, vector<1x1x16xi32>,
    %broadcast_in_dim3A_73 = arith.constant 0 : i32
    %broadcast_in_dim3A_74 = vector.broadcast %broadcast_in_dim3A_73 : i32 to vector<16xi32>
    %swap3A_75 = arith.constant 1 : i32
    %swap3A_76 = arith.constant 1 : i32
    %swap3A_77 = arith.index_cast %swap3A_75 : i32 to index
    %swap3A_78 = arith.index_cast %swap3A_76 : i32 to index
    %swap3A_79 = arith.constant 80 : index
    %swap3A_80 = tpu.vector_load %arg6[%swap3A_77, %swap3A_78, %swap3A_79] {strides = array<i32>} : memref<2x2x104xi32, #tpu.memory_space<vmem>>, vector<1x1x16xi32>,
    %swap3A_81 = vector.shape_cast %swap3A_80 : vector<1x1x16xi32> to vector<16xi32>
    %swap3A_82 = vector.shape_cast %broadcast_in_dim3A_74 : vector<16xi32> to vector<1x1x16xi32>
    tpu.vector_store %arg6[%swap3A_77, %swap3A_78, %swap3A_79], %swap3A_82 {strides = array<i32>} : memref<2x2x104xi32, #tpu.memory_space<vmem>>, vector<1x1x16xi32>,
    %broadcast_in_dim3A_83 = arith.constant 0 : i32
    %broadcast_in_dim3A_84 = vector.broadcast %broadcast_in_dim3A_83 : i32 to vector<16xi32>
    %swap3A_85 = arith.constant 1 : i32
    %swap3A_86 = arith.constant 1 : i32
    %swap3A_87 = arith.index_cast %swap3A_85 : i32 to index
    %swap3A_88 = arith.index_cast %swap3A_86 : i32 to index
    %swap3A_89 = arith.constant 88 : index
    %swap3A_90 = tpu.vector_load %arg6[%swap3A_87, %swap3A_88, %swap3A_89] {strides = array<i32>} : memref<2x2x104xi32, #tpu.memory_space<vmem>>, vector<1x1x16xi32>,
    %swap3A_91 = vector.shape_cast %swap3A_90 : vector<1x1x16xi32> to vector<16xi32>
    %swap3A_92 = vector.shape_cast %broadcast_in_dim3A_84 : vector<16xi32> to vector<1x1x16xi32>
    tpu.vector_store %arg6[%swap3A_87, %swap3A_88, %swap3A_89], %swap3A_92 {strides = array<i32>} : memref<2x2x104xi32, #tpu.memory_space<vmem>>, vector<1x1x16xi32>,
    %mul3A_93 = arith.constant 640 : i32
    %mul3A_94 = arith.muli %arg1, %mul3A_93 : i32
    %add3A_95 = arith.constant 0 : i32
    %add3A_96 = arith.addi %mul3A_94, %add3A_95 : i32
    %run_scoped3A = arith.constant 0 : i32
    "tpu.region"() ({
      %run_scoped3A_171 = tpu.sem_alloc : memref<!tpu.dma_semaphore, #tpu.memory_space<semaphore_mem>>
      %dma_start3A_172 = arith.constant 0 : i32
      %dma_start3A_173 = arith.constant 0 : i32
      %dma_start3A_174 = tpu.memref_slice %arg9[%run_scoped3A, %dma_start3A_172, %dma_start3A_173] : memref<2x104x128xf32, #tpu.memory_space<vmem>> -> memref<1x104x128xf32, #tpu.memory_space<vmem>>
      %dma_start3A_175 = tpu.memref_squeeze %dma_start3A_174 : memref<1x104x128xf32, #tpu.memory_space<vmem>> -> memref<104x128xf32, #tpu.memory_space<vmem>>
      %dma_start3A_176 = arith.constant 0 : i32
      %dma_start3A_177 = tpu.memref_slice %arg11[%add3A_96, %dma_start3A_176] : memref<10240x128xf32, #tpu.memory_space<vmem_shared>> -> memref<104x128xf32, #tpu.memory_space<vmem_shared>>
      %dma_start3A_178 = arith.constant 0 : i32
      %dma_start3A_179 = tpu.memref_slice %arg11[%add3A_96, %dma_start3A_178] : memref<10240x128xf32, #tpu.memory_space<vmem_shared>> -> memref<104x128xf32, #tpu.memory_space<vmem_shared>>
      %dma_start3A_180 = arith.constant 0 : i32
      %dma_start3A_181 = arith.constant 0 : i32
      %dma_start3A_182 = tpu.memref_slice %arg9[%run_scoped3A, %dma_start3A_180, %dma_start3A_181] : memref<2x104x128xf32, #tpu.memory_space<vmem>> -> memref<1x104x128xf32, #tpu.memory_space<vmem>>
      %dma_start3A_183 = tpu.memref_squeeze %dma_start3A_182 : memref<1x104x128xf32, #tpu.memory_space<vmem>> -> memref<104x128xf32, #tpu.memory_space<vmem>>
      tpu.enqueue_dma source(%dma_start3A_183 : memref<104x128xf32, #tpu.memory_space<vmem>>) target(%dma_start3A_179 : memref<104x128xf32, #tpu.memory_space<vmem_shared>>) target_semaphore(%run_scoped3A_171 : memref<!tpu.dma_semaphore, #tpu.memory_space<semaphore_mem>>)
      %dma_wait3A_184 = arith.constant 0 : i32
      %dma_wait3A_185 = arith.constant 0 : i32
      %dma_wait3A_186 = tpu.memref_slice %arg9[%run_scoped3A, %dma_wait3A_184, %dma_wait3A_185] : memref<2x104x128xf32, #tpu.memory_space<vmem>> -> memref<1x104x128xf32, #tpu.memory_space<vmem>>
      %dma_wait3A_187 = tpu.memref_squeeze %dma_wait3A_186 : memref<1x104x128xf32, #tpu.memory_space<vmem>> -> memref<104x128xf32, #tpu.memory_space<vmem>>
      %dma_wait3A_188 = arith.constant 0 : i32
      %dma_wait3A_189 = tpu.memref_slice %arg11[%add3A_96, %dma_wait3A_188] : memref<10240x128xf32, #tpu.memory_space<vmem_shared>> -> memref<104x128xf32, #tpu.memory_space<vmem_shared>>
      %dma_wait3A_190 = arith.constant 0 : i32
      %dma_wait3A_191 = tpu.memref_slice %arg11[%add3A_96, %dma_wait3A_190] : memref<10240x128xf32, #tpu.memory_space<vmem_shared>> -> memref<104x128xf32, #tpu.memory_space<vmem_shared>>
      %dma_wait3A_192 = arith.constant 0 : i32
      %dma_wait3A_193 = arith.constant 0 : i32
      %dma_wait3A_194 = tpu.memref_slice %arg9[%run_scoped3A, %dma_wait3A_192, %dma_wait3A_193] : memref<2x104x128xf32, #tpu.memory_space<vmem>> -> memref<1x104x128xf32, #tpu.memory_space<vmem>>
      %dma_wait3A_195 = tpu.memref_squeeze %dma_wait3A_194 : memref<1x104x128xf32, #tpu.memory_space<vmem>> -> memref<104x128xf32, #tpu.memory_space<vmem>>
      tpu.wait_dma2 semaphore(%run_scoped3A_171 : memref<!tpu.dma_semaphore, #tpu.memory_space<semaphore_mem>>) src(%dma_wait3A_195 : memref<104x128xf32, #tpu.memory_space<vmem>>) dst(%dma_wait3A_191 : memref<104x128xf32, #tpu.memory_space<vmem_shared>>)
      tpu.yield
    }) : () -> ()
    %add3A_97 = arith.constant 104 : i32
    %add3A_98 = arith.addi %mul3A_94, %add3A_97 : i32
    %run_scoped3A_99 = arith.constant 0 : i32
    "tpu.region"() ({
      %run_scoped3A_171 = tpu.sem_alloc : memref<!tpu.dma_semaphore, #tpu.memory_space<semaphore_mem>>
      %dma_start3A_172 = arith.constant 0 : i32
      %dma_start3A_173 = arith.constant 0 : i32
      %dma_start3A_174 = tpu.memref_slice %arg9[%run_scoped3A_99, %dma_start3A_172, %dma_start3A_173] : memref<2x104x128xf32, #tpu.memory_space<vmem>> -> memref<1x104x128xf32, #tpu.memory_space<vmem>>
      %dma_start3A_175 = tpu.memref_squeeze %dma_start3A_174 : memref<1x104x128xf32, #tpu.memory_space<vmem>> -> memref<104x128xf32, #tpu.memory_space<vmem>>
      %dma_start3A_176 = arith.constant 0 : i32
      %dma_start3A_177 = tpu.memref_slice %arg11[%add3A_98, %dma_start3A_176] : memref<10240x128xf32, #tpu.memory_space<vmem_shared>> -> memref<104x128xf32, #tpu.memory_space<vmem_shared>>
      %dma_start3A_178 = arith.constant 0 : i32
      %dma_start3A_179 = tpu.memref_slice %arg11[%add3A_98, %dma_start3A_178] : memref<10240x128xf32, #tpu.memory_space<vmem_shared>> -> memref<104x128xf32, #tpu.memory_space<vmem_shared>>
      %dma_start3A_180 = arith.constant 0 : i32
      %dma_start3A_181 = arith.constant 0 : i32
      %dma_start3A_182 = tpu.memref_slice %arg9[%run_scoped3A_99, %dma_start3A_180, %dma_start3A_181] : memref<2x104x128xf32, #tpu.memory_space<vmem>> -> memref<1x104x128xf32, #tpu.memory_space<vmem>>
      %dma_start3A_183 = tpu.memref_squeeze %dma_start3A_182 : memref<1x104x128xf32, #tpu.memory_space<vmem>> -> memref<104x128xf32, #tpu.memory_space<vmem>>
      tpu.enqueue_dma source(%dma_start3A_183 : memref<104x128xf32, #tpu.memory_space<vmem>>) target(%dma_start3A_179 : memref<104x128xf32, #tpu.memory_space<vmem_shared>>) target_semaphore(%run_scoped3A_171 : memref<!tpu.dma_semaphore, #tpu.memory_space<semaphore_mem>>)
      %dma_wait3A_184 = arith.constant 0 : i32
      %dma_wait3A_185 = arith.constant 0 : i32
      %dma_wait3A_186 = tpu.memref_slice %arg9[%run_scoped3A_99, %dma_wait3A_184, %dma_wait3A_185] : memref<2x104x128xf32, #tpu.memory_space<vmem>> -> memref<1x104x128xf32, #tpu.memory_space<vmem>>
      %dma_wait3A_187 = tpu.memref_squeeze %dma_wait3A_186 : memref<1x104x128xf32, #tpu.memory_space<vmem>> -> memref<104x128xf32, #tpu.memory_space<vmem>>
      %dma_wait3A_188 = arith.constant 0 : i32
      %dma_wait3A_189 = tpu.memref_slice %arg11[%add3A_98, %dma_wait3A_188] : memref<10240x128xf32, #tpu.memory_space<vmem_shared>> -> memref<104x128xf32, #tpu.memory_space<vmem_shared>>
      %dma_wait3A_190 = arith.constant 0 : i32
      %dma_wait3A_191 = tpu.memref_slice %arg11[%add3A_98, %dma_wait3A_190] : memref<10240x128xf32, #tpu.memory_space<vmem_shared>> -> memref<104x128xf32, #tpu.memory_space<vmem_shared>>
      %dma_wait3A_192 = arith.constant 0 : i32
      %dma_wait3A_193 = arith.constant 0 : i32
      %dma_wait3A_194 = tpu.memref_slice %arg9[%run_scoped3A_99, %dma_wait3A_192, %dma_wait3A_193] : memref<2x104x128xf32, #tpu.memory_space<vmem>> -> memref<1x104x128xf32, #tpu.memory_space<vmem>>
      %dma_wait3A_195 = tpu.memref_squeeze %dma_wait3A_194 : memref<1x104x128xf32, #tpu.memory_space<vmem>> -> memref<104x128xf32, #tpu.memory_space<vmem>>
      tpu.wait_dma2 semaphore(%run_scoped3A_171 : memref<!tpu.dma_semaphore, #tpu.memory_space<semaphore_mem>>) src(%dma_wait3A_195 : memref<104x128xf32, #tpu.memory_space<vmem>>) dst(%dma_wait3A_191 : memref<104x128xf32, #tpu.memory_space<vmem_shared>>)
      tpu.yield
    }) : () -> ()
    %add3A_100 = arith.constant 208 : i32
    %add3A_101 = arith.addi %mul3A_94, %add3A_100 : i32
    %run_scoped3A_102 = arith.constant 0 : i32
    "tpu.region"() ({
      %run_scoped3A_171 = tpu.sem_alloc : memref<!tpu.dma_semaphore, #tpu.memory_space<semaphore_mem>>
      %dma_start3A_172 = arith.constant 0 : i32
      %dma_start3A_173 = arith.constant 0 : i32
      %dma_start3A_174 = tpu.memref_slice %arg9[%run_scoped3A_102, %dma_start3A_172, %dma_start3A_173] : memref<2x104x128xf32, #tpu.memory_space<vmem>> -> memref<1x104x128xf32, #tpu.memory_space<vmem>>
      %dma_start3A_175 = tpu.memref_squeeze %dma_start3A_174 : memref<1x104x128xf32, #tpu.memory_space<vmem>> -> memref<104x128xf32, #tpu.memory_space<vmem>>
      %dma_start3A_176 = arith.constant 0 : i32
      %dma_start3A_177 = tpu.memref_slice %arg11[%add3A_101, %dma_start3A_176] : memref<10240x128xf32, #tpu.memory_space<vmem_shared>> -> memref<104x128xf32, #tpu.memory_space<vmem_shared>>
      %dma_start3A_178 = arith.constant 0 : i32
      %dma_start3A_179 = tpu.memref_slice %arg11[%add3A_101, %dma_start3A_178] : memref<10240x128xf32, #tpu.memory_space<vmem_shared>> -> memref<104x128xf32, #tpu.memory_space<vmem_shared>>
      %dma_start3A_180 = arith.constant 0 : i32
      %dma_start3A_181 = arith.constant 0 : i32
      %dma_start3A_182 = tpu.memref_slice %arg9[%run_scoped3A_102, %dma_start3A_180, %dma_start3A_181] : memref<2x104x128xf32, #tpu.memory_space<vmem>> -> memref<1x104x128xf32, #tpu.memory_space<vmem>>
      %dma_start3A_183 = tpu.memref_squeeze %dma_start3A_182 : memref<1x104x128xf32, #tpu.memory_space<vmem>> -> memref<104x128xf32, #tpu.memory_space<vmem>>
      tpu.enqueue_dma source(%dma_start3A_183 : memref<104x128xf32, #tpu.memory_space<vmem>>) target(%dma_start3A_179 : memref<104x128xf32, #tpu.memory_space<vmem_shared>>) target_semaphore(%run_scoped3A_171 : memref<!tpu.dma_semaphore, #tpu.memory_space<semaphore_mem>>)
      %dma_wait3A_184 = arith.constant 0 : i32
      %dma_wait3A_185 = arith.constant 0 : i32
      %dma_wait3A_186 = tpu.memref_slice %arg9[%run_scoped3A_102, %dma_wait3A_184, %dma_wait3A_185] : memref<2x104x128xf32, #tpu.memory_space<vmem>> -> memref<1x104x128xf32, #tpu.memory_space<vmem>>
      %dma_wait3A_187 = tpu.memref_squeeze %dma_wait3A_186 : memref<1x104x128xf32, #tpu.memory_space<vmem>> -> memref<104x128xf32, #tpu.memory_space<vmem>>
      %dma_wait3A_188 = arith.constant 0 : i32
      %dma_wait3A_189 = tpu.memref_slice %arg11[%add3A_101, %dma_wait3A_188] : memref<10240x128xf32, #tpu.memory_space<vmem_shared>> -> memref<104x128xf32, #tpu.memory_space<vmem_shared>>
      %dma_wait3A_190 = arith.constant 0 : i32
      %dma_wait3A_191 = tpu.memref_slice %arg11[%add3A_101, %dma_wait3A_190] : memref<10240x128xf32, #tpu.memory_space<vmem_shared>> -> memref<104x128xf32, #tpu.memory_space<vmem_shared>>
      %dma_wait3A_192 = arith.constant 0 : i32
      %dma_wait3A_193 = arith.constant 0 : i32
      %dma_wait3A_194 = tpu.memref_slice %arg9[%run_scoped3A_102, %dma_wait3A_192, %dma_wait3A_193] : memref<2x104x128xf32, #tpu.memory_space<vmem>> -> memref<1x104x128xf32, #tpu.memory_space<vmem>>
      %dma_wait3A_195 = tpu.memref_squeeze %dma_wait3A_194 : memref<1x104x128xf32, #tpu.memory_space<vmem>> -> memref<104x128xf32, #tpu.memory_space<vmem>>
      tpu.wait_dma2 semaphore(%run_scoped3A_171 : memref<!tpu.dma_semaphore, #tpu.memory_space<semaphore_mem>>) src(%dma_wait3A_195 : memref<104x128xf32, #tpu.memory_space<vmem>>) dst(%dma_wait3A_191 : memref<104x128xf32, #tpu.memory_space<vmem_shared>>)
      tpu.yield
    }) : () -> ()
    %add3A_103 = arith.constant 312 : i32
    %add3A_104 = arith.addi %mul3A_94, %add3A_103 : i32
    %run_scoped3A_105 = arith.constant 0 : i32
    "tpu.region"() ({
      %run_scoped3A_171 = tpu.sem_alloc : memref<!tpu.dma_semaphore, #tpu.memory_space<semaphore_mem>>
      %dma_start3A_172 = arith.constant 0 : i32
      %dma_start3A_173 = arith.constant 0 : i32
      %dma_start3A_174 = tpu.memref_slice %arg9[%run_scoped3A_105, %dma_start3A_172, %dma_start3A_173] : memref<2x104x128xf32, #tpu.memory_space<vmem>> -> memref<1x104x128xf32, #tpu.memory_space<vmem>>
      %dma_start3A_175 = tpu.memref_squeeze %dma_start3A_174 : memref<1x104x128xf32, #tpu.memory_space<vmem>> -> memref<104x128xf32, #tpu.memory_space<vmem>>
      %dma_start3A_176 = arith.constant 0 : i32
      %dma_start3A_177 = tpu.memref_slice %arg11[%add3A_104, %dma_start3A_176] : memref<10240x128xf32, #tpu.memory_space<vmem_shared>> -> memref<104x128xf32, #tpu.memory_space<vmem_shared>>
      %dma_start3A_178 = arith.constant 0 : i32
      %dma_start3A_179 = tpu.memref_slice %arg11[%add3A_104, %dma_start3A_178] : memref<10240x128xf32, #tpu.memory_space<vmem_shared>> -> memref<104x128xf32, #tpu.memory_space<vmem_shared>>
      %dma_start3A_180 = arith.constant 0 : i32
      %dma_start3A_181 = arith.constant 0 : i32
      %dma_start3A_182 = tpu.memref_slice %arg9[%run_scoped3A_105, %dma_start3A_180, %dma_start3A_181] : memref<2x104x128xf32, #tpu.memory_space<vmem>> -> memref<1x104x128xf32, #tpu.memory_space<vmem>>
      %dma_start3A_183 = tpu.memref_squeeze %dma_start3A_182 : memref<1x104x128xf32, #tpu.memory_space<vmem>> -> memref<104x128xf32, #tpu.memory_space<vmem>>
      tpu.enqueue_dma source(%dma_start3A_183 : memref<104x128xf32, #tpu.memory_space<vmem>>) target(%dma_start3A_179 : memref<104x128xf32, #tpu.memory_space<vmem_shared>>) target_semaphore(%run_scoped3A_171 : memref<!tpu.dma_semaphore, #tpu.memory_space<semaphore_mem>>)
      %dma_wait3A_184 = arith.constant 0 : i32
      %dma_wait3A_185 = arith.constant 0 : i32
      %dma_wait3A_186 = tpu.memref_slice %arg9[%run_scoped3A_105, %dma_wait3A_184, %dma_wait3A_185] : memref<2x104x128xf32, #tpu.memory_space<vmem>> -> memref<1x104x128xf32, #tpu.memory_space<vmem>>
      %dma_wait3A_187 = tpu.memref_squeeze %dma_wait3A_186 : memref<1x104x128xf32, #tpu.memory_space<vmem>> -> memref<104x128xf32, #tpu.memory_space<vmem>>
      %dma_wait3A_188 = arith.constant 0 : i32
      %dma_wait3A_189 = tpu.memref_slice %arg11[%add3A_104, %dma_wait3A_188] : memref<10240x128xf32, #tpu.memory_space<vmem_shared>> -> memref<104x128xf32, #tpu.memory_space<vmem_shared>>
      %dma_wait3A_190 = arith.constant 0 : i32
      %dma_wait3A_191 = tpu.memref_slice %arg11[%add3A_104, %dma_wait3A_190] : memref<10240x128xf32, #tpu.memory_space<vmem_shared>> -> memref<104x128xf32, #tpu.memory_space<vmem_shared>>
      %dma_wait3A_192 = arith.constant 0 : i32
      %dma_wait3A_193 = arith.constant 0 : i32
      %dma_wait3A_194 = tpu.memref_slice %arg9[%run_scoped3A_105, %dma_wait3A_192, %dma_wait3A_193] : memref<2x104x128xf32, #tpu.memory_space<vmem>> -> memref<1x104x128xf32, #tpu.memory_space<vmem>>
      %dma_wait3A_195 = tpu.memref_squeeze %dma_wait3A_194 : memref<1x104x128xf32, #tpu.memory_space<vmem>> -> memref<104x128xf32, #tpu.memory_space<vmem>>
      tpu.wait_dma2 semaphore(%run_scoped3A_171 : memref<!tpu.dma_semaphore, #tpu.memory_space<semaphore_mem>>) src(%dma_wait3A_195 : memref<104x128xf32, #tpu.memory_space<vmem>>) dst(%dma_wait3A_191 : memref<104x128xf32, #tpu.memory_space<vmem_shared>>)
      tpu.yield
    }) : () -> ()
    %add3A_106 = arith.constant 416 : i32
    %add3A_107 = arith.addi %mul3A_94, %add3A_106 : i32
    %run_scoped3A_108 = arith.constant 0 : i32
    "tpu.region"() ({
      %run_scoped3A_171 = tpu.sem_alloc : memref<!tpu.dma_semaphore, #tpu.memory_space<semaphore_mem>>
      %dma_start3A_172 = arith.constant 0 : i32
      %dma_start3A_173 = arith.constant 0 : i32
      %dma_start3A_174 = tpu.memref_slice %arg9[%run_scoped3A_108, %dma_start3A_172, %dma_start3A_173] : memref<2x104x128xf32, #tpu.memory_space<vmem>> -> memref<1x104x128xf32, #tpu.memory_space<vmem>>
      %dma_start3A_175 = tpu.memref_squeeze %dma_start3A_174 : memref<1x104x128xf32, #tpu.memory_space<vmem>> -> memref<104x128xf32, #tpu.memory_space<vmem>>
      %dma_start3A_176 = arith.constant 0 : i32
      %dma_start3A_177 = tpu.memref_slice %arg11[%add3A_107, %dma_start3A_176] : memref<10240x128xf32, #tpu.memory_space<vmem_shared>> -> memref<104x128xf32, #tpu.memory_space<vmem_shared>>
      %dma_start3A_178 = arith.constant 0 : i32
      %dma_start3A_179 = tpu.memref_slice %arg11[%add3A_107, %dma_start3A_178] : memref<10240x128xf32, #tpu.memory_space<vmem_shared>> -> memref<104x128xf32, #tpu.memory_space<vmem_shared>>
      %dma_start3A_180 = arith.constant 0 : i32
      %dma_start3A_181 = arith.constant 0 : i32
      %dma_start3A_182 = tpu.memref_slice %arg9[%run_scoped3A_108, %dma_start3A_180, %dma_start3A_181] : memref<2x104x128xf32, #tpu.memory_space<vmem>> -> memref<1x104x128xf32, #tpu.memory_space<vmem>>
      %dma_start3A_183 = tpu.memref_squeeze %dma_start3A_182 : memref<1x104x128xf32, #tpu.memory_space<vmem>> -> memref<104x128xf32, #tpu.memory_space<vmem>>
      tpu.enqueue_dma source(%dma_start3A_183 : memref<104x128xf32, #tpu.memory_space<vmem>>) target(%dma_start3A_179 : memref<104x128xf32, #tpu.memory_space<vmem_shared>>) target_semaphore(%run_scoped3A_171 : memref<!tpu.dma_semaphore, #tpu.memory_space<semaphore_mem>>)
      %dma_wait3A_184 = arith.constant 0 : i32
      %dma_wait3A_185 = arith.constant 0 : i32
      %dma_wait3A_186 = tpu.memref_slice %arg9[%run_scoped3A_108, %dma_wait3A_184, %dma_wait3A_185] : memref<2x104x128xf32, #tpu.memory_space<vmem>> -> memref<1x104x128xf32, #tpu.memory_space<vmem>>
      %dma_wait3A_187 = tpu.memref_squeeze %dma_wait3A_186 : memref<1x104x128xf32, #tpu.memory_space<vmem>> -> memref<104x128xf32, #tpu.memory_space<vmem>>
      %dma_wait3A_188 = arith.constant 0 : i32
      %dma_wait3A_189 = tpu.memref_slice %arg11[%add3A_107, %dma_wait3A_188] : memref<10240x128xf32, #tpu.memory_space<vmem_shared>> -> memref<104x128xf32, #tpu.memory_space<vmem_shared>>
      %dma_wait3A_190 = arith.constant 0 : i32
      %dma_wait3A_191 = tpu.memref_slice %arg11[%add3A_107, %dma_wait3A_190] : memref<10240x128xf32, #tpu.memory_space<vmem_shared>> -> memref<104x128xf32, #tpu.memory_space<vmem_shared>>
      %dma_wait3A_192 = arith.constant 0 : i32
      %dma_wait3A_193 = arith.constant 0 : i32
      %dma_wait3A_194 = tpu.memref_slice %arg9[%run_scoped3A_108, %dma_wait3A_192, %dma_wait3A_193] : memref<2x104x128xf32, #tpu.memory_space<vmem>> -> memref<1x104x128xf32, #tpu.memory_space<vmem>>
      %dma_wait3A_195 = tpu.memref_squeeze %dma_wait3A_194 : memref<1x104x128xf32, #tpu.memory_space<vmem>> -> memref<104x128xf32, #tpu.memory_space<vmem>>
      tpu.wait_dma2 semaphore(%run_scoped3A_171 : memref<!tpu.dma_semaphore, #tpu.memory_space<semaphore_mem>>) src(%dma_wait3A_195 : memref<104x128xf32, #tpu.memory_space<vmem>>) dst(%dma_wait3A_191 : memref<104x128xf32, #tpu.memory_space<vmem_shared>>)
      tpu.yield
    }) : () -> ()
    %add3A_109 = arith.constant 520 : i32
    %add3A_110 = arith.addi %mul3A_94, %add3A_109 : i32
    %run_scoped3A_111 = arith.constant 0 : i32
    "tpu.region"() ({
      %run_scoped3A_171 = tpu.sem_alloc : memref<!tpu.dma_semaphore, #tpu.memory_space<semaphore_mem>>
      %dma_start3A_172 = arith.constant 0 : i32
      %dma_start3A_173 = arith.constant 0 : i32
      %dma_start3A_174 = tpu.memref_slice %arg9[%run_scoped3A_111, %dma_start3A_172, %dma_start3A_173] : memref<2x104x128xf32, #tpu.memory_space<vmem>> -> memref<1x104x128xf32, #tpu.memory_space<vmem>>
      %dma_start3A_175 = tpu.memref_squeeze %dma_start3A_174 : memref<1x104x128xf32, #tpu.memory_space<vmem>> -> memref<104x128xf32, #tpu.memory_space<vmem>>
      %dma_start3A_176 = arith.constant 0 : i32
      %dma_start3A_177 = tpu.memref_slice %arg11[%add3A_110, %dma_start3A_176] : memref<10240x128xf32, #tpu.memory_space<vmem_shared>> -> memref<104x128xf32, #tpu.memory_space<vmem_shared>>
      %dma_start3A_178 = arith.constant 0 : i32
      %dma_start3A_179 = tpu.memref_slice %arg11[%add3A_110, %dma_start3A_178] : memref<10240x128xf32, #tpu.memory_space<vmem_shared>> -> memref<104x128xf32, #tpu.memory_space<vmem_shared>>
      %dma_start3A_180 = arith.constant 0 : i32
      %dma_start3A_181 = arith.constant 0 : i32
      %dma_start3A_182 = tpu.memref_slice %arg9[%run_scoped3A_111, %dma_start3A_180, %dma_start3A_181] : memref<2x104x128xf32, #tpu.memory_space<vmem>> -> memref<1x104x128xf32, #tpu.memory_space<vmem>>
      %dma_start3A_183 = tpu.memref_squeeze %dma_start3A_182 : memref<1x104x128xf32, #tpu.memory_space<vmem>> -> memref<104x128xf32, #tpu.memory_space<vmem>>
      tpu.enqueue_dma source(%dma_start3A_183 : memref<104x128xf32, #tpu.memory_space<vmem>>) target(%dma_start3A_179 : memref<104x128xf32, #tpu.memory_space<vmem_shared>>) target_semaphore(%run_scoped3A_171 : memref<!tpu.dma_semaphore, #tpu.memory_space<semaphore_mem>>)
      %dma_wait3A_184 = arith.constant 0 : i32
      %dma_wait3A_185 = arith.constant 0 : i32
      %dma_wait3A_186 = tpu.memref_slice %arg9[%run_scoped3A_111, %dma_wait3A_184, %dma_wait3A_185] : memref<2x104x128xf32, #tpu.memory_space<vmem>> -> memref<1x104x128xf32, #tpu.memory_space<vmem>>
      %dma_wait3A_187 = tpu.memref_squeeze %dma_wait3A_186 : memref<1x104x128xf32, #tpu.memory_space<vmem>> -> memref<104x128xf32, #tpu.memory_space<vmem>>
      %dma_wait3A_188 = arith.constant 0 : i32
      %dma_wait3A_189 = tpu.memref_slice %arg11[%add3A_110, %dma_wait3A_188] : memref<10240x128xf32, #tpu.memory_space<vmem_shared>> -> memref<104x128xf32, #tpu.memory_space<vmem_shared>>
      %dma_wait3A_190 = arith.constant 0 : i32
      %dma_wait3A_191 = tpu.memref_slice %arg11[%add3A_110, %dma_wait3A_190] : memref<10240x128xf32, #tpu.memory_space<vmem_shared>> -> memref<104x128xf32, #tpu.memory_space<vmem_shared>>
      %dma_wait3A_192 = arith.constant 0 : i32
      %dma_wait3A_193 = arith.constant 0 : i32
      %dma_wait3A_194 = tpu.memref_slice %arg9[%run_scoped3A_111, %dma_wait3A_192, %dma_wait3A_193] : memref<2x104x128xf32, #tpu.memory_space<vmem>> -> memref<1x104x128xf32, #tpu.memory_space<vmem>>
      %dma_wait3A_195 = tpu.memref_squeeze %dma_wait3A_194 : memref<1x104x128xf32, #tpu.memory_space<vmem>> -> memref<104x128xf32, #tpu.memory_space<vmem>>
      tpu.wait_dma2 semaphore(%run_scoped3A_171 : memref<!tpu.dma_semaphore, #tpu.memory_space<semaphore_mem>>) src(%dma_wait3A_195 : memref<104x128xf32, #tpu.memory_space<vmem>>) dst(%dma_wait3A_191 : memref<104x128xf32, #tpu.memory_space<vmem_shared>>)
      tpu.yield
    }) : () -> ()
    %add3A_112 = arith.constant 624 : i32
    %add3A_113 = arith.addi %mul3A_94, %add3A_112 : i32
    "tpu.region"() ({
      %run_scoped3A_171 = tpu.sem_alloc : memref<!tpu.dma_semaphore, #tpu.memory_space<semaphore_mem>>
      %dma_start3A_172 = arith.constant 0 : i32
      %dma_start3A_173 = tpu.memref_slice %arg11[%add3A_113, %dma_start3A_172] : memref<10240x128xf32, #tpu.memory_space<vmem_shared>> -> memref<16x128xf32, #tpu.memory_space<vmem_shared>>
      %dma_start3A_174 = arith.constant 0 : i32
      %dma_start3A_175 = tpu.memref_slice %arg11[%add3A_113, %dma_start3A_174] : memref<10240x128xf32, #tpu.memory_space<vmem_shared>> -> memref<16x128xf32, #tpu.memory_space<vmem_shared>>
      tpu.enqueue_dma source(%arg10 : memref<16x128xf32, #tpu.memory_space<vmem>>) target(%dma_start3A_175 : memref<16x128xf32, #tpu.memory_space<vmem_shared>>) target_semaphore(%run_scoped3A_171 : memref<!tpu.dma_semaphore, #tpu.memory_space<semaphore_mem>>)
      %dma_wait3A_176 = arith.constant 0 : i32
      %dma_wait3A_177 = tpu.memref_slice %arg11[%add3A_113, %dma_wait3A_176] : memref<10240x128xf32, #tpu.memory_space<vmem_shared>> -> memref<16x128xf32, #tpu.memory_space<vmem_shared>>
      %dma_wait3A_178 = arith.constant 0 : i32
      %dma_wait3A_179 = tpu.memref_slice %arg11[%add3A_113, %dma_wait3A_178] : memref<10240x128xf32, #tpu.memory_space<vmem_shared>> -> memref<16x128xf32, #tpu.memory_space<vmem_shared>>
      tpu.wait_dma2 semaphore(%run_scoped3A_171 : memref<!tpu.dma_semaphore, #tpu.memory_space<semaphore_mem>>) src(%arg10 : memref<16x128xf32, #tpu.memory_space<vmem>>) dst(%dma_wait3A_179 : memref<16x128xf32, #tpu.memory_space<vmem_shared>>)
      tpu.yield
    }) : () -> ()
    %barrier3A = arith.constant 0 : index
    tpu.barrier barrier_id(%barrier3A)
    %dma_start3A = arith.constant 1 : i32
    %dma_start3A_114 = arith.constant 1 : i32
    %dma_start3A_115 = arith.constant 1 : i32
    %dma_start3A_116 = arith.constant 0 : i32
    %dma_start3A_117 = arith.constant 0 : i32
    %dma_start3A_118 = tpu.memref_slice %arg9[%dma_start3A, %dma_start3A_116, %dma_start3A_117] : memref<2x104x128xf32, #tpu.memory_space<vmem>> -> memref<1x104x128xf32, #tpu.memory_space<vmem>>
    %dma_start3A_119 = tpu.memref_squeeze %dma_start3A_118 : memref<1x104x128xf32, #tpu.memory_space<vmem>> -> memref<104x128xf32, #tpu.memory_space<vmem>>
    %dma_start3A_120 = arith.constant 0 : i32
    %dma_start3A_121 = tpu.memref_slice %arg6[%dma_start3A_114, %dma_start3A_115, %dma_start3A_120] : memref<2x2x104xi32, #tpu.memory_space<vmem>> -> memref<1x1x104xi32, #tpu.memory_space<vmem>>
    %dma_start3A_122 = tpu.memref_squeeze %dma_start3A_121 : memref<1x1x104xi32, #tpu.memory_space<vmem>> -> memref<104xi32, #tpu.memory_space<vmem>>
    %dma_start3A_123 = arith.constant 0 : i32
    %dma_start3A_124 = arith.constant 0 : i32
    %dma_start3A_125 = tpu.memref_slice %arg11[%dma_start3A_123, %dma_start3A_124] : memref<10240x128xf32, #tpu.memory_space<vmem_shared>> -> memref<10240x128xf32, #tpu.memory_space<vmem_shared>>
    tpu.enqueue_indirect_dma source(%dma_start3A_119 : memref<104x128xf32, #tpu.memory_space<vmem>>) target(%dma_start3A_125 : memref<10240x128xf32, #tpu.memory_space<vmem_shared>>) offsets(%dma_start3A_122 : memref<104xi32, #tpu.memory_space<vmem>>) semaphore(%arg13 : memref<!tpu.dma_semaphore, #tpu.memory_space<semaphore_mem>>) {add = true}
    %run_scoped3A_126 = arith.constant 0 : i32
    %run_scoped3A_127 = arith.constant 0 : i32
    "tpu.region"() ({
      %run_scoped3A_171 = tpu.sem_alloc : memref<!tpu.dma_semaphore, #tpu.memory_space<semaphore_mem>>
      %dma_start3A_172 = arith.constant 0 : i32
      %dma_start3A_173 = tpu.memref_slice %arg6[%run_scoped3A_126, %run_scoped3A_127, %dma_start3A_172] : memref<2x2x104xi32, #tpu.memory_space<vmem>> -> memref<1x1x104xi32, #tpu.memory_space<vmem>>
      %dma_start3A_174 = tpu.memref_squeeze %dma_start3A_173 : memref<1x1x104xi32, #tpu.memory_space<vmem>> -> memref<104xi32, #tpu.memory_space<vmem>>
      %dma_start3A_175 = tpu.memref_slice %arg3[%mul3A_2] : memref<320000xi32, #tpu.memory_space<hbm>> -> memref<104xi32, #tpu.memory_space<hbm>>
      %dma_start3A_176 = arith.constant 0 : i32
      %dma_start3A_177 = tpu.memref_slice %arg6[%run_scoped3A_126, %run_scoped3A_127, %dma_start3A_176] : memref<2x2x104xi32, #tpu.memory_space<vmem>> -> memref<1x1x104xi32, #tpu.memory_space<vmem>>
      %dma_start3A_178 = tpu.memref_squeeze %dma_start3A_177 : memref<1x1x104xi32, #tpu.memory_space<vmem>> -> memref<104xi32, #tpu.memory_space<vmem>>
      %dma_start3A_179 = tpu.memref_slice %arg3[%mul3A_2] : memref<320000xi32, #tpu.memory_space<hbm>> -> memref<104xi32, #tpu.memory_space<hbm>>
      tpu.enqueue_dma source(%dma_start3A_179 : memref<104xi32, #tpu.memory_space<hbm>>) target(%dma_start3A_178 : memref<104xi32, #tpu.memory_space<vmem>>) target_semaphore(%run_scoped3A_171 : memref<!tpu.dma_semaphore, #tpu.memory_space<semaphore_mem>>)
      %dma_wait3A_180 = arith.constant 0 : i32
      %dma_wait3A_181 = tpu.memref_slice %arg6[%run_scoped3A_126, %run_scoped3A_127, %dma_wait3A_180] : memref<2x2x104xi32, #tpu.memory_space<vmem>> -> memref<1x1x104xi32, #tpu.memory_space<vmem>>
      %dma_wait3A_182 = tpu.memref_squeeze %dma_wait3A_181 : memref<1x1x104xi32, #tpu.memory_space<vmem>> -> memref<104xi32, #tpu.memory_space<vmem>>
      %dma_wait3A_183 = tpu.memref_slice %arg3[%mul3A_2] : memref<320000xi32, #tpu.memory_space<hbm>> -> memref<104xi32, #tpu.memory_space<hbm>>
      %dma_wait3A_184 = arith.constant 0 : i32
      %dma_wait3A_185 = tpu.memref_slice %arg6[%run_scoped3A_126, %run_scoped3A_127, %dma_wait3A_184] : memref<2x2x104xi32, #tpu.memory_space<vmem>> -> memref<1x1x104xi32, #tpu.memory_space<vmem>>
      %dma_wait3A_186 = tpu.memref_squeeze %dma_wait3A_185 : memref<1x1x104xi32, #tpu.memory_space<vmem>> -> memref<104xi32, #tpu.memory_space<vmem>>
      %dma_wait3A_187 = tpu.memref_slice %arg3[%mul3A_2] : memref<320000xi32, #tpu.memory_space<hbm>> -> memref<104xi32, #tpu.memory_space<hbm>>
      tpu.wait_dma2 semaphore(%run_scoped3A_171 : memref<!tpu.dma_semaphore, #tpu.memory_space<semaphore_mem>>) src(%dma_wait3A_187 : memref<104xi32, #tpu.memory_space<hbm>>) dst(%dma_wait3A_186 : memref<104xi32, #tpu.memory_space<vmem>>)
      tpu.yield
    }) : () -> ()
    %run_scoped3A_128 = arith.constant 0 : i32
    %run_scoped3A_129 = arith.constant 1 : i32
    "tpu.region"() ({
      %run_scoped3A_171 = tpu.sem_alloc : memref<!tpu.dma_semaphore, #tpu.memory_space<semaphore_mem>>
      %dma_start3A_172 = arith.constant 0 : i32
      %dma_start3A_173 = tpu.memref_slice %arg6[%run_scoped3A_128, %run_scoped3A_129, %dma_start3A_172] : memref<2x2x104xi32, #tpu.memory_space<vmem>> -> memref<1x1x104xi32, #tpu.memory_space<vmem>>
      %dma_start3A_174 = tpu.memref_squeeze %dma_start3A_173 : memref<1x1x104xi32, #tpu.memory_space<vmem>> -> memref<104xi32, #tpu.memory_space<vmem>>
      %dma_start3A_175 = tpu.memref_slice %arg4[%mul3A_2] : memref<320000xi32, #tpu.memory_space<hbm>> -> memref<104xi32, #tpu.memory_space<hbm>>
      %dma_start3A_176 = arith.constant 0 : i32
      %dma_start3A_177 = tpu.memref_slice %arg6[%run_scoped3A_128, %run_scoped3A_129, %dma_start3A_176] : memref<2x2x104xi32, #tpu.memory_space<vmem>> -> memref<1x1x104xi32, #tpu.memory_space<vmem>>
      %dma_start3A_178 = tpu.memref_squeeze %dma_start3A_177 : memref<1x1x104xi32, #tpu.memory_space<vmem>> -> memref<104xi32, #tpu.memory_space<vmem>>
      %dma_start3A_179 = tpu.memref_slice %arg4[%mul3A_2] : memref<320000xi32, #tpu.memory_space<hbm>> -> memref<104xi32, #tpu.memory_space<hbm>>
      tpu.enqueue_dma source(%dma_start3A_179 : memref<104xi32, #tpu.memory_space<hbm>>) target(%dma_start3A_178 : memref<104xi32, #tpu.memory_space<vmem>>) target_semaphore(%run_scoped3A_171 : memref<!tpu.dma_semaphore, #tpu.memory_space<semaphore_mem>>)
      %dma_wait3A_180 = arith.constant 0 : i32
      %dma_wait3A_181 = tpu.memref_slice %arg6[%run_scoped3A_128, %run_scoped3A_129, %dma_wait3A_180] : memref<2x2x104xi32, #tpu.memory_space<vmem>> -> memref<1x1x104xi32, #tpu.memory_space<vmem>>
      %dma_wait3A_182 = tpu.memref_squeeze %dma_wait3A_181 : memref<1x1x104xi32, #tpu.memory_space<vmem>> -> memref<104xi32, #tpu.memory_space<vmem>>
      %dma_wait3A_183 = tpu.memref_slice %arg4[%mul3A_2] : memref<320000xi32, #tpu.memory_space<hbm>> -> memref<104xi32, #tpu.memory_space<hbm>>
      %dma_wait3A_184 = arith.constant 0 : i32
      %dma_wait3A_185 = tpu.memref_slice %arg6[%run_scoped3A_128, %run_scoped3A_129, %dma_wait3A_184] : memref<2x2x104xi32, #tpu.memory_space<vmem>> -> memref<1x1x104xi32, #tpu.memory_space<vmem>>
      %dma_wait3A_186 = tpu.memref_squeeze %dma_wait3A_185 : memref<1x1x104xi32, #tpu.memory_space<vmem>> -> memref<104xi32, #tpu.memory_space<vmem>>
      %dma_wait3A_187 = tpu.memref_slice %arg4[%mul3A_2] : memref<320000xi32, #tpu.memory_space<hbm>> -> memref<104xi32, #tpu.memory_space<hbm>>
      tpu.wait_dma2 semaphore(%run_scoped3A_171 : memref<!tpu.dma_semaphore, #tpu.memory_space<semaphore_mem>>) src(%dma_wait3A_187 : memref<104xi32, #tpu.memory_space<hbm>>) dst(%dma_wait3A_186 : memref<104xi32, #tpu.memory_space<vmem>>)
      tpu.yield
    }) : () -> ()
    %dma_start3A_130 = arith.constant 0 : i32
    %dma_start3A_131 = arith.constant 0 : i32
    %dma_start3A_132 = arith.constant 0 : i32
    %dma_start3A_133 = arith.constant 0 : i32
    %dma_start3A_134 = arith.constant 0 : i32
    %dma_start3A_135 = tpu.memref_slice %arg9[%dma_start3A_132, %dma_start3A_133, %dma_start3A_134] : memref<2x104x128xf32, #tpu.memory_space<vmem>> -> memref<1x104x128xf32, #tpu.memory_space<vmem>>
    %dma_start3A_136 = tpu.memref_squeeze %dma_start3A_135 : memref<1x104x128xf32, #tpu.memory_space<vmem>> -> memref<104x128xf32, #tpu.memory_space<vmem>>
    %dma_start3A_137 = arith.constant 0 : i32
    %dma_start3A_138 = tpu.memref_slice %arg6[%dma_start3A_130, %dma_start3A_131, %dma_start3A_137] : memref<2x2x104xi32, #tpu.memory_space<vmem>> -> memref<1x1x104xi32, #tpu.memory_space<vmem>>
    %dma_start3A_139 = tpu.memref_squeeze %dma_start3A_138 : memref<1x1x104xi32, #tpu.memory_space<vmem>> -> memref<104xi32, #tpu.memory_space<vmem>>
    %dma_start3A_140 = arith.constant 0 : i32
    %dma_start3A_141 = arith.constant 0 : i32
    %dma_start3A_142 = tpu.memref_slice %arg2[%dma_start3A_140, %dma_start3A_141] : memref<10000x128xf32, #tpu.memory_space<hbm>> -> memref<10000x128xf32, #tpu.memory_space<hbm>>
    tpu.enqueue_indirect_dma source(%dma_start3A_142 : memref<10000x128xf32, #tpu.memory_space<hbm>>) target(%dma_start3A_136 : memref<104x128xf32, #tpu.memory_space<vmem>>) offsets(%dma_start3A_139 : memref<104xi32, #tpu.memory_space<vmem>>) semaphore(%arg12 : memref<!tpu.dma_semaphore, #tpu.memory_space<semaphore_mem>>)
    %scan3A_143 = arith.constant 0 : i32
    %scan3A_144 = arith.constant 0 : i32
    %scan3A_145 = arith.constant 48 : i32
    %scan3A_146 = arith.addi %scan3A_144, %scan3A_145 : i32
    %scan3A_147 = arith.constant 1 : i32
    %scan3A_148 = scf.for %scan3A_171 = %scan3A_144 to %scan3A_146 step %scan3A_147 iter_args(%scan3A_172 = %scan3A_143) -> (i32)  : i32 {
      %mul3A_173 = arith.constant 2 : i32
      %mul3A_174 = arith.muli %mul3A_173, %scan3A_171 : i32
      %add3A_175 = arith.constant 0 : i32
      %add3A_176 = arith.addi %mul3A_174, %add3A_175 : i32
      %dma_wait3A_177 = arith.constant 1 : i32
      %dma_wait3A_178 = arith.constant 1 : i32
      %dma_wait3A_179 = arith.constant 1 : i32
      %dma_wait3A_180 = arith.constant 0 : i32
      %dma_wait3A_181 = arith.constant 0 : i32
      %dma_wait3A_182 = tpu.memref_slice %arg9[%dma_wait3A_177, %dma_wait3A_180, %dma_wait3A_181] : memref<2x104x128xf32, #tpu.memory_space<vmem>> -> memref<1x104x128xf32, #tpu.memory_space<vmem>>
      %dma_wait3A_183 = tpu.memref_squeeze %dma_wait3A_182 : memref<1x104x128xf32, #tpu.memory_space<vmem>> -> memref<104x128xf32, #tpu.memory_space<vmem>>
      %dma_wait3A_184 = arith.constant 0 : i32
      %dma_wait3A_185 = tpu.memref_slice %arg6[%dma_wait3A_178, %dma_wait3A_179, %dma_wait3A_184] : memref<2x2x104xi32, #tpu.memory_space<vmem>> -> memref<1x1x104xi32, #tpu.memory_space<vmem>>
      %dma_wait3A_186 = tpu.memref_squeeze %dma_wait3A_185 : memref<1x1x104xi32, #tpu.memory_space<vmem>> -> memref<104xi32, #tpu.memory_space<vmem>>
      %dma_wait3A_187 = arith.constant 0 : i32
      %dma_wait3A_188 = arith.constant 0 : i32
      %dma_wait3A_189 = tpu.memref_slice %arg11[%dma_wait3A_187, %dma_wait3A_188] : memref<10240x128xf32, #tpu.memory_space<vmem_shared>> -> memref<10240x128xf32, #tpu.memory_space<vmem_shared>>
      tpu.wait_indirect_dma semaphore(%arg13 : memref<!tpu.dma_semaphore, #tpu.memory_space<semaphore_mem>>) src(%dma_wait3A_183 : memref<104x128xf32, #tpu.memory_space<vmem>>) dst(%dma_wait3A_189 : memref<10240x128xf32, #tpu.memory_space<vmem_shared>>)
      %lt3A = arith.constant 95 : i32
      %lt3A_190 = arith.cmpi slt, %add3A_176, %lt3A : i32
      %convert_element_type3A = arith.extui %lt3A_190 : i1 to i32
      %cond3A = arith.constant 0 : i32
      %cond3A_191 = arith.cmpi ne, %convert_element_type3A, %cond3A : i32
      scf.if %cond3A_191 {
        %add3A_277 = arith.constant 1 : i32
        %add3A_278 = arith.addi %add3A_176, %add3A_277 : i32
        %mul3A_279 = arith.constant 104 : i32
        %mul3A_280 = arith.muli %add3A_278, %mul3A_279 : i32
        %add3A_281 = arith.addi %mul3A_2, %mul3A_280 : i32
        %dma_start3A_282 = arith.constant 1 : i32
        %dma_start3A_283 = arith.constant 0 : i32
        %dma_start3A_284 = arith.constant 0 : i32
        %dma_start3A_285 = tpu.memref_slice %arg6[%dma_start3A_282, %dma_start3A_283, %dma_start3A_284] : memref<2x2x104xi32, #tpu.memory_space<vmem>> -> memref<1x1x104xi32, #tpu.memory_space<vmem>>
        %dma_start3A_286 = tpu.memref_squeeze %dma_start3A_285 : memref<1x1x104xi32, #tpu.memory_space<vmem>> -> memref<104xi32, #tpu.memory_space<vmem>>
        %dma_start3A_287 = tpu.memref_slice %arg3[%add3A_281] : memref<320000xi32, #tpu.memory_space<hbm>> -> memref<104xi32, #tpu.memory_space<hbm>>
        %dma_start3A_288 = arith.constant 0 : i32
        %dma_start3A_289 = tpu.memref_slice %arg6[%dma_start3A_282, %dma_start3A_283, %dma_start3A_288] : memref<2x2x104xi32, #tpu.memory_space<vmem>> -> memref<1x1x104xi32, #tpu.memory_space<vmem>>
        %dma_start3A_290 = tpu.memref_squeeze %dma_start3A_289 : memref<1x1x104xi32, #tpu.memory_space<vmem>> -> memref<104xi32, #tpu.memory_space<vmem>>
        %dma_start3A_291 = tpu.memref_slice %arg3[%add3A_281] : memref<320000xi32, #tpu.memory_space<hbm>> -> memref<104xi32, #tpu.memory_space<hbm>>
        tpu.enqueue_dma source(%dma_start3A_291 : memref<104xi32, #tpu.memory_space<hbm>>) target(%dma_start3A_290 : memref<104xi32, #tpu.memory_space<vmem>>) target_semaphore(%arg14 : memref<!tpu.dma_semaphore, #tpu.memory_space<semaphore_mem>>)
        %dma_start3A_292 = arith.constant 1 : i32
        %dma_start3A_293 = arith.constant 1 : i32
        %dma_start3A_294 = arith.constant 0 : i32
        %dma_start3A_295 = tpu.memref_slice %arg6[%dma_start3A_292, %dma_start3A_293, %dma_start3A_294] : memref<2x2x104xi32, #tpu.memory_space<vmem>> -> memref<1x1x104xi32, #tpu.memory_space<vmem>>
        %dma_start3A_296 = tpu.memref_squeeze %dma_start3A_295 : memref<1x1x104xi32, #tpu.memory_space<vmem>> -> memref<104xi32, #tpu.memory_space<vmem>>
        %dma_start3A_297 = tpu.memref_slice %arg4[%add3A_281] : memref<320000xi32, #tpu.memory_space<hbm>> -> memref<104xi32, #tpu.memory_space<hbm>>
        %dma_start3A_298 = arith.constant 0 : i32
        %dma_start3A_299 = tpu.memref_slice %arg6[%dma_start3A_292, %dma_start3A_293, %dma_start3A_298] : memref<2x2x104xi32, #tpu.memory_space<vmem>> -> memref<1x1x104xi32, #tpu.memory_space<vmem>>
        %dma_start3A_300 = tpu.memref_squeeze %dma_start3A_299 : memref<1x1x104xi32, #tpu.memory_space<vmem>> -> memref<104xi32, #tpu.memory_space<vmem>>
        %dma_start3A_301 = tpu.memref_slice %arg4[%add3A_281] : memref<320000xi32, #tpu.memory_space<hbm>> -> memref<104xi32, #tpu.memory_space<hbm>>
        tpu.enqueue_dma source(%dma_start3A_301 : memref<104xi32, #tpu.memory_space<hbm>>) target(%dma_start3A_300 : memref<104xi32, #tpu.memory_space<vmem>>) target_semaphore(%arg14 : memref<!tpu.dma_semaphore, #tpu.memory_space<semaphore_mem>>)
      } else {
      }
      %dma_wait3A_192 = arith.constant 0 : i32
      %dma_wait3A_193 = arith.constant 0 : i32
      %dma_wait3A_194 = arith.constant 0 : i32
      %dma_wait3A_195 = arith.constant 0 : i32
      %dma_wait3A_196 = arith.constant 0 : i32
      %dma_wait3A_197 = tpu.memref_slice %arg9[%dma_wait3A_194, %dma_wait3A_195, %dma_wait3A_196] : memref<2x104x128xf32, #tpu.memory_space<vmem>> -> memref<1x104x128xf32, #tpu.memory_space<vmem>>
      %dma_wait3A_198 = tpu.memref_squeeze %dma_wait3A_197 : memref<1x104x128xf32, #tpu.memory_space<vmem>> -> memref<104x128xf32, #tpu.memory_space<vmem>>
      %dma_wait3A_199 = arith.constant 0 : i32
      %dma_wait3A_200 = tpu.memref_slice %arg6[%dma_wait3A_192, %dma_wait3A_193, %dma_wait3A_199] : memref<2x2x104xi32, #tpu.memory_space<vmem>> -> memref<1x1x104xi32, #tpu.memory_space<vmem>>
      %dma_wait3A_201 = tpu.memref_squeeze %dma_wait3A_200 : memref<1x1x104xi32, #tpu.memory_space<vmem>> -> memref<104xi32, #tpu.memory_space<vmem>>
      %dma_wait3A_202 = arith.constant 0 : i32
      %dma_wait3A_203 = arith.constant 0 : i32
      %dma_wait3A_204 = tpu.memref_slice %arg2[%dma_wait3A_202, %dma_wait3A_203] : memref<10000x128xf32, #tpu.memory_space<hbm>> -> memref<10000x128xf32, #tpu.memory_space<hbm>>
      tpu.wait_indirect_dma semaphore(%arg12 : memref<!tpu.dma_semaphore, #tpu.memory_space<semaphore_mem>>) src(%dma_wait3A_204 : memref<10000x128xf32, #tpu.memory_space<hbm>>) dst(%dma_wait3A_198 : memref<104x128xf32, #tpu.memory_space<vmem>>)
      %dma_start3A_205 = arith.constant 0 : i32
      %dma_start3A_206 = arith.constant 0 : i32
      %dma_start3A_207 = arith.constant 1 : i32
      %dma_start3A_208 = arith.constant 0 : i32
      %dma_start3A_209 = arith.constant 0 : i32
      %dma_start3A_210 = tpu.memref_slice %arg9[%dma_start3A_205, %dma_start3A_208, %dma_start3A_209] : memref<2x104x128xf32, #tpu.memory_space<vmem>> -> memref<1x104x128xf32, #tpu.memory_space<vmem>>
      %dma_start3A_211 = tpu.memref_squeeze %dma_start3A_210 : memref<1x104x128xf32, #tpu.memory_space<vmem>> -> memref<104x128xf32, #tpu.memory_space<vmem>>
      %dma_start3A_212 = arith.constant 0 : i32
      %dma_start3A_213 = tpu.memref_slice %arg6[%dma_start3A_206, %dma_start3A_207, %dma_start3A_212] : memref<2x2x104xi32, #tpu.memory_space<vmem>> -> memref<1x1x104xi32, #tpu.memory_space<vmem>>
      %dma_start3A_214 = tpu.memref_squeeze %dma_start3A_213 : memref<1x1x104xi32, #tpu.memory_space<vmem>> -> memref<104xi32, #tpu.memory_space<vmem>>
      %dma_start3A_215 = arith.constant 0 : i32
      %dma_start3A_216 = arith.constant 0 : i32
      %dma_start3A_217 = tpu.memref_slice %arg11[%dma_start3A_215, %dma_start3A_216] : memref<10240x128xf32, #tpu.memory_space<vmem_shared>> -> memref<10240x128xf32, #tpu.memory_space<vmem_shared>>
      tpu.enqueue_indirect_dma source(%dma_start3A_211 : memref<104x128xf32, #tpu.memory_space<vmem>>) target(%dma_start3A_217 : memref<10240x128xf32, #tpu.memory_space<vmem_shared>>) offsets(%dma_start3A_214 : memref<104xi32, #tpu.memory_space<vmem>>) semaphore(%arg13 : memref<!tpu.dma_semaphore, #tpu.memory_space<semaphore_mem>>) {add = true}
      %lt3A_218 = arith.constant 95 : i32
      %lt3A_219 = arith.cmpi slt, %add3A_176, %lt3A_218 : i32
      %convert_element_type3A_220 = arith.extui %lt3A_219 : i1 to i32
      %cond3A_221 = arith.constant 0 : i32
      %cond3A_222 = arith.cmpi ne, %convert_element_type3A_220, %cond3A_221 : i32
      scf.if %cond3A_222 {
        %add3A_277 = arith.constant 1 : i32
        %add3A_278 = arith.addi %add3A_176, %add3A_277 : i32
        %mul3A_279 = arith.constant 104 : i32
        %mul3A_280 = arith.muli %add3A_278, %mul3A_279 : i32
        %add3A_281 = arith.addi %mul3A_2, %mul3A_280 : i32
        %dma_wait3A_282 = arith.constant 1 : i32
        %dma_wait3A_283 = arith.constant 0 : i32
        %dma_wait3A_284 = arith.constant 0 : i32
        %dma_wait3A_285 = tpu.memref_slice %arg6[%dma_wait3A_282, %dma_wait3A_283, %dma_wait3A_284] : memref<2x2x104xi32, #tpu.memory_space<vmem>> -> memref<1x1x104xi32, #tpu.memory_space<vmem>>
        %dma_wait3A_286 = tpu.memref_squeeze %dma_wait3A_285 : memref<1x1x104xi32, #tpu.memory_space<vmem>> -> memref<104xi32, #tpu.memory_space<vmem>>
        %dma_wait3A_287 = tpu.memref_slice %arg3[%add3A_281] : memref<320000xi32, #tpu.memory_space<hbm>> -> memref<104xi32, #tpu.memory_space<hbm>>
        %dma_wait3A_288 = arith.constant 0 : i32
        %dma_wait3A_289 = tpu.memref_slice %arg6[%dma_wait3A_282, %dma_wait3A_283, %dma_wait3A_288] : memref<2x2x104xi32, #tpu.memory_space<vmem>> -> memref<1x1x104xi32, #tpu.memory_space<vmem>>
        %dma_wait3A_290 = tpu.memref_squeeze %dma_wait3A_289 : memref<1x1x104xi32, #tpu.memory_space<vmem>> -> memref<104xi32, #tpu.memory_space<vmem>>
        %dma_wait3A_291 = tpu.memref_slice %arg3[%add3A_281] : memref<320000xi32, #tpu.memory_space<hbm>> -> memref<104xi32, #tpu.memory_space<hbm>>
        tpu.wait_dma2 semaphore(%arg14 : memref<!tpu.dma_semaphore, #tpu.memory_space<semaphore_mem>>) src(%dma_wait3A_291 : memref<104xi32, #tpu.memory_space<hbm>>) dst(%dma_wait3A_290 : memref<104xi32, #tpu.memory_space<vmem>>)
        %dma_wait3A_292 = arith.constant 1 : i32
        %dma_wait3A_293 = arith.constant 1 : i32
        %dma_wait3A_294 = arith.constant 0 : i32
        %dma_wait3A_295 = tpu.memref_slice %arg6[%dma_wait3A_292, %dma_wait3A_293, %dma_wait3A_294] : memref<2x2x104xi32, #tpu.memory_space<vmem>> -> memref<1x1x104xi32, #tpu.memory_space<vmem>>
        %dma_wait3A_296 = tpu.memref_squeeze %dma_wait3A_295 : memref<1x1x104xi32, #tpu.memory_space<vmem>> -> memref<104xi32, #tpu.memory_space<vmem>>
        %dma_wait3A_297 = tpu.memref_slice %arg4[%add3A_281] : memref<320000xi32, #tpu.memory_space<hbm>> -> memref<104xi32, #tpu.memory_space<hbm>>
        %dma_wait3A_298 = arith.constant 0 : i32
        %dma_wait3A_299 = tpu.memref_slice %arg6[%dma_wait3A_292, %dma_wait3A_293, %dma_wait3A_298] : memref<2x2x104xi32, #tpu.memory_space<vmem>> -> memref<1x1x104xi32, #tpu.memory_space<vmem>>
        %dma_wait3A_300 = tpu.memref_squeeze %dma_wait3A_299 : memref<1x1x104xi32, #tpu.memory_space<vmem>> -> memref<104xi32, #tpu.memory_space<vmem>>
        %dma_wait3A_301 = tpu.memref_slice %arg4[%add3A_281] : memref<320000xi32, #tpu.memory_space<hbm>> -> memref<104xi32, #tpu.memory_space<hbm>>
        tpu.wait_dma2 semaphore(%arg14 : memref<!tpu.dma_semaphore, #tpu.memory_space<semaphore_mem>>) src(%dma_wait3A_301 : memref<104xi32, #tpu.memory_space<hbm>>) dst(%dma_wait3A_300 : memref<104xi32, #tpu.memory_space<vmem>>)
        %dma_start3A_302 = arith.constant 1 : i32
        %dma_start3A_303 = arith.constant 0 : i32
        %dma_start3A_304 = arith.constant 1 : i32
        %dma_start3A_305 = arith.constant 0 : i32
        %dma_start3A_306 = arith.constant 0 : i32
        %dma_start3A_307 = tpu.memref_slice %arg9[%dma_start3A_304, %dma_start3A_305, %dma_start3A_306] : memref<2x104x128xf32, #tpu.memory_space<vmem>> -> memref<1x104x128xf32, #tpu.memory_space<vmem>>
        %dma_start3A_308 = tpu.memref_squeeze %dma_start3A_307 : memref<1x104x128xf32, #tpu.memory_space<vmem>> -> memref<104x128xf32, #tpu.memory_space<vmem>>
        %dma_start3A_309 = arith.constant 0 : i32
        %dma_start3A_310 = tpu.memref_slice %arg6[%dma_start3A_302, %dma_start3A_303, %dma_start3A_309] : memref<2x2x104xi32, #tpu.memory_space<vmem>> -> memref<1x1x104xi32, #tpu.memory_space<vmem>>
        %dma_start3A_311 = tpu.memref_squeeze %dma_start3A_310 : memref<1x1x104xi32, #tpu.memory_space<vmem>> -> memref<104xi32, #tpu.memory_space<vmem>>
        %dma_start3A_312 = arith.constant 0 : i32
        %dma_start3A_313 = arith.constant 0 : i32
        %dma_start3A_314 = tpu.memref_slice %arg2[%dma_start3A_312, %dma_start3A_313] : memref<10000x128xf32, #tpu.memory_space<hbm>> -> memref<10000x128xf32, #tpu.memory_space<hbm>>
        tpu.enqueue_indirect_dma source(%dma_start3A_314 : memref<10000x128xf32, #tpu.memory_space<hbm>>) target(%dma_start3A_308 : memref<104x128xf32, #tpu.memory_space<vmem>>) offsets(%dma_start3A_311 : memref<104xi32, #tpu.memory_space<vmem>>) semaphore(%arg12 : memref<!tpu.dma_semaphore, #tpu.memory_space<semaphore_mem>>)
      } else {
      }
      %mul3A_223 = arith.constant 2 : i32
      %mul3A_224 = arith.muli %mul3A_223, %scan3A_171 : i32
      %add3A_225 = arith.constant 1 : i32
      %add3A_226 = arith.addi %mul3A_224, %add3A_225 : i32
      %dma_wait3A_227 = arith.constant 0 : i32
      %dma_wait3A_228 = arith.constant 0 : i32
      %dma_wait3A_229 = arith.constant 1 : i32
      %dma_wait3A_230 = arith.constant 0 : i32
      %dma_wait3A_231 = arith.constant 0 : i32
      %dma_wait3A_232 = tpu.memref_slice %arg9[%dma_wait3A_227, %dma_wait3A_230, %dma_wait3A_231] : memref<2x104x128xf32, #tpu.memory_space<vmem>> -> memref<1x104x128xf32, #tpu.memory_space<vmem>>
      %dma_wait3A_233 = tpu.memref_squeeze %dma_wait3A_232 : memref<1x104x128xf32, #tpu.memory_space<vmem>> -> memref<104x128xf32, #tpu.memory_space<vmem>>
      %dma_wait3A_234 = arith.constant 0 : i32
      %dma_wait3A_235 = tpu.memref_slice %arg6[%dma_wait3A_228, %dma_wait3A_229, %dma_wait3A_234] : memref<2x2x104xi32, #tpu.memory_space<vmem>> -> memref<1x1x104xi32, #tpu.memory_space<vmem>>
      %dma_wait3A_236 = tpu.memref_squeeze %dma_wait3A_235 : memref<1x1x104xi32, #tpu.memory_space<vmem>> -> memref<104xi32, #tpu.memory_space<vmem>>
      %dma_wait3A_237 = arith.constant 0 : i32
      %dma_wait3A_238 = arith.constant 0 : i32
      %dma_wait3A_239 = tpu.memref_slice %arg11[%dma_wait3A_237, %dma_wait3A_238] : memref<10240x128xf32, #tpu.memory_space<vmem_shared>> -> memref<10240x128xf32, #tpu.memory_space<vmem_shared>>
      tpu.wait_indirect_dma semaphore(%arg13 : memref<!tpu.dma_semaphore, #tpu.memory_space<semaphore_mem>>) src(%dma_wait3A_233 : memref<104x128xf32, #tpu.memory_space<vmem>>) dst(%dma_wait3A_239 : memref<10240x128xf32, #tpu.memory_space<vmem_shared>>)
      %lt3A_240 = arith.constant 95 : i32
      %lt3A_241 = arith.cmpi slt, %add3A_226, %lt3A_240 : i32
      %convert_element_type3A_242 = arith.extui %lt3A_241 : i1 to i32
      %cond3A_243 = arith.constant 0 : i32
      %cond3A_244 = arith.cmpi ne, %convert_element_type3A_242, %cond3A_243 : i32
      scf.if %cond3A_244 {
        %add3A_277 = arith.constant 1 : i32
        %add3A_278 = arith.addi %add3A_226, %add3A_277 : i32
        %mul3A_279 = arith.constant 104 : i32
        %mul3A_280 = arith.muli %add3A_278, %mul3A_279 : i32
        %add3A_281 = arith.addi %mul3A_2, %mul3A_280 : i32
        %dma_start3A_282 = arith.constant 0 : i32
        %dma_start3A_283 = arith.constant 0 : i32
        %dma_start3A_284 = arith.constant 0 : i32
        %dma_start3A_285 = tpu.memref_slice %arg6[%dma_start3A_282, %dma_start3A_283, %dma_start3A_284] : memref<2x2x104xi32, #tpu.memory_space<vmem>> -> memref<1x1x104xi32, #tpu.memory_space<vmem>>
        %dma_start3A_286 = tpu.memref_squeeze %dma_start3A_285 : memref<1x1x104xi32, #tpu.memory_space<vmem>> -> memref<104xi32, #tpu.memory_space<vmem>>
        %dma_start3A_287 = tpu.memref_slice %arg3[%add3A_281] : memref<320000xi32, #tpu.memory_space<hbm>> -> memref<104xi32, #tpu.memory_space<hbm>>
        %dma_start3A_288 = arith.constant 0 : i32
        %dma_start3A_289 = tpu.memref_slice %arg6[%dma_start3A_282, %dma_start3A_283, %dma_start3A_288] : memref<2x2x104xi32, #tpu.memory_space<vmem>> -> memref<1x1x104xi32, #tpu.memory_space<vmem>>
        %dma_start3A_290 = tpu.memref_squeeze %dma_start3A_289 : memref<1x1x104xi32, #tpu.memory_space<vmem>> -> memref<104xi32, #tpu.memory_space<vmem>>
        %dma_start3A_291 = tpu.memref_slice %arg3[%add3A_281] : memref<320000xi32, #tpu.memory_space<hbm>> -> memref<104xi32, #tpu.memory_space<hbm>>
        tpu.enqueue_dma source(%dma_start3A_291 : memref<104xi32, #tpu.memory_space<hbm>>) target(%dma_start3A_290 : memref<104xi32, #tpu.memory_space<vmem>>) target_semaphore(%arg14 : memref<!tpu.dma_semaphore, #tpu.memory_space<semaphore_mem>>)
        %dma_start3A_292 = arith.constant 0 : i32
        %dma_start3A_293 = arith.constant 1 : i32
        %dma_start3A_294 = arith.constant 0 : i32
        %dma_start3A_295 = tpu.memref_slice %arg6[%dma_start3A_292, %dma_start3A_293, %dma_start3A_294] : memref<2x2x104xi32, #tpu.memory_space<vmem>> -> memref<1x1x104xi32, #tpu.memory_space<vmem>>
        %dma_start3A_296 = tpu.memref_squeeze %dma_start3A_295 : memref<1x1x104xi32, #tpu.memory_space<vmem>> -> memref<104xi32, #tpu.memory_space<vmem>>
        %dma_start3A_297 = tpu.memref_slice %arg4[%add3A_281] : memref<320000xi32, #tpu.memory_space<hbm>> -> memref<104xi32, #tpu.memory_space<hbm>>
        %dma_start3A_298 = arith.constant 0 : i32
        %dma_start3A_299 = tpu.memref_slice %arg6[%dma_start3A_292, %dma_start3A_293, %dma_start3A_298] : memref<2x2x104xi32, #tpu.memory_space<vmem>> -> memref<1x1x104xi32, #tpu.memory_space<vmem>>
        %dma_start3A_300 = tpu.memref_squeeze %dma_start3A_299 : memref<1x1x104xi32, #tpu.memory_space<vmem>> -> memref<104xi32, #tpu.memory_space<vmem>>
        %dma_start3A_301 = tpu.memref_slice %arg4[%add3A_281] : memref<320000xi32, #tpu.memory_space<hbm>> -> memref<104xi32, #tpu.memory_space<hbm>>
        tpu.enqueue_dma source(%dma_start3A_301 : memref<104xi32, #tpu.memory_space<hbm>>) target(%dma_start3A_300 : memref<104xi32, #tpu.memory_space<vmem>>) target_semaphore(%arg14 : memref<!tpu.dma_semaphore, #tpu.memory_space<semaphore_mem>>)
      } else {
      }
      %dma_wait3A_245 = arith.constant 1 : i32
      %dma_wait3A_246 = arith.constant 0 : i32
      %dma_wait3A_247 = arith.constant 1 : i32
      %dma_wait3A_248 = arith.constant 0 : i32
      %dma_wait3A_249 = arith.constant 0 : i32
      %dma_wait3A_250 = tpu.memref_slice %arg9[%dma_wait3A_247, %dma_wait3A_248, %dma_wait3A_249] : memref<2x104x128xf32, #tpu.memory_space<vmem>> -> memref<1x104x128xf32, #tpu.memory_space<vmem>>
      %dma_wait3A_251 = tpu.memref_squeeze %dma_wait3A_250 : memref<1x104x128xf32, #tpu.memory_space<vmem>> -> memref<104x128xf32, #tpu.memory_space<vmem>>
      %dma_wait3A_252 = arith.constant 0 : i32
      %dma_wait3A_253 = tpu.memref_slice %arg6[%dma_wait3A_245, %dma_wait3A_246, %dma_wait3A_252] : memref<2x2x104xi32, #tpu.memory_space<vmem>> -> memref<1x1x104xi32, #tpu.memory_space<vmem>>
      %dma_wait3A_254 = tpu.memref_squeeze %dma_wait3A_253 : memref<1x1x104xi32, #tpu.memory_space<vmem>> -> memref<104xi32, #tpu.memory_space<vmem>>
      %dma_wait3A_255 = arith.constant 0 : i32
      %dma_wait3A_256 = arith.constant 0 : i32
      %dma_wait3A_257 = tpu.memref_slice %arg2[%dma_wait3A_255, %dma_wait3A_256] : memref<10000x128xf32, #tpu.memory_space<hbm>> -> memref<10000x128xf32, #tpu.memory_space<hbm>>
      tpu.wait_indirect_dma semaphore(%arg12 : memref<!tpu.dma_semaphore, #tpu.memory_space<semaphore_mem>>) src(%dma_wait3A_257 : memref<10000x128xf32, #tpu.memory_space<hbm>>) dst(%dma_wait3A_251 : memref<104x128xf32, #tpu.memory_space<vmem>>)
      %dma_start3A_258 = arith.constant 1 : i32
      %dma_start3A_259 = arith.constant 1 : i32
      %dma_start3A_260 = arith.constant 1 : i32
      %dma_start3A_261 = arith.constant 0 : i32
      %dma_start3A_262 = arith.constant 0 : i32
      %dma_start3A_263 = tpu.memref_slice %arg9[%dma_start3A_258, %dma_start3A_261, %dma_start3A_262] : memref<2x104x128xf32, #tpu.memory_space<vmem>> -> memref<1x104x128xf32, #tpu.memory_space<vmem>>
      %dma_start3A_264 = tpu.memref_squeeze %dma_start3A_263 : memref<1x104x128xf32, #tpu.memory_space<vmem>> -> memref<104x128xf32, #tpu.memory_space<vmem>>
      %dma_start3A_265 = arith.constant 0 : i32
      %dma_start3A_266 = tpu.memref_slice %arg6[%dma_start3A_259, %dma_start3A_260, %dma_start3A_265] : memref<2x2x104xi32, #tpu.memory_space<vmem>> -> memref<1x1x104xi32, #tpu.memory_space<vmem>>
      %dma_start3A_267 = tpu.memref_squeeze %dma_start3A_266 : memref<1x1x104xi32, #tpu.memory_space<vmem>> -> memref<104xi32, #tpu.memory_space<vmem>>
      %dma_start3A_268 = arith.constant 0 : i32
      %dma_start3A_269 = arith.constant 0 : i32
      %dma_start3A_270 = tpu.memref_slice %arg11[%dma_start3A_268, %dma_start3A_269] : memref<10240x128xf32, #tpu.memory_space<vmem_shared>> -> memref<10240x128xf32, #tpu.memory_space<vmem_shared>>
      tpu.enqueue_indirect_dma source(%dma_start3A_264 : memref<104x128xf32, #tpu.memory_space<vmem>>) target(%dma_start3A_270 : memref<10240x128xf32, #tpu.memory_space<vmem_shared>>) offsets(%dma_start3A_267 : memref<104xi32, #tpu.memory_space<vmem>>) semaphore(%arg13 : memref<!tpu.dma_semaphore, #tpu.memory_space<semaphore_mem>>) {add = true}
      %lt3A_271 = arith.constant 95 : i32
      %lt3A_272 = arith.cmpi slt, %add3A_226, %lt3A_271 : i32
      %convert_element_type3A_273 = arith.extui %lt3A_272 : i1 to i32
      %cond3A_274 = arith.constant 0 : i32
      %cond3A_275 = arith.cmpi ne, %convert_element_type3A_273, %cond3A_274 : i32
      scf.if %cond3A_275 {
        %add3A_277 = arith.constant 1 : i32
        %add3A_278 = arith.addi %add3A_226, %add3A_277 : i32
        %mul3A_279 = arith.constant 104 : i32
        %mul3A_280 = arith.muli %add3A_278, %mul3A_279 : i32
        %add3A_281 = arith.addi %mul3A_2, %mul3A_280 : i32
        %dma_wait3A_282 = arith.constant 0 : i32
        %dma_wait3A_283 = arith.constant 0 : i32
        %dma_wait3A_284 = arith.constant 0 : i32
        %dma_wait3A_285 = tpu.memref_slice %arg6[%dma_wait3A_282, %dma_wait3A_283, %dma_wait3A_284] : memref<2x2x104xi32, #tpu.memory_space<vmem>> -> memref<1x1x104xi32, #tpu.memory_space<vmem>>
        %dma_wait3A_286 = tpu.memref_squeeze %dma_wait3A_285 : memref<1x1x104xi32, #tpu.memory_space<vmem>> -> memref<104xi32, #tpu.memory_space<vmem>>
        %dma_wait3A_287 = tpu.memref_slice %arg3[%add3A_281] : memref<320000xi32, #tpu.memory_space<hbm>> -> memref<104xi32, #tpu.memory_space<hbm>>
        %dma_wait3A_288 = arith.constant 0 : i32
        %dma_wait3A_289 = tpu.memref_slice %arg6[%dma_wait3A_282, %dma_wait3A_283, %dma_wait3A_288] : memref<2x2x104xi32, #tpu.memory_space<vmem>> -> memref<1x1x104xi32, #tpu.memory_space<vmem>>
        %dma_wait3A_290 = tpu.memref_squeeze %dma_wait3A_289 : memref<1x1x104xi32, #tpu.memory_space<vmem>> -> memref<104xi32, #tpu.memory_space<vmem>>
        %dma_wait3A_291 = tpu.memref_slice %arg3[%add3A_281] : memref<320000xi32, #tpu.memory_space<hbm>> -> memref<104xi32, #tpu.memory_space<hbm>>
        tpu.wait_dma2 semaphore(%arg14 : memref<!tpu.dma_semaphore, #tpu.memory_space<semaphore_mem>>) src(%dma_wait3A_291 : memref<104xi32, #tpu.memory_space<hbm>>) dst(%dma_wait3A_290 : memref<104xi32, #tpu.memory_space<vmem>>)
        %dma_wait3A_292 = arith.constant 0 : i32
        %dma_wait3A_293 = arith.constant 1 : i32
        %dma_wait3A_294 = arith.constant 0 : i32
        %dma_wait3A_295 = tpu.memref_slice %arg6[%dma_wait3A_292, %dma_wait3A_293, %dma_wait3A_294] : memref<2x2x104xi32, #tpu.memory_space<vmem>> -> memref<1x1x104xi32, #tpu.memory_space<vmem>>
        %dma_wait3A_296 = tpu.memref_squeeze %dma_wait3A_295 : memref<1x1x104xi32, #tpu.memory_space<vmem>> -> memref<104xi32, #tpu.memory_space<vmem>>
        %dma_wait3A_297 = tpu.memref_slice %arg4[%add3A_281] : memref<320000xi32, #tpu.memory_space<hbm>> -> memref<104xi32, #tpu.memory_space<hbm>>
        %dma_wait3A_298 = arith.constant 0 : i32
        %dma_wait3A_299 = tpu.memref_slice %arg6[%dma_wait3A_292, %dma_wait3A_293, %dma_wait3A_298] : memref<2x2x104xi32, #tpu.memory_space<vmem>> -> memref<1x1x104xi32, #tpu.memory_space<vmem>>
        %dma_wait3A_300 = tpu.memref_squeeze %dma_wait3A_299 : memref<1x1x104xi32, #tpu.memory_space<vmem>> -> memref<104xi32, #tpu.memory_space<vmem>>
        %dma_wait3A_301 = tpu.memref_slice %arg4[%add3A_281] : memref<320000xi32, #tpu.memory_space<hbm>> -> memref<104xi32, #tpu.memory_space<hbm>>
        tpu.wait_dma2 semaphore(%arg14 : memref<!tpu.dma_semaphore, #tpu.memory_space<semaphore_mem>>) src(%dma_wait3A_301 : memref<104xi32, #tpu.memory_space<hbm>>) dst(%dma_wait3A_300 : memref<104xi32, #tpu.memory_space<vmem>>)
        %dma_start3A_302 = arith.constant 0 : i32
        %dma_start3A_303 = arith.constant 0 : i32
        %dma_start3A_304 = arith.constant 0 : i32
        %dma_start3A_305 = arith.constant 0 : i32
        %dma_start3A_306 = arith.constant 0 : i32
        %dma_start3A_307 = tpu.memref_slice %arg9[%dma_start3A_304, %dma_start3A_305, %dma_start3A_306] : memref<2x104x128xf32, #tpu.memory_space<vmem>> -> memref<1x104x128xf32, #tpu.memory_space<vmem>>
        %dma_start3A_308 = tpu.memref_squeeze %dma_start3A_307 : memref<1x104x128xf32, #tpu.memory_space<vmem>> -> memref<104x128xf32, #tpu.memory_space<vmem>>
        %dma_start3A_309 = arith.constant 0 : i32
        %dma_start3A_310 = tpu.memref_slice %arg6[%dma_start3A_302, %dma_start3A_303, %dma_start3A_309] : memref<2x2x104xi32, #tpu.memory_space<vmem>> -> memref<1x1x104xi32, #tpu.memory_space<vmem>>
        %dma_start3A_311 = tpu.memref_squeeze %dma_start3A_310 : memref<1x1x104xi32, #tpu.memory_space<vmem>> -> memref<104xi32, #tpu.memory_space<vmem>>
        %dma_start3A_312 = arith.constant 0 : i32
        %dma_start3A_313 = arith.constant 0 : i32
        %dma_start3A_314 = tpu.memref_slice %arg2[%dma_start3A_312, %dma_start3A_313] : memref<10000x128xf32, #tpu.memory_space<hbm>> -> memref<10000x128xf32, #tpu.memory_space<hbm>>
        tpu.enqueue_indirect_dma source(%dma_start3A_314 : memref<10000x128xf32, #tpu.memory_space<hbm>>) target(%dma_start3A_308 : memref<104x128xf32, #tpu.memory_space<vmem>>) offsets(%dma_start3A_311 : memref<104xi32, #tpu.memory_space<vmem>>) semaphore(%arg12 : memref<!tpu.dma_semaphore, #tpu.memory_space<semaphore_mem>>)
      } else {
      }
      %scan3A_276 = arith.constant 0 : i32
      scf.yield %scan3A_276 : i32
    }
    %scan3A_149 = arith.constant 48 : i32
    %dma_wait3A = arith.constant 1 : i32
    %dma_wait3A_150 = arith.constant 1 : i32
    %dma_wait3A_151 = arith.constant 1 : i32
    %dma_wait3A_152 = arith.constant 0 : i32
    %dma_wait3A_153 = arith.constant 0 : i32
    %dma_wait3A_154 = tpu.memref_slice %arg9[%dma_wait3A, %dma_wait3A_152, %dma_wait3A_153] : memref<2x104x128xf32, #tpu.memory_space<vmem>> -> memref<1x104x128xf32, #tpu.memory_space<vmem>>
    %dma_wait3A_155 = tpu.memref_squeeze %dma_wait3A_154 : memref<1x104x128xf32, #tpu.memory_space<vmem>> -> memref<104x128xf32, #tpu.memory_space<vmem>>
    %dma_wait3A_156 = arith.constant 0 : i32
    %dma_wait3A_157 = tpu.memref_slice %arg6[%dma_wait3A_150, %dma_wait3A_151, %dma_wait3A_156] : memref<2x2x104xi32, #tpu.memory_space<vmem>> -> memref<1x1x104xi32, #tpu.memory_space<vmem>>
    %dma_wait3A_158 = tpu.memref_squeeze %dma_wait3A_157 : memref<1x1x104xi32, #tpu.memory_space<vmem>> -> memref<104xi32, #tpu.memory_space<vmem>>
    %dma_wait3A_159 = arith.constant 0 : i32
    %dma_wait3A_160 = arith.constant 0 : i32
    %dma_wait3A_161 = tpu.memref_slice %arg11[%dma_wait3A_159, %dma_wait3A_160] : memref<10240x128xf32, #tpu.memory_space<vmem_shared>> -> memref<10240x128xf32, #tpu.memory_space<vmem_shared>>
    tpu.wait_indirect_dma semaphore(%arg13 : memref<!tpu.dma_semaphore, #tpu.memory_space<semaphore_mem>>) src(%dma_wait3A_155 : memref<104x128xf32, #tpu.memory_space<vmem>>) dst(%dma_wait3A_161 : memref<10240x128xf32, #tpu.memory_space<vmem_shared>>)
    %add3A_162 = arith.constant 9984 : i32
    %add3A_163 = arith.addi %mul3A_2, %add3A_162 : i32
    "tpu.region"() ({
      %run_scoped3A_171 = tpu.sem_alloc : memref<!tpu.dma_semaphore, #tpu.memory_space<semaphore_mem>>
      %dma_start3A_172 = tpu.memref_slice %arg3[%add3A_163] : memref<320000xi32, #tpu.memory_space<hbm>> -> memref<16xi32, #tpu.memory_space<hbm>>
      %dma_start3A_173 = tpu.memref_slice %arg3[%add3A_163] : memref<320000xi32, #tpu.memory_space<hbm>> -> memref<16xi32, #tpu.memory_space<hbm>>
      tpu.enqueue_dma source(%dma_start3A_173 : memref<16xi32, #tpu.memory_space<hbm>>) target(%arg7 : memref<16xi32, #tpu.memory_space<vmem>>) target_semaphore(%run_scoped3A_171 : memref<!tpu.dma_semaphore, #tpu.memory_space<semaphore_mem>>)
      %dma_wait3A_174 = tpu.memref_slice %arg3[%add3A_163] : memref<320000xi32, #tpu.memory_space<hbm>> -> memref<16xi32, #tpu.memory_space<hbm>>
      %dma_wait3A_175 = tpu.memref_slice %arg3[%add3A_163] : memref<320000xi32, #tpu.memory_space<hbm>> -> memref<16xi32, #tpu.memory_space<hbm>>
      tpu.wait_dma2 semaphore(%run_scoped3A_171 : memref<!tpu.dma_semaphore, #tpu.memory_space<semaphore_mem>>) src(%dma_wait3A_175 : memref<16xi32, #tpu.memory_space<hbm>>) dst(%arg7 : memref<16xi32, #tpu.memory_space<vmem>>)
      tpu.yield
    }) : () -> ()
    "tpu.region"() ({
      %run_scoped3A_171 = tpu.sem_alloc : memref<!tpu.dma_semaphore, #tpu.memory_space<semaphore_mem>>
      %dma_start3A_172 = tpu.memref_slice %arg4[%add3A_163] : memref<320000xi32, #tpu.memory_space<hbm>> -> memref<16xi32, #tpu.memory_space<hbm>>
      %dma_start3A_173 = tpu.memref_slice %arg4[%add3A_163] : memref<320000xi32, #tpu.memory_space<hbm>> -> memref<16xi32, #tpu.memory_space<hbm>>
      tpu.enqueue_dma source(%dma_start3A_173 : memref<16xi32, #tpu.memory_space<hbm>>) target(%arg8 : memref<16xi32, #tpu.memory_space<vmem>>) target_semaphore(%run_scoped3A_171 : memref<!tpu.dma_semaphore, #tpu.memory_space<semaphore_mem>>)
      %dma_wait3A_174 = tpu.memref_slice %arg4[%add3A_163] : memref<320000xi32, #tpu.memory_space<hbm>> -> memref<16xi32, #tpu.memory_space<hbm>>
      %dma_wait3A_175 = tpu.memref_slice %arg4[%add3A_163] : memref<320000xi32, #tpu.memory_space<hbm>> -> memref<16xi32, #tpu.memory_space<hbm>>
      tpu.wait_dma2 semaphore(%run_scoped3A_171 : memref<!tpu.dma_semaphore, #tpu.memory_space<semaphore_mem>>) src(%dma_wait3A_175 : memref<16xi32, #tpu.memory_space<hbm>>) dst(%arg8 : memref<16xi32, #tpu.memory_space<vmem>>)
      tpu.yield
    }) : () -> ()
    %dma_start3A_164 = arith.constant 0 : i32
    %dma_start3A_165 = arith.constant 0 : i32
    %dma_start3A_166 = tpu.memref_slice %arg2[%dma_start3A_164, %dma_start3A_165] : memref<10000x128xf32, #tpu.memory_space<hbm>> -> memref<10000x128xf32, #tpu.memory_space<hbm>>
    tpu.enqueue_indirect_dma source(%dma_start3A_166 : memref<10000x128xf32, #tpu.memory_space<hbm>>) target(%arg10 : memref<16x128xf32, #tpu.memory_space<vmem>>) offsets(%arg7 : memref<16xi32, #tpu.memory_space<vmem>>) semaphore(%arg12 : memref<!tpu.dma_semaphore, #tpu.memory_space<semaphore_mem>>)
    %dma_wait3A_167 = arith.constant 0 : i32
    %dma_wait3A_168 = arith.constant 0 : i32
    %dma_wait3A_169 = tpu.memref_slice %arg2[%dma_wait3A_167, %dma_wait3A_168] : memref<10000x128xf32, #tpu.memory_space<hbm>> -> memref<10000x128xf32, #tpu.memory_space<hbm>>
    tpu.wait_indirect_dma semaphore(%arg12 : memref<!tpu.dma_semaphore, #tpu.memory_space<semaphore_mem>>) src(%dma_wait3A_169 : memref<10000x128xf32, #tpu.memory_space<hbm>>) dst(%arg10 : memref<16x128xf32, #tpu.memory_space<vmem>>)
    "tpu.region"() ({
      %run_scoped3A_171 = tpu.sem_alloc : memref<!tpu.dma_semaphore, #tpu.memory_space<semaphore_mem>>
      %dma_start3A_172 = arith.constant 0 : i32
      %dma_start3A_173 = arith.constant 0 : i32
      %dma_start3A_174 = tpu.memref_slice %arg11[%dma_start3A_172, %dma_start3A_173] : memref<10240x128xf32, #tpu.memory_space<vmem_shared>> -> memref<10240x128xf32, #tpu.memory_space<vmem_shared>>
      tpu.enqueue_indirect_dma source(%arg10 : memref<16x128xf32, #tpu.memory_space<vmem>>) target(%dma_start3A_174 : memref<10240x128xf32, #tpu.memory_space<vmem_shared>>) offsets(%arg8 : memref<16xi32, #tpu.memory_space<vmem>>) semaphore(%run_scoped3A_171 : memref<!tpu.dma_semaphore, #tpu.memory_space<semaphore_mem>>) {add = true}
      %dma_wait3A_175 = arith.constant 0 : i32
      %dma_wait3A_176 = arith.constant 0 : i32
      %dma_wait3A_177 = tpu.memref_slice %arg11[%dma_wait3A_175, %dma_wait3A_176] : memref<10240x128xf32, #tpu.memory_space<vmem_shared>> -> memref<10240x128xf32, #tpu.memory_space<vmem_shared>>
      tpu.wait_indirect_dma semaphore(%run_scoped3A_171 : memref<!tpu.dma_semaphore, #tpu.memory_space<semaphore_mem>>) src(%arg10 : memref<16x128xf32, #tpu.memory_space<vmem>>) dst(%dma_wait3A_177 : memref<10240x128xf32, #tpu.memory_space<vmem_shared>>)
      tpu.yield
    }) : () -> ()
    %barrier3A_170 = arith.constant 0 : index
    tpu.barrier barrier_id(%barrier3A_170)
    "tpu.region"() ({
      %run_scoped3A_171 = tpu.sem_alloc : memref<!tpu.dma_semaphore, #tpu.memory_space<semaphore_mem>>
      %dma_start3A_172 = arith.constant 0 : i32
      %dma_start3A_173 = tpu.memref_slice %arg5[%arg0, %mul3A_94, %dma_start3A_172] : memref<2x10240x128xf32, #tpu.memory_space<hbm>> -> memref<1x640x128xf32, #tpu.memory_space<hbm>>
      %dma_start3A_174 = tpu.memref_squeeze %dma_start3A_173 : memref<1x640x128xf32, #tpu.memory_space<hbm>> -> memref<640x128xf32, #tpu.memory_space<hbm>>
      %dma_start3A_175 = arith.constant 0 : i32
      %dma_start3A_176 = tpu.memref_slice %arg11[%mul3A_94, %dma_start3A_175] : memref<10240x128xf32, #tpu.memory_space<vmem_shared>> -> memref<640x128xf32, #tpu.memory_space<vmem_shared>>
      tpu.enqueue_dma source(%dma_start3A_176 : memref<640x128xf32, #tpu.memory_space<vmem_shared>>) target(%dma_start3A_174 : memref<640x128xf32, #tpu.memory_space<hbm>>) target_semaphore(%run_scoped3A_171 : memref<!tpu.dma_semaphore, #tpu.memory_space<semaphore_mem>>)
      %dma_wait3A_177 = arith.constant 0 : i32
      %dma_wait3A_178 = tpu.memref_slice %arg5[%arg0, %mul3A_94, %dma_wait3A_177] : memref<2x10240x128xf32, #tpu.memory_space<hbm>> -> memref<1x640x128xf32, #tpu.memory_space<hbm>>
      %dma_wait3A_179 = tpu.memref_squeeze %dma_wait3A_178 : memref<1x640x128xf32, #tpu.memory_space<hbm>> -> memref<640x128xf32, #tpu.memory_space<hbm>>
      %dma_wait3A_180 = arith.constant 0 : i32
      %dma_wait3A_181 = tpu.memref_slice %arg11[%mul3A_94, %dma_wait3A_180] : memref<10240x128xf32, #tpu.memory_space<vmem_shared>> -> memref<640x128xf32, #tpu.memory_space<vmem_shared>>
      tpu.wait_dma2 semaphore(%run_scoped3A_171 : memref<!tpu.dma_semaphore, #tpu.memory_space<semaphore_mem>>) src(%dma_wait3A_181 : memref<640x128xf32, #tpu.memory_space<vmem_shared>>) dst(%dma_wait3A_179 : memref<640x128xf32, #tpu.memory_space<hbm>>)
      tpu.yield
    }) : () -> ()
    return
  }
}

module attributes {stable_mosaic.version = 14 : i64} {
  func.func @_combine_relu_matmul_body(%arg0: i32, %arg1: memref<2x1000x128xf32, #tpu.memory_space<vmem>>, %arg2: memref<1000x128xf32, #tpu.memory_space<vmem>>, %arg3: memref<128x128xf32, #tpu.memory_space<vmem>>, %arg4: memref<1x128xf32, #tpu.memory_space<vmem>>, %arg5: memref<1x1000x16xf32, #tpu.memory_space<vmem>>, %arg6: memref<1x1000x16xf32, #tpu.memory_space<vmem>>, %arg7: memref<1000x128xf32, #tpu.memory_space<vmem>>) attributes {dimension_semantics = [#tpu.dimension_semantics<arbitrary>], iteration_bounds = array<i64: 10>, scalar_prefetch = 0 : i64, scratch_operands = 0 : i64, tpu.core_type = #tpu.core_type<tc>, window_params = [{transform_indices = @transform_0, window_bounds = array<i64: 2, 1000, 128>}, {transform_indices = @transform_1, window_bounds = array<i64: 1000, 128>}, {pipeline_mode = #tpu.pipeline_mode<synchronous>, transform_indices = @transform_2, window_bounds = array<i64: 128, 128>}, {pipeline_mode = #tpu.pipeline_mode<synchronous>, transform_indices = @transform_3, window_bounds = array<i64: 1, 128>}, {transform_indices = @transform_4, window_bounds = array<i64: 1, 1000, 16>}, {transform_indices = @transform_5, window_bounds = array<i64: 1, 1000, 16>}, {transform_indices = @transform_6, window_bounds = array<i64: 1000, 128>}]} {
    %get3A = arith.constant 0 : index
    %get3A_0 = arith.constant 0 : index
    %get3A_1 = arith.constant 0 : index
    %get3A_2 = vector.load %arg5[%get3A, %get3A_0, %get3A_1] : memref<1x1000x16xf32, #tpu.memory_space<vmem>>, vector<1x1000x16xf32>
    %get3A_3 = arith.constant 0 : index
    %get3A_4 = arith.constant 0 : index
    %get3A_5 = arith.constant 0 : index
    %get3A_6 = vector.load %arg6[%get3A_3, %get3A_4, %get3A_5] : memref<1x1000x16xf32, #tpu.memory_space<vmem>>, vector<1x1000x16xf32>
    %slice3A = vector.extract_strided_slice %get3A_2 {offsets = [0, 0, 0], sizes = [1, 1000, 1], strides = [1, 1, 1]} : vector<1x1000x16xf32> to vector<1x1000x1xf32>
    %squeeze3A = vector.shape_cast %slice3A : vector<1x1000x1xf32> to vector<1000x1xf32>
    %add3A = arith.constant 1.000000e+00 : f32
    %add3A_7 = vector.broadcast %add3A : f32 to vector<1000x1xf32>
    %add3A_8 = arith.addf %add3A_7, %squeeze3A : vector<1000x1xf32>
    %slice3A_9 = vector.extract_strided_slice %get3A_6 {offsets = [0, 0, 0], sizes = [1, 1000, 1], strides = [1, 1, 1]} : vector<1x1000x16xf32> to vector<1x1000x1xf32>
    %squeeze3A_10 = vector.shape_cast %slice3A_9 : vector<1x1000x1xf32> to vector<1000x1xf32>
    %add3A_11 = arith.addf %add3A_8, %squeeze3A_10 : vector<1000x1xf32>
    %rsqrt3A = math.rsqrt %add3A_11 : vector<1000x1xf32>
    %get3A_12 = arith.constant 0 : index
    %get3A_13 = arith.constant 0 : index
    %get3A_14 = arith.constant 0 : index
    %get3A_15 = vector.load %arg1[%get3A_12, %get3A_13, %get3A_14] : memref<2x1000x128xf32, #tpu.memory_space<vmem>>, vector<1x1000x128xf32>
    %get3A_16 = vector.shape_cast %get3A_15 : vector<1x1000x128xf32> to vector<1000x128xf32>
    %get3A_17 = arith.constant 1 : index
    %get3A_18 = arith.constant 0 : index
    %get3A_19 = arith.constant 0 : index
    %get3A_20 = vector.load %arg1[%get3A_17, %get3A_18, %get3A_19] : memref<2x1000x128xf32, #tpu.memory_space<vmem>>, vector<1x1000x128xf32>
    %get3A_21 = vector.shape_cast %get3A_20 : vector<1x1000x128xf32> to vector<1000x128xf32>
    %add3A_22 = arith.addf %get3A_16, %get3A_21 : vector<1000x128xf32>
    %get3A_23 = arith.constant 0 : index
    %get3A_24 = arith.constant 0 : index
    %get3A_25 = vector.load %arg2[%get3A_23, %get3A_24] : memref<1000x128xf32, #tpu.memory_space<vmem>>, vector<1000x128xf32>
    %add3A_26 = arith.addf %add3A_22, %get3A_25 : vector<1000x128xf32>
    %mul3A = vector.broadcast %rsqrt3A : vector<1000x1xf32> to vector<1000x128xf32>
    %mul3A_27 = arith.mulf %mul3A, %add3A_26 : vector<1000x128xf32>
    %get3A_28 = arith.constant 0 : index
    %get3A_29 = arith.constant 0 : index
    %get3A_30 = vector.load %arg4[%get3A_28, %get3A_29] : memref<1x128xf32, #tpu.memory_space<vmem>>, vector<1x128xf32>
    %add3A_31 = vector.broadcast %get3A_30 : vector<1x128xf32> to vector<1000x128xf32>
    %add3A_32 = arith.addf %mul3A_27, %add3A_31 : vector<1000x128xf32>
    %max3A = arith.constant 0.000000e+00 : f32
    %max3A_33 = vector.broadcast %max3A : f32 to vector<1000x128xf32>
    %max3A_34 = arith.maximumf %add3A_32, %max3A_33 : vector<1000x128xf32>
    %get3A_35 = arith.constant 0 : index
    %get3A_36 = arith.constant 0 : index
    %get3A_37 = vector.load %arg3[%get3A_35, %get3A_36] : memref<128x128xf32, #tpu.memory_space<vmem>>, vector<128x128xf32>
    %dot_general3A = arith.constant dense<0.000000e+00> : vector<1000x128xf32>
    %dot_general3A_38 = tpu.matmul %max3A_34, %get3A_37, %dot_general3A {dimension_numbers = #tpu.dot_dimension_numbers<[1], [0], [0], [1], [0, 0, 1, 1], [], []>, transpose_lhs_hint = false} : vector<1000x128xf32>, vector<128x128xf32>, vector<1000x128xf32> -> vector<1000x128xf32>
    %mul3A_39 = vector.broadcast %rsqrt3A : vector<1000x1xf32> to vector<1000x128xf32>
    %mul3A_40 = arith.mulf %mul3A_39, %dot_general3A_38 : vector<1000x128xf32>
    %swap3A = arith.constant 0 : index
    %swap3A_41 = arith.constant 0 : index
    %swap3A_42 = vector.load %arg7[%swap3A, %swap3A_41] : memref<1000x128xf32, #tpu.memory_space<vmem>>, vector<1000x128xf32>
    tpu.vector_store %arg7[%swap3A, %swap3A_41], %mul3A_40 {strides = array<i32>} : memref<1000x128xf32, #tpu.memory_space<vmem>>, vector<1000x128xf32>,
    return
  }
  func.func @transform_0(%arg0: i32) -> (i32, i32, i32) {
    %c0_i32 = arith.constant 0 : i32
    %c0_i32_0 = arith.constant 0 : i32
    %c0_i32_1 = arith.constant 0 : i32
    return %c0_i32, %arg0, %c0_i32_0 : i32, i32, i32
  }
  func.func @transform_1(%arg0: i32) -> (i32, i32) {
    %c0_i32 = arith.constant 0 : i32
    %c0_i32_0 = arith.constant 0 : i32
    return %arg0, %c0_i32 : i32, i32
  }
  func.func @transform_2(%arg0: i32) -> (i32, i32) {
    %c0_i32 = arith.constant 0 : i32
    %c0_i32_0 = arith.constant 0 : i32
    %c0_i32_1 = arith.constant 0 : i32
    return %c0_i32, %c0_i32_0 : i32, i32
  }
  func.func @transform_3(%arg0: i32) -> (i32, i32) {
    %c0_i32 = arith.constant 0 : i32
    %c0_i32_0 = arith.constant 0 : i32
    %c0_i32_1 = arith.constant 0 : i32
    return %c0_i32, %c0_i32_0 : i32, i32
  }
  func.func @transform_4(%arg0: i32) -> (i32, i32, i32) {
    %c0_i32 = arith.constant 0 : i32
    %c0_i32_0 = arith.constant 0 : i32
    %c0_i32_1 = arith.constant 0 : i32
    return %c0_i32, %arg0, %c0_i32_0 : i32, i32, i32
  }
  func.func @transform_5(%arg0: i32) -> (i32, i32, i32) {
    %c1_i32 = arith.constant 1 : i32
    %c0_i32 = arith.constant 0 : i32
    %c0_i32_0 = arith.constant 0 : i32
    return %c1_i32, %arg0, %c0_i32 : i32, i32, i32
  }
  func.func @transform_6(%arg0: i32) -> (i32, i32) {
    %c0_i32 = arith.constant 0 : i32
    %c0_i32_0 = arith.constant 0 : i32
    return %arg0, %c0_i32 : i32, i32
  }
}

module attributes {stable_mosaic.version = 14 : i64} {
  func.func @_scale_matmul_body(%arg0: i32, %arg1: memref<1000x128xf32, #tpu.memory_space<vmem>>, %arg2: memref<128x128xf32, #tpu.memory_space<vmem>>, %arg3: memref<1x1000x16xf32, #tpu.memory_space<vmem>>, %arg4: memref<1x1000x16xf32, #tpu.memory_space<vmem>>, %arg5: memref<1000x128xf32, #tpu.memory_space<vmem>>) attributes {dimension_semantics = [#tpu.dimension_semantics<arbitrary>], iteration_bounds = array<i64: 10>, scalar_prefetch = 0 : i64, scratch_operands = 0 : i64, tpu.core_type = #tpu.core_type<tc>, window_params = [{transform_indices = @transform_0, window_bounds = array<i64: 1000, 128>}, {pipeline_mode = #tpu.pipeline_mode<synchronous>, transform_indices = @transform_1, window_bounds = array<i64: 128, 128>}, {transform_indices = @transform_2, window_bounds = array<i64: 1, 1000, 16>}, {transform_indices = @transform_3, window_bounds = array<i64: 1, 1000, 16>}, {transform_indices = @transform_4, window_bounds = array<i64: 1000, 128>}]} {
    %get3A = arith.constant 0 : index
    %get3A_0 = arith.constant 0 : index
    %get3A_1 = arith.constant 0 : index
    %get3A_2 = vector.load %arg3[%get3A, %get3A_0, %get3A_1] : memref<1x1000x16xf32, #tpu.memory_space<vmem>>, vector<1x1000x16xf32>
    %get3A_3 = arith.constant 0 : index
    %get3A_4 = arith.constant 0 : index
    %get3A_5 = arith.constant 0 : index
    %get3A_6 = vector.load %arg4[%get3A_3, %get3A_4, %get3A_5] : memref<1x1000x16xf32, #tpu.memory_space<vmem>>, vector<1x1000x16xf32>
    %slice3A = vector.extract_strided_slice %get3A_2 {offsets = [0, 0, 0], sizes = [1, 1000, 1], strides = [1, 1, 1]} : vector<1x1000x16xf32> to vector<1x1000x1xf32>
    %squeeze3A = vector.shape_cast %slice3A : vector<1x1000x1xf32> to vector<1000x1xf32>
    %add3A = arith.constant 1.000000e+00 : f32
    %add3A_7 = vector.broadcast %add3A : f32 to vector<1000x1xf32>
    %add3A_8 = arith.addf %add3A_7, %squeeze3A : vector<1000x1xf32>
    %slice3A_9 = vector.extract_strided_slice %get3A_6 {offsets = [0, 0, 0], sizes = [1, 1000, 1], strides = [1, 1, 1]} : vector<1x1000x16xf32> to vector<1x1000x1xf32>
    %squeeze3A_10 = vector.shape_cast %slice3A_9 : vector<1x1000x1xf32> to vector<1000x1xf32>
    %add3A_11 = arith.addf %add3A_8, %squeeze3A_10 : vector<1000x1xf32>
    %rsqrt3A = math.rsqrt %add3A_11 : vector<1000x1xf32>
    %get3A_12 = arith.constant 0 : index
    %get3A_13 = arith.constant 0 : index
    %get3A_14 = vector.load %arg1[%get3A_12, %get3A_13] : memref<1000x128xf32, #tpu.memory_space<vmem>>, vector<1000x128xf32>
    %get3A_15 = arith.constant 0 : index
    %get3A_16 = arith.constant 0 : index
    %get3A_17 = vector.load %arg2[%get3A_15, %get3A_16] : memref<128x128xf32, #tpu.memory_space<vmem>>, vector<128x128xf32>
    %dot_general3A = arith.constant dense<0.000000e+00> : vector<1000x128xf32>
    %dot_general3A_18 = tpu.matmul %get3A_14, %get3A_17, %dot_general3A {dimension_numbers = #tpu.dot_dimension_numbers<[1], [0], [0], [1], [0, 0, 1, 1], [], []>, transpose_lhs_hint = false} : vector<1000x128xf32>, vector<128x128xf32>, vector<1000x128xf32> -> vector<1000x128xf32>
    %mul3A = vector.broadcast %rsqrt3A : vector<1000x1xf32> to vector<1000x128xf32>
    %mul3A_19 = arith.mulf %mul3A, %dot_general3A_18 : vector<1000x128xf32>
    %swap3A = arith.constant 0 : index
    %swap3A_20 = arith.constant 0 : index
    %swap3A_21 = vector.load %arg5[%swap3A, %swap3A_20] : memref<1000x128xf32, #tpu.memory_space<vmem>>, vector<1000x128xf32>
    tpu.vector_store %arg5[%swap3A, %swap3A_20], %mul3A_19 {strides = array<i32>} : memref<1000x128xf32, #tpu.memory_space<vmem>>, vector<1000x128xf32>,
    return
  }
  func.func @transform_0(%arg0: i32) -> (i32, i32) {
    %c0_i32 = arith.constant 0 : i32
    %c0_i32_0 = arith.constant 0 : i32
    return %arg0, %c0_i32 : i32, i32
  }
  func.func @transform_1(%arg0: i32) -> (i32, i32) {
    %c0_i32 = arith.constant 0 : i32
    %c0_i32_0 = arith.constant 0 : i32
    %c0_i32_1 = arith.constant 0 : i32
    return %c0_i32, %c0_i32_0 : i32, i32
  }
  func.func @transform_2(%arg0: i32) -> (i32, i32, i32) {
    %c0_i32 = arith.constant 0 : i32
    %c0_i32_0 = arith.constant 0 : i32
    %c0_i32_1 = arith.constant 0 : i32
    return %c0_i32, %arg0, %c0_i32_0 : i32, i32, i32
  }
  func.func @transform_3(%arg0: i32) -> (i32, i32, i32) {
    %c1_i32 = arith.constant 1 : i32
    %c0_i32 = arith.constant 0 : i32
    %c0_i32_0 = arith.constant 0 : i32
    return %c1_i32, %arg0, %c0_i32 : i32, i32, i32
  }
  func.func @transform_4(%arg0: i32) -> (i32, i32) {
    %c0_i32 = arith.constant 0 : i32
    %c0_i32_0 = arith.constant 0 : i32
    return %arg0, %c0_i32 : i32, i32
  }
}

module attributes {stable_mosaic.version = 14 : i64} {
  func.func @_final_combine_body(%arg0: i32, %arg1: memref<2x1000x128xf32, #tpu.memory_space<vmem>>, %arg2: memref<1000x128xf32, #tpu.memory_space<vmem>>, %arg3: memref<1x128xf32, #tpu.memory_space<vmem>>, %arg4: memref<1x1000x16xf32, #tpu.memory_space<vmem>>, %arg5: memref<1x1000x16xf32, #tpu.memory_space<vmem>>, %arg6: memref<1000x128xf32, #tpu.memory_space<vmem>>) attributes {dimension_semantics = [#tpu.dimension_semantics<arbitrary>], iteration_bounds = array<i64: 10>, scalar_prefetch = 0 : i64, scratch_operands = 0 : i64, tpu.core_type = #tpu.core_type<tc>, window_params = [{transform_indices = @transform_0, window_bounds = array<i64: 2, 1000, 128>}, {transform_indices = @transform_1, window_bounds = array<i64: 1000, 128>}, {pipeline_mode = #tpu.pipeline_mode<synchronous>, transform_indices = @transform_2, window_bounds = array<i64: 1, 128>}, {transform_indices = @transform_3, window_bounds = array<i64: 1, 1000, 16>}, {transform_indices = @transform_4, window_bounds = array<i64: 1, 1000, 16>}, {transform_indices = @transform_5, window_bounds = array<i64: 1000, 128>}]} {
    %get3A = arith.constant 0 : index
    %get3A_0 = arith.constant 0 : index
    %get3A_1 = arith.constant 0 : index
    %get3A_2 = vector.load %arg4[%get3A, %get3A_0, %get3A_1] : memref<1x1000x16xf32, #tpu.memory_space<vmem>>, vector<1x1000x16xf32>
    %get3A_3 = arith.constant 0 : index
    %get3A_4 = arith.constant 0 : index
    %get3A_5 = arith.constant 0 : index
    %get3A_6 = vector.load %arg5[%get3A_3, %get3A_4, %get3A_5] : memref<1x1000x16xf32, #tpu.memory_space<vmem>>, vector<1x1000x16xf32>
    %slice3A = vector.extract_strided_slice %get3A_2 {offsets = [0, 0, 0], sizes = [1, 1000, 1], strides = [1, 1, 1]} : vector<1x1000x16xf32> to vector<1x1000x1xf32>
    %squeeze3A = vector.shape_cast %slice3A : vector<1x1000x1xf32> to vector<1000x1xf32>
    %add3A = arith.constant 1.000000e+00 : f32
    %add3A_7 = vector.broadcast %add3A : f32 to vector<1000x1xf32>
    %add3A_8 = arith.addf %add3A_7, %squeeze3A : vector<1000x1xf32>
    %slice3A_9 = vector.extract_strided_slice %get3A_6 {offsets = [0, 0, 0], sizes = [1, 1000, 1], strides = [1, 1, 1]} : vector<1x1000x16xf32> to vector<1x1000x1xf32>
    %squeeze3A_10 = vector.shape_cast %slice3A_9 : vector<1x1000x1xf32> to vector<1000x1xf32>
    %add3A_11 = arith.addf %add3A_8, %squeeze3A_10 : vector<1000x1xf32>
    %rsqrt3A = math.rsqrt %add3A_11 : vector<1000x1xf32>
    %get3A_12 = arith.constant 0 : index
    %get3A_13 = arith.constant 0 : index
    %get3A_14 = arith.constant 0 : index
    %get3A_15 = vector.load %arg1[%get3A_12, %get3A_13, %get3A_14] : memref<2x1000x128xf32, #tpu.memory_space<vmem>>, vector<1x1000x128xf32>
    %get3A_16 = vector.shape_cast %get3A_15 : vector<1x1000x128xf32> to vector<1000x128xf32>
    %get3A_17 = arith.constant 1 : index
    %get3A_18 = arith.constant 0 : index
    %get3A_19 = arith.constant 0 : index
    %get3A_20 = vector.load %arg1[%get3A_17, %get3A_18, %get3A_19] : memref<2x1000x128xf32, #tpu.memory_space<vmem>>, vector<1x1000x128xf32>
    %get3A_21 = vector.shape_cast %get3A_20 : vector<1x1000x128xf32> to vector<1000x128xf32>
    %add3A_22 = arith.addf %get3A_16, %get3A_21 : vector<1000x128xf32>
    %get3A_23 = arith.constant 0 : index
    %get3A_24 = arith.constant 0 : index
    %get3A_25 = vector.load %arg2[%get3A_23, %get3A_24] : memref<1000x128xf32, #tpu.memory_space<vmem>>, vector<1000x128xf32>
    %add3A_26 = arith.addf %add3A_22, %get3A_25 : vector<1000x128xf32>
    %mul3A = vector.broadcast %rsqrt3A : vector<1000x1xf32> to vector<1000x128xf32>
    %mul3A_27 = arith.mulf %mul3A, %add3A_26 : vector<1000x128xf32>
    %get3A_28 = arith.constant 0 : index
    %get3A_29 = arith.constant 0 : index
    %get3A_30 = vector.load %arg3[%get3A_28, %get3A_29] : memref<1x128xf32, #tpu.memory_space<vmem>>, vector<1x128xf32>
    %add3A_31 = vector.broadcast %get3A_30 : vector<1x128xf32> to vector<1000x128xf32>
    %add3A_32 = arith.addf %mul3A_27, %add3A_31 : vector<1000x128xf32>
    %swap3A = arith.constant 0 : index
    %swap3A_33 = arith.constant 0 : index
    %swap3A_34 = vector.load %arg6[%swap3A, %swap3A_33] : memref<1000x128xf32, #tpu.memory_space<vmem>>, vector<1000x128xf32>
    tpu.vector_store %arg6[%swap3A, %swap3A_33], %add3A_32 {strides = array<i32>} : memref<1000x128xf32, #tpu.memory_space<vmem>>, vector<1000x128xf32>,
    return
  }
  func.func @transform_0(%arg0: i32) -> (i32, i32, i32) {
    %c0_i32 = arith.constant 0 : i32
    %c0_i32_0 = arith.constant 0 : i32
    %c0_i32_1 = arith.constant 0 : i32
    return %c0_i32, %arg0, %c0_i32_0 : i32, i32, i32
  }
  func.func @transform_1(%arg0: i32) -> (i32, i32) {
    %c0_i32 = arith.constant 0 : i32
    %c0_i32_0 = arith.constant 0 : i32
    return %arg0, %c0_i32 : i32, i32
  }
  func.func @transform_2(%arg0: i32) -> (i32, i32) {
    %c0_i32 = arith.constant 0 : i32
    %c0_i32_0 = arith.constant 0 : i32
    %c0_i32_1 = arith.constant 0 : i32
    return %c0_i32, %c0_i32_0 : i32, i32
  }
  func.func @transform_3(%arg0: i32) -> (i32, i32, i32) {
    %c0_i32 = arith.constant 0 : i32
    %c0_i32_0 = arith.constant 0 : i32
    %c0_i32_1 = arith.constant 0 : i32
    return %c0_i32, %arg0, %c0_i32_0 : i32, i32, i32
  }
  func.func @transform_4(%arg0: i32) -> (i32, i32, i32) {
    %c1_i32 = arith.constant 1 : i32
    %c0_i32 = arith.constant 0 : i32
    %c0_i32_0 = arith.constant 0 : i32
    return %c1_i32, %arg0, %c0_i32 : i32, i32, i32
  }
  func.func @transform_5(%arg0: i32) -> (i32, i32) {
    %c0_i32 = arith.constant 0 : i32
    %c0_i32_0 = arith.constant 0 : i32
    return %arg0, %c0_i32 : i32, i32
  }
}

</mosaic_0001>

<sc_bundles>
// kernel: kernel.11.cloned.1.call-start
scs
__scs_entry_jumppad:
0x0: {  	(pc) =	sbr.rel $0x88, $3  }
0x1: {  	(tag) =	ssettag $0x0;
	lr =	simm.s32 $0x1  }
0x2: {  	[smem:$0x3F9B] =	sst lr;
	_ =	strace $0xD0000000  }
0x3: {  	_ = 	snop  }
0x4: {  	_ = 	snop  }
0x5: {  	_ = 	snop  }
0x6: {  	_ = 	snop  }
0x7: {  	_ = 	snop  }
__scs_overlays_trampoline_lowered:
0x8: {  	[smem:$0x3FAA] =	sst s0  }
0x9: {  	[smem:$0x3FAB] =	sst s1  }
0xa: {  	[smem:$0x3FAC] =	sst s2  }
0xb: {  	[smem:$0x3FAD] =	sst s3  }
0xc: {  	[smem:$0x3FAE] =	sst s4  }
0xd: {  	[smem:$0x3FAF] =	sst s5  }
0xe: {  	[smem:$0x3FB0] =	sst s6  }
0xf: {  	[smem:$0x3FB1] =	sst s7  }
0x10: {  	[smem:$0x3FB2] =	sst s8  }
0x11: {  	[smem:$0x3FB3] =	sst s9;
	s0 =	simm.s32 @!p0 $0x0  }
0x12: {  	s1 =	sld [smem:$0x3F99];
	s0 =	simm.s32 @p0 $0x1  }
0x13: {  	[smem:$0x3FB4] =	sst s0;
	s0 =	simm.s32 @!p1 $0x0  }
0x14: {  	s2 =	sld [smem:$0x3F98];
	s0 =	simm.s32 @p1 $0x1  }
0x15: {  	[smem:$0x3FB5] =	sst s0;
	s0 =	simm.s32 @!p2 $0x0  }
0x16: {  	s3 =	sld [smem:$0x3FDB];
	s0 =	simm.s32 @p2 $0x1  }
0x17: {  	s4 =	simm.s32 $0x1BF5;
	[smem:$0x3FB7] =	sst s0  }
0x18: {  	s0 =	sld [smem:$0x3F9A];
	_ =	swait.ge [sflag:s4], $0x0  }
0x19: {  	s7 =	sld [smem:$0x3F9B]  }
0x1a: {  	s8 =	sadd.s32 $0xFFFFE003, lr  }
0x1b: {  	s9 =	sadd.s32 $0xFFFFFEF7, lr;
	s5 =	simm.s32 $0xFFFFFFFF;
	p2 =	slt.u32 s8, $0xFFFFF086  }
0x1c: {  	p1 =	slt.u32 s9, $0xF7A;
	s5 =	simm.s32 @!p2 $0x0  }
0x1d: {  	s5 =	simm.s32 @p1 $0x1;
	p0 =	seq.s32 s7, s2  }
0x1e: {  	s7 =	smul.u32 @!p0 $0xF7A, s2;
	p2 =	seq.s32 @!p0 s5, $0x0  }
0x1f: {  	s9 =	smul.u32 $0xF7A, s1;
	s8 =	simm.s32 @!p0 $0x1BF5;
	p2 =	por !p2, p0  }
0x20: {  	[sflag:s8] =	ssyncset.s32 @!p0 $0xFFFFF086;
	s6 =	sadd.s32 @!p0 s3, s7;
	s7 =	simm.s32 @!p0 $0x108  }
0x21: {  	s3 =	sadd.s32 s3, s9;
	s6 =	sadd.s32 @!p0 $0x88, s6;
	s7 =	simm.s32 @p2 $0x1082  }
0x22: {  	[simem:s7], [sflag:s8] =	dma.local @!p0 [hbm:s6], $0xF7A  }
0x23: {  	s9 =	sor.u32 $0xD0000000, s2;
	s6 =	simm.s32 $0x108;
	_ =	swait.ge @!p0 [sflag:s8], $0x0  }
0x24: {  	s3 =	sadd.s32 $0x88, s3;
	s6 =	simm.s32 @!p1 $0x1082;
	[sflag:s4] =	ssyncset.s32 $0xFFFFF086  }
0x25: {  	[simem:s6], [sflag:s4] =	dma.local [hbm:s3], $0xF7A  }
0x26: {  	[smem:$0x3F9B] =	sst s1;
	(tag) =	ssettag s2;
	_ =	strace s9  }
0x27: {  	s1 =	sld [smem:$0x3FAB]  }
0x28: {  	s2 =	sld [smem:$0x3FAC]  }
0x29: {  	s4 =	sld [smem:$0x3FAE]  }
0x2a: {  	p0 =	seq.s32 s5, $0x0;
	s5 =	sld [smem:$0x3FAF]  }
0x2b: {  	s6 =	sld [smem:$0x3FB0]  }
0x2c: {  	s7 =	sld [smem:$0x3FB1]  }
0x2d: {  	s3 =	simm.s32 $0x108;
	s8 =	sld [smem:$0x3FB2]  }
0x2e: {  	s3 =	simm.s32 @!p0 $0x1082;
	s9 =	sld [smem:$0x3FB3]  }
0x2f: {  	lr =	sadd.s32 s0, s3;
	s0 =	sld [smem:$0x3FAA]  }
0x30: {  	s3 =	sld [smem:$0x3FAD]  }
0x31: {  	[smem:$0x3FB6] =	sst s10  }
0x32: {  	s10 =	sld [smem:$0x3FB4];
	_ =	sdelay $0x3  }
0x33: {  	p0 =	seq.s32 s10, $0x1;
	s10 =	sld [smem:$0x3FB6];
	_ =	sdelay $0x3  }
0x34: {  	[smem:$0x3FB6] =	sst s10  }
0x35: {  	s10 =	sld [smem:$0x3FB5];
	_ =	sdelay $0x3  }
0x36: {  	p1 =	seq.s32 s10, $0x1;
	s10 =	sld [smem:$0x3FB6];
	_ =	sdelay $0x3  }
0x37: {  	[smem:$0x3FB6] =	sst s10  }
0x38: {  	s10 =	sld [smem:$0x3FB7]  }
0x39: {  	_ = 	snop;
	(pc) =	sbr.ind lr, $3  }
0x3a: {  	_ = 	snop  }
0x3b: {  	_ = 	snop  }
0x3c: {  	p2 =	seq.s32 s10, $0x1;
	s10 =	sld [smem:$0x3FB6]  }
0x3d: {  	_ =	shalt  }
0x3e: {  	_ =	shalt  }
0x3f: {  	_ =	shalt  }
0x40: {  	_ =	shalt  }
0x41: {  	_ =	shalt  }
0x42: {  	_ =	shalt  }
0x43: {  	_ =	shalt  }
0x44: {  	_ =	shalt  }
0x45: {  	_ =	shalt  }
0x46: {  	_ =	shalt  }
0x47: {  	_ =	shalt  }
0x48: {  	_ =	shalt  }
0x49: {  	_ =	shalt  }
0x4a: {  	_ =	shalt  }
0x4b: {  	_ =	shalt  }
0x4c: {  	_ =	shalt  }
0x4d: {  	_ =	shalt  }
0x4e: {  	_ =	shalt  }
0x4f: {  	_ =	shalt  }
0x50: {  	_ =	shalt  }
0x51: {  	_ =	shalt  }
0x52: {  	_ =	shalt  }
0x53: {  	_ =	shalt  }
0x54: {  	_ =	shalt  }
0x55: {  	_ =	shalt  }
0x56: {  	_ =	shalt  }
0x57: {  	_ =	shalt  }
0x58: {  	_ =	shalt  }
0x59: {  	_ =	shalt  }
0x5a: {  	_ =	shalt  }
0x5b: {  	_ =	shalt  }
0x5c: {  	_ =	shalt  }
0x5d: {  	_ =	shalt  }
0x5e: {  	_ =	shalt  }
0x5f: {  	_ =	shalt  }
0x60: {  	_ =	shalt  }
0x61: {  	_ =	shalt  }
0x62: {  	_ =	shalt  }
0x63: {  	_ =	shalt  }
0x64: {  	_ =	shalt  }
0x65: {  	_ =	shalt  }
0x66: {  	_ =	shalt  }
0x67: {  	_ =	shalt  }
0x68: {  	_ =	shalt  }
0x69: {  	_ =	shalt  }
0x6a: {  	_ =	shalt  }
0x6b: {  	_ =	shalt  }
0x6c: {  	_ =	shalt  }
0x6d: {  	_ =	shalt  }
0x6e: {  	_ =	shalt  }
0x6f: {  	_ =	shalt  }
0x70: {  	_ =	shalt  }
0x71: {  	_ =	shalt  }
0x72: {  	_ =	shalt  }
0x73: {  	_ =	shalt  }
0x74: {  	_ =	shalt  }
0x75: {  	_ =	shalt  }
0x76: {  	_ =	shalt  }
0x77: {  	_ =	shalt  }
0x78: {  	_ =	shalt  }
0x79: {  	_ =	shalt  }
0x7a: {  	_ =	shalt  }
0x7b: {  	_ =	shalt  }
0x7c: {  	_ =	shalt  }
0x7d: {  	_ =	shalt  }
0x7e: {  	_ =	shalt  }
0x7f: {  	_ =	shalt  }
0x80: {  	_ =	shalt  }
0x81: {  	_ =	shalt  }
0x82: {  	_ =	shalt  }
0x83: {  	_ =	shalt  }
0x84: {  	_ =	shalt  }
0x85: {  	_ =	shalt  }
0x86: {  	_ =	shalt  }
0x87: {  	_ =	shalt  }
.Lfunc_end0:
.L_simem_size_0:
called_computation.1_lowered:
.L_overlay_start_0:
0x88: {  	s2 =	sld [smem:$0x3FD9]  }
0x89: {  	s3 =	sld [smem:$0x3FFE];
	_ =	sdelay $0x1  }
0x8a: {  	s1 =	srdreg.scid  }
0x8b: {  	s0 =	sand.u32 $0x1, s1  }
0x8c: {  	s17 =	sshll.u32 s0, $0xA;
	s2 =	sadd.s32 s3, s2  }
0x8d: {  	s2 =	sadd.s32 s2, s17  }
0x8e: {  	[smem:$0x3FC2] =	sst s2  }
0x8f: {  	_ = 	snop  }
0x90: {  	s2 =	sld [smem:$0x3FD0];
	(tm) =	ssettm $0x1  }
0x91: {  	s18 =	sld [smem:$0x3FFB];
	_ =	sdelay $0x3  }
0x92: {  	_ =	strace s18  }
0x93: {  	s3 =	sld [smem:$0x3FFC];
	_ =	sdelay $0x3  }
0x94: {  	_ =	strace s3  }
0x95: {  	s3 =	sld [smem:$0x3FFD];
	_ =	sdelay $0x3  }
0x96: {  	_ =	strace s3  }
0x97: {  	_ =	strace $0x8FFFFFFF  }
0x98: {  	s19 =	sld [smem:$0x3FDB];
	_ =	sdelay $0x1  }
0x99: {  	s4 =	simm.s32 $_scs_section_size  }
0x9a: {  	s5 =	simm.s32 $_size__tile_overlayer_lowered;
	s6 =	simm.s32 $_tile_overlayer_lowered  }
0x9b: {  	s22 =	simm.s32 $0x1BFF;
	s21 =	sshll.u32 s6, $0x1;
	s3 =	sadd.s32 s4, s19  }
0x9c: {  	s7 =	simm.s32 $0x0;
	s20 =	sshll.u32 s5, $0x1;
	s5 =	sadd.s32 s21, s3  }
0x9d: {  	[timem:s7], [sflag:s22] =	dma.local [hbm:s5], s20  }
0x9e: {  	_ =	swait.ge [sflag:s22], s20  }
0x9f: {  	s4 =	ssub.s32 $0x0, s20;
	[sflag:s22] =	ssyncset.done $0x0  }
0xa0: {  	[sflag:s22] =	ssyncadd.s32 s4;
	_ =	sdelay $0x1  }
0xa1: {  	s23 =	simm.s32 $0x1B8B  }
0xa2: {  	_ =	swait.ge [sflag:s23], $0x1  }
0xa3: {  	[sflag:s23] =	ssyncset.done $0x0  }
0xa4: {  	s25 =	simm.s32 $0x1B8E;
	s24 =	sld [smem:$0x3FFE];
	[sflag:s23] =	ssyncadd.s32 $0xFFFFFFFF  }
0xa5: {  	s26 =	simm.s32 $execute0_lowered;
	[smem:$0x3FD2] =	sst s25  }
0xa6: {  	s5 =	sshll.u32 s26, $0x1;
	_ =	strace $0x80000049;
	[dreg:$0x1] =	wrdreg $0xFFFFFFFF  }
0xa7: {  	s28 =	simm.s32 $_size_execute0_lowered;
	s3 =	sadd.s32 s3, s5;
	[dreg:$0x0] =	wrdreg $0x0  }
0xa8: {  	s5 =	sshll.u32 s28, $0x1;
	[dreg:$0x2] =	wrdreg s3  }
0xa9: {  	[dreg:$0x3] =	wrdreg s5  }
0xaa: {  	[dreg:$0x4] =	wrdreg $0xC0  }
0xab: {  	_ =	task [dreg:s7], $0x5FFFF  }
0xac: {  	[dreg:$0x1] =	wrdreg $0xFFFFFFFF  }
0xad: {  	[dreg:$0x0] =	wrdreg $0x60  }
0xae: {  	[dreg:$0x2] =	wrdreg s2  }
0xaf: {  	[dreg:$0x3] =	wrdreg s24  }
0xb0: {  	[dreg:$0x4] =	wrdreg $0x73000  }
0xb1: {  	[dreg:$0x5] =	wrdreg $0x9  }
0xb2: {  	_ =	task.clear_ibuf [dreg:s7], $0x6FFFF;
	_ =	strace $0x90000049  }
0xb3: {  	s29 =	simm.s32 $0x9;
	_ =	strace $0x8000004B  }
0xb4: {  	_ =	swait.ge [sflag:s29], $0x1  }
0xb5: {  	[sflag:s29] =	ssyncadd.s32 $0xFFFFFFFF  }
0xb6: {  	_ =	strace $0x9000004B  }
0xb7: {  	_ =	sfence  }
0xb8: {  	s30 =	sld [smem:$0x0];
	_ =	sdelay $0x2  }
0xb9: {  	s31 =	sshll.u32 s1, $0xD;
	s1 =	sshrl.u32 s1, $0x2  }
0xba: {  	s3 =	sand.u32 $0x4000, s31;
	s1 =	sadd.s32 s1, s30  }
0xbb: {  	s0 =	sor.u32 s3, s0;
	s1 =	sshll.u32 s1, $0x11  }
0xbc: {  	s0 =	sor.u32 s1, s0  }
0xbd: {  	s0 =	sadd.s32 $0x8F2B, s0  }
0xbe: {  	[sflag:s0] =	ssyncadd.remote.s32 $0x1  }
0xbf: {  	_ =	sfence.sel $0xFFFF  }
0xc0: {  	[dreg:$0x0] =	wrdreg $0xFFFFFFFF;
	(pc) =	sbr.abs _section_cstart, $3  }
0xc1: {  	[dreg:$0x1] =	wrdreg $0xFFFFFFFF  }
0xc2: {  	_ =	task.clear_ibuf [dreg:s7], $0x2FFFF;
	_ =	strace $0x9FFFFFFF  }
0xc3: {  	(tm) =	ssettm $0x7FFFFFFF  }
tec
execute0_lowered:
.L_overlay_start_1:
0x0: {  	(tag) =	ssettag $0x1  }
0x1: {  	s0 =	rddreg [dreg:$0x0]  }
0x2: {  	s1 =	rddreg [dreg:$0x1];
	s2 =	srdreg.scid  }
0x3: {  	s3 =	rddreg [dreg:$0x2];
	s11 =	stileid.u32  }
0x4: {  	s4 =	simm.s32 $0x0;
	s28 =	simm.s32 $0x6B00;
	s6 =	smul.u32 $0x14000, s11  }
0x5: {  	s29 =	simm.s32 $0x68;
	s30 =	simm.s32 $0x180;
	s8 =	smul.u32 $0x50000, s11  }
0x6: {  	s2 =	sand.u32 $0x1, s2;
	s10 =	sshll.u32 s11, $0x1;
	s11 =	smul.u32 $0x4E20, s11  }
0x7: {  	s31 =	simm.s32 $0x3700;
	[smem:$0x7FF] =	sst s4;
	s5 =	smul.u32 $0x140000, s2  }
0x8: {  	s12 =	ssub.s32 $0x2, s2;
	s10 =	sor.u32 s2, s10;
	s2 =	smul.u32 $0x2710, s2  }
0x9: {  	_ =	strace $0x8000004A;
	s9 =	sshrl.u32 s12, $0x1;
	s13 =	smul.u32 $0x2710, s10  }
0xa: {  	s8 =	sshrl.u32 s8, $0x2;
	s6 =	sadd.s32 s6, s5;
	s5 =	sadd.s32 $0x2800, s1  }
0xb: {  	s9 =	ssub.s32 s12, s9;
	s7 =	sshrl.u32 s6, $0x3;
	s20 =	sshrl.u32 s13, $0x3  }
0xc: {  	s6 =	sadd.s32 $0xC600, s1;
	s1 =	sadd.s32 s7, s1;
	s12 =	sadd.s32 s5, s20  }
0xd: {  	s7 =	sadd.s32 s8, s3;
	s10 =	sadd.s32 s6, s20;
	[dreg:$0xa] =	wrdreg s12  }
0xe: {  	s2 =	sadd.s32 s2, s11;
	s14 =	sadd.s32 $0x3400, s7;
	[dreg:$0xb] =	wrdreg s10  }
0xf: {  	s11 =	simm.s32 $0x200;
	s15 =	sadd.s32 $0x6800, s7;
	[dreg:$0x4] =	wrdreg s14  }
0x10: {  	s24 =	sadd.s32 $0x2698, s13;
	s16 =	sadd.s32 $0x9C00, s7;
	[dreg:$0x5] =	wrdreg s15  }
0x11: {  	s25 =	sadd.s32 $0x68, s2;
	s17 =	sadd.s32 $0xD000, s7;
	[dreg:$0x6] =	wrdreg s16  }
0x12: {  	s13 =	simm.s32 $0x10;
	s18 =	sadd.s32 $0x10400, s7;
	[dreg:$0x7] =	wrdreg s17  }
0x13: {  	s21 =	sadd.s32 $0x4E0, s20;
	s19 =	sadd.s32 $0x13800, s7;
	[dreg:$0x8] =	wrdreg s18  }
0x14: {  	s26 =	sshrl.u32 s25, $0x3;
	s22 =	sadd.s32 s5, s21;
	[dreg:$0x9] =	wrdreg s19  }
0x15: {  	s25 =	simm.s32 $0x300;
	s23 =	sadd.s32 s6, s21;
	[dreg:$0xc] =	wrdreg s22  }
0x16: {  	s8 =	simm.s32 $0x100;
	s1 =	sadd.s32 $0x66400, s1;
	[dreg:$0xd] =	wrdreg s23  }
0x17: {  	s10 =	simm.s32 $0x3;
	s12 =	simm.s32 $0x280;
	[dreg:$0xe] =	wrdreg s1  }
0x18: {  	s19 =	smax.u32 s9, $0x1;
	s1 =	sshrl.u32 s24, $0x3;
	s22 =	sadd.s32 $0xD0, s2  }
0x19: {  	s23 =	sadd.s32 s26, s6;
	s24 =	sadd.s32 s26, s5;
	s26 =	simm.s32 $0x4  }
0x1a: {  	s2 =	simm.s32 $0x2;
	s9 =	simm.s32 $0x1;
	s14 =	simm.s32 $0x0  }
0x1b: {  	v0 =	vimm.f32 $0.0e+00;
	v1 =	vimm.s32 $0x0;
	s20 =	sadd.s32 s5, s1;
	s21 =	sadd.s32 s6, s1;
	s1 =	simm.s32 $0x80  }
.LBB2_1:
0x1c: {  	s15 =	simm.s32 $0x0;
	s16 =	simm.s32 $0x200  }
.LBB2_2:
0x1d: {  	p0 =	sne.s32 s16, $0xCE00;
	[tilespmem:s15+$0x370] =	vst v0  }
0x1e: {  	[tilespmem:s15+$0x300] =	vst v0  }
0x1f: {  	[tilespmem:s15+$0x310] =	vst v0  }
.Ltmp0:
0x20: {  	[tilespmem:s15+$0x320] =	vst v0;
	(pc) =	sbr.rel @p0 .LBB2_2-.Ltmp0, $4  }
0x21: {  	[tilespmem:s15+$0x330] =	vst v0  }
0x22: {  	[tilespmem:s15+$0x340] =	vst v0  }
0x23: {  	[tilespmem:s15+$0x350] =	vst v0  }
0x24: {  	[tilespmem:s15+$0x360] =	vst v0;
	s15 =	sshra.s32 s16, $0x2;
	s16 =	sadd.s32 $0x200, s16  }
0x25: {  	[tilespmem:s15+$0x370] =	vst v0  }
0x26: {  	[tilespmem:s15+$0x300] =	vst v0  }
0x27: {  	[tilespmem:s15+$0x310] =	vst v0  }
0x28: {  	[tilespmem:s15+$0x320] =	vst v0  }
0x29: {  	[tilespmem:s15+$0x330] =	vst v0  }
0x2a: {  	[tilespmem:s15+$0x340] =	vst v0  }
0x2b: {  	[tilespmem:s15+$0x350] =	vst v0  }
0x2c: {  	[tilespmem:s15+$0x360] =	vst v0;
	s15 =	simm.s32 $0x0;
	s16 =	simm.s32 $0x200  }
.LBB2_4:
0x2d: {  	p0 =	sne.s32 s16, $0xCE00;
	[tilespmem:s15+$0x3770] =	vst v0  }
0x2e: {  	[tilespmem:s15+$0x3700] =	vst v0  }
0x2f: {  	[tilespmem:s15+$0x3710] =	vst v0  }
.Ltmp1:
0x30: {  	[tilespmem:s15+$0x3720] =	vst v0;
	(pc) =	sbr.rel @p0 .LBB2_4-.Ltmp1, $4  }
0x31: {  	[tilespmem:s15+$0x3730] =	vst v0  }
0x32: {  	[tilespmem:s15+$0x3740] =	vst v0  }
0x33: {  	[tilespmem:s15+$0x3750] =	vst v0  }
0x34: {  	[tilespmem:s15+$0x3760] =	vst v0;
	s15 =	sshra.s32 s16, $0x2;
	s16 =	sadd.s32 $0x200, s16  }
0x35: {  	[tilespmem:s15+$0x3770] =	vst v0  }
0x36: {  	[tilespmem:s15+$0x3700] =	vst v0  }
0x37: {  	[tilespmem:s15+$0x3710] =	vst v0  }
0x38: {  	[tilespmem:s15+$0x3720] =	vst v0  }
0x39: {  	[tilespmem:s15+$0x3730] =	vst v0  }
0x3a: {  	[tilespmem:s15+$0x3740] =	vst v0  }
0x3b: {  	[tilespmem:s15+$0x3750] =	vst v0  }
0x3c: {  	[tilespmem:s15+$0x3760] =	vst v0;
	s15 =	simm.s32 $0x0;
	s16 =	simm.s32 $0x200  }
.LBB2_6:
0x3d: {  	p0 =	sne.s32 s16, $0x1E00;
	[tilespmem:s15+$0x6B70] =	vst v0  }
0x3e: {  	[tilespmem:s15+$0x6B00] =	vst v0  }
0x3f: {  	[tilespmem:s15+$0x6B10] =	vst v0  }
.Ltmp2:
0x40: {  	[tilespmem:s15+$0x6B20] =	vst v0;
	(pc) =	sbr.rel @p0 .LBB2_6-.Ltmp2, $4  }
0x41: {  	[tilespmem:s15+$0x6B30] =	vst v0  }
0x42: {  	[tilespmem:s15+$0x6B40] =	vst v0  }
0x43: {  	[tilespmem:s15+$0x6B50] =	vst v0  }
0x44: {  	[tilespmem:s15+$0x6B60] =	vst v0;
	s15 =	sshra.s32 s16, $0x2;
	s16 =	sadd.s32 $0x200, s16  }
0x45: {  	[tilespmem:s15+$0x6B70] =	vst v0  }
0x46: {  	[tilespmem:s15+$0x6B00] =	vst v0  }
0x47: {  	[tilespmem:s15+$0x6B10] =	vst v0  }
0x48: {  	[tilespmem:s15+$0x6B20] =	vst v0  }
0x49: {  	[tilespmem:s15+$0x6B30] =	vst v0  }
0x4a: {  	[tilespmem:s15+$0x6B40] =	vst v0  }
0x4b: {  	[tilespmem:s15+$0x6B50] =	vst v0  }
0x4c: {  	[tilespmem:s15+$0x6B60] =	vst v0  }
0x4d: {  	[tilespmem:$0x180] =	vst v1  }
0x4e: {  	[tilespmem:$0x190] =	vst v1  }
0x4f: {  	[tilespmem:$0x1A0] =	vst v1  }
0x50: {  	[tilespmem:$0x1B0] =	vst v1  }
0x51: {  	[tilespmem:$0x1C0] =	vst v1  }
0x52: {  	[tilespmem:$0x1D0] =	vst v1  }
0x53: {  	[tilespmem:$0x1D8] =	vst v1  }
0x54: {  	[spmem:s7] =	stream.linear.scatter [tilespmem:s25], [sflag:$0x4], $0x3400, $0x38;
	[tilespmem:$0x1B300] =	vst v63  }
0x55: {  	_ =	swait.ge [sflag:s26], $0x3400  }
0x56: {  	[sflag:s26] =	ssyncset.done $0x0  }
0x57: {  	s18 =	rddreg [dreg:$0x4];
	[sflag:s26] =	ssyncadd.s32 $0xFFFFCC00  }
0x58: {  	[spmem:s18] =	stream.linear.scatter [tilespmem:s25], [sflag:$0x4], $0x3400, $0x38;
	[tilespmem:$0x1B300] =	vst v63  }
0x59: {  	_ =	swait.ge [sflag:s26], $0x3400  }
0x5a: {  	[sflag:s26] =	ssyncset.done $0x0  }
0x5b: {  	s16 =	rddreg [dreg:$0x5];
	[sflag:s26] =	ssyncadd.s32 $0xFFFFCC00  }
0x5c: {  	[spmem:s16] =	stream.linear.scatter [tilespmem:s25], [sflag:$0x4], $0x3400, $0x38;
	[tilespmem:$0x1B300] =	vst v63  }
0x5d: {  	_ =	swait.ge [sflag:s26], $0x3400  }
0x5e: {  	[sflag:s26] =	ssyncset.done $0x0  }
0x5f: {  	s17 =	rddreg [dreg:$0x6];
	[sflag:s26] =	ssyncadd.s32 $0xFFFFCC00  }
0x60: {  	[spmem:s17] =	stream.linear.scatter [tilespmem:s25], [sflag:$0x4], $0x3400, $0x38;
	[tilespmem:$0x1B300] =	vst v63  }
0x61: {  	_ =	swait.ge [sflag:s26], $0x3400  }
0x62: {  	[sflag:s26] =	ssyncset.done $0x0  }
0x63: {  	s18 =	rddreg [dreg:$0x7];
	[sflag:s26] =	ssyncadd.s32 $0xFFFFCC00  }
0x64: {  	[spmem:s18] =	stream.linear.scatter [tilespmem:s25], [sflag:$0x4], $0x3400, $0x38;
	[tilespmem:$0x1B300] =	vst v63  }
0x65: {  	_ =	swait.ge [sflag:s26], $0x3400  }
0x66: {  	[sflag:s26] =	ssyncset.done $0x0  }
0x67: {  	s16 =	rddreg [dreg:$0x8];
	[sflag:s26] =	ssyncadd.s32 $0xFFFFCC00  }
0x68: {  	[spmem:s16] =	stream.linear.scatter [tilespmem:s25], [sflag:$0x4], $0x3400, $0x38;
	[tilespmem:$0x1B300] =	vst v63  }
0x69: {  	_ =	swait.ge [sflag:s26], $0x3400  }
0x6a: {  	[sflag:s26] =	ssyncset.done $0x0  }
0x6b: {  	s17 =	rddreg [dreg:$0x9];
	[sflag:s26] =	ssyncadd.s32 $0xFFFFCC00  }
0x6c: {  	[spmem:s17] =	stream.linear.scatter [tilespmem:s28], [sflag:$0x4], $0x800, $0x38;
	[tilespmem:$0x1B300] =	vst v63  }
0x6d: {  	_ =	swait.ge [sflag:s26], $0x800  }
0x6e: {  	[sflag:s26] =	ssyncset.done $0x0  }
0x6f: {  	[sflag:s26] =	ssyncadd.s32 $0xFFFFF800  }
0x70: {  	[bflag:$0x0] =	sbarrier.arrive $0xFFFF  }
0x71: {  	[spmem:s3] =	stream.indirect.scatter.add.f32 [tilespmem:s31], [sflag:$0x2], $0x80, s30, s29, $0xb8;
	[tilespmem:$0x1B300] =	vst v63  }
0x72: {  	s18 =	simm.s32 $0x0;
	s16 =	rddreg [dreg:$0xa]  }
0x73: {  	[tilespmem:s18], [sflag:$0x4] =	stream.linear.gather [hbm4b:s16+s18], $0x68, $0x38;
	[tilespmem:$0x1B300] =	vst v63  }
0x74: {  	_ =	swait.ge [sflag:s26], $0x68  }
0x75: {  	[sflag:s26] =	ssyncset.done $0x0  }
0x76: {  	s17 =	rddreg [dreg:$0xb];
	[sflag:s26] =	ssyncadd.s32 $0xFFFFFF98  }
0x77: {  	[tilespmem:s1], [sflag:$0x4] =	stream.linear.gather [hbm4b:s17+s18], $0x68, $0x38;
	[tilespmem:$0x1B300] =	vst v63  }
0x78: {  	_ =	swait.ge [sflag:s26], $0x68  }
0x79: {  	[sflag:s26] =	ssyncset.done $0x0  }
0x7a: {  	[sflag:s26] =	ssyncadd.s32 $0xFFFFFF98  }
0x7b: {  	[tilespmem:s25], [sflag:$0x1] =	stream.indirect.gather [hbm4b:s0+s29], $0x80, s18, s29, $0xb8;
	[tilespmem:$0x1B300] =	vst v63  }
0x7c: {  	_ =	swait.ge [sflag:s2], $0x3400  }
0x7d: {  	[sflag:s2] =	ssyncset.done $0x0  }
0x7e: {  	s18 =	sadd.s32 $0x0, s24;
	[sflag:s2] =	ssyncadd.s32 $0xFFFFCC00  }
0x7f: {  	[tilespmem:s8], [sflag:$0x3] =	stream.linear.gather [hbm4b:s18+s4], $0x68, $0x38;
	[tilespmem:$0x1B300] =	vst v63  }
0x80: {  	s16 =	sadd.s32 $0x0, s23  }
0x81: {  	[tilespmem:s30], [sflag:$0x3] =	stream.linear.gather [hbm4b:s16+s4], $0x68, $0x38;
	[tilespmem:$0x1B300] =	vst v63  }
0x82: {  	_ =	swait.ge [sflag:s9], $0x3400  }
0x83: {  	[sflag:s9] =	ssyncset.done $0x0  }
0x84: {  	[sflag:s9] =	ssyncadd.s32 $0xFFFFCC00  }
0x85: {  	[spmem:s3] =	stream.indirect.scatter.add.f32 [tilespmem:s25], [sflag:$0x2], $0x80, s1, s29, $0xb8;
	[tilespmem:$0x1B300] =	vst v63  }
0x86: {  	_ =	swait.ge [sflag:s10], $0x68  }
0x87: {  	[sflag:s10] =	ssyncset.done $0x0  }
0x88: {  	[sflag:s10] =	ssyncadd.s32 $0xFFFFFF98  }
0x89: {  	_ =	swait.ge [sflag:s10], $0x68  }
0x8a: {  	[sflag:s10] =	ssyncset.done $0x0  }
0x8b: {  	[sflag:s10] =	ssyncadd.s32 $0xFFFFFF98  }
0x8c: {  	[tilespmem:s31], [sflag:$0x1] =	stream.indirect.gather [hbm4b:s0+s29], $0x80, s8, s29, $0xb8;
	[tilespmem:$0x1B300] =	vst v63  }
0x8d: {  	_ =	swait.ge [sflag:s2], $0x3400  }
0x8e: {  	s17 =	sshrl.u32 s22, $0x3;
	[sflag:s2] =	ssyncset.done $0x0  }
0x8f: {  	s18 =	sadd.s32 s5, s17;
	[sflag:s2] =	ssyncadd.s32 $0xFFFFCC00  }
0x90: {  	[tilespmem:s4], [sflag:$0x3] =	stream.linear.gather [hbm4b:s18+s4], $0x68, $0x38;
	[tilespmem:$0x1B300] =	vst v63  }
0x91: {  	s15 =	sadd.s32 s6, s17  }
0x92: {  	[tilespmem:s1], [sflag:$0x3] =	stream.linear.gather [hbm4b:s15+s4], $0x68, $0x38;
	[tilespmem:$0x1B300] =	vst v63  }
0x93: {  	_ =	swait.ge [sflag:s9], $0x3400  }
0x94: {  	[sflag:s9] =	ssyncset.done $0x0  }
0x95: {  	[sflag:s9] =	ssyncadd.s32 $0xFFFFCC00  }
0x96: {  	[spmem:s3] =	stream.indirect.scatter.add.f32 [tilespmem:s31], [sflag:$0x2], $0x80, s30, s29, $0xb8;
	[tilespmem:$0x1B300] =	vst v63  }
0x97: {  	_ =	swait.ge [sflag:s10], $0x68  }
0x98: {  	[sflag:s10] =	ssyncset.done $0x0  }
0x99: {  	[sflag:s10] =	ssyncadd.s32 $0xFFFFFF98  }
0x9a: {  	_ =	swait.ge [sflag:s10], $0x68  }
0x9b: {  	[sflag:s10] =	ssyncset.done $0x0  }
0x9c: {  	s16 =	sadd.s32 $0xD0, s22;
	s15 =	simm.s32 $0x1A;
	[sflag:s10] =	ssyncadd.s32 $0xFFFFFF98  }
.LBB2_8:
0x9d: {  	[tilespmem:s25], [sflag:$0x1] =	stream.indirect.gather [hbm4b:s0+s29], $0x80, s4, s29, $0xb8;
	[tilespmem:$0x1B300] =	vst v63  }
0x9e: {  	s17 =	smov.u32 s15  }
0x9f: {  	p0 =	sne.s32 s15, $0x4AC;
	s15 =	sadd.s32 $0x1A, s15;
	_ =	swait.ge [sflag:s2], $0x3400  }
0xa0: {  	[sflag:s2] =	ssyncset.done $0x0  }
0xa1: {  	s18 =	sadd.s32 s17, s24;
	[sflag:s2] =	ssyncadd.s32 $0xFFFFCC00  }
0xa2: {  	[tilespmem:s8], [sflag:$0x3] =	stream.linear.gather [hbm4b:s18+s4], $0x68, $0x38;
	[tilespmem:$0x1B300] =	vst v63  }
0xa3: {  	s17 =	sadd.s32 s17, s23  }
0xa4: {  	[tilespmem:s30], [sflag:$0x3] =	stream.linear.gather [hbm4b:s17+s4], $0x68, $0x38;
	[tilespmem:$0x1B300] =	vst v63  }
0xa5: {  	_ =	swait.ge [sflag:s9], $0x3400  }
0xa6: {  	[sflag:s9] =	ssyncset.done $0x0  }
0xa7: {  	[sflag:s9] =	ssyncadd.s32 $0xFFFFCC00  }
0xa8: {  	[spmem:s3] =	stream.indirect.scatter.add.f32 [tilespmem:s25], [sflag:$0x2], $0x80, s1, s29, $0xb8;
	[tilespmem:$0x1B300] =	vst v63  }
0xa9: {  	_ =	swait.ge [sflag:s10], $0x68  }
0xaa: {  	[sflag:s10] =	ssyncset.done $0x0  }
0xab: {  	[sflag:s10] =	ssyncadd.s32 $0xFFFFFF98  }
0xac: {  	_ =	swait.ge [sflag:s10], $0x68  }
0xad: {  	[sflag:s10] =	ssyncset.done $0x0  }
0xae: {  	[sflag:s10] =	ssyncadd.s32 $0xFFFFFF98  }
0xaf: {  	[tilespmem:s31], [sflag:$0x1] =	stream.indirect.gather [hbm4b:s0+s29], $0x80, s8, s29, $0xb8;
	[tilespmem:$0x1B300] =	vst v63  }
0xb0: {  	_ =	swait.ge [sflag:s2], $0x3400  }
0xb1: {  	s17 =	sshrl.u32 s16, $0x3;
	[sflag:s2] =	ssyncset.done $0x0  }
0xb2: {  	s18 =	sadd.s32 s5, s17;
	[sflag:s2] =	ssyncadd.s32 $0xFFFFCC00  }
0xb3: {  	[tilespmem:s4], [sflag:$0x3] =	stream.linear.gather [hbm4b:s18+s4], $0x68, $0x38;
	[tilespmem:$0x1B300] =	vst v63  }
0xb4: {  	s17 =	sadd.s32 s6, s17  }
0xb5: {  	[tilespmem:s1], [sflag:$0x3] =	stream.linear.gather [hbm4b:s17+s4], $0x68, $0x38;
	[tilespmem:$0x1B300] =	vst v63  }
0xb6: {  	_ =	swait.ge [sflag:s9], $0x3400  }
0xb7: {  	[sflag:s9] =	ssyncset.done $0x0  }
0xb8: {  	[sflag:s9] =	ssyncadd.s32 $0xFFFFCC00  }
0xb9: {  	[spmem:s3] =	stream.indirect.scatter.add.f32 [tilespmem:s31], [sflag:$0x2], $0x80, s30, s29, $0xb8;
	[tilespmem:$0x1B300] =	vst v63  }
0xba: {  	_ =	swait.ge [sflag:s10], $0x68  }
.Ltmp3:
0xbb: {  	[sflag:s10] =	ssyncset.done $0x0;
	(pc) =	sbr.rel @p0 .LBB2_8-.Ltmp3, $4  }
0xbc: {  	[sflag:s10] =	ssyncadd.s32 $0xFFFFFF98  }
0xbd: {  	_ =	swait.ge [sflag:s10], $0x68  }
0xbe: {  	[sflag:s10] =	ssyncset.done $0x0  }
0xbf: {  	s16 =	sadd.s32 $0xD0, s16;
	[sflag:s10] =	ssyncadd.s32 $0xFFFFFF98  }
0xc0: {  	[tilespmem:s25], [sflag:$0x1] =	stream.indirect.gather [hbm4b:s0+s29], $0x80, s4, s29, $0xb8;
	[tilespmem:$0x1B300] =	vst v63  }
0xc1: {  	_ =	swait.ge [sflag:s2], $0x3400  }
0xc2: {  	[sflag:s2] =	ssyncset.done $0x0  }
0xc3: {  	[sflag:s2] =	ssyncadd.s32 $0xFFFFCC00  }
0xc4: {  	[tilespmem:s8], [sflag:$0x3] =	stream.linear.gather [hbm4b:s20+s4], $0x68, $0x38;
	[tilespmem:$0x1B300] =	vst v63  }
0xc5: {  	_ = 	snop  }
0xc6: {  	[tilespmem:s30], [sflag:$0x3] =	stream.linear.gather [hbm4b:s21+s4], $0x68, $0x38;
	[tilespmem:$0x1B300] =	vst v63  }
0xc7: {  	_ =	swait.ge [sflag:s9], $0x3400  }
0xc8: {  	[sflag:s9] =	ssyncset.done $0x0  }
0xc9: {  	[sflag:s9] =	ssyncadd.s32 $0xFFFFCC00  }
0xca: {  	[spmem:s3] =	stream.indirect.scatter.add.f32 [tilespmem:s25], [sflag:$0x2], $0x80, s1, s29, $0xb8;
	[tilespmem:$0x1B300] =	vst v63  }
0xcb: {  	_ =	swait.ge [sflag:s10], $0x68  }
0xcc: {  	[sflag:s10] =	ssyncset.done $0x0  }
0xcd: {  	[sflag:s10] =	ssyncadd.s32 $0xFFFFFF98  }
0xce: {  	_ =	swait.ge [sflag:s10], $0x68  }
0xcf: {  	[sflag:s10] =	ssyncset.done $0x0  }
0xd0: {  	[sflag:s10] =	ssyncadd.s32 $0xFFFFFF98  }
0xd1: {  	[tilespmem:s31], [sflag:$0x1] =	stream.indirect.gather [hbm4b:s0+s29], $0x80, s8, s29, $0xb8;
	[tilespmem:$0x1B300] =	vst v63  }
0xd2: {  	_ =	swait.ge [sflag:s2], $0x3400  }
0xd3: {  	[sflag:s2] =	ssyncset.done $0x0  }
0xd4: {  	[sflag:s2] =	ssyncadd.s32 $0xFFFFCC00  }
0xd5: {  	_ =	swait.ge [sflag:s9], $0x3400  }
0xd6: {  	[sflag:s9] =	ssyncset.done $0x0  }
0xd7: {  	[sflag:s9] =	ssyncadd.s32 $0xFFFFCC00  }
0xd8: {  	[spmem:s3] =	stream.indirect.scatter.add.f32 [tilespmem:s31], [sflag:$0x2], $0x80, s30, s29, $0xb8;
	[tilespmem:$0x1B300] =	vst v63  }
0xd9: {  	_ =	swait.ge [sflag:s2], $0x3400  }
0xda: {  	[sflag:s2] =	ssyncset.done $0x0  }
0xdb: {  	s15 =	rddreg [dreg:$0xc];
	[sflag:s2] =	ssyncadd.s32 $0xFFFFCC00  }
0xdc: {  	[tilespmem:s11], [sflag:$0x4] =	stream.linear.gather [hbm4b:s15+s4], $0x10, $0x38;
	[tilespmem:$0x1B300] =	vst v63  }
0xdd: {  	_ =	swait.ge [sflag:s26], $0x10  }
0xde: {  	[sflag:s26] =	ssyncset.done $0x0  }
0xdf: {  	s17 =	rddreg [dreg:$0xd];
	[sflag:s26] =	ssyncadd.s32 $0xFFFFFFF0  }
0xe0: {  	[tilespmem:s12], [sflag:$0x4] =	stream.linear.gather [hbm4b:s17+s4], $0x10, $0x38;
	[tilespmem:$0x1B300] =	vst v63  }
0xe1: {  	_ =	swait.ge [sflag:s26], $0x10  }
0xe2: {  	[sflag:s26] =	ssyncset.done $0x0  }
0xe3: {  	[sflag:s26] =	ssyncadd.s32 $0xFFFFFFF0  }
0xe4: {  	[tilespmem:s28], [sflag:$0x1] =	stream.indirect.gather [hbm4b:s0+s13], $0x80, s11, s13, $0xb8;
	[tilespmem:$0x1B300] =	vst v63  }
0xe5: {  	_ =	swait.ge [sflag:s9], $0x800  }
0xe6: {  	[sflag:s9] =	ssyncset.done $0x0  }
0xe7: {  	[sflag:s9] =	ssyncadd.s32 $0xFFFFF800  }
0xe8: {  	[spmem:s3] =	stream.indirect.scatter.add.f32 [tilespmem:s28], [sflag:$0x4], $0x80, s12, s13, $0xb8;
	[tilespmem:$0x1B300] =	vst v63  }
0xe9: {  	_ =	swait.ge [sflag:s26], $0x800  }
0xea: {  	s18 =	stileid.u32;
	[sflag:s26] =	ssyncset.done $0x0  }
0xeb: {  	s16 =	sshrl.u32 s7, $0x3;
	s14 =	sadd.s32 $0x1, s14;
	[sflag:s26] =	ssyncadd.s32 $0xFFFFF800  }
0xec: {  	p0 =	sne.s32 s14, s19;
	s15 =	sshll.u32 s18, $0x6;
	[bflag:$0x0] =	sbarrier.arrive $0xFFFF  }
.Ltmp4:
0xed: {  	s15 =	sor.u32 $0x1C04, s15;
	s17 =	rddreg [dreg:$0xe];
	(pc) =	sbr.rel @p0 .LBB2_1-.Ltmp4, $4  }
0xee: {  	[hbm:s17], [sflag:s15] =	dma.local [spmem:s16], $0x2800  }
0xef: {  	_ =	swait.ge [sflag:s26], $0x2800  }
0xf0: {  	[sflag:s26] =	ssyncset.done $0x0  }
0xf1: {  	[sflag:s26] =	ssyncadd.s32 $0xFFFFD800  }
0xf2: {  	_ =	sfence.sel $0x180000  }
0xf3: {  	[bflag:$0x0] =	sbarrier.arrive $0xFFFF  }
0xf4: {  	_ =	strace $0x9000004A  }
0xf5: {  	s0 =	stileid.u32;
	[bflag:$0x2] =	sbarrier.arrive $0xFFFF  }
0xf6: {  	p0 =	sne.s32 s0, $0x0;
	s0 =	rddreg [dreg:$0x3]  }
0xf7: {  	s0 =	sadd.s32 @!p0 $0x100000, s0  }
0xf8: {  	[sflag:s0] =	ssyncadd.tile.s32 @!p0 $0x1;
	_ =	shalt  }
.Lfunc_end2:
_tile_overlayer_lowered:
.L_overlay_start_2:
0xf9: {  	(tag) =	ssettag $0x2  }
0xfa: {  	s0 =	rddreg [dreg:$0x0];
	s2 =	stileid.u32  }
0xfb: {  	s1 =	rddreg [dreg:$0x1];
	p0 =	sne.s32 s2, $0x0  }
0xfc: {  	s3 =	rddreg [dreg:$0x2];
	[bflag:$0x3] =	sbarrier.arrive $0xFFFF;
	s2 =	simm.s32 @!p0 $0x1C04  }
0xfd: {  	[timem:s3], [sflag:s2] =	dma.local @!p0 [hbm:s0], s1  }
0xfe: {  	s0 =	simm.s32 @!p0 $0x4  }
0xff: {  	_ =	swait.ge @!p0 [sflag:s0], s1  }
0x100: {  	s1 =	ssub.s32 @!p0 $0x0, s1;
	[sflag:s0] =	ssyncset.done @!p0 $0x0  }
0x101: {  	[sflag:s0] =	ssyncadd.s32 @!p0 s1  }
0x102: {  	[bflag:$0x3] =	sbarrier.arrive $0xFFFF  }
0x103: {  	_ =	shalt  }

// kernel: kernel.14.cloned.1.call-start
scs
__scs_entry_jumppad:
0x0: {  	(pc) =	sbr.rel $0x88, $3  }
0x1: {  	(tag) =	ssettag $0x0;
	lr =	simm.s32 $0x1  }
0x2: {  	[smem:$0x3F9B] =	sst lr;
	_ =	strace $0xD0000000  }
0x3: {  	_ = 	snop  }
0x4: {  	_ = 	snop  }
0x5: {  	_ = 	snop  }
0x6: {  	_ = 	snop  }
0x7: {  	_ = 	snop  }
__scs_overlays_trampoline_lowered:
0x8: {  	[smem:$0x3FAA] =	sst s0  }
0x9: {  	[smem:$0x3FAB] =	sst s1  }
0xa: {  	[smem:$0x3FAC] =	sst s2  }
0xb: {  	[smem:$0x3FAD] =	sst s3  }
0xc: {  	[smem:$0x3FAE] =	sst s4  }
0xd: {  	[smem:$0x3FAF] =	sst s5  }
0xe: {  	[smem:$0x3FB0] =	sst s6  }
0xf: {  	[smem:$0x3FB1] =	sst s7  }
0x10: {  	[smem:$0x3FB2] =	sst s8  }
0x11: {  	[smem:$0x3FB3] =	sst s9;
	s0 =	simm.s32 @!p0 $0x0  }
0x12: {  	s1 =	sld [smem:$0x3F99];
	s0 =	simm.s32 @p0 $0x1  }
0x13: {  	[smem:$0x3FB4] =	sst s0;
	s0 =	simm.s32 @!p1 $0x0  }
0x14: {  	s2 =	sld [smem:$0x3F98];
	s0 =	simm.s32 @p1 $0x1  }
0x15: {  	[smem:$0x3FB5] =	sst s0;
	s0 =	simm.s32 @!p2 $0x0  }
0x16: {  	s3 =	sld [smem:$0x3FDB];
	s0 =	simm.s32 @p2 $0x1  }
0x17: {  	s4 =	simm.s32 $0x1BF5;
	[smem:$0x3FB7] =	sst s0  }
0x18: {  	s0 =	sld [smem:$0x3F9A];
	_ =	swait.ge [sflag:s4], $0x0  }
0x19: {  	s7 =	sld [smem:$0x3F9B]  }
0x1a: {  	s8 =	sadd.s32 $0xFFFFE003, lr  }
0x1b: {  	s9 =	sadd.s32 $0xFFFFFEF7, lr;
	s5 =	simm.s32 $0xFFFFFFFF;
	p2 =	slt.u32 s8, $0xFFFFF086  }
0x1c: {  	p1 =	slt.u32 s9, $0xF7A;
	s5 =	simm.s32 @!p2 $0x0  }
0x1d: {  	s5 =	simm.s32 @p1 $0x1;
	p0 =	seq.s32 s7, s2  }
0x1e: {  	s7 =	smul.u32 @!p0 $0xF7A, s2;
	p2 =	seq.s32 @!p0 s5, $0x0  }
0x1f: {  	s9 =	smul.u32 $0xF7A, s1;
	s8 =	simm.s32 @!p0 $0x1BF5;
	p2 =	por !p2, p0  }
0x20: {  	[sflag:s8] =	ssyncset.s32 @!p0 $0xFFFFF086;
	s6 =	sadd.s32 @!p0 s3, s7;
	s7 =	simm.s32 @!p0 $0x108  }
0x21: {  	s3 =	sadd.s32 s3, s9;
	s6 =	sadd.s32 @!p0 $0x88, s6;
	s7 =	simm.s32 @p2 $0x1082  }
0x22: {  	[simem:s7], [sflag:s8] =	dma.local @!p0 [hbm:s6], $0xF7A  }
0x23: {  	s9 =	sor.u32 $0xD0000000, s2;
	s6 =	simm.s32 $0x108;
	_ =	swait.ge @!p0 [sflag:s8], $0x0  }
0x24: {  	s3 =	sadd.s32 $0x88, s3;
	s6 =	simm.s32 @!p1 $0x1082;
	[sflag:s4] =	ssyncset.s32 $0xFFFFF086  }
0x25: {  	[simem:s6], [sflag:s4] =	dma.local [hbm:s3], $0xF7A  }
0x26: {  	[smem:$0x3F9B] =	sst s1;
	(tag) =	ssettag s2;
	_ =	strace s9  }
0x27: {  	s1 =	sld [smem:$0x3FAB]  }
0x28: {  	s2 =	sld [smem:$0x3FAC]  }
0x29: {  	s4 =	sld [smem:$0x3FAE]  }
0x2a: {  	p0 =	seq.s32 s5, $0x0;
	s5 =	sld [smem:$0x3FAF]  }
0x2b: {  	s6 =	sld [smem:$0x3FB0]  }
0x2c: {  	s7 =	sld [smem:$0x3FB1]  }
0x2d: {  	s3 =	simm.s32 $0x108;
	s8 =	sld [smem:$0x3FB2]  }
0x2e: {  	s3 =	simm.s32 @!p0 $0x1082;
	s9 =	sld [smem:$0x3FB3]  }
0x2f: {  	lr =	sadd.s32 s0, s3;
	s0 =	sld [smem:$0x3FAA]  }
0x30: {  	s3 =	sld [smem:$0x3FAD]  }
0x31: {  	[smem:$0x3FB6] =	sst s10  }
0x32: {  	s10 =	sld [smem:$0x3FB4];
	_ =	sdelay $0x3  }
0x33: {  	p0 =	seq.s32 s10, $0x1;
	s10 =	sld [smem:$0x3FB6];
	_ =	sdelay $0x3  }
0x34: {  	[smem:$0x3FB6] =	sst s10  }
0x35: {  	s10 =	sld [smem:$0x3FB5];
	_ =	sdelay $0x3  }
0x36: {  	p1 =	seq.s32 s10, $0x1;
	s10 =	sld [smem:$0x3FB6];
	_ =	sdelay $0x3  }
0x37: {  	[smem:$0x3FB6] =	sst s10  }
0x38: {  	s10 =	sld [smem:$0x3FB7]  }
0x39: {  	_ = 	snop;
	(pc) =	sbr.ind lr, $3  }
0x3a: {  	_ = 	snop  }
0x3b: {  	_ = 	snop  }
0x3c: {  	p2 =	seq.s32 s10, $0x1;
	s10 =	sld [smem:$0x3FB6]  }
0x3d: {  	_ =	shalt  }
0x3e: {  	_ =	shalt  }
0x3f: {  	_ =	shalt  }
0x40: {  	_ =	shalt  }
0x41: {  	_ =	shalt  }
0x42: {  	_ =	shalt  }
0x43: {  	_ =	shalt  }
0x44: {  	_ =	shalt  }
0x45: {  	_ =	shalt  }
0x46: {  	_ =	shalt  }
0x47: {  	_ =	shalt  }
0x48: {  	_ =	shalt  }
0x49: {  	_ =	shalt  }
0x4a: {  	_ =	shalt  }
0x4b: {  	_ =	shalt  }
0x4c: {  	_ =	shalt  }
0x4d: {  	_ =	shalt  }
0x4e: {  	_ =	shalt  }
0x4f: {  	_ =	shalt  }
0x50: {  	_ =	shalt  }
0x51: {  	_ =	shalt  }
0x52: {  	_ =	shalt  }
0x53: {  	_ =	shalt  }
0x54: {  	_ =	shalt  }
0x55: {  	_ =	shalt  }
0x56: {  	_ =	shalt  }
0x57: {  	_ =	shalt  }
0x58: {  	_ =	shalt  }
0x59: {  	_ =	shalt  }
0x5a: {  	_ =	shalt  }
0x5b: {  	_ =	shalt  }
0x5c: {  	_ =	shalt  }
0x5d: {  	_ =	shalt  }
0x5e: {  	_ =	shalt  }
0x5f: {  	_ =	shalt  }
0x60: {  	_ =	shalt  }
0x61: {  	_ =	shalt  }
0x62: {  	_ =	shalt  }
0x63: {  	_ =	shalt  }
0x64: {  	_ =	shalt  }
0x65: {  	_ =	shalt  }
0x66: {  	_ =	shalt  }
0x67: {  	_ =	shalt  }
0x68: {  	_ =	shalt  }
0x69: {  	_ =	shalt  }
0x6a: {  	_ =	shalt  }
0x6b: {  	_ =	shalt  }
0x6c: {  	_ =	shalt  }
0x6d: {  	_ =	shalt  }
0x6e: {  	_ =	shalt  }
0x6f: {  	_ =	shalt  }
0x70: {  	_ =	shalt  }
0x71: {  	_ =	shalt  }
0x72: {  	_ =	shalt  }
0x73: {  	_ =	shalt  }
0x74: {  	_ =	shalt  }
0x75: {  	_ =	shalt  }
0x76: {  	_ =	shalt  }
0x77: {  	_ =	shalt  }
0x78: {  	_ =	shalt  }
0x79: {  	_ =	shalt  }
0x7a: {  	_ =	shalt  }
0x7b: {  	_ =	shalt  }
0x7c: {  	_ =	shalt  }
0x7d: {  	_ =	shalt  }
0x7e: {  	_ =	shalt  }
0x7f: {  	_ =	shalt  }
0x80: {  	_ =	shalt  }
0x81: {  	_ =	shalt  }
0x82: {  	_ =	shalt  }
0x83: {  	_ =	shalt  }
0x84: {  	_ =	shalt  }
0x85: {  	_ =	shalt  }
0x86: {  	_ =	shalt  }
0x87: {  	_ =	shalt  }
.Lfunc_end0:
.L_simem_size_0:
called_computation.2_lowered:
.L_overlay_start_0:
0x88: {  	s2 =	sld [smem:$0x3FD9]  }
0x89: {  	s3 =	sld [smem:$0x3FFE];
	_ =	sdelay $0x1  }
0x8a: {  	s1 =	srdreg.scid  }
0x8b: {  	s0 =	sand.u32 $0x1, s1  }
0x8c: {  	s17 =	sshll.u32 s0, $0xA;
	s2 =	sadd.s32 s3, s2  }
0x8d: {  	s2 =	sadd.s32 s2, s17  }
0x8e: {  	[smem:$0x3FC2] =	sst s2  }
0x8f: {  	_ = 	snop  }
0x90: {  	s2 =	sld [smem:$0x3FD0];
	(tm) =	ssettm $0x1  }
0x91: {  	s18 =	sld [smem:$0x3FFB];
	_ =	sdelay $0x3  }
0x92: {  	_ =	strace s18  }
0x93: {  	s3 =	sld [smem:$0x3FFC];
	_ =	sdelay $0x3  }
0x94: {  	_ =	strace s3  }
0x95: {  	s3 =	sld [smem:$0x3FFD];
	_ =	sdelay $0x3  }
0x96: {  	_ =	strace s3  }
0x97: {  	_ =	strace $0x8FFFFFFF  }
0x98: {  	s19 =	sld [smem:$0x3FDB];
	_ =	sdelay $0x1  }
0x99: {  	s4 =	simm.s32 $_scs_section_size  }
0x9a: {  	s5 =	simm.s32 $_size__tile_overlayer_lowered;
	s6 =	simm.s32 $_tile_overlayer_lowered  }
0x9b: {  	s22 =	simm.s32 $0x1BFF;
	s21 =	sshll.u32 s6, $0x1;
	s3 =	sadd.s32 s4, s19  }
0x9c: {  	s7 =	simm.s32 $0x0;
	s20 =	sshll.u32 s5, $0x1;
	s5 =	sadd.s32 s21, s3  }
0x9d: {  	[timem:s7], [sflag:s22] =	dma.local [hbm:s5], s20  }
0x9e: {  	_ =	swait.ge [sflag:s22], s20  }
0x9f: {  	s4 =	ssub.s32 $0x0, s20;
	[sflag:s22] =	ssyncset.done $0x0  }
0xa0: {  	[sflag:s22] =	ssyncadd.s32 s4;
	_ =	sdelay $0x1  }
0xa1: {  	s23 =	simm.s32 $0x1B8B  }
0xa2: {  	_ =	swait.ge [sflag:s23], $0x1  }
0xa3: {  	[sflag:s23] =	ssyncset.done $0x0  }
0xa4: {  	s25 =	simm.s32 $0x1B8E;
	s24 =	sld [smem:$0x3FFE];
	[sflag:s23] =	ssyncadd.s32 $0xFFFFFFFF  }
0xa5: {  	s26 =	simm.s32 $execute0_lowered;
	[smem:$0x3FD2] =	sst s25  }
0xa6: {  	s5 =	sshll.u32 s26, $0x1;
	_ =	strace $0x8000004C;
	[dreg:$0x1] =	wrdreg $0xFFFFFFFF  }
0xa7: {  	s28 =	simm.s32 $_size_execute0_lowered;
	s3 =	sadd.s32 s3, s5;
	[dreg:$0x0] =	wrdreg $0x0  }
0xa8: {  	s5 =	sshll.u32 s28, $0x1;
	[dreg:$0x2] =	wrdreg s3  }
0xa9: {  	[dreg:$0x3] =	wrdreg s5  }
0xaa: {  	[dreg:$0x4] =	wrdreg $0xC0  }
0xab: {  	_ =	task [dreg:s7], $0x5FFFF  }
0xac: {  	[dreg:$0x1] =	wrdreg $0xFFFFFFFF  }
0xad: {  	[dreg:$0x0] =	wrdreg $0x60  }
0xae: {  	[dreg:$0x2] =	wrdreg s2  }
0xaf: {  	[dreg:$0x3] =	wrdreg s24  }
0xb0: {  	[dreg:$0x4] =	wrdreg $0x73000  }
0xb1: {  	[dreg:$0x5] =	wrdreg $0x9  }
0xb2: {  	_ =	task.clear_ibuf [dreg:s7], $0x6FFFF;
	_ =	strace $0x9000004C  }
0xb3: {  	s29 =	simm.s32 $0x9;
	_ =	strace $0x8000004E  }
0xb4: {  	_ =	swait.ge [sflag:s29], $0x1  }
0xb5: {  	[sflag:s29] =	ssyncadd.s32 $0xFFFFFFFF  }
0xb6: {  	_ =	strace $0x9000004E  }
0xb7: {  	_ =	sfence  }
0xb8: {  	s30 =	sld [smem:$0x0];
	_ =	sdelay $0x2  }
0xb9: {  	s31 =	sshll.u32 s1, $0xD;
	s1 =	sshrl.u32 s1, $0x2  }
0xba: {  	s3 =	sand.u32 $0x4000, s31;
	s1 =	sadd.s32 s1, s30  }
0xbb: {  	s0 =	sor.u32 s3, s0;
	s1 =	sshll.u32 s1, $0x11  }
0xbc: {  	s0 =	sor.u32 s1, s0  }
0xbd: {  	s0 =	sadd.s32 $0x8F2B, s0  }
0xbe: {  	[sflag:s0] =	ssyncadd.remote.s32 $0x1  }
0xbf: {  	_ =	sfence.sel $0xFFFF  }
0xc0: {  	[dreg:$0x0] =	wrdreg $0xFFFFFFFF;
	(pc) =	sbr.abs _section_cstart, $3  }
0xc1: {  	[dreg:$0x1] =	wrdreg $0xFFFFFFFF  }
0xc2: {  	_ =	task.clear_ibuf [dreg:s7], $0x2FFFF;
	_ =	strace $0x9FFFFFFF  }
0xc3: {  	(tm) =	ssettm $0x7FFFFFFF  }
tec
execute0_lowered:
.L_overlay_start_1:
0x0: {  	(tag) =	ssettag $0x1  }
0x1: {  	s0 =	rddreg [dreg:$0x0]  }
0x2: {  	s1 =	rddreg [dreg:$0x1];
	s2 =	srdreg.scid  }
0x3: {  	s3 =	rddreg [dreg:$0x2];
	s11 =	stileid.u32  }
0x4: {  	s4 =	simm.s32 $0x0;
	s28 =	simm.s32 $0x6B00;
	s6 =	smul.u32 $0x14000, s11  }
0x5: {  	s29 =	simm.s32 $0x68;
	s30 =	simm.s32 $0x180;
	s8 =	smul.u32 $0x50000, s11  }
0x6: {  	s2 =	sand.u32 $0x1, s2;
	s10 =	sshll.u32 s11, $0x1;
	s11 =	smul.u32 $0x4E20, s11  }
0x7: {  	s31 =	simm.s32 $0x3700;
	[smem:$0x7FF] =	sst s4;
	s5 =	smul.u32 $0x140000, s2  }
0x8: {  	s12 =	ssub.s32 $0x2, s2;
	s10 =	sor.u32 s2, s10;
	s2 =	smul.u32 $0x2710, s2  }
0x9: {  	_ =	strace $0x8000004D;
	s9 =	sshrl.u32 s12, $0x1;
	s13 =	smul.u32 $0x2710, s10  }
0xa: {  	s8 =	sshrl.u32 s8, $0x2;
	s6 =	sadd.s32 s6, s5;
	s5 =	sadd.s32 $0x2800, s1  }
0xb: {  	s9 =	ssub.s32 s12, s9;
	s7 =	sshrl.u32 s6, $0x3;
	s20 =	sshrl.u32 s13, $0x3  }
0xc: {  	s6 =	sadd.s32 $0xC600, s1;
	s1 =	sadd.s32 s7, s1;
	s12 =	sadd.s32 s5, s20  }
0xd: {  	s7 =	sadd.s32 s8, s3;
	s10 =	sadd.s32 s6, s20;
	[dreg:$0xa] =	wrdreg s12  }
0xe: {  	s2 =	sadd.s32 s2, s11;
	s14 =	sadd.s32 $0x3400, s7;
	[dreg:$0xb] =	wrdreg s10  }
0xf: {  	s11 =	simm.s32 $0x200;
	s15 =	sadd.s32 $0x6800, s7;
	[dreg:$0x4] =	wrdreg s14  }
0x10: {  	s24 =	sadd.s32 $0x2698, s13;
	s16 =	sadd.s32 $0x9C00, s7;
	[dreg:$0x5] =	wrdreg s15  }
0x11: {  	s25 =	sadd.s32 $0x68, s2;
	s17 =	sadd.s32 $0xD000, s7;
	[dreg:$0x6] =	wrdreg s16  }
0x12: {  	s13 =	simm.s32 $0x10;
	s18 =	sadd.s32 $0x10400, s7;
	[dreg:$0x7] =	wrdreg s17  }
0x13: {  	s21 =	sadd.s32 $0x4E0, s20;
	s19 =	sadd.s32 $0x13800, s7;
	[dreg:$0x8] =	wrdreg s18  }
0x14: {  	s26 =	sshrl.u32 s25, $0x3;
	s22 =	sadd.s32 s5, s21;
	[dreg:$0x9] =	wrdreg s19  }
0x15: {  	s25 =	simm.s32 $0x300;
	s23 =	sadd.s32 s6, s21;
	[dreg:$0xc] =	wrdreg s22  }
0x16: {  	s8 =	simm.s32 $0x100;
	s1 =	sadd.s32 $0x66400, s1;
	[dreg:$0xd] =	wrdreg s23  }
0x17: {  	s10 =	simm.s32 $0x3;
	s12 =	simm.s32 $0x280;
	[dreg:$0xe] =	wrdreg s1  }
0x18: {  	s19 =	smax.u32 s9, $0x1;
	s1 =	sshrl.u32 s24, $0x3;
	s22 =	sadd.s32 $0xD0, s2  }
0x19: {  	s23 =	sadd.s32 s26, s6;
	s24 =	sadd.s32 s26, s5;
	s26 =	simm.s32 $0x4  }
0x1a: {  	s2 =	simm.s32 $0x2;
	s9 =	simm.s32 $0x1;
	s14 =	simm.s32 $0x0  }
0x1b: {  	v0 =	vimm.f32 $0.0e+00;
	v1 =	vimm.s32 $0x0;
	s20 =	sadd.s32 s5, s1;
	s21 =	sadd.s32 s6, s1;
	s1 =	simm.s32 $0x80  }
.LBB2_1:
0x1c: {  	s15 =	simm.s32 $0x0;
	s16 =	simm.s32 $0x200  }
.LBB2_2:
0x1d: {  	p0 =	sne.s32 s16, $0xCE00;
	[tilespmem:s15+$0x370] =	vst v0  }
0x1e: {  	[tilespmem:s15+$0x300] =	vst v0  }
0x1f: {  	[tilespmem:s15+$0x310] =	vst v0  }
.Ltmp0:
0x20: {  	[tilespmem:s15+$0x320] =	vst v0;
	(pc) =	sbr.rel @p0 .LBB2_2-.Ltmp0, $4  }
0x21: {  	[tilespmem:s15+$0x330] =	vst v0  }
0x22: {  	[tilespmem:s15+$0x340] =	vst v0  }
0x23: {  	[tilespmem:s15+$0x350] =	vst v0  }
0x24: {  	[tilespmem:s15+$0x360] =	vst v0;
	s15 =	sshra.s32 s16, $0x2;
	s16 =	sadd.s32 $0x200, s16  }
0x25: {  	[tilespmem:s15+$0x370] =	vst v0  }
0x26: {  	[tilespmem:s15+$0x300] =	vst v0  }
0x27: {  	[tilespmem:s15+$0x310] =	vst v0  }
0x28: {  	[tilespmem:s15+$0x320] =	vst v0  }
0x29: {  	[tilespmem:s15+$0x330] =	vst v0  }
0x2a: {  	[tilespmem:s15+$0x340] =	vst v0  }
0x2b: {  	[tilespmem:s15+$0x350] =	vst v0  }
0x2c: {  	[tilespmem:s15+$0x360] =	vst v0;
	s15 =	simm.s32 $0x0;
	s16 =	simm.s32 $0x200  }
.LBB2_4:
0x2d: {  	p0 =	sne.s32 s16, $0xCE00;
	[tilespmem:s15+$0x3770] =	vst v0  }
0x2e: {  	[tilespmem:s15+$0x3700] =	vst v0  }
0x2f: {  	[tilespmem:s15+$0x3710] =	vst v0  }
.Ltmp1:
0x30: {  	[tilespmem:s15+$0x3720] =	vst v0;
	(pc) =	sbr.rel @p0 .LBB2_4-.Ltmp1, $4  }
0x31: {  	[tilespmem:s15+$0x3730] =	vst v0  }
0x32: {  	[tilespmem:s15+$0x3740] =	vst v0  }
0x33: {  	[tilespmem:s15+$0x3750] =	vst v0  }
0x34: {  	[tilespmem:s15+$0x3760] =	vst v0;
	s15 =	sshra.s32 s16, $0x2;
	s16 =	sadd.s32 $0x200, s16  }
0x35: {  	[tilespmem:s15+$0x3770] =	vst v0  }
0x36: {  	[tilespmem:s15+$0x3700] =	vst v0  }
0x37: {  	[tilespmem:s15+$0x3710] =	vst v0  }
0x38: {  	[tilespmem:s15+$0x3720] =	vst v0  }
0x39: {  	[tilespmem:s15+$0x3730] =	vst v0  }
0x3a: {  	[tilespmem:s15+$0x3740] =	vst v0  }
0x3b: {  	[tilespmem:s15+$0x3750] =	vst v0  }
0x3c: {  	[tilespmem:s15+$0x3760] =	vst v0;
	s15 =	simm.s32 $0x0;
	s16 =	simm.s32 $0x200  }
.LBB2_6:
0x3d: {  	p0 =	sne.s32 s16, $0x1E00;
	[tilespmem:s15+$0x6B70] =	vst v0  }
0x3e: {  	[tilespmem:s15+$0x6B00] =	vst v0  }
0x3f: {  	[tilespmem:s15+$0x6B10] =	vst v0  }
.Ltmp2:
0x40: {  	[tilespmem:s15+$0x6B20] =	vst v0;
	(pc) =	sbr.rel @p0 .LBB2_6-.Ltmp2, $4  }
0x41: {  	[tilespmem:s15+$0x6B30] =	vst v0  }
0x42: {  	[tilespmem:s15+$0x6B40] =	vst v0  }
0x43: {  	[tilespmem:s15+$0x6B50] =	vst v0  }
0x44: {  	[tilespmem:s15+$0x6B60] =	vst v0;
	s15 =	sshra.s32 s16, $0x2;
	s16 =	sadd.s32 $0x200, s16  }
0x45: {  	[tilespmem:s15+$0x6B70] =	vst v0  }
0x46: {  	[tilespmem:s15+$0x6B00] =	vst v0  }
0x47: {  	[tilespmem:s15+$0x6B10] =	vst v0  }
0x48: {  	[tilespmem:s15+$0x6B20] =	vst v0  }
0x49: {  	[tilespmem:s15+$0x6B30] =	vst v0  }
0x4a: {  	[tilespmem:s15+$0x6B40] =	vst v0  }
0x4b: {  	[tilespmem:s15+$0x6B50] =	vst v0  }
0x4c: {  	[tilespmem:s15+$0x6B60] =	vst v0  }
0x4d: {  	[tilespmem:$0x180] =	vst v1  }
0x4e: {  	[tilespmem:$0x190] =	vst v1  }
0x4f: {  	[tilespmem:$0x1A0] =	vst v1  }
0x50: {  	[tilespmem:$0x1B0] =	vst v1  }
0x51: {  	[tilespmem:$0x1C0] =	vst v1  }
0x52: {  	[tilespmem:$0x1D0] =	vst v1  }
0x53: {  	[tilespmem:$0x1D8] =	vst v1  }
0x54: {  	[spmem:s7] =	stream.linear.scatter [tilespmem:s25], [sflag:$0x4], $0x3400, $0x38;
	[tilespmem:$0x1B300] =	vst v63  }
0x55: {  	_ =	swait.ge [sflag:s26], $0x3400  }
0x56: {  	[sflag:s26] =	ssyncset.done $0x0  }
0x57: {  	s18 =	rddreg [dreg:$0x4];
	[sflag:s26] =	ssyncadd.s32 $0xFFFFCC00  }
0x58: {  	[spmem:s18] =	stream.linear.scatter [tilespmem:s25], [sflag:$0x4], $0x3400, $0x38;
	[tilespmem:$0x1B300] =	vst v63  }
0x59: {  	_ =	swait.ge [sflag:s26], $0x3400  }
0x5a: {  	[sflag:s26] =	ssyncset.done $0x0  }
0x5b: {  	s16 =	rddreg [dreg:$0x5];
	[sflag:s26] =	ssyncadd.s32 $0xFFFFCC00  }
0x5c: {  	[spmem:s16] =	stream.linear.scatter [tilespmem:s25], [sflag:$0x4], $0x3400, $0x38;
	[tilespmem:$0x1B300] =	vst v63  }
0x5d: {  	_ =	swait.ge [sflag:s26], $0x3400  }
0x5e: {  	[sflag:s26] =	ssyncset.done $0x0  }
0x5f: {  	s17 =	rddreg [dreg:$0x6];
	[sflag:s26] =	ssyncadd.s32 $0xFFFFCC00  }
0x60: {  	[spmem:s17] =	stream.linear.scatter [tilespmem:s25], [sflag:$0x4], $0x3400, $0x38;
	[tilespmem:$0x1B300] =	vst v63  }
0x61: {  	_ =	swait.ge [sflag:s26], $0x3400  }
0x62: {  	[sflag:s26] =	ssyncset.done $0x0  }
0x63: {  	s18 =	rddreg [dreg:$0x7];
	[sflag:s26] =	ssyncadd.s32 $0xFFFFCC00  }
0x64: {  	[spmem:s18] =	stream.linear.scatter [tilespmem:s25], [sflag:$0x4], $0x3400, $0x38;
	[tilespmem:$0x1B300] =	vst v63  }
0x65: {  	_ =	swait.ge [sflag:s26], $0x3400  }
0x66: {  	[sflag:s26] =	ssyncset.done $0x0  }
0x67: {  	s16 =	rddreg [dreg:$0x8];
	[sflag:s26] =	ssyncadd.s32 $0xFFFFCC00  }
0x68: {  	[spmem:s16] =	stream.linear.scatter [tilespmem:s25], [sflag:$0x4], $0x3400, $0x38;
	[tilespmem:$0x1B300] =	vst v63  }
0x69: {  	_ =	swait.ge [sflag:s26], $0x3400  }
0x6a: {  	[sflag:s26] =	ssyncset.done $0x0  }
0x6b: {  	s17 =	rddreg [dreg:$0x9];
	[sflag:s26] =	ssyncadd.s32 $0xFFFFCC00  }
0x6c: {  	[spmem:s17] =	stream.linear.scatter [tilespmem:s28], [sflag:$0x4], $0x800, $0x38;
	[tilespmem:$0x1B300] =	vst v63  }
0x6d: {  	_ =	swait.ge [sflag:s26], $0x800  }
0x6e: {  	[sflag:s26] =	ssyncset.done $0x0  }
0x6f: {  	[sflag:s26] =	ssyncadd.s32 $0xFFFFF800  }
0x70: {  	[bflag:$0x0] =	sbarrier.arrive $0xFFFF  }
0x71: {  	[spmem:s3] =	stream.indirect.scatter.add.f32 [tilespmem:s31], [sflag:$0x2], $0x80, s30, s29, $0xb8;
	[tilespmem:$0x1B300] =	vst v63  }
0x72: {  	s18 =	simm.s32 $0x0;
	s16 =	rddreg [dreg:$0xa]  }
0x73: {  	[tilespmem:s18], [sflag:$0x4] =	stream.linear.gather [hbm4b:s16+s18], $0x68, $0x38;
	[tilespmem:$0x1B300] =	vst v63  }
0x74: {  	_ =	swait.ge [sflag:s26], $0x68  }
0x75: {  	[sflag:s26] =	ssyncset.done $0x0  }
0x76: {  	s17 =	rddreg [dreg:$0xb];
	[sflag:s26] =	ssyncadd.s32 $0xFFFFFF98  }
0x77: {  	[tilespmem:s1], [sflag:$0x4] =	stream.linear.gather [hbm4b:s17+s18], $0x68, $0x38;
	[tilespmem:$0x1B300] =	vst v63  }
0x78: {  	_ =	swait.ge [sflag:s26], $0x68  }
0x79: {  	[sflag:s26] =	ssyncset.done $0x0  }
0x7a: {  	[sflag:s26] =	ssyncadd.s32 $0xFFFFFF98  }
0x7b: {  	[tilespmem:s25], [sflag:$0x1] =	stream.indirect.gather [hbm4b:s0+s29], $0x80, s18, s29, $0xb8;
	[tilespmem:$0x1B300] =	vst v63  }
0x7c: {  	_ =	swait.ge [sflag:s2], $0x3400  }
0x7d: {  	[sflag:s2] =	ssyncset.done $0x0  }
0x7e: {  	s18 =	sadd.s32 $0x0, s24;
	[sflag:s2] =	ssyncadd.s32 $0xFFFFCC00  }
0x7f: {  	[tilespmem:s8], [sflag:$0x3] =	stream.linear.gather [hbm4b:s18+s4], $0x68, $0x38;
	[tilespmem:$0x1B300] =	vst v63  }
0x80: {  	s16 =	sadd.s32 $0x0, s23  }
0x81: {  	[tilespmem:s30], [sflag:$0x3] =	stream.linear.gather [hbm4b:s16+s4], $0x68, $0x38;
	[tilespmem:$0x1B300] =	vst v63  }
0x82: {  	_ =	swait.ge [sflag:s9], $0x3400  }
0x83: {  	[sflag:s9] =	ssyncset.done $0x0  }
0x84: {  	[sflag:s9] =	ssyncadd.s32 $0xFFFFCC00  }
0x85: {  	[spmem:s3] =	stream.indirect.scatter.add.f32 [tilespmem:s25], [sflag:$0x2], $0x80, s1, s29, $0xb8;
	[tilespmem:$0x1B300] =	vst v63  }
0x86: {  	_ =	swait.ge [sflag:s10], $0x68  }
0x87: {  	[sflag:s10] =	ssyncset.done $0x0  }
0x88: {  	[sflag:s10] =	ssyncadd.s32 $0xFFFFFF98  }
0x89: {  	_ =	swait.ge [sflag:s10], $0x68  }
0x8a: {  	[sflag:s10] =	ssyncset.done $0x0  }
0x8b: {  	[sflag:s10] =	ssyncadd.s32 $0xFFFFFF98  }
0x8c: {  	[tilespmem:s31], [sflag:$0x1] =	stream.indirect.gather [hbm4b:s0+s29], $0x80, s8, s29, $0xb8;
	[tilespmem:$0x1B300] =	vst v63  }
0x8d: {  	_ =	swait.ge [sflag:s2], $0x3400  }
0x8e: {  	s17 =	sshrl.u32 s22, $0x3;
	[sflag:s2] =	ssyncset.done $0x0  }
0x8f: {  	s18 =	sadd.s32 s5, s17;
	[sflag:s2] =	ssyncadd.s32 $0xFFFFCC00  }
0x90: {  	[tilespmem:s4], [sflag:$0x3] =	stream.linear.gather [hbm4b:s18+s4], $0x68, $0x38;
	[tilespmem:$0x1B300] =	vst v63  }
0x91: {  	s15 =	sadd.s32 s6, s17  }
0x92: {  	[tilespmem:s1], [sflag:$0x3] =	stream.linear.gather [hbm4b:s15+s4], $0x68, $0x38;
	[tilespmem:$0x1B300] =	vst v63  }
0x93: {  	_ =	swait.ge [sflag:s9], $0x3400  }
0x94: {  	[sflag:s9] =	ssyncset.done $0x0  }
0x95: {  	[sflag:s9] =	ssyncadd.s32 $0xFFFFCC00  }
0x96: {  	[spmem:s3] =	stream.indirect.scatter.add.f32 [tilespmem:s31], [sflag:$0x2], $0x80, s30, s29, $0xb8;
	[tilespmem:$0x1B300] =	vst v63  }
0x97: {  	_ =	swait.ge [sflag:s10], $0x68  }
0x98: {  	[sflag:s10] =	ssyncset.done $0x0  }
0x99: {  	[sflag:s10] =	ssyncadd.s32 $0xFFFFFF98  }
0x9a: {  	_ =	swait.ge [sflag:s10], $0x68  }
0x9b: {  	[sflag:s10] =	ssyncset.done $0x0  }
0x9c: {  	s16 =	sadd.s32 $0xD0, s22;
	s15 =	simm.s32 $0x1A;
	[sflag:s10] =	ssyncadd.s32 $0xFFFFFF98  }
.LBB2_8:
0x9d: {  	[tilespmem:s25], [sflag:$0x1] =	stream.indirect.gather [hbm4b:s0+s29], $0x80, s4, s29, $0xb8;
	[tilespmem:$0x1B300] =	vst v63  }
0x9e: {  	s17 =	smov.u32 s15  }
0x9f: {  	p0 =	sne.s32 s15, $0x4AC;
	s15 =	sadd.s32 $0x1A, s15;
	_ =	swait.ge [sflag:s2], $0x3400  }
0xa0: {  	[sflag:s2] =	ssyncset.done $0x0  }
0xa1: {  	s18 =	sadd.s32 s17, s24;
	[sflag:s2] =	ssyncadd.s32 $0xFFFFCC00  }
0xa2: {  	[tilespmem:s8], [sflag:$0x3] =	stream.linear.gather [hbm4b:s18+s4], $0x68, $0x38;
	[tilespmem:$0x1B300] =	vst v63  }
0xa3: {  	s17 =	sadd.s32 s17, s23  }
0xa4: {  	[tilespmem:s30], [sflag:$0x3] =	stream.linear.gather [hbm4b:s17+s4], $0x68, $0x38;
	[tilespmem:$0x1B300] =	vst v63  }
0xa5: {  	_ =	swait.ge [sflag:s9], $0x3400  }
0xa6: {  	[sflag:s9] =	ssyncset.done $0x0  }
0xa7: {  	[sflag:s9] =	ssyncadd.s32 $0xFFFFCC00  }
0xa8: {  	[spmem:s3] =	stream.indirect.scatter.add.f32 [tilespmem:s25], [sflag:$0x2], $0x80, s1, s29, $0xb8;
	[tilespmem:$0x1B300] =	vst v63  }
0xa9: {  	_ =	swait.ge [sflag:s10], $0x68  }
0xaa: {  	[sflag:s10] =	ssyncset.done $0x0  }
0xab: {  	[sflag:s10] =	ssyncadd.s32 $0xFFFFFF98  }
0xac: {  	_ =	swait.ge [sflag:s10], $0x68  }
0xad: {  	[sflag:s10] =	ssyncset.done $0x0  }
0xae: {  	[sflag:s10] =	ssyncadd.s32 $0xFFFFFF98  }
0xaf: {  	[tilespmem:s31], [sflag:$0x1] =	stream.indirect.gather [hbm4b:s0+s29], $0x80, s8, s29, $0xb8;
	[tilespmem:$0x1B300] =	vst v63  }
0xb0: {  	_ =	swait.ge [sflag:s2], $0x3400  }
0xb1: {  	s17 =	sshrl.u32 s16, $0x3;
	[sflag:s2] =	ssyncset.done $0x0  }
0xb2: {  	s18 =	sadd.s32 s5, s17;
	[sflag:s2] =	ssyncadd.s32 $0xFFFFCC00  }
0xb3: {  	[tilespmem:s4], [sflag:$0x3] =	stream.linear.gather [hbm4b:s18+s4], $0x68, $0x38;
	[tilespmem:$0x1B300] =	vst v63  }
0xb4: {  	s17 =	sadd.s32 s6, s17  }
0xb5: {  	[tilespmem:s1], [sflag:$0x3] =	stream.linear.gather [hbm4b:s17+s4], $0x68, $0x38;
	[tilespmem:$0x1B300] =	vst v63  }
0xb6: {  	_ =	swait.ge [sflag:s9], $0x3400  }
0xb7: {  	[sflag:s9] =	ssyncset.done $0x0  }
0xb8: {  	[sflag:s9] =	ssyncadd.s32 $0xFFFFCC00  }
0xb9: {  	[spmem:s3] =	stream.indirect.scatter.add.f32 [tilespmem:s31], [sflag:$0x2], $0x80, s30, s29, $0xb8;
	[tilespmem:$0x1B300] =	vst v63  }
0xba: {  	_ =	swait.ge [sflag:s10], $0x68  }
.Ltmp3:
0xbb: {  	[sflag:s10] =	ssyncset.done $0x0;
	(pc) =	sbr.rel @p0 .LBB2_8-.Ltmp3, $4  }
0xbc: {  	[sflag:s10] =	ssyncadd.s32 $0xFFFFFF98  }
0xbd: {  	_ =	swait.ge [sflag:s10], $0x68  }
0xbe: {  	[sflag:s10] =	ssyncset.done $0x0  }
0xbf: {  	s16 =	sadd.s32 $0xD0, s16;
	[sflag:s10] =	ssyncadd.s32 $0xFFFFFF98  }
0xc0: {  	[tilespmem:s25], [sflag:$0x1] =	stream.indirect.gather [hbm4b:s0+s29], $0x80, s4, s29, $0xb8;
	[tilespmem:$0x1B300] =	vst v63  }
0xc1: {  	_ =	swait.ge [sflag:s2], $0x3400  }
0xc2: {  	[sflag:s2] =	ssyncset.done $0x0  }
0xc3: {  	[sflag:s2] =	ssyncadd.s32 $0xFFFFCC00  }
0xc4: {  	[tilespmem:s8], [sflag:$0x3] =	stream.linear.gather [hbm4b:s20+s4], $0x68, $0x38;
	[tilespmem:$0x1B300] =	vst v63  }
0xc5: {  	_ = 	snop  }
0xc6: {  	[tilespmem:s30], [sflag:$0x3] =	stream.linear.gather [hbm4b:s21+s4], $0x68, $0x38;
	[tilespmem:$0x1B300] =	vst v63  }
0xc7: {  	_ =	swait.ge [sflag:s9], $0x3400  }
0xc8: {  	[sflag:s9] =	ssyncset.done $0x0  }
0xc9: {  	[sflag:s9] =	ssyncadd.s32 $0xFFFFCC00  }
0xca: {  	[spmem:s3] =	stream.indirect.scatter.add.f32 [tilespmem:s25], [sflag:$0x2], $0x80, s1, s29, $0xb8;
	[tilespmem:$0x1B300] =	vst v63  }
0xcb: {  	_ =	swait.ge [sflag:s10], $0x68  }
0xcc: {  	[sflag:s10] =	ssyncset.done $0x0  }
0xcd: {  	[sflag:s10] =	ssyncadd.s32 $0xFFFFFF98  }
0xce: {  	_ =	swait.ge [sflag:s10], $0x68  }
0xcf: {  	[sflag:s10] =	ssyncset.done $0x0  }
0xd0: {  	[sflag:s10] =	ssyncadd.s32 $0xFFFFFF98  }
0xd1: {  	[tilespmem:s31], [sflag:$0x1] =	stream.indirect.gather [hbm4b:s0+s29], $0x80, s8, s29, $0xb8;
	[tilespmem:$0x1B300] =	vst v63  }
0xd2: {  	_ =	swait.ge [sflag:s2], $0x3400  }
0xd3: {  	[sflag:s2] =	ssyncset.done $0x0  }
0xd4: {  	[sflag:s2] =	ssyncadd.s32 $0xFFFFCC00  }
0xd5: {  	_ =	swait.ge [sflag:s9], $0x3400  }
0xd6: {  	[sflag:s9] =	ssyncset.done $0x0  }
0xd7: {  	[sflag:s9] =	ssyncadd.s32 $0xFFFFCC00  }
0xd8: {  	[spmem:s3] =	stream.indirect.scatter.add.f32 [tilespmem:s31], [sflag:$0x2], $0x80, s30, s29, $0xb8;
	[tilespmem:$0x1B300] =	vst v63  }
0xd9: {  	_ =	swait.ge [sflag:s2], $0x3400  }
0xda: {  	[sflag:s2] =	ssyncset.done $0x0  }
0xdb: {  	s15 =	rddreg [dreg:$0xc];
	[sflag:s2] =	ssyncadd.s32 $0xFFFFCC00  }
0xdc: {  	[tilespmem:s11], [sflag:$0x4] =	stream.linear.gather [hbm4b:s15+s4], $0x10, $0x38;
	[tilespmem:$0x1B300] =	vst v63  }
0xdd: {  	_ =	swait.ge [sflag:s26], $0x10  }
0xde: {  	[sflag:s26] =	ssyncset.done $0x0  }
0xdf: {  	s17 =	rddreg [dreg:$0xd];
	[sflag:s26] =	ssyncadd.s32 $0xFFFFFFF0  }
0xe0: {  	[tilespmem:s12], [sflag:$0x4] =	stream.linear.gather [hbm4b:s17+s4], $0x10, $0x38;
	[tilespmem:$0x1B300] =	vst v63  }
0xe1: {  	_ =	swait.ge [sflag:s26], $0x10  }
0xe2: {  	[sflag:s26] =	ssyncset.done $0x0  }
0xe3: {  	[sflag:s26] =	ssyncadd.s32 $0xFFFFFFF0  }
0xe4: {  	[tilespmem:s28], [sflag:$0x1] =	stream.indirect.gather [hbm4b:s0+s13], $0x80, s11, s13, $0xb8;
	[tilespmem:$0x1B300] =	vst v63  }
0xe5: {  	_ =	swait.ge [sflag:s9], $0x800  }
0xe6: {  	[sflag:s9] =	ssyncset.done $0x0  }
0xe7: {  	[sflag:s9] =	ssyncadd.s32 $0xFFFFF800  }
0xe8: {  	[spmem:s3] =	stream.indirect.scatter.add.f32 [tilespmem:s28], [sflag:$0x4], $0x80, s12, s13, $0xb8;
	[tilespmem:$0x1B300] =	vst v63  }
0xe9: {  	_ =	swait.ge [sflag:s26], $0x800  }
0xea: {  	s18 =	stileid.u32;
	[sflag:s26] =	ssyncset.done $0x0  }
0xeb: {  	s16 =	sshrl.u32 s7, $0x3;
	s14 =	sadd.s32 $0x1, s14;
	[sflag:s26] =	ssyncadd.s32 $0xFFFFF800  }
0xec: {  	p0 =	sne.s32 s14, s19;
	s15 =	sshll.u32 s18, $0x6;
	[bflag:$0x0] =	sbarrier.arrive $0xFFFF  }
.Ltmp4:
0xed: {  	s15 =	sor.u32 $0x1C04, s15;
	s17 =	rddreg [dreg:$0xe];
	(pc) =	sbr.rel @p0 .LBB2_1-.Ltmp4, $4  }
0xee: {  	[hbm:s17], [sflag:s15] =	dma.local [spmem:s16], $0x2800  }
0xef: {  	_ =	swait.ge [sflag:s26], $0x2800  }
0xf0: {  	[sflag:s26] =	ssyncset.done $0x0  }
0xf1: {  	[sflag:s26] =	ssyncadd.s32 $0xFFFFD800  }
0xf2: {  	_ =	sfence.sel $0x180000  }
0xf3: {  	[bflag:$0x0] =	sbarrier.arrive $0xFFFF  }
0xf4: {  	_ =	strace $0x9000004D  }
0xf5: {  	s0 =	stileid.u32;
	[bflag:$0x2] =	sbarrier.arrive $0xFFFF  }
0xf6: {  	p0 =	sne.s32 s0, $0x0;
	s0 =	rddreg [dreg:$0x3]  }
0xf7: {  	s0 =	sadd.s32 @!p0 $0x100000, s0  }
0xf8: {  	[sflag:s0] =	ssyncadd.tile.s32 @!p0 $0x1;
	_ =	shalt  }
.Lfunc_end2:
_tile_overlayer_lowered:
.L_overlay_start_2:
0xf9: {  	(tag) =	ssettag $0x2  }
0xfa: {  	s0 =	rddreg [dreg:$0x0];
	s2 =	stileid.u32  }
0xfb: {  	s1 =	rddreg [dreg:$0x1];
	p0 =	sne.s32 s2, $0x0  }
0xfc: {  	s3 =	rddreg [dreg:$0x2];
	[bflag:$0x3] =	sbarrier.arrive $0xFFFF;
	s2 =	simm.s32 @!p0 $0x1C04  }
0xfd: {  	[timem:s3], [sflag:s2] =	dma.local @!p0 [hbm:s0], s1  }
0xfe: {  	s0 =	simm.s32 @!p0 $0x4  }
0xff: {  	_ =	swait.ge @!p0 [sflag:s0], s1  }
0x100: {  	s1 =	ssub.s32 @!p0 $0x0, s1;
	[sflag:s0] =	ssyncset.done @!p0 $0x0  }
0x101: {  	[sflag:s0] =	ssyncadd.s32 @!p0 s1  }
0x102: {  	[bflag:$0x3] =	sbarrier.arrive $0xFFFF  }
0x103: {  	_ =	shalt  }

// kernel: kernel.8.cloned.1.call-start
scs
__scs_entry_jumppad:
0x0: {  	(pc) =	sbr.rel $0x88, $3  }
0x1: {  	(tag) =	ssettag $0x0;
	lr =	simm.s32 $0x1  }
0x2: {  	[smem:$0x3F9B] =	sst lr;
	_ =	strace $0xD0000000  }
0x3: {  	_ = 	snop  }
0x4: {  	_ = 	snop  }
0x5: {  	_ = 	snop  }
0x6: {  	_ = 	snop  }
0x7: {  	_ = 	snop  }
__scs_overlays_trampoline_lowered:
0x8: {  	[smem:$0x3FAA] =	sst s0  }
0x9: {  	[smem:$0x3FAB] =	sst s1  }
0xa: {  	[smem:$0x3FAC] =	sst s2  }
0xb: {  	[smem:$0x3FAD] =	sst s3  }
0xc: {  	[smem:$0x3FAE] =	sst s4  }
0xd: {  	[smem:$0x3FAF] =	sst s5  }
0xe: {  	[smem:$0x3FB0] =	sst s6  }
0xf: {  	[smem:$0x3FB1] =	sst s7  }
0x10: {  	[smem:$0x3FB2] =	sst s8  }
0x11: {  	[smem:$0x3FB3] =	sst s9;
	s0 =	simm.s32 @!p0 $0x0  }
0x12: {  	s1 =	sld [smem:$0x3F99];
	s0 =	simm.s32 @p0 $0x1  }
0x13: {  	[smem:$0x3FB4] =	sst s0;
	s0 =	simm.s32 @!p1 $0x0  }
0x14: {  	s2 =	sld [smem:$0x3F98];
	s0 =	simm.s32 @p1 $0x1  }
0x15: {  	[smem:$0x3FB5] =	sst s0;
	s0 =	simm.s32 @!p2 $0x0  }
0x16: {  	s3 =	sld [smem:$0x3FDB];
	s0 =	simm.s32 @p2 $0x1  }
0x17: {  	s4 =	simm.s32 $0x1BF5;
	[smem:$0x3FB7] =	sst s0  }
0x18: {  	s0 =	sld [smem:$0x3F9A];
	_ =	swait.ge [sflag:s4], $0x0  }
0x19: {  	s7 =	sld [smem:$0x3F9B]  }
0x1a: {  	s8 =	sadd.s32 $0xFFFFE003, lr  }
0x1b: {  	s9 =	sadd.s32 $0xFFFFFEF7, lr;
	s5 =	simm.s32 $0xFFFFFFFF;
	p2 =	slt.u32 s8, $0xFFFFF086  }
0x1c: {  	p1 =	slt.u32 s9, $0xF7A;
	s5 =	simm.s32 @!p2 $0x0  }
0x1d: {  	s5 =	simm.s32 @p1 $0x1;
	p0 =	seq.s32 s7, s2  }
0x1e: {  	s7 =	smul.u32 @!p0 $0xF7A, s2;
	p2 =	seq.s32 @!p0 s5, $0x0  }
0x1f: {  	s9 =	smul.u32 $0xF7A, s1;
	s8 =	simm.s32 @!p0 $0x1BF5;
	p2 =	por !p2, p0  }
0x20: {  	[sflag:s8] =	ssyncset.s32 @!p0 $0xFFFFF086;
	s6 =	sadd.s32 @!p0 s3, s7;
	s7 =	simm.s32 @!p0 $0x108  }
0x21: {  	s3 =	sadd.s32 s3, s9;
	s6 =	sadd.s32 @!p0 $0x88, s6;
	s7 =	simm.s32 @p2 $0x1082  }
0x22: {  	[simem:s7], [sflag:s8] =	dma.local @!p0 [hbm:s6], $0xF7A  }
0x23: {  	s9 =	sor.u32 $0xD0000000, s2;
	s6 =	simm.s32 $0x108;
	_ =	swait.ge @!p0 [sflag:s8], $0x0  }
0x24: {  	s3 =	sadd.s32 $0x88, s3;
	s6 =	simm.s32 @!p1 $0x1082;
	[sflag:s4] =	ssyncset.s32 $0xFFFFF086  }
0x25: {  	[simem:s6], [sflag:s4] =	dma.local [hbm:s3], $0xF7A  }
0x26: {  	[smem:$0x3F9B] =	sst s1;
	(tag) =	ssettag s2;
	_ =	strace s9  }
0x27: {  	s1 =	sld [smem:$0x3FAB]  }
0x28: {  	s2 =	sld [smem:$0x3FAC]  }
0x29: {  	s4 =	sld [smem:$0x3FAE]  }
0x2a: {  	p0 =	seq.s32 s5, $0x0;
	s5 =	sld [smem:$0x3FAF]  }
0x2b: {  	s6 =	sld [smem:$0x3FB0]  }
0x2c: {  	s7 =	sld [smem:$0x3FB1]  }
0x2d: {  	s3 =	simm.s32 $0x108;
	s8 =	sld [smem:$0x3FB2]  }
0x2e: {  	s3 =	simm.s32 @!p0 $0x1082;
	s9 =	sld [smem:$0x3FB3]  }
0x2f: {  	lr =	sadd.s32 s0, s3;
	s0 =	sld [smem:$0x3FAA]  }
0x30: {  	s3 =	sld [smem:$0x3FAD]  }
0x31: {  	[smem:$0x3FB6] =	sst s10  }
0x32: {  	s10 =	sld [smem:$0x3FB4];
	_ =	sdelay $0x3  }
0x33: {  	p0 =	seq.s32 s10, $0x1;
	s10 =	sld [smem:$0x3FB6];
	_ =	sdelay $0x3  }
0x34: {  	[smem:$0x3FB6] =	sst s10  }
0x35: {  	s10 =	sld [smem:$0x3FB5];
	_ =	sdelay $0x3  }
0x36: {  	p1 =	seq.s32 s10, $0x1;
	s10 =	sld [smem:$0x3FB6];
	_ =	sdelay $0x3  }
0x37: {  	[smem:$0x3FB6] =	sst s10  }
0x38: {  	s10 =	sld [smem:$0x3FB7]  }
0x39: {  	_ = 	snop;
	(pc) =	sbr.ind lr, $3  }
0x3a: {  	_ = 	snop  }
0x3b: {  	_ = 	snop  }
0x3c: {  	p2 =	seq.s32 s10, $0x1;
	s10 =	sld [smem:$0x3FB6]  }
0x3d: {  	_ =	shalt  }
0x3e: {  	_ =	shalt  }
0x3f: {  	_ =	shalt  }
0x40: {  	_ =	shalt  }
0x41: {  	_ =	shalt  }
0x42: {  	_ =	shalt  }
0x43: {  	_ =	shalt  }
0x44: {  	_ =	shalt  }
0x45: {  	_ =	shalt  }
0x46: {  	_ =	shalt  }
0x47: {  	_ =	shalt  }
0x48: {  	_ =	shalt  }
0x49: {  	_ =	shalt  }
0x4a: {  	_ =	shalt  }
0x4b: {  	_ =	shalt  }
0x4c: {  	_ =	shalt  }
0x4d: {  	_ =	shalt  }
0x4e: {  	_ =	shalt  }
0x4f: {  	_ =	shalt  }
0x50: {  	_ =	shalt  }
0x51: {  	_ =	shalt  }
0x52: {  	_ =	shalt  }
0x53: {  	_ =	shalt  }
0x54: {  	_ =	shalt  }
0x55: {  	_ =	shalt  }
0x56: {  	_ =	shalt  }
0x57: {  	_ =	shalt  }
0x58: {  	_ =	shalt  }
0x59: {  	_ =	shalt  }
0x5a: {  	_ =	shalt  }
0x5b: {  	_ =	shalt  }
0x5c: {  	_ =	shalt  }
0x5d: {  	_ =	shalt  }
0x5e: {  	_ =	shalt  }
0x5f: {  	_ =	shalt  }
0x60: {  	_ =	shalt  }
0x61: {  	_ =	shalt  }
0x62: {  	_ =	shalt  }
0x63: {  	_ =	shalt  }
0x64: {  	_ =	shalt  }
0x65: {  	_ =	shalt  }
0x66: {  	_ =	shalt  }
0x67: {  	_ =	shalt  }
0x68: {  	_ =	shalt  }
0x69: {  	_ =	shalt  }
0x6a: {  	_ =	shalt  }
0x6b: {  	_ =	shalt  }
0x6c: {  	_ =	shalt  }
0x6d: {  	_ =	shalt  }
0x6e: {  	_ =	shalt  }
0x6f: {  	_ =	shalt  }
0x70: {  	_ =	shalt  }
0x71: {  	_ =	shalt  }
0x72: {  	_ =	shalt  }
0x73: {  	_ =	shalt  }
0x74: {  	_ =	shalt  }
0x75: {  	_ =	shalt  }
0x76: {  	_ =	shalt  }
0x77: {  	_ =	shalt  }
0x78: {  	_ =	shalt  }
0x79: {  	_ =	shalt  }
0x7a: {  	_ =	shalt  }
0x7b: {  	_ =	shalt  }
0x7c: {  	_ =	shalt  }
0x7d: {  	_ =	shalt  }
0x7e: {  	_ =	shalt  }
0x7f: {  	_ =	shalt  }
0x80: {  	_ =	shalt  }
0x81: {  	_ =	shalt  }
0x82: {  	_ =	shalt  }
0x83: {  	_ =	shalt  }
0x84: {  	_ =	shalt  }
0x85: {  	_ =	shalt  }
0x86: {  	_ =	shalt  }
0x87: {  	_ =	shalt  }
.Lfunc_end0:
.L_simem_size_0:
called_computation_lowered:
.L_overlay_start_0:
0x88: {  	s2 =	sld [smem:$0x3FD9]  }
0x89: {  	s3 =	sld [smem:$0x3FFE];
	_ =	sdelay $0x1  }
0x8a: {  	s1 =	srdreg.scid  }
0x8b: {  	s0 =	sand.u32 $0x1, s1  }
0x8c: {  	s16 =	sshll.u32 s0, $0xA;
	s2 =	sadd.s32 s3, s2  }
0x8d: {  	s2 =	sadd.s32 s2, s16  }
0x8e: {  	[smem:$0x3FC2] =	sst s2  }
0x8f: {  	_ = 	snop  }
0x90: {  	(tm) =	ssettm $0x1  }
0x91: {  	s17 =	sld [smem:$0x3FFB];
	_ =	sdelay $0x3  }
0x92: {  	_ =	strace s17  }
0x93: {  	s2 =	sld [smem:$0x3FFC];
	_ =	sdelay $0x3  }
0x94: {  	_ =	strace s2  }
0x95: {  	s2 =	sld [smem:$0x3FFD];
	_ =	sdelay $0x3  }
0x96: {  	_ =	strace s2  }
0x97: {  	_ =	strace $0x8FFFFFFF  }
0x98: {  	s18 =	sld [smem:$0x3FDB];
	_ =	sdelay $0x1  }
0x99: {  	s19 =	simm.s32 $_scs_section_size  }
0x9a: {  	s4 =	simm.s32 $_size__tile_overlayer_lowered;
	s5 =	simm.s32 $_tile_overlayer_lowered  }
0x9b: {  	s22 =	simm.s32 $0x1BFF;
	s21 =	sshll.u32 s5, $0x1;
	s2 =	sadd.s32 s19, s18  }
0x9c: {  	s6 =	simm.s32 $0x0;
	s20 =	sshll.u32 s4, $0x1;
	s4 =	sadd.s32 s21, s2  }
0x9d: {  	[timem:s6], [sflag:s22] =	dma.local [hbm:s4], s20  }
0x9e: {  	_ =	swait.ge [sflag:s22], s20  }
0x9f: {  	s3 =	ssub.s32 $0x0, s20;
	[sflag:s22] =	ssyncset.done $0x0  }
0xa0: {  	[sflag:s22] =	ssyncadd.s32 s3;
	_ =	sdelay $0x1  }
0xa1: {  	s23 =	simm.s32 $0x1B8B  }
0xa2: {  	_ =	swait.ge [sflag:s23], $0x1  }
0xa3: {  	[sflag:s23] =	ssyncset.done $0x0  }
0xa4: {  	s25 =	simm.s32 $0x1B8E;
	s24 =	sld [smem:$0x3FFE];
	[sflag:s23] =	ssyncadd.s32 $0xFFFFFFFF  }
0xa5: {  	s26 =	simm.s32 $execute0_lowered;
	[smem:$0x3FD2] =	sst s25  }
0xa6: {  	s4 =	sshll.u32 s26, $0x1;
	_ =	strace $0x80000046;
	[dreg:$0x1] =	wrdreg $0xFFFFFFFF  }
0xa7: {  	s28 =	simm.s32 $_size_execute0_lowered;
	s2 =	sadd.s32 s2, s4;
	[dreg:$0x0] =	wrdreg $0x0  }
0xa8: {  	s4 =	sshll.u32 s28, $0x1;
	[dreg:$0x2] =	wrdreg s2  }
0xa9: {  	[dreg:$0x3] =	wrdreg s4  }
0xaa: {  	[dreg:$0x4] =	wrdreg $0xC0  }
0xab: {  	_ =	task [dreg:s6], $0x5FFFF  }
0xac: {  	[dreg:$0x1] =	wrdreg $0xFFFFFFFF  }
0xad: {  	[dreg:$0x0] =	wrdreg $0x60  }
0xae: {  	[dreg:$0x2] =	wrdreg s24  }
0xaf: {  	[dreg:$0x3] =	wrdreg $0x41800  }
0xb0: {  	[dreg:$0x4] =	wrdreg $0x9  }
0xb1: {  	_ =	task.clear_ibuf [dreg:s6], $0x5FFFF;
	_ =	strace $0x90000046  }
0xb2: {  	s29 =	simm.s32 $0x9;
	_ =	strace $0x80000048  }
0xb3: {  	_ =	swait.ge [sflag:s29], $0x1  }
0xb4: {  	[sflag:s29] =	ssyncadd.s32 $0xFFFFFFFF  }
0xb5: {  	_ =	strace $0x90000048  }
0xb6: {  	_ =	sfence  }
0xb7: {  	s30 =	sld [smem:$0x0];
	_ =	sdelay $0x2  }
0xb8: {  	s31 =	sshll.u32 s1, $0xD;
	s1 =	sshrl.u32 s1, $0x2  }
0xb9: {  	s3 =	sand.u32 $0x4000, s31;
	s1 =	sadd.s32 s1, s30  }
0xba: {  	s0 =	sor.u32 s3, s0;
	s1 =	sshll.u32 s1, $0x11  }
0xbb: {  	s0 =	sor.u32 s1, s0  }
0xbc: {  	s0 =	sadd.s32 $0x8F2B, s0  }
0xbd: {  	[sflag:s0] =	ssyncadd.remote.s32 $0x1  }
0xbe: {  	_ =	sfence.sel $0xFFFF  }
0xbf: {  	[dreg:$0x0] =	wrdreg $0xFFFFFFFF;
	(pc) =	sbr.abs _section_cstart, $3  }
0xc0: {  	[dreg:$0x1] =	wrdreg $0xFFFFFFFF  }
0xc1: {  	_ =	task.clear_ibuf [dreg:s6], $0x2FFFF;
	_ =	strace $0x9FFFFFFF  }
0xc2: {  	(tm) =	ssettm $0x7FFFFFFF  }
0xc3: {  	_ =	shalt  }
tec
execute0_lowered:
.L_overlay_start_1:
0x0: {  	(tag) =	ssettag $0x1  }
0x1: {  	s5 =	rddreg [dreg:$0x0];
	s0 =	srdreg.scid  }
0x2: {  	s2 =	rddreg [dreg:$0x1];
	s1 =	stileid.u32  }
0x3: {  	s3 =	simm.s32 $0x0;
	s20 =	simm.s32 $0x4080;
	s21 =	simm.s32 $0x68  }
0x4: {  	s22 =	simm.s32 $0x2;
	s23 =	simm.s32 $0x1;
	s24 =	simm.s32 $0x4100  }
0x5: {  	s25 =	simm.s32 $0x10;
	s26 =	simm.s32 $0x0;
	s6 =	smul.u32 $0x14000, s1  }
0x6: {  	s11 =	sand.u32 $0x1, s0;
	s0 =	rddreg [dreg:$0x2];
	s28 =	smul.u32 $0x50000, s1  }
0x7: {  	[smem:$0x7FF] =	sst s3;
	s17 =	sadd.s32 $0xC600, s5;
	s16 =	smul.u32 $0x4E20, s1  }
0x8: {  	s29 =	sshll.u32 s1, $0x1;
	s4 =	smul.u32 $0x140000, s11;
	s8 =	ssub.s32 $0x2, s11  }
0x9: {  	_ =	strace $0x80000047;
	s18 =	smul.u32 $0x2710, s11;
	s9 =	sshrl.u32 s8, $0x1  }
0xa: {  	s4 =	sadd.s32 s6, s4;
	s6 =	sshrl.u32 s28, $0x2;
	s13 =	ssub.s32 s8, s9  }
0xb: {  	s16 =	sadd.s32 s18, s16;
	s7 =	sshrl.u32 s4, $0x3;
	s4 =	sor.u32 s11, s29  }
0xc: {  	s18 =	sadd.s32 $0x1A0, s16;
	s16 =	sadd.s32 $0x138, s16;
	s15 =	smul.u32 $0x2710, s4  }
0xd: {  	s4 =	sadd.s32 s6, s2;
	s12 =	sadd.s32 s7, s5;
	s18 =	sshrl.u32 s18, $0x3  }
0xe: {  	s19 =	sshrl.u32 s16, $0x3;
	s5 =	sadd.s32 $0x4000, s4;
	s6 =	sadd.s32 $0x8000, s4  }
0xf: {  	s7 =	sadd.s32 $0xC000, s4;
	s8 =	sadd.s32 $0x10000, s4;
	s11 =	sadd.s32 $0x16400, s12  }
0x10: {  	s12 =	smax.u32 s13, $0x1;
	s16 =	sadd.s32 s18, s17;
	s18 =	simm.s32 $0x3  }
0x11: {  	s30 =	sshrl.u32 s15, $0x3;
	s14 =	sadd.s32 $0x68, s15;
	s15 =	sadd.s32 $0x2698, s15  }
0x12: {  	s9 =	sadd.s32 s17, s30;
	s31 =	sshrl.u32 s14, $0x3;
	s15 =	sshrl.u32 s15, $0x3  }
0x13: {  	s10 =	sadd.s32 $0x4E0, s9;
	s13 =	sadd.s32 s17, s31;
	s14 =	sadd.s32 $0x1A, s9  }
0x14: {  	v0 =	vimm.f32 $0.0e+00;
	v1 =	vimm.f32 $1.000000000e+00;
	s15 =	sadd.s32 s17, s15;
	s17 =	sadd.s32 s19, s17;
	s19 =	simm.s32 $0x4000  }
.LBB2_1:
0x15: {  	s28 =	simm.s32 $0x200;
	s29 =	simm.s32 $0x0  }
.LBB2_2:
0x16: {  	p0 =	sne.s32 s28, $0xFE00;
	[tilespmem:s29+$0x0] =	vst v0;
	s29 =	smov.u32 s28;
	s28 =	sadd.s32 $0x200, s28  }
.Ltmp0:
0x17: {  	(pc) =	sbr.rel @p0 .LBB2_2-.Ltmp0, $2  }
0x18: {  	_ =	sdelay $0x2  }
0x19: {  	s29 =	sshra.s32 s29, $0x2  }
0x1a: {  	[tilespmem:s29+$0x0] =	vst v0;
	s28 =	simm.s32 $0x0  }
0x1b: {  	[spmem:s4] =	stream.linear.scatter [tilespmem:s28], [sflag:$0x3], $0x4000, $0x38;
	[tilespmem:$0x6980] =	vst v63  }
0x1c: {  	_ =	swait.ge [sflag:s18], $0x4000  }
0x1d: {  	[sflag:s18] =	ssyncset.done $0x0  }
0x1e: {  	[sflag:s18] =	ssyncadd.s32 $0xFFFFC000  }
0x1f: {  	[spmem:s5] =	stream.linear.scatter [tilespmem:s28], [sflag:$0x3], $0x4000, $0x38;
	[tilespmem:$0x6980] =	vst v63  }
0x20: {  	_ =	swait.ge [sflag:s18], $0x4000  }
0x21: {  	[sflag:s18] =	ssyncset.done $0x0  }
0x22: {  	[sflag:s18] =	ssyncadd.s32 $0xFFFFC000  }
0x23: {  	[spmem:s6] =	stream.linear.scatter [tilespmem:s28], [sflag:$0x3], $0x4000, $0x38;
	[tilespmem:$0x6980] =	vst v63  }
0x24: {  	_ =	swait.ge [sflag:s18], $0x4000  }
0x25: {  	[sflag:s18] =	ssyncset.done $0x0  }
0x26: {  	[sflag:s18] =	ssyncadd.s32 $0xFFFFC000  }
0x27: {  	[spmem:s7] =	stream.linear.scatter [tilespmem:s28], [sflag:$0x3], $0x4000, $0x38;
	[tilespmem:$0x6980] =	vst v63  }
0x28: {  	_ =	swait.ge [sflag:s18], $0x4000  }
0x29: {  	[sflag:s18] =	ssyncset.done $0x0  }
0x2a: {  	[sflag:s18] =	ssyncadd.s32 $0xFFFFC000  }
0x2b: {  	[spmem:s8] =	stream.linear.scatter [tilespmem:s28], [sflag:$0x3], $0x4000, $0x38;
	[tilespmem:$0x6980] =	vst v63  }
0x2c: {  	_ =	swait.ge [sflag:s18], $0x4000  }
0x2d: {  	[sflag:s18] =	ssyncset.done $0x0  }
0x2e: {  	s29 =	simm.s32 $0x0;
	s28 =	simm.s32 $0x200;
	[sflag:s18] =	ssyncadd.s32 $0xFFFFC000  }
.LBB2_4:
0x2f: {  	p0 =	sne.s32 s28, $0xFE00;
	[tilespmem:s29+$0x0] =	vst v1;
	s29 =	smov.u32 s28;
	s28 =	sadd.s32 $0x200, s28  }
.Ltmp1:
0x30: {  	(pc) =	sbr.rel @p0 .LBB2_4-.Ltmp1, $2  }
0x31: {  	_ =	sdelay $0x2  }
0x32: {  	s29 =	sshra.s32 s29, $0x2  }
0x33: {  	[tilespmem:s29+$0x0] =	vst v1  }
0x34: {  	s28 =	simm.s32 $0x0;
	[bflag:$0x0] =	sbarrier.arrive $0xFFFF  }
0x35: {  	[tilespmem:s19], [sflag:$0x3] =	stream.linear.gather [hbm4b:s9+s28], $0x68, $0x38;
	[tilespmem:$0x6980] =	vst v63  }
0x36: {  	_ =	swait.ge [sflag:s18], $0x68  }
0x37: {  	[sflag:s18] =	ssyncset.done $0x0  }
0x38: {  	[sflag:s18] =	ssyncadd.s32 $0xFFFFFF98  }
0x39: {  	[tilespmem:s20], [sflag:$0x2] =	stream.linear.gather [hbm4b:s13+s28], $0x68, $0x38;
	[tilespmem:$0x6980] =	vst v63  }
0x3a: {  	_ = 	snop  }
0x3b: {  	[spmem:s2] =	stream.indirect.scatter.add.f32 [tilespmem:s28], [sflag:$0x1], $0x10, s19, s21, $0xb8;
	[tilespmem:$0x6980] =	vst v63  }
0x3c: {  	_ =	swait.ge [sflag:s22], $0x68  }
0x3d: {  	[sflag:s22] =	ssyncset.done $0x0  }
0x3e: {  	[sflag:s22] =	ssyncadd.s32 $0xFFFFFF98  }
0x3f: {  	_ =	swait.ge [sflag:s23], $0x680  }
0x40: {  	[sflag:s23] =	ssyncset.done $0x0  }
0x41: {  	[sflag:s23] =	ssyncadd.s32 $0xFFFFF980  }
0x42: {  	[tilespmem:s19], [sflag:$0x2] =	stream.linear.gather [hbm4b:s14+s28], $0x68, $0x38;
	[tilespmem:$0x6980] =	vst v63  }
0x43: {  	_ = 	snop  }
0x44: {  	[spmem:s2] =	stream.indirect.scatter.add.f32 [tilespmem:s28], [sflag:$0x1], $0x10, s20, s21, $0xb8;
	[tilespmem:$0x6980] =	vst v63  }
0x45: {  	_ =	swait.ge [sflag:s22], $0x68  }
0x46: {  	[sflag:s22] =	ssyncset.done $0x0  }
0x47: {  	[sflag:s22] =	ssyncadd.s32 $0xFFFFFF98  }
0x48: {  	_ =	swait.ge [sflag:s23], $0x680  }
0x49: {  	[sflag:s23] =	ssyncset.done $0x0  }
0x4a: {  	s28 =	sadd.s32 $0x0, s17;
	[sflag:s23] =	ssyncadd.s32 $0xFFFFF980  }
0x4b: {  	[tilespmem:s20], [sflag:$0x2] =	stream.linear.gather [hbm4b:s28+s3], $0x68, $0x38;
	[tilespmem:$0x6980] =	vst v63  }
0x4c: {  	_ = 	snop  }
0x4d: {  	[spmem:s2] =	stream.indirect.scatter.add.f32 [tilespmem:s3], [sflag:$0x1], $0x10, s19, s21, $0xb8;
	[tilespmem:$0x6980] =	vst v63  }
0x4e: {  	_ =	swait.ge [sflag:s22], $0x68  }
0x4f: {  	[sflag:s22] =	ssyncset.done $0x0  }
0x50: {  	[sflag:s22] =	ssyncadd.s32 $0xFFFFFF98  }
0x51: {  	_ =	swait.ge [sflag:s23], $0x680  }
0x52: {  	[sflag:s23] =	ssyncset.done $0x0  }
0x53: {  	s28 =	sadd.s32 $0x0, s16;
	[sflag:s23] =	ssyncadd.s32 $0xFFFFF980  }
0x54: {  	[tilespmem:s19], [sflag:$0x2] =	stream.linear.gather [hbm4b:s28+s3], $0x68, $0x38;
	[tilespmem:$0x6980] =	vst v63  }
0x55: {  	_ = 	snop  }
0x56: {  	[spmem:s2] =	stream.indirect.scatter.add.f32 [tilespmem:s3], [sflag:$0x1], $0x10, s20, s21, $0xb8;
	[tilespmem:$0x6980] =	vst v63  }
0x57: {  	_ =	swait.ge [sflag:s22], $0x68  }
0x58: {  	s28 =	simm.s32 $0x1A;
	[sflag:s22] =	ssyncset.done $0x0  }
.LBB2_6:
0x59: {  	p0 =	sne.s32 s28, $0x492  }
0x5a: {  	[sflag:s22] =	ssyncadd.s32 $0xFFFFFF98;
	s29 =	smov.u32 s28;
	s28 =	sadd.s32 $0x1A, s28  }
0x5b: {  	_ = 	snop  }
0x5c: {  	_ =	swait.ge [sflag:s23], $0x680  }
0x5d: {  	[sflag:s23] =	ssyncset.done $0x0  }
0x5e: {  	s30 =	sadd.s32 s29, s17;
	[sflag:s23] =	ssyncadd.s32 $0xFFFFF980  }
0x5f: {  	[tilespmem:s20], [sflag:$0x2] =	stream.linear.gather [hbm4b:s30+s3], $0x68, $0x38;
	[tilespmem:$0x6980] =	vst v63  }
0x60: {  	_ = 	snop  }
0x61: {  	[spmem:s2] =	stream.indirect.scatter.add.f32 [tilespmem:s3], [sflag:$0x1], $0x10, s19, s21, $0xb8;
	[tilespmem:$0x6980] =	vst v63  }
0x62: {  	_ =	swait.ge [sflag:s22], $0x68  }
0x63: {  	[sflag:s22] =	ssyncset.done $0x0  }
0x64: {  	[sflag:s22] =	ssyncadd.s32 $0xFFFFFF98  }
0x65: {  	_ =	swait.ge [sflag:s23], $0x680  }
0x66: {  	[sflag:s23] =	ssyncset.done $0x0  }
0x67: {  	s29 =	sadd.s32 s29, s16;
	[sflag:s23] =	ssyncadd.s32 $0xFFFFF980  }
0x68: {  	[tilespmem:s19], [sflag:$0x2] =	stream.linear.gather [hbm4b:s29+s3], $0x68, $0x38;
	[tilespmem:$0x6980] =	vst v63  }
.Ltmp2:
0x69: {  	_ = 	snop;
	(pc) =	sbr.rel @p0 .LBB2_6-.Ltmp2, $4  }
0x6a: {  	_ = 	snop  }
0x6b: {  	[spmem:s2] =	stream.indirect.scatter.add.f32 [tilespmem:s3], [sflag:$0x1], $0x10, s20, s21, $0xb8;
	[tilespmem:$0x6980] =	vst v63  }
0x6c: {  	_ =	swait.ge [sflag:s22], $0x68  }
0x6d: {  	[sflag:s22] =	ssyncset.done $0x0  }
0x6e: {  	[sflag:s22] =	ssyncadd.s32 $0xFFFFFF98  }
0x6f: {  	_ =	swait.ge [sflag:s23], $0x680  }
0x70: {  	[sflag:s23] =	ssyncset.done $0x0  }
0x71: {  	[sflag:s23] =	ssyncadd.s32 $0xFFFFF980  }
0x72: {  	[tilespmem:s20], [sflag:$0x2] =	stream.linear.gather [hbm4b:s15+s3], $0x68, $0x38;
	[tilespmem:$0x6980] =	vst v63  }
0x73: {  	_ = 	snop  }
0x74: {  	[spmem:s2] =	stream.indirect.scatter.add.f32 [tilespmem:s3], [sflag:$0x1], $0x10, s19, s21, $0xb8;
	[tilespmem:$0x6980] =	vst v63  }
0x75: {  	_ =	swait.ge [sflag:s22], $0x68  }
0x76: {  	[sflag:s22] =	ssyncset.done $0x0  }
0x77: {  	[sflag:s22] =	ssyncadd.s32 $0xFFFFFF98  }
0x78: {  	_ =	swait.ge [sflag:s23], $0x680  }
0x79: {  	[sflag:s23] =	ssyncset.done $0x0  }
0x7a: {  	[sflag:s23] =	ssyncadd.s32 $0xFFFFF980  }
0x7b: {  	[spmem:s2] =	stream.indirect.scatter.add.f32 [tilespmem:s3], [sflag:$0x1], $0x10, s20, s21, $0xb8;
	[tilespmem:$0x6980] =	vst v63  }
0x7c: {  	_ =	swait.ge [sflag:s23], $0x680  }
0x7d: {  	[sflag:s23] =	ssyncset.done $0x0  }
0x7e: {  	[sflag:s23] =	ssyncadd.s32 $0xFFFFF980  }
0x7f: {  	[tilespmem:s24], [sflag:$0x3] =	stream.linear.gather [hbm4b:s10+s3], $0x10, $0x38;
	[tilespmem:$0x6980] =	vst v63  }
0x80: {  	_ =	swait.ge [sflag:s18], $0x10  }
0x81: {  	[sflag:s18] =	ssyncset.done $0x0  }
0x82: {  	[sflag:s18] =	ssyncadd.s32 $0xFFFFFFF0  }
0x83: {  	[spmem:s2] =	stream.indirect.scatter.add.f32 [tilespmem:s3], [sflag:$0x3], $0x10, s24, s25, $0xb8;
	[tilespmem:$0x6980] =	vst v63  }
0x84: {  	_ =	swait.ge [sflag:s18], $0x100  }
0x85: {  	s28 =	sshll.u32 s1, $0x6;
	s26 =	sadd.s32 $0x1, s26;
	[sflag:s18] =	ssyncset.done $0x0  }
0x86: {  	s29 =	sshrl.u32 s4, $0x3;
	p0 =	sne.s32 s26, s12;
	[sflag:s18] =	ssyncadd.s32 $0xFFFFFF00  }
.Ltmp3:
0x87: {  	s28 =	sor.u32 $0x1C03, s28;
	[bflag:$0x0] =	sbarrier.arrive $0xFFFF;
	(pc) =	sbr.rel @p0 .LBB2_1-.Ltmp3, $4  }
0x88: {  	[hbm:s11], [sflag:s28] =	dma.local [spmem:s29], $0x2800  }
0x89: {  	_ =	swait.ge [sflag:s18], $0x2800  }
0x8a: {  	[sflag:s18] =	ssyncset.done $0x0  }
0x8b: {  	[sflag:s18] =	ssyncadd.s32 $0xFFFFD800  }
0x8c: {  	_ =	sfence.sel $0x180000  }
0x8d: {  	[bflag:$0x0] =	sbarrier.arrive $0xFFFF  }
0x8e: {  	p0 =	sne.s32 s1, $0x0;
	_ =	strace $0x90000047  }
0x8f: {  	s0 =	sadd.s32 @!p0 $0x100000, s0;
	[bflag:$0x2] =	sbarrier.arrive $0xFFFF  }
0x90: {  	[sflag:s0] =	ssyncadd.tile.s32 @!p0 $0x1;
	_ =	shalt  }
.Lfunc_end2:
_tile_overlayer_lowered:
.L_overlay_start_2:
0x91: {  	(tag) =	ssettag $0x2  }
0x92: {  	s0 =	rddreg [dreg:$0x0];
	s2 =	stileid.u32  }
0x93: {  	s1 =	rddreg [dreg:$0x1];
	p0 =	sne.s32 s2, $0x0  }
0x94: {  	s3 =	rddreg [dreg:$0x2];
	[bflag:$0x3] =	sbarrier.arrive $0xFFFF;
	s2 =	simm.s32 @!p0 $0x1C03  }
0x95: {  	[timem:s3], [sflag:s2] =	dma.local @!p0 [hbm:s0], s1  }
0x96: {  	s0 =	simm.s32 @!p0 $0x3  }
0x97: {  	_ =	swait.ge @!p0 [sflag:s0], s1  }
0x98: {  	s1 =	ssub.s32 @!p0 $0x0, s1;
	[sflag:s0] =	ssyncset.done @!p0 $0x0  }
0x99: {  	[sflag:s0] =	ssyncadd.s32 @!p0 s1  }
0x9a: {  	[bflag:$0x3] =	sbarrier.arrive $0xFFFF  }
0x9b: {  	_ =	shalt  }

</sc_bundles>
